<compile_context>
chip_gen: v7x
topology: tpu7x:2x2x1
jax: 0.10.2.dev20260603
libtpu: 0.0.44.dev20260713+nightly
codegen_flags: <defaults>
</compile_context>

<pallas_src>
import jax
import jax.numpy as jnp
from jax import lax
from jax.experimental import pallas as pl
from jax.experimental.pallas import tpu as pltpu
from jax.experimental.pallas import tpu_sc as plsc

B0, B1, C, NB = 4096, 512, 4, 16
NC, NS = 2, 16
NW = NC * NS
ROWS_PER_W = B0 // NW
R = 4
CHUNKS = ROWS_PER_W // R


def _body(x_hbm, z_hbm, out_hbm, ov0, ov1, is0, is1, os0, os1):
    c = lax.axis_index("c")
    s = lax.axis_index("s")
    wid = s * NC + c
    row0 = wid * ROWS_PER_W

    out_bufs = (ov0, ov1)
    in_sems = (is0, is1)
    out_sems = (os0, os1)

    z0 = pltpu.async_copy(z_hbm, ov0, os0)
    z1 = pltpu.async_copy(z_hbm, ov1, os1)
    z0.wait()
    z1.wait()

    out_copies = [None] * CHUNKS
    for t in range(CHUNKS):
        b = t % 2
        if t >= 2:
            out_copies[t - 2].wait()
        i0 = row0 + t * R
        src = x_hbm.at[pl.ds(i0, R)]
        dst = out_bufs[b].at[:, pl.ds(0, 4), pl.ds(1, C), :]
        pltpu.async_copy(src, dst, in_sems[b]).wait()
        out_copies[t] = pltpu.async_copy(
            out_bufs[b], out_hbm.at[pl.ds(i0, R)], out_sems[b])

    out_copies[CHUNKS - 2].wait()
    out_copies[CHUNKS - 1].wait()


@jax.jit
def _run(x_view, zeros_chunk):
    mesh = plsc.VectorSubcoreMesh(
        core_axis_name="c", subcore_axis_name="s",
        num_cores=NC, num_subcores=NS)
    f = pl.kernel(
        _body,
        out_type=jax.ShapeDtypeStruct((B0, 8, 8, 128), jnp.float32),
        mesh=mesh,
        scratch_types=[
            pltpu.VMEM((R, 8, 8, 128), jnp.float32),
            pltpu.VMEM((R, 8, 8, 128), jnp.float32),
            pltpu.SemaphoreType.DMA,
            pltpu.SemaphoreType.DMA,
            pltpu.SemaphoreType.DMA,
            pltpu.SemaphoreType.DMA,
        ],
        compiler_params=pltpu.CompilerParams(
            needs_layout_passes=False, use_tc_tiling_on_sc=False),
    )
    return f(x_view, zeros_chunk)


def kernel(inputs):
    x_view = inputs.reshape(B0, 4, 128, C).transpose(0, 1, 3, 2)
    zeros_chunk = jnp.zeros((R, 8, 8, 128), jnp.float32)
    o4 = _run(x_view, zeros_chunk)
    o5 = o4.reshape(B0, 2, 4, 8, 128)
    return o5.transpose(0, 2, 4, 1, 3).reshape(B0, B1, NB)

# --- scband reference (transcript-rebuilt; emitter-appended) ---
"""Pipeline reference for scband-tensor-to-geometric-30442728194051 (READ-ONLY COPY).

The authoritative reference and input builder live on the scoring server;
editing this copy changes nothing except your own understanding.
"""

import jax, jax.numpy as jnp
import numpy as np

# GeometricAlgebra with metric [1,1,1,1] -> num_blades = 2**4 = 16
NUM_BLADES = 16
BLADE_INDICES = jnp.array([1, 2, 3, 4], dtype=jnp.int32)


def setup_inputs(seed: int = 0) -> dict:
    key = jax.random.key(seed)
    inputs = jax.random.normal(key, (4096, 512, 4), dtype=jnp.float32)
    return {"inputs": inputs}


def reference(inputs):
    # Faithful to tfga GeometricAlgebra.from_tensor: scatter the input
    # components along the last (blade) axis of a zero multivector tensor
    # at the given blade indices. Original TF code transposes the blade
    # axis to the front and uses tf.scatter_nd; the equivalent jax op is
    # an axis-indexed scatter-overwrite on the last axis.
    out_shape = inputs.shape[:-1] + (NUM_BLADES,)
    out = jnp.zeros(out_shape, dtype=inputs.dtype)
    out = out.at[..., BLADE_INDICES].set(inputs)
    return out

if __name__ == "__main__":
    import jax
    _d = setup_inputs()
    print(jax.jit(kernel)(*tuple(_d.values())))

</pallas_src>

<mosaic_0001>
#map = affine_map<(d0, d1) -> (0, 0, 0, 0)>
module attributes {stable_mosaic.version = 14 : i64} {
  func.func @_body(%arg0: i32, %arg1: i32, %arg2: memref<4096x4x4x128xf32, #tpu.memory_space<hbm>>, %arg3: memref<4x8x8x128xf32, #tpu.memory_space<hbm>>, %arg4: memref<4096x8x8x128xf32, #tpu.memory_space<hbm>>, %arg5: memref<4x8x8x128xf32, #tpu.memory_space<vmem>>, %arg6: memref<4x8x8x128xf32, #tpu.memory_space<vmem>>, %arg7: memref<!tpu.dma_semaphore, #tpu.memory_space<semaphore_mem>>, %arg8: memref<!tpu.dma_semaphore, #tpu.memory_space<semaphore_mem>>, %arg9: memref<!tpu.dma_semaphore, #tpu.memory_space<semaphore_mem>>, %arg10: memref<!tpu.dma_semaphore, #tpu.memory_space<semaphore_mem>>) attributes {dimension_semantics = [#tpu.dimension_semantics<core_parallel>, #tpu.dimension_semantics<subcore_parallel>], iteration_bounds = array<i64: 2, 16>, scalar_prefetch = 0 : i64, scratch_operands = 6 : i64, tpu.core_type = #tpu.core_type<sc_vector_subcore>, window_params = [{transform_indices = #map}, {transform_indices = #map}, {transform_indices = #map}]} {
    %mul3A = arith.constant 2 : i32
    %mul3A_0 = arith.muli %arg1, %mul3A : i32
    %add3A = arith.addi %mul3A_0, %arg0 : i32
    %mul3A_1 = arith.constant 128 : i32
    %mul3A_2 = arith.muli %add3A, %mul3A_1 : i32
    tpu.enqueue_dma source(%arg3 : memref<4x8x8x128xf32, #tpu.memory_space<hbm>>) target(%arg5 : memref<4x8x8x128xf32, #tpu.memory_space<vmem>>) target_semaphore(%arg9 : memref<!tpu.dma_semaphore, #tpu.memory_space<semaphore_mem>>)
    tpu.enqueue_dma source(%arg3 : memref<4x8x8x128xf32, #tpu.memory_space<hbm>>) target(%arg6 : memref<4x8x8x128xf32, #tpu.memory_space<vmem>>) target_semaphore(%arg10 : memref<!tpu.dma_semaphore, #tpu.memory_space<semaphore_mem>>)
    tpu.wait_dma2 semaphore(%arg9 : memref<!tpu.dma_semaphore, #tpu.memory_space<semaphore_mem>>) src(%arg3 : memref<4x8x8x128xf32, #tpu.memory_space<hbm>>) dst(%arg5 : memref<4x8x8x128xf32, #tpu.memory_space<vmem>>)
    tpu.wait_dma2 semaphore(%arg10 : memref<!tpu.dma_semaphore, #tpu.memory_space<semaphore_mem>>) src(%arg3 : memref<4x8x8x128xf32, #tpu.memory_space<hbm>>) dst(%arg6 : memref<4x8x8x128xf32, #tpu.memory_space<vmem>>)
    %add3A_3 = arith.constant 0 : i32
    %add3A_4 = arith.addi %mul3A_2, %add3A_3 : i32
    %dma_start3A = arith.constant 0 : i32
    %dma_start3A_5 = arith.constant 0 : i32
    %dma_start3A_6 = arith.constant 1 : i32
    %dma_start3A_7 = arith.constant 0 : i32
    %dma_start3A_8 = tpu.memref_slice %arg5[%dma_start3A, %dma_start3A_5, %dma_start3A_6, %dma_start3A_7] : memref<4x8x8x128xf32, #tpu.memory_space<vmem>> -> memref<4x4x4x128xf32, #tpu.memory_space<vmem>>
    %dma_start3A_9 = arith.constant 0 : i32
    %dma_start3A_10 = arith.constant 0 : i32
    %dma_start3A_11 = arith.constant 0 : i32
    %dma_start3A_12 = tpu.memref_slice %arg2[%add3A_4, %dma_start3A_9, %dma_start3A_10, %dma_start3A_11] : memref<4096x4x4x128xf32, #tpu.memory_space<hbm>> -> memref<4x4x4x128xf32, #tpu.memory_space<hbm>>
    %dma_start3A_13 = arith.constant 0 : i32
    %dma_start3A_14 = arith.constant 0 : i32
    %dma_start3A_15 = arith.constant 1 : i32
    %dma_start3A_16 = arith.constant 0 : i32
    %dma_start3A_17 = tpu.memref_slice %arg5[%dma_start3A_13, %dma_start3A_14, %dma_start3A_15, %dma_start3A_16] : memref<4x8x8x128xf32, #tpu.memory_space<vmem>> -> memref<4x4x4x128xf32, #tpu.memory_space<vmem>>
    %dma_start3A_18 = arith.constant 0 : i32
    %dma_start3A_19 = arith.constant 0 : i32
    %dma_start3A_20 = arith.constant 0 : i32
    %dma_start3A_21 = tpu.memref_slice %arg2[%add3A_4, %dma_start3A_18, %dma_start3A_19, %dma_start3A_20] : memref<4096x4x4x128xf32, #tpu.memory_space<hbm>> -> memref<4x4x4x128xf32, #tpu.memory_space<hbm>>
    tpu.enqueue_dma source(%dma_start3A_21 : memref<4x4x4x128xf32, #tpu.memory_space<hbm>>) target(%dma_start3A_17 : memref<4x4x4x128xf32, #tpu.memory_space<vmem>>) target_semaphore(%arg7 : memref<!tpu.dma_semaphore, #tpu.memory_space<semaphore_mem>>)
    %dma_wait3A = arith.constant 0 : i32
    %dma_wait3A_22 = arith.constant 0 : i32
    %dma_wait3A_23 = arith.constant 1 : i32
    %dma_wait3A_24 = arith.constant 0 : i32
    %dma_wait3A_25 = tpu.memref_slice %arg5[%dma_wait3A, %dma_wait3A_22, %dma_wait3A_23, %dma_wait3A_24] : memref<4x8x8x128xf32, #tpu.memory_space<vmem>> -> memref<4x4x4x128xf32, #tpu.memory_space<vmem>>
    %dma_wait3A_26 = arith.constant 0 : i32
    %dma_wait3A_27 = arith.constant 0 : i32
    %dma_wait3A_28 = arith.constant 0 : i32
    %dma_wait3A_29 = tpu.memref_slice %arg2[%add3A_4, %dma_wait3A_26, %dma_wait3A_27, %dma_wait3A_28] : memref<4096x4x4x128xf32, #tpu.memory_space<hbm>> -> memref<4x4x4x128xf32, #tpu.memory_space<hbm>>
    %dma_wait3A_30 = arith.constant 0 : i32
    %dma_wait3A_31 = arith.constant 0 : i32
    %dma_wait3A_32 = arith.constant 1 : i32
    %dma_wait3A_33 = arith.constant 0 : i32
    %dma_wait3A_34 = tpu.memref_slice %arg5[%dma_wait3A_30, %dma_wait3A_31, %dma_wait3A_32, %dma_wait3A_33] : memref<4x8x8x128xf32, #tpu.memory_space<vmem>> -> memref<4x4x4x128xf32, #tpu.memory_space<vmem>>
    %dma_wait3A_35 = arith.constant 0 : i32
    %dma_wait3A_36 = arith.constant 0 : i32
    %dma_wait3A_37 = arith.constant 0 : i32
    %dma_wait3A_38 = tpu.memref_slice %arg2[%add3A_4, %dma_wait3A_35, %dma_wait3A_36, %dma_wait3A_37] : memref<4096x4x4x128xf32, #tpu.memory_space<hbm>> -> memref<4x4x4x128xf32, #tpu.memory_space<hbm>>
    tpu.wait_dma2 semaphore(%arg7 : memref<!tpu.dma_semaphore, #tpu.memory_space<semaphore_mem>>) src(%dma_wait3A_38 : memref<4x4x4x128xf32, #tpu.memory_space<hbm>>) dst(%dma_wait3A_34 : memref<4x4x4x128xf32, #tpu.memory_space<vmem>>)
    %dma_start3A_39 = arith.constant 0 : i32
    %dma_start3A_40 = arith.constant 0 : i32
    %dma_start3A_41 = arith.constant 0 : i32
    %dma_start3A_42 = tpu.memref_slice %arg4[%add3A_4, %dma_start3A_39, %dma_start3A_40, %dma_start3A_41] : memref<4096x8x8x128xf32, #tpu.memory_space<hbm>> -> memref<4x8x8x128xf32, #tpu.memory_space<hbm>>
    %dma_start3A_43 = arith.constant 0 : i32
    %dma_start3A_44 = arith.constant 0 : i32
    %dma_start3A_45 = arith.constant 0 : i32
    %dma_start3A_46 = tpu.memref_slice %arg4[%add3A_4, %dma_start3A_43, %dma_start3A_44, %dma_start3A_45] : memref<4096x8x8x128xf32, #tpu.memory_space<hbm>> -> memref<4x8x8x128xf32, #tpu.memory_space<hbm>>
    tpu.enqueue_dma source(%arg5 : memref<4x8x8x128xf32, #tpu.memory_space<vmem>>) target(%dma_start3A_46 : memref<4x8x8x128xf32, #tpu.memory_space<hbm>>) target_semaphore(%arg9 : memref<!tpu.dma_semaphore, #tpu.memory_space<semaphore_mem>>)
    %add3A_47 = arith.constant 4 : i32
    %add3A_48 = arith.addi %mul3A_2, %add3A_47 : i32
    %dma_start3A_49 = arith.constant 0 : i32
    %dma_start3A_50 = arith.constant 0 : i32
    %dma_start3A_51 = arith.constant 1 : i32
    %dma_start3A_52 = arith.constant 0 : i32
    %dma_start3A_53 = tpu.memref_slice %arg6[%dma_start3A_49, %dma_start3A_50, %dma_start3A_51, %dma_start3A_52] : memref<4x8x8x128xf32, #tpu.memory_space<vmem>> -> memref<4x4x4x128xf32, #tpu.memory_space<vmem>>
    %dma_start3A_54 = arith.constant 0 : i32
    %dma_start3A_55 = arith.constant 0 : i32
    %dma_start3A_56 = arith.constant 0 : i32
    %dma_start3A_57 = tpu.memref_slice %arg2[%add3A_48, %dma_start3A_54, %dma_start3A_55, %dma_start3A_56] : memref<4096x4x4x128xf32, #tpu.memory_space<hbm>> -> memref<4x4x4x128xf32, #tpu.memory_space<hbm>>
    %dma_start3A_58 = arith.constant 0 : i32
    %dma_start3A_59 = arith.constant 0 : i32
    %dma_start3A_60 = arith.constant 1 : i32
    %dma_start3A_61 = arith.constant 0 : i32
    %dma_start3A_62 = tpu.memref_slice %arg6[%dma_start3A_58, %dma_start3A_59, %dma_start3A_60, %dma_start3A_61] : memref<4x8x8x128xf32, #tpu.memory_space<vmem>> -> memref<4x4x4x128xf32, #tpu.memory_space<vmem>>
    %dma_start3A_63 = arith.constant 0 : i32
    %dma_start3A_64 = arith.constant 0 : i32
    %dma_start3A_65 = arith.constant 0 : i32
    %dma_start3A_66 = tpu.memref_slice %arg2[%add3A_48, %dma_start3A_63, %dma_start3A_64, %dma_start3A_65] : memref<4096x4x4x128xf32, #tpu.memory_space<hbm>> -> memref<4x4x4x128xf32, #tpu.memory_space<hbm>>
    tpu.enqueue_dma source(%dma_start3A_66 : memref<4x4x4x128xf32, #tpu.memory_space<hbm>>) target(%dma_start3A_62 : memref<4x4x4x128xf32, #tpu.memory_space<vmem>>) target_semaphore(%arg8 : memref<!tpu.dma_semaphore, #tpu.memory_space<semaphore_mem>>)
    %dma_wait3A_67 = arith.constant 0 : i32
    %dma_wait3A_68 = arith.constant 0 : i32
    %dma_wait3A_69 = arith.constant 1 : i32
    %dma_wait3A_70 = arith.constant 0 : i32
    %dma_wait3A_71 = tpu.memref_slice %arg6[%dma_wait3A_67, %dma_wait3A_68, %dma_wait3A_69, %dma_wait3A_70] : memref<4x8x8x128xf32, #tpu.memory_space<vmem>> -> memref<4x4x4x128xf32, #tpu.memory_space<vmem>>
    %dma_wait3A_72 = arith.constant 0 : i32
    %dma_wait3A_73 = arith.constant 0 : i32
    %dma_wait3A_74 = arith.constant 0 : i32
    %dma_wait3A_75 = tpu.memref_slice %arg2[%add3A_48, %dma_wait3A_72, %dma_wait3A_73, %dma_wait3A_74] : memref<4096x4x4x128xf32, #tpu.memory_space<hbm>> -> memref<4x4x4x128xf32, #tpu.memory_space<hbm>>
    %dma_wait3A_76 = arith.constant 0 : i32
    %dma_wait3A_77 = arith.constant 0 : i32
    %dma_wait3A_78 = arith.constant 1 : i32
    %dma_wait3A_79 = arith.constant 0 : i32
    %dma_wait3A_80 = tpu.memref_slice %arg6[%dma_wait3A_76, %dma_wait3A_77, %dma_wait3A_78, %dma_wait3A_79] : memref<4x8x8x128xf32, #tpu.memory_space<vmem>> -> memref<4x4x4x128xf32, #tpu.memory_space<vmem>>
    %dma_wait3A_81 = arith.constant 0 : i32
    %dma_wait3A_82 = arith.constant 0 : i32
    %dma_wait3A_83 = arith.constant 0 : i32
    %dma_wait3A_84 = tpu.memref_slice %arg2[%add3A_48, %dma_wait3A_81, %dma_wait3A_82, %dma_wait3A_83] : memref<4096x4x4x128xf32, #tpu.memory_space<hbm>> -> memref<4x4x4x128xf32, #tpu.memory_space<hbm>>
    tpu.wait_dma2 semaphore(%arg8 : memref<!tpu.dma_semaphore, #tpu.memory_space<semaphore_mem>>) src(%dma_wait3A_84 : memref<4x4x4x128xf32, #tpu.memory_space<hbm>>) dst(%dma_wait3A_80 : memref<4x4x4x128xf32, #tpu.memory_space<vmem>>)
    %dma_start3A_85 = arith.constant 0 : i32
    %dma_start3A_86 = arith.constant 0 : i32
    %dma_start3A_87 = arith.constant 0 : i32
    %dma_start3A_88 = tpu.memref_slice %arg4[%add3A_48, %dma_start3A_85, %dma_start3A_86, %dma_start3A_87] : memref<4096x8x8x128xf32, #tpu.memory_space<hbm>> -> memref<4x8x8x128xf32, #tpu.memory_space<hbm>>
    %dma_start3A_89 = arith.constant 0 : i32
    %dma_start3A_90 = arith.constant 0 : i32
    %dma_start3A_91 = arith.constant 0 : i32
    %dma_start3A_92 = tpu.memref_slice %arg4[%add3A_48, %dma_start3A_89, %dma_start3A_90, %dma_start3A_91] : memref<4096x8x8x128xf32, #tpu.memory_space<hbm>> -> memref<4x8x8x128xf32, #tpu.memory_space<hbm>>
    tpu.enqueue_dma source(%arg6 : memref<4x8x8x128xf32, #tpu.memory_space<vmem>>) target(%dma_start3A_92 : memref<4x8x8x128xf32, #tpu.memory_space<hbm>>) target_semaphore(%arg10 : memref<!tpu.dma_semaphore, #tpu.memory_space<semaphore_mem>>)
    %dma_wait3A_93 = arith.constant 0 : i32
    %dma_wait3A_94 = arith.constant 0 : i32
    %dma_wait3A_95 = arith.constant 0 : i32
    %dma_wait3A_96 = tpu.memref_slice %arg4[%add3A_4, %dma_wait3A_93, %dma_wait3A_94, %dma_wait3A_95] : memref<4096x8x8x128xf32, #tpu.memory_space<hbm>> -> memref<4x8x8x128xf32, #tpu.memory_space<hbm>>
    %dma_wait3A_97 = arith.constant 0 : i32
    %dma_wait3A_98 = arith.constant 0 : i32
    %dma_wait3A_99 = arith.constant 0 : i32
    %dma_wait3A_100 = tpu.memref_slice %arg4[%add3A_4, %dma_wait3A_97, %dma_wait3A_98, %dma_wait3A_99] : memref<4096x8x8x128xf32, #tpu.memory_space<hbm>> -> memref<4x8x8x128xf32, #tpu.memory_space<hbm>>
    tpu.wait_dma2 semaphore(%arg9 : memref<!tpu.dma_semaphore, #tpu.memory_space<semaphore_mem>>) src(%arg5 : memref<4x8x8x128xf32, #tpu.memory_space<vmem>>) dst(%dma_wait3A_100 : memref<4x8x8x128xf32, #tpu.memory_space<hbm>>)
    %add3A_101 = arith.constant 8 : i32
    %add3A_102 = arith.addi %mul3A_2, %add3A_101 : i32
    %dma_start3A_103 = arith.constant 0 : i32
    %dma_start3A_104 = arith.constant 0 : i32
    %dma_start3A_105 = arith.constant 1 : i32
    %dma_start3A_106 = arith.constant 0 : i32
    %dma_start3A_107 = tpu.memref_slice %arg5[%dma_start3A_103, %dma_start3A_104, %dma_start3A_105, %dma_start3A_106] : memref<4x8x8x128xf32, #tpu.memory_space<vmem>> -> memref<4x4x4x128xf32, #tpu.memory_space<vmem>>
    %dma_start3A_108 = arith.constant 0 : i32
    %dma_start3A_109 = arith.constant 0 : i32
    %dma_start3A_110 = arith.constant 0 : i32
    %dma_start3A_111 = tpu.memref_slice %arg2[%add3A_102, %dma_start3A_108, %dma_start3A_109, %dma_start3A_110] : memref<4096x4x4x128xf32, #tpu.memory_space<hbm>> -> memref<4x4x4x128xf32, #tpu.memory_space<hbm>>
    %dma_start3A_112 = arith.constant 0 : i32
    %dma_start3A_113 = arith.constant 0 : i32
    %dma_start3A_114 = arith.constant 1 : i32
    %dma_start3A_115 = arith.constant 0 : i32
    %dma_start3A_116 = tpu.memref_slice %arg5[%dma_start3A_112, %dma_start3A_113, %dma_start3A_114, %dma_start3A_115] : memref<4x8x8x128xf32, #tpu.memory_space<vmem>> -> memref<4x4x4x128xf32, #tpu.memory_space<vmem>>
    %dma_start3A_117 = arith.constant 0 : i32
    %dma_start3A_118 = arith.constant 0 : i32
    %dma_start3A_119 = arith.constant 0 : i32
    %dma_start3A_120 = tpu.memref_slice %arg2[%add3A_102, %dma_start3A_117, %dma_start3A_118, %dma_start3A_119] : memref<4096x4x4x128xf32, #tpu.memory_space<hbm>> -> memref<4x4x4x128xf32, #tpu.memory_space<hbm>>
    tpu.enqueue_dma source(%dma_start3A_120 : memref<4x4x4x128xf32, #tpu.memory_space<hbm>>) target(%dma_start3A_116 : memref<4x4x4x128xf32, #tpu.memory_space<vmem>>) target_semaphore(%arg7 : memref<!tpu.dma_semaphore, #tpu.memory_space<semaphore_mem>>)
    %dma_wait3A_121 = arith.constant 0 : i32
    %dma_wait3A_122 = arith.constant 0 : i32
    %dma_wait3A_123 = arith.constant 1 : i32
    %dma_wait3A_124 = arith.constant 0 : i32
    %dma_wait3A_125 = tpu.memref_slice %arg5[%dma_wait3A_121, %dma_wait3A_122, %dma_wait3A_123, %dma_wait3A_124] : memref<4x8x8x128xf32, #tpu.memory_space<vmem>> -> memref<4x4x4x128xf32, #tpu.memory_space<vmem>>
    %dma_wait3A_126 = arith.constant 0 : i32
    %dma_wait3A_127 = arith.constant 0 : i32
    %dma_wait3A_128 = arith.constant 0 : i32
    %dma_wait3A_129 = tpu.memref_slice %arg2[%add3A_102, %dma_wait3A_126, %dma_wait3A_127, %dma_wait3A_128] : memref<4096x4x4x128xf32, #tpu.memory_space<hbm>> -> memref<4x4x4x128xf32, #tpu.memory_space<hbm>>
    %dma_wait3A_130 = arith.constant 0 : i32
    %dma_wait3A_131 = arith.constant 0 : i32
    %dma_wait3A_132 = arith.constant 1 : i32
    %dma_wait3A_133 = arith.constant 0 : i32
    %dma_wait3A_134 = tpu.memref_slice %arg5[%dma_wait3A_130, %dma_wait3A_131, %dma_wait3A_132, %dma_wait3A_133] : memref<4x8x8x128xf32, #tpu.memory_space<vmem>> -> memref<4x4x4x128xf32, #tpu.memory_space<vmem>>
    %dma_wait3A_135 = arith.constant 0 : i32
    %dma_wait3A_136 = arith.constant 0 : i32
    %dma_wait3A_137 = arith.constant 0 : i32
    %dma_wait3A_138 = tpu.memref_slice %arg2[%add3A_102, %dma_wait3A_135, %dma_wait3A_136, %dma_wait3A_137] : memref<4096x4x4x128xf32, #tpu.memory_space<hbm>> -> memref<4x4x4x128xf32, #tpu.memory_space<hbm>>
    tpu.wait_dma2 semaphore(%arg7 : memref<!tpu.dma_semaphore, #tpu.memory_space<semaphore_mem>>) src(%dma_wait3A_138 : memref<4x4x4x128xf32, #tpu.memory_space<hbm>>) dst(%dma_wait3A_134 : memref<4x4x4x128xf32, #tpu.memory_space<vmem>>)
    %dma_start3A_139 = arith.constant 0 : i32
    %dma_start3A_140 = arith.constant 0 : i32
    %dma_start3A_141 = arith.constant 0 : i32
    %dma_start3A_142 = tpu.memref_slice %arg4[%add3A_102, %dma_start3A_139, %dma_start3A_140, %dma_start3A_141] : memref<4096x8x8x128xf32, #tpu.memory_space<hbm>> -> memref<4x8x8x128xf32, #tpu.memory_space<hbm>>
    %dma_start3A_143 = arith.constant 0 : i32
    %dma_start3A_144 = arith.constant 0 : i32
    %dma_start3A_145 = arith.constant 0 : i32
    %dma_start3A_146 = tpu.memref_slice %arg4[%add3A_102, %dma_start3A_143, %dma_start3A_144, %dma_start3A_145] : memref<4096x8x8x128xf32, #tpu.memory_space<hbm>> -> memref<4x8x8x128xf32, #tpu.memory_space<hbm>>
    tpu.enqueue_dma source(%arg5 : memref<4x8x8x128xf32, #tpu.memory_space<vmem>>) target(%dma_start3A_146 : memref<4x8x8x128xf32, #tpu.memory_space<hbm>>) target_semaphore(%arg9 : memref<!tpu.dma_semaphore, #tpu.memory_space<semaphore_mem>>)
    %dma_wait3A_147 = arith.constant 0 : i32
    %dma_wait3A_148 = arith.constant 0 : i32
    %dma_wait3A_149 = arith.constant 0 : i32
    %dma_wait3A_150 = tpu.memref_slice %arg4[%add3A_48, %dma_wait3A_147, %dma_wait3A_148, %dma_wait3A_149] : memref<4096x8x8x128xf32, #tpu.memory_space<hbm>> -> memref<4x8x8x128xf32, #tpu.memory_space<hbm>>
    %dma_wait3A_151 = arith.constant 0 : i32
    %dma_wait3A_152 = arith.constant 0 : i32
    %dma_wait3A_153 = arith.constant 0 : i32
    %dma_wait3A_154 = tpu.memref_slice %arg4[%add3A_48, %dma_wait3A_151, %dma_wait3A_152, %dma_wait3A_153] : memref<4096x8x8x128xf32, #tpu.memory_space<hbm>> -> memref<4x8x8x128xf32, #tpu.memory_space<hbm>>
    tpu.wait_dma2 semaphore(%arg10 : memref<!tpu.dma_semaphore, #tpu.memory_space<semaphore_mem>>) src(%arg6 : memref<4x8x8x128xf32, #tpu.memory_space<vmem>>) dst(%dma_wait3A_154 : memref<4x8x8x128xf32, #tpu.memory_space<hbm>>)
    %add3A_155 = arith.constant 12 : i32
    %add3A_156 = arith.addi %mul3A_2, %add3A_155 : i32
    %dma_start3A_157 = arith.constant 0 : i32
    %dma_start3A_158 = arith.constant 0 : i32
    %dma_start3A_159 = arith.constant 1 : i32
    %dma_start3A_160 = arith.constant 0 : i32
    %dma_start3A_161 = tpu.memref_slice %arg6[%dma_start3A_157, %dma_start3A_158, %dma_start3A_159, %dma_start3A_160] : memref<4x8x8x128xf32, #tpu.memory_space<vmem>> -> memref<4x4x4x128xf32, #tpu.memory_space<vmem>>
    %dma_start3A_162 = arith.constant 0 : i32
    %dma_start3A_163 = arith.constant 0 : i32
    %dma_start3A_164 = arith.constant 0 : i32
    %dma_start3A_165 = tpu.memref_slice %arg2[%add3A_156, %dma_start3A_162, %dma_start3A_163, %dma_start3A_164] : memref<4096x4x4x128xf32, #tpu.memory_space<hbm>> -> memref<4x4x4x128xf32, #tpu.memory_space<hbm>>
    %dma_start3A_166 = arith.constant 0 : i32
    %dma_start3A_167 = arith.constant 0 : i32
    %dma_start3A_168 = arith.constant 1 : i32
    %dma_start3A_169 = arith.constant 0 : i32
    %dma_start3A_170 = tpu.memref_slice %arg6[%dma_start3A_166, %dma_start3A_167, %dma_start3A_168, %dma_start3A_169] : memref<4x8x8x128xf32, #tpu.memory_space<vmem>> -> memref<4x4x4x128xf32, #tpu.memory_space<vmem>>
    %dma_start3A_171 = arith.constant 0 : i32
    %dma_start3A_172 = arith.constant 0 : i32
    %dma_start3A_173 = arith.constant 0 : i32
    %dma_start3A_174 = tpu.memref_slice %arg2[%add3A_156, %dma_start3A_171, %dma_start3A_172, %dma_start3A_173] : memref<4096x4x4x128xf32, #tpu.memory_space<hbm>> -> memref<4x4x4x128xf32, #tpu.memory_space<hbm>>
    tpu.enqueue_dma source(%dma_start3A_174 : memref<4x4x4x128xf32, #tpu.memory_space<hbm>>) target(%dma_start3A_170 : memref<4x4x4x128xf32, #tpu.memory_space<vmem>>) target_semaphore(%arg8 : memref<!tpu.dma_semaphore, #tpu.memory_space<semaphore_mem>>)
    %dma_wait3A_175 = arith.constant 0 : i32
    %dma_wait3A_176 = arith.constant 0 : i32
    %dma_wait3A_177 = arith.constant 1 : i32
    %dma_wait3A_178 = arith.constant 0 : i32
    %dma_wait3A_179 = tpu.memref_slice %arg6[%dma_wait3A_175, %dma_wait3A_176, %dma_wait3A_177, %dma_wait3A_178] : memref<4x8x8x128xf32, #tpu.memory_space<vmem>> -> memref<4x4x4x128xf32, #tpu.memory_space<vmem>>
    %dma_wait3A_180 = arith.constant 0 : i32
    %dma_wait3A_181 = arith.constant 0 : i32
    %dma_wait3A_182 = arith.constant 0 : i32
    %dma_wait3A_183 = tpu.memref_slice %arg2[%add3A_156, %dma_wait3A_180, %dma_wait3A_181, %dma_wait3A_182] : memref<4096x4x4x128xf32, #tpu.memory_space<hbm>> -> memref<4x4x4x128xf32, #tpu.memory_space<hbm>>
    %dma_wait3A_184 = arith.constant 0 : i32
    %dma_wait3A_185 = arith.constant 0 : i32
    %dma_wait3A_186 = arith.constant 1 : i32
    %dma_wait3A_187 = arith.constant 0 : i32
    %dma_wait3A_188 = tpu.memref_slice %arg6[%dma_wait3A_184, %dma_wait3A_185, %dma_wait3A_186, %dma_wait3A_187] : memref<4x8x8x128xf32, #tpu.memory_space<vmem>> -> memref<4x4x4x128xf32, #tpu.memory_space<vmem>>
    %dma_wait3A_189 = arith.constant 0 : i32
    %dma_wait3A_190 = arith.constant 0 : i32
    %dma_wait3A_191 = arith.constant 0 : i32
    %dma_wait3A_192 = tpu.memref_slice %arg2[%add3A_156, %dma_wait3A_189, %dma_wait3A_190, %dma_wait3A_191] : memref<4096x4x4x128xf32, #tpu.memory_space<hbm>> -> memref<4x4x4x128xf32, #tpu.memory_space<hbm>>
    tpu.wait_dma2 semaphore(%arg8 : memref<!tpu.dma_semaphore, #tpu.memory_space<semaphore_mem>>) src(%dma_wait3A_192 : memref<4x4x4x128xf32, #tpu.memory_space<hbm>>) dst(%dma_wait3A_188 : memref<4x4x4x128xf32, #tpu.memory_space<vmem>>)
    %dma_start3A_193 = arith.constant 0 : i32
    %dma_start3A_194 = arith.constant 0 : i32
    %dma_start3A_195 = arith.constant 0 : i32
    %dma_start3A_196 = tpu.memref_slice %arg4[%add3A_156, %dma_start3A_193, %dma_start3A_194, %dma_start3A_195] : memref<4096x8x8x128xf32, #tpu.memory_space<hbm>> -> memref<4x8x8x128xf32, #tpu.memory_space<hbm>>
    %dma_start3A_197 = arith.constant 0 : i32
    %dma_start3A_198 = arith.constant 0 : i32
    %dma_start3A_199 = arith.constant 0 : i32
    %dma_start3A_200 = tpu.memref_slice %arg4[%add3A_156, %dma_start3A_197, %dma_start3A_198, %dma_start3A_199] : memref<4096x8x8x128xf32, #tpu.memory_space<hbm>> -> memref<4x8x8x128xf32, #tpu.memory_space<hbm>>
    tpu.enqueue_dma source(%arg6 : memref<4x8x8x128xf32, #tpu.memory_space<vmem>>) target(%dma_start3A_200 : memref<4x8x8x128xf32, #tpu.memory_space<hbm>>) target_semaphore(%arg10 : memref<!tpu.dma_semaphore, #tpu.memory_space<semaphore_mem>>)
    %dma_wait3A_201 = arith.constant 0 : i32
    %dma_wait3A_202 = arith.constant 0 : i32
    %dma_wait3A_203 = arith.constant 0 : i32
    %dma_wait3A_204 = tpu.memref_slice %arg4[%add3A_102, %dma_wait3A_201, %dma_wait3A_202, %dma_wait3A_203] : memref<4096x8x8x128xf32, #tpu.memory_space<hbm>> -> memref<4x8x8x128xf32, #tpu.memory_space<hbm>>
    %dma_wait3A_205 = arith.constant 0 : i32
    %dma_wait3A_206 = arith.constant 0 : i32
    %dma_wait3A_207 = arith.constant 0 : i32
    %dma_wait3A_208 = tpu.memref_slice %arg4[%add3A_102, %dma_wait3A_205, %dma_wait3A_206, %dma_wait3A_207] : memref<4096x8x8x128xf32, #tpu.memory_space<hbm>> -> memref<4x8x8x128xf32, #tpu.memory_space<hbm>>
    tpu.wait_dma2 semaphore(%arg9 : memref<!tpu.dma_semaphore, #tpu.memory_space<semaphore_mem>>) src(%arg5 : memref<4x8x8x128xf32, #tpu.memory_space<vmem>>) dst(%dma_wait3A_208 : memref<4x8x8x128xf32, #tpu.memory_space<hbm>>)
    %add3A_209 = arith.constant 16 : i32
    %add3A_210 = arith.addi %mul3A_2, %add3A_209 : i32
    %dma_start3A_211 = arith.constant 0 : i32
    %dma_start3A_212 = arith.constant 0 : i32
    %dma_start3A_213 = arith.constant 1 : i32
    %dma_start3A_214 = arith.constant 0 : i32
    %dma_start3A_215 = tpu.memref_slice %arg5[%dma_start3A_211, %dma_start3A_212, %dma_start3A_213, %dma_start3A_214] : memref<4x8x8x128xf32, #tpu.memory_space<vmem>> -> memref<4x4x4x128xf32, #tpu.memory_space<vmem>>
    %dma_start3A_216 = arith.constant 0 : i32
    %dma_start3A_217 = arith.constant 0 : i32
    %dma_start3A_218 = arith.constant 0 : i32
    %dma_start3A_219 = tpu.memref_slice %arg2[%add3A_210, %dma_start3A_216, %dma_start3A_217, %dma_start3A_218] : memref<4096x4x4x128xf32, #tpu.memory_space<hbm>> -> memref<4x4x4x128xf32, #tpu.memory_space<hbm>>
    %dma_start3A_220 = arith.constant 0 : i32
    %dma_start3A_221 = arith.constant 0 : i32
    %dma_start3A_222 = arith.constant 1 : i32
    %dma_start3A_223 = arith.constant 0 : i32
    %dma_start3A_224 = tpu.memref_slice %arg5[%dma_start3A_220, %dma_start3A_221, %dma_start3A_222, %dma_start3A_223] : memref<4x8x8x128xf32, #tpu.memory_space<vmem>> -> memref<4x4x4x128xf32, #tpu.memory_space<vmem>>
    %dma_start3A_225 = arith.constant 0 : i32
    %dma_start3A_226 = arith.constant 0 : i32
    %dma_start3A_227 = arith.constant 0 : i32
    %dma_start3A_228 = tpu.memref_slice %arg2[%add3A_210, %dma_start3A_225, %dma_start3A_226, %dma_start3A_227] : memref<4096x4x4x128xf32, #tpu.memory_space<hbm>> -> memref<4x4x4x128xf32, #tpu.memory_space<hbm>>
    tpu.enqueue_dma source(%dma_start3A_228 : memref<4x4x4x128xf32, #tpu.memory_space<hbm>>) target(%dma_start3A_224 : memref<4x4x4x128xf32, #tpu.memory_space<vmem>>) target_semaphore(%arg7 : memref<!tpu.dma_semaphore, #tpu.memory_space<semaphore_mem>>)
    %dma_wait3A_229 = arith.constant 0 : i32
    %dma_wait3A_230 = arith.constant 0 : i32
    %dma_wait3A_231 = arith.constant 1 : i32
    %dma_wait3A_232 = arith.constant 0 : i32
    %dma_wait3A_233 = tpu.memref_slice %arg5[%dma_wait3A_229, %dma_wait3A_230, %dma_wait3A_231, %dma_wait3A_232] : memref<4x8x8x128xf32, #tpu.memory_space<vmem>> -> memref<4x4x4x128xf32, #tpu.memory_space<vmem>>
    %dma_wait3A_234 = arith.constant 0 : i32
    %dma_wait3A_235 = arith.constant 0 : i32
    %dma_wait3A_236 = arith.constant 0 : i32
    %dma_wait3A_237 = tpu.memref_slice %arg2[%add3A_210, %dma_wait3A_234, %dma_wait3A_235, %dma_wait3A_236] : memref<4096x4x4x128xf32, #tpu.memory_space<hbm>> -> memref<4x4x4x128xf32, #tpu.memory_space<hbm>>
    %dma_wait3A_238 = arith.constant 0 : i32
    %dma_wait3A_239 = arith.constant 0 : i32
    %dma_wait3A_240 = arith.constant 1 : i32
    %dma_wait3A_241 = arith.constant 0 : i32
    %dma_wait3A_242 = tpu.memref_slice %arg5[%dma_wait3A_238, %dma_wait3A_239, %dma_wait3A_240, %dma_wait3A_241] : memref<4x8x8x128xf32, #tpu.memory_space<vmem>> -> memref<4x4x4x128xf32, #tpu.memory_space<vmem>>
    %dma_wait3A_243 = arith.constant 0 : i32
    %dma_wait3A_244 = arith.constant 0 : i32
    %dma_wait3A_245 = arith.constant 0 : i32
    %dma_wait3A_246 = tpu.memref_slice %arg2[%add3A_210, %dma_wait3A_243, %dma_wait3A_244, %dma_wait3A_245] : memref<4096x4x4x128xf32, #tpu.memory_space<hbm>> -> memref<4x4x4x128xf32, #tpu.memory_space<hbm>>
    tpu.wait_dma2 semaphore(%arg7 : memref<!tpu.dma_semaphore, #tpu.memory_space<semaphore_mem>>) src(%dma_wait3A_246 : memref<4x4x4x128xf32, #tpu.memory_space<hbm>>) dst(%dma_wait3A_242 : memref<4x4x4x128xf32, #tpu.memory_space<vmem>>)
    %dma_start3A_247 = arith.constant 0 : i32
    %dma_start3A_248 = arith.constant 0 : i32
    %dma_start3A_249 = arith.constant 0 : i32
    %dma_start3A_250 = tpu.memref_slice %arg4[%add3A_210, %dma_start3A_247, %dma_start3A_248, %dma_start3A_249] : memref<4096x8x8x128xf32, #tpu.memory_space<hbm>> -> memref<4x8x8x128xf32, #tpu.memory_space<hbm>>
    %dma_start3A_251 = arith.constant 0 : i32
    %dma_start3A_252 = arith.constant 0 : i32
    %dma_start3A_253 = arith.constant 0 : i32
    %dma_start3A_254 = tpu.memref_slice %arg4[%add3A_210, %dma_start3A_251, %dma_start3A_252, %dma_start3A_253] : memref<4096x8x8x128xf32, #tpu.memory_space<hbm>> -> memref<4x8x8x128xf32, #tpu.memory_space<hbm>>
    tpu.enqueue_dma source(%arg5 : memref<4x8x8x128xf32, #tpu.memory_space<vmem>>) target(%dma_start3A_254 : memref<4x8x8x128xf32, #tpu.memory_space<hbm>>) target_semaphore(%arg9 : memref<!tpu.dma_semaphore, #tpu.memory_space<semaphore_mem>>)
    %dma_wait3A_255 = arith.constant 0 : i32
    %dma_wait3A_256 = arith.constant 0 : i32
    %dma_wait3A_257 = arith.constant 0 : i32
    %dma_wait3A_258 = tpu.memref_slice %arg4[%add3A_156, %dma_wait3A_255, %dma_wait3A_256, %dma_wait3A_257] : memref<4096x8x8x128xf32, #tpu.memory_space<hbm>> -> memref<4x8x8x128xf32, #tpu.memory_space<hbm>>
    %dma_wait3A_259 = arith.constant 0 : i32
    %dma_wait3A_260 = arith.constant 0 : i32
    %dma_wait3A_261 = arith.constant 0 : i32
    %dma_wait3A_262 = tpu.memref_slice %arg4[%add3A_156, %dma_wait3A_259, %dma_wait3A_260, %dma_wait3A_261] : memref<4096x8x8x128xf32, #tpu.memory_space<hbm>> -> memref<4x8x8x128xf32, #tpu.memory_space<hbm>>
    tpu.wait_dma2 semaphore(%arg10 : memref<!tpu.dma_semaphore, #tpu.memory_space<semaphore_mem>>) src(%arg6 : memref<4x8x8x128xf32, #tpu.memory_space<vmem>>) dst(%dma_wait3A_262 : memref<4x8x8x128xf32, #tpu.memory_space<hbm>>)
    %add3A_263 = arith.constant 20 : i32
    %add3A_264 = arith.addi %mul3A_2, %add3A_263 : i32
    %dma_start3A_265 = arith.constant 0 : i32
    %dma_start3A_266 = arith.constant 0 : i32
    %dma_start3A_267 = arith.constant 1 : i32
    %dma_start3A_268 = arith.constant 0 : i32
    %dma_start3A_269 = tpu.memref_slice %arg6[%dma_start3A_265, %dma_start3A_266, %dma_start3A_267, %dma_start3A_268] : memref<4x8x8x128xf32, #tpu.memory_space<vmem>> -> memref<4x4x4x128xf32, #tpu.memory_space<vmem>>
    %dma_start3A_270 = arith.constant 0 : i32
    %dma_start3A_271 = arith.constant 0 : i32
    %dma_start3A_272 = arith.constant 0 : i32
    %dma_start3A_273 = tpu.memref_slice %arg2[%add3A_264, %dma_start3A_270, %dma_start3A_271, %dma_start3A_272] : memref<4096x4x4x128xf32, #tpu.memory_space<hbm>> -> memref<4x4x4x128xf32, #tpu.memory_space<hbm>>
    %dma_start3A_274 = arith.constant 0 : i32
    %dma_start3A_275 = arith.constant 0 : i32
    %dma_start3A_276 = arith.constant 1 : i32
    %dma_start3A_277 = arith.constant 0 : i32
    %dma_start3A_278 = tpu.memref_slice %arg6[%dma_start3A_274, %dma_start3A_275, %dma_start3A_276, %dma_start3A_277] : memref<4x8x8x128xf32, #tpu.memory_space<vmem>> -> memref<4x4x4x128xf32, #tpu.memory_space<vmem>>
    %dma_start3A_279 = arith.constant 0 : i32
    %dma_start3A_280 = arith.constant 0 : i32
    %dma_start3A_281 = arith.constant 0 : i32
    %dma_start3A_282 = tpu.memref_slice %arg2[%add3A_264, %dma_start3A_279, %dma_start3A_280, %dma_start3A_281] : memref<4096x4x4x128xf32, #tpu.memory_space<hbm>> -> memref<4x4x4x128xf32, #tpu.memory_space<hbm>>
    tpu.enqueue_dma source(%dma_start3A_282 : memref<4x4x4x128xf32, #tpu.memory_space<hbm>>) target(%dma_start3A_278 : memref<4x4x4x128xf32, #tpu.memory_space<vmem>>) target_semaphore(%arg8 : memref<!tpu.dma_semaphore, #tpu.memory_space<semaphore_mem>>)
    %dma_wait3A_283 = arith.constant 0 : i32
    %dma_wait3A_284 = arith.constant 0 : i32
    %dma_wait3A_285 = arith.constant 1 : i32
    %dma_wait3A_286 = arith.constant 0 : i32
    %dma_wait3A_287 = tpu.memref_slice %arg6[%dma_wait3A_283, %dma_wait3A_284, %dma_wait3A_285, %dma_wait3A_286] : memref<4x8x8x128xf32, #tpu.memory_space<vmem>> -> memref<4x4x4x128xf32, #tpu.memory_space<vmem>>
    %dma_wait3A_288 = arith.constant 0 : i32
    %dma_wait3A_289 = arith.constant 0 : i32
    %dma_wait3A_290 = arith.constant 0 : i32
    %dma_wait3A_291 = tpu.memref_slice %arg2[%add3A_264, %dma_wait3A_288, %dma_wait3A_289, %dma_wait3A_290] : memref<4096x4x4x128xf32, #tpu.memory_space<hbm>> -> memref<4x4x4x128xf32, #tpu.memory_space<hbm>>
    %dma_wait3A_292 = arith.constant 0 : i32
    %dma_wait3A_293 = arith.constant 0 : i32
    %dma_wait3A_294 = arith.constant 1 : i32
    %dma_wait3A_295 = arith.constant 0 : i32
    %dma_wait3A_296 = tpu.memref_slice %arg6[%dma_wait3A_292, %dma_wait3A_293, %dma_wait3A_294, %dma_wait3A_295] : memref<4x8x8x128xf32, #tpu.memory_space<vmem>> -> memref<4x4x4x128xf32, #tpu.memory_space<vmem>>
    %dma_wait3A_297 = arith.constant 0 : i32
    %dma_wait3A_298 = arith.constant 0 : i32
    %dma_wait3A_299 = arith.constant 0 : i32
    %dma_wait3A_300 = tpu.memref_slice %arg2[%add3A_264, %dma_wait3A_297, %dma_wait3A_298, %dma_wait3A_299] : memref<4096x4x4x128xf32, #tpu.memory_space<hbm>> -> memref<4x4x4x128xf32, #tpu.memory_space<hbm>>
    tpu.wait_dma2 semaphore(%arg8 : memref<!tpu.dma_semaphore, #tpu.memory_space<semaphore_mem>>) src(%dma_wait3A_300 : memref<4x4x4x128xf32, #tpu.memory_space<hbm>>) dst(%dma_wait3A_296 : memref<4x4x4x128xf32, #tpu.memory_space<vmem>>)
    %dma_start3A_301 = arith.constant 0 : i32
    %dma_start3A_302 = arith.constant 0 : i32
    %dma_start3A_303 = arith.constant 0 : i32
    %dma_start3A_304 = tpu.memref_slice %arg4[%add3A_264, %dma_start3A_301, %dma_start3A_302, %dma_start3A_303] : memref<4096x8x8x128xf32, #tpu.memory_space<hbm>> -> memref<4x8x8x128xf32, #tpu.memory_space<hbm>>
    %dma_start3A_305 = arith.constant 0 : i32
    %dma_start3A_306 = arith.constant 0 : i32
    %dma_start3A_307 = arith.constant 0 : i32
    %dma_start3A_308 = tpu.memref_slice %arg4[%add3A_264, %dma_start3A_305, %dma_start3A_306, %dma_start3A_307] : memref<4096x8x8x128xf32, #tpu.memory_space<hbm>> -> memref<4x8x8x128xf32, #tpu.memory_space<hbm>>
    tpu.enqueue_dma source(%arg6 : memref<4x8x8x128xf32, #tpu.memory_space<vmem>>) target(%dma_start3A_308 : memref<4x8x8x128xf32, #tpu.memory_space<hbm>>) target_semaphore(%arg10 : memref<!tpu.dma_semaphore, #tpu.memory_space<semaphore_mem>>)
    %dma_wait3A_309 = arith.constant 0 : i32
    %dma_wait3A_310 = arith.constant 0 : i32
    %dma_wait3A_311 = arith.constant 0 : i32
    %dma_wait3A_312 = tpu.memref_slice %arg4[%add3A_210, %dma_wait3A_309, %dma_wait3A_310, %dma_wait3A_311] : memref<4096x8x8x128xf32, #tpu.memory_space<hbm>> -> memref<4x8x8x128xf32, #tpu.memory_space<hbm>>
    %dma_wait3A_313 = arith.constant 0 : i32
    %dma_wait3A_314 = arith.constant 0 : i32
    %dma_wait3A_315 = arith.constant 0 : i32
    %dma_wait3A_316 = tpu.memref_slice %arg4[%add3A_210, %dma_wait3A_313, %dma_wait3A_314, %dma_wait3A_315] : memref<4096x8x8x128xf32, #tpu.memory_space<hbm>> -> memref<4x8x8x128xf32, #tpu.memory_space<hbm>>
    tpu.wait_dma2 semaphore(%arg9 : memref<!tpu.dma_semaphore, #tpu.memory_space<semaphore_mem>>) src(%arg5 : memref<4x8x8x128xf32, #tpu.memory_space<vmem>>) dst(%dma_wait3A_316 : memref<4x8x8x128xf32, #tpu.memory_space<hbm>>)
    %add3A_317 = arith.constant 24 : i32
    %add3A_318 = arith.addi %mul3A_2, %add3A_317 : i32
    %dma_start3A_319 = arith.constant 0 : i32
    %dma_start3A_320 = arith.constant 0 : i32
    %dma_start3A_321 = arith.constant 1 : i32
    %dma_start3A_322 = arith.constant 0 : i32
    %dma_start3A_323 = tpu.memref_slice %arg5[%dma_start3A_319, %dma_start3A_320, %dma_start3A_321, %dma_start3A_322] : memref<4x8x8x128xf32, #tpu.memory_space<vmem>> -> memref<4x4x4x128xf32, #tpu.memory_space<vmem>>
    %dma_start3A_324 = arith.constant 0 : i32
    %dma_start3A_325 = arith.constant 0 : i32
    %dma_start3A_326 = arith.constant 0 : i32
    %dma_start3A_327 = tpu.memref_slice %arg2[%add3A_318, %dma_start3A_324, %dma_start3A_325, %dma_start3A_326] : memref<4096x4x4x128xf32, #tpu.memory_space<hbm>> -> memref<4x4x4x128xf32, #tpu.memory_space<hbm>>
    %dma_start3A_328 = arith.constant 0 : i32
    %dma_start3A_329 = arith.constant 0 : i32
    %dma_start3A_330 = arith.constant 1 : i32
    %dma_start3A_331 = arith.constant 0 : i32
    %dma_start3A_332 = tpu.memref_slice %arg5[%dma_start3A_328, %dma_start3A_329, %dma_start3A_330, %dma_start3A_331] : memref<4x8x8x128xf32, #tpu.memory_space<vmem>> -> memref<4x4x4x128xf32, #tpu.memory_space<vmem>>
    %dma_start3A_333 = arith.constant 0 : i32
    %dma_start3A_334 = arith.constant 0 : i32
    %dma_start3A_335 = arith.constant 0 : i32
    %dma_start3A_336 = tpu.memref_slice %arg2[%add3A_318, %dma_start3A_333, %dma_start3A_334, %dma_start3A_335] : memref<4096x4x4x128xf32, #tpu.memory_space<hbm>> -> memref<4x4x4x128xf32, #tpu.memory_space<hbm>>
    tpu.enqueue_dma source(%dma_start3A_336 : memref<4x4x4x128xf32, #tpu.memory_space<hbm>>) target(%dma_start3A_332 : memref<4x4x4x128xf32, #tpu.memory_space<vmem>>) target_semaphore(%arg7 : memref<!tpu.dma_semaphore, #tpu.memory_space<semaphore_mem>>)
    %dma_wait3A_337 = arith.constant 0 : i32
    %dma_wait3A_338 = arith.constant 0 : i32
    %dma_wait3A_339 = arith.constant 1 : i32
    %dma_wait3A_340 = arith.constant 0 : i32
    %dma_wait3A_341 = tpu.memref_slice %arg5[%dma_wait3A_337, %dma_wait3A_338, %dma_wait3A_339, %dma_wait3A_340] : memref<4x8x8x128xf32, #tpu.memory_space<vmem>> -> memref<4x4x4x128xf32, #tpu.memory_space<vmem>>
    %dma_wait3A_342 = arith.constant 0 : i32
    %dma_wait3A_343 = arith.constant 0 : i32
    %dma_wait3A_344 = arith.constant 0 : i32
    %dma_wait3A_345 = tpu.memref_slice %arg2[%add3A_318, %dma_wait3A_342, %dma_wait3A_343, %dma_wait3A_344] : memref<4096x4x4x128xf32, #tpu.memory_space<hbm>> -> memref<4x4x4x128xf32, #tpu.memory_space<hbm>>
    %dma_wait3A_346 = arith.constant 0 : i32
    %dma_wait3A_347 = arith.constant 0 : i32
    %dma_wait3A_348 = arith.constant 1 : i32
    %dma_wait3A_349 = arith.constant 0 : i32
    %dma_wait3A_350 = tpu.memref_slice %arg5[%dma_wait3A_346, %dma_wait3A_347, %dma_wait3A_348, %dma_wait3A_349] : memref<4x8x8x128xf32, #tpu.memory_space<vmem>> -> memref<4x4x4x128xf32, #tpu.memory_space<vmem>>
    %dma_wait3A_351 = arith.constant 0 : i32
    %dma_wait3A_352 = arith.constant 0 : i32
    %dma_wait3A_353 = arith.constant 0 : i32
    %dma_wait3A_354 = tpu.memref_slice %arg2[%add3A_318, %dma_wait3A_351, %dma_wait3A_352, %dma_wait3A_353] : memref<4096x4x4x128xf32, #tpu.memory_space<hbm>> -> memref<4x4x4x128xf32, #tpu.memory_space<hbm>>
    tpu.wait_dma2 semaphore(%arg7 : memref<!tpu.dma_semaphore, #tpu.memory_space<semaphore_mem>>) src(%dma_wait3A_354 : memref<4x4x4x128xf32, #tpu.memory_space<hbm>>) dst(%dma_wait3A_350 : memref<4x4x4x128xf32, #tpu.memory_space<vmem>>)
    %dma_start3A_355 = arith.constant 0 : i32
    %dma_start3A_356 = arith.constant 0 : i32
    %dma_start3A_357 = arith.constant 0 : i32
    %dma_start3A_358 = tpu.memref_slice %arg4[%add3A_318, %dma_start3A_355, %dma_start3A_356, %dma_start3A_357] : memref<4096x8x8x128xf32, #tpu.memory_space<hbm>> -> memref<4x8x8x128xf32, #tpu.memory_space<hbm>>
    %dma_start3A_359 = arith.constant 0 : i32
    %dma_start3A_360 = arith.constant 0 : i32
    %dma_start3A_361 = arith.constant 0 : i32
    %dma_start3A_362 = tpu.memref_slice %arg4[%add3A_318, %dma_start3A_359, %dma_start3A_360, %dma_start3A_361] : memref<4096x8x8x128xf32, #tpu.memory_space<hbm>> -> memref<4x8x8x128xf32, #tpu.memory_space<hbm>>
    tpu.enqueue_dma source(%arg5 : memref<4x8x8x128xf32, #tpu.memory_space<vmem>>) target(%dma_start3A_362 : memref<4x8x8x128xf32, #tpu.memory_space<hbm>>) target_semaphore(%arg9 : memref<!tpu.dma_semaphore, #tpu.memory_space<semaphore_mem>>)
    %dma_wait3A_363 = arith.constant 0 : i32
    %dma_wait3A_364 = arith.constant 0 : i32
    %dma_wait3A_365 = arith.constant 0 : i32
    %dma_wait3A_366 = tpu.memref_slice %arg4[%add3A_264, %dma_wait3A_363, %dma_wait3A_364, %dma_wait3A_365] : memref<4096x8x8x128xf32, #tpu.memory_space<hbm>> -> memref<4x8x8x128xf32, #tpu.memory_space<hbm>>
    %dma_wait3A_367 = arith.constant 0 : i32
    %dma_wait3A_368 = arith.constant 0 : i32
    %dma_wait3A_369 = arith.constant 0 : i32
    %dma_wait3A_370 = tpu.memref_slice %arg4[%add3A_264, %dma_wait3A_367, %dma_wait3A_368, %dma_wait3A_369] : memref<4096x8x8x128xf32, #tpu.memory_space<hbm>> -> memref<4x8x8x128xf32, #tpu.memory_space<hbm>>
    tpu.wait_dma2 semaphore(%arg10 : memref<!tpu.dma_semaphore, #tpu.memory_space<semaphore_mem>>) src(%arg6 : memref<4x8x8x128xf32, #tpu.memory_space<vmem>>) dst(%dma_wait3A_370 : memref<4x8x8x128xf32, #tpu.memory_space<hbm>>)
    %add3A_371 = arith.constant 28 : i32
    %add3A_372 = arith.addi %mul3A_2, %add3A_371 : i32
    %dma_start3A_373 = arith.constant 0 : i32
    %dma_start3A_374 = arith.constant 0 : i32
    %dma_start3A_375 = arith.constant 1 : i32
    %dma_start3A_376 = arith.constant 0 : i32
    %dma_start3A_377 = tpu.memref_slice %arg6[%dma_start3A_373, %dma_start3A_374, %dma_start3A_375, %dma_start3A_376] : memref<4x8x8x128xf32, #tpu.memory_space<vmem>> -> memref<4x4x4x128xf32, #tpu.memory_space<vmem>>
    %dma_start3A_378 = arith.constant 0 : i32
    %dma_start3A_379 = arith.constant 0 : i32
    %dma_start3A_380 = arith.constant 0 : i32
    %dma_start3A_381 = tpu.memref_slice %arg2[%add3A_372, %dma_start3A_378, %dma_start3A_379, %dma_start3A_380] : memref<4096x4x4x128xf32, #tpu.memory_space<hbm>> -> memref<4x4x4x128xf32, #tpu.memory_space<hbm>>
    %dma_start3A_382 = arith.constant 0 : i32
    %dma_start3A_383 = arith.constant 0 : i32
    %dma_start3A_384 = arith.constant 1 : i32
    %dma_start3A_385 = arith.constant 0 : i32
    %dma_start3A_386 = tpu.memref_slice %arg6[%dma_start3A_382, %dma_start3A_383, %dma_start3A_384, %dma_start3A_385] : memref<4x8x8x128xf32, #tpu.memory_space<vmem>> -> memref<4x4x4x128xf32, #tpu.memory_space<vmem>>
    %dma_start3A_387 = arith.constant 0 : i32
    %dma_start3A_388 = arith.constant 0 : i32
    %dma_start3A_389 = arith.constant 0 : i32
    %dma_start3A_390 = tpu.memref_slice %arg2[%add3A_372, %dma_start3A_387, %dma_start3A_388, %dma_start3A_389] : memref<4096x4x4x128xf32, #tpu.memory_space<hbm>> -> memref<4x4x4x128xf32, #tpu.memory_space<hbm>>
    tpu.enqueue_dma source(%dma_start3A_390 : memref<4x4x4x128xf32, #tpu.memory_space<hbm>>) target(%dma_start3A_386 : memref<4x4x4x128xf32, #tpu.memory_space<vmem>>) target_semaphore(%arg8 : memref<!tpu.dma_semaphore, #tpu.memory_space<semaphore_mem>>)
    %dma_wait3A_391 = arith.constant 0 : i32
    %dma_wait3A_392 = arith.constant 0 : i32
    %dma_wait3A_393 = arith.constant 1 : i32
    %dma_wait3A_394 = arith.constant 0 : i32
    %dma_wait3A_395 = tpu.memref_slice %arg6[%dma_wait3A_391, %dma_wait3A_392, %dma_wait3A_393, %dma_wait3A_394] : memref<4x8x8x128xf32, #tpu.memory_space<vmem>> -> memref<4x4x4x128xf32, #tpu.memory_space<vmem>>
    %dma_wait3A_396 = arith.constant 0 : i32
    %dma_wait3A_397 = arith.constant 0 : i32
    %dma_wait3A_398 = arith.constant 0 : i32
    %dma_wait3A_399 = tpu.memref_slice %arg2[%add3A_372, %dma_wait3A_396, %dma_wait3A_397, %dma_wait3A_398] : memref<4096x4x4x128xf32, #tpu.memory_space<hbm>> -> memref<4x4x4x128xf32, #tpu.memory_space<hbm>>
    %dma_wait3A_400 = arith.constant 0 : i32
    %dma_wait3A_401 = arith.constant 0 : i32
    %dma_wait3A_402 = arith.constant 1 : i32
    %dma_wait3A_403 = arith.constant 0 : i32
    %dma_wait3A_404 = tpu.memref_slice %arg6[%dma_wait3A_400, %dma_wait3A_401, %dma_wait3A_402, %dma_wait3A_403] : memref<4x8x8x128xf32, #tpu.memory_space<vmem>> -> memref<4x4x4x128xf32, #tpu.memory_space<vmem>>
    %dma_wait3A_405 = arith.constant 0 : i32
    %dma_wait3A_406 = arith.constant 0 : i32
    %dma_wait3A_407 = arith.constant 0 : i32
    %dma_wait3A_408 = tpu.memref_slice %arg2[%add3A_372, %dma_wait3A_405, %dma_wait3A_406, %dma_wait3A_407] : memref<4096x4x4x128xf32, #tpu.memory_space<hbm>> -> memref<4x4x4x128xf32, #tpu.memory_space<hbm>>
    tpu.wait_dma2 semaphore(%arg8 : memref<!tpu.dma_semaphore, #tpu.memory_space<semaphore_mem>>) src(%dma_wait3A_408 : memref<4x4x4x128xf32, #tpu.memory_space<hbm>>) dst(%dma_wait3A_404 : memref<4x4x4x128xf32, #tpu.memory_space<vmem>>)
    %dma_start3A_409 = arith.constant 0 : i32
    %dma_start3A_410 = arith.constant 0 : i32
    %dma_start3A_411 = arith.constant 0 : i32
    %dma_start3A_412 = tpu.memref_slice %arg4[%add3A_372, %dma_start3A_409, %dma_start3A_410, %dma_start3A_411] : memref<4096x8x8x128xf32, #tpu.memory_space<hbm>> -> memref<4x8x8x128xf32, #tpu.memory_space<hbm>>
    %dma_start3A_413 = arith.constant 0 : i32
    %dma_start3A_414 = arith.constant 0 : i32
    %dma_start3A_415 = arith.constant 0 : i32
    %dma_start3A_416 = tpu.memref_slice %arg4[%add3A_372, %dma_start3A_413, %dma_start3A_414, %dma_start3A_415] : memref<4096x8x8x128xf32, #tpu.memory_space<hbm>> -> memref<4x8x8x128xf32, #tpu.memory_space<hbm>>
    tpu.enqueue_dma source(%arg6 : memref<4x8x8x128xf32, #tpu.memory_space<vmem>>) target(%dma_start3A_416 : memref<4x8x8x128xf32, #tpu.memory_space<hbm>>) target_semaphore(%arg10 : memref<!tpu.dma_semaphore, #tpu.memory_space<semaphore_mem>>)
    %dma_wait3A_417 = arith.constant 0 : i32
    %dma_wait3A_418 = arith.constant 0 : i32
    %dma_wait3A_419 = arith.constant 0 : i32
    %dma_wait3A_420 = tpu.memref_slice %arg4[%add3A_318, %dma_wait3A_417, %dma_wait3A_418, %dma_wait3A_419] : memref<4096x8x8x128xf32, #tpu.memory_space<hbm>> -> memref<4x8x8x128xf32, #tpu.memory_space<hbm>>
    %dma_wait3A_421 = arith.constant 0 : i32
    %dma_wait3A_422 = arith.constant 0 : i32
    %dma_wait3A_423 = arith.constant 0 : i32
    %dma_wait3A_424 = tpu.memref_slice %arg4[%add3A_318, %dma_wait3A_421, %dma_wait3A_422, %dma_wait3A_423] : memref<4096x8x8x128xf32, #tpu.memory_space<hbm>> -> memref<4x8x8x128xf32, #tpu.memory_space<hbm>>
    tpu.wait_dma2 semaphore(%arg9 : memref<!tpu.dma_semaphore, #tpu.memory_space<semaphore_mem>>) src(%arg5 : memref<4x8x8x128xf32, #tpu.memory_space<vmem>>) dst(%dma_wait3A_424 : memref<4x8x8x128xf32, #tpu.memory_space<hbm>>)
    %add3A_425 = arith.constant 32 : i32
    %add3A_426 = arith.addi %mul3A_2, %add3A_425 : i32
    %dma_start3A_427 = arith.constant 0 : i32
    %dma_start3A_428 = arith.constant 0 : i32
    %dma_start3A_429 = arith.constant 1 : i32
    %dma_start3A_430 = arith.constant 0 : i32
    %dma_start3A_431 = tpu.memref_slice %arg5[%dma_start3A_427, %dma_start3A_428, %dma_start3A_429, %dma_start3A_430] : memref<4x8x8x128xf32, #tpu.memory_space<vmem>> -> memref<4x4x4x128xf32, #tpu.memory_space<vmem>>
    %dma_start3A_432 = arith.constant 0 : i32
    %dma_start3A_433 = arith.constant 0 : i32
    %dma_start3A_434 = arith.constant 0 : i32
    %dma_start3A_435 = tpu.memref_slice %arg2[%add3A_426, %dma_start3A_432, %dma_start3A_433, %dma_start3A_434] : memref<4096x4x4x128xf32, #tpu.memory_space<hbm>> -> memref<4x4x4x128xf32, #tpu.memory_space<hbm>>
    %dma_start3A_436 = arith.constant 0 : i32
    %dma_start3A_437 = arith.constant 0 : i32
    %dma_start3A_438 = arith.constant 1 : i32
    %dma_start3A_439 = arith.constant 0 : i32
    %dma_start3A_440 = tpu.memref_slice %arg5[%dma_start3A_436, %dma_start3A_437, %dma_start3A_438, %dma_start3A_439] : memref<4x8x8x128xf32, #tpu.memory_space<vmem>> -> memref<4x4x4x128xf32, #tpu.memory_space<vmem>>
    %dma_start3A_441 = arith.constant 0 : i32
    %dma_start3A_442 = arith.constant 0 : i32
    %dma_start3A_443 = arith.constant 0 : i32
    %dma_start3A_444 = tpu.memref_slice %arg2[%add3A_426, %dma_start3A_441, %dma_start3A_442, %dma_start3A_443] : memref<4096x4x4x128xf32, #tpu.memory_space<hbm>> -> memref<4x4x4x128xf32, #tpu.memory_space<hbm>>
    tpu.enqueue_dma source(%dma_start3A_444 : memref<4x4x4x128xf32, #tpu.memory_space<hbm>>) target(%dma_start3A_440 : memref<4x4x4x128xf32, #tpu.memory_space<vmem>>) target_semaphore(%arg7 : memref<!tpu.dma_semaphore, #tpu.memory_space<semaphore_mem>>)
    %dma_wait3A_445 = arith.constant 0 : i32
    %dma_wait3A_446 = arith.constant 0 : i32
    %dma_wait3A_447 = arith.constant 1 : i32
    %dma_wait3A_448 = arith.constant 0 : i32
    %dma_wait3A_449 = tpu.memref_slice %arg5[%dma_wait3A_445, %dma_wait3A_446, %dma_wait3A_447, %dma_wait3A_448] : memref<4x8x8x128xf32, #tpu.memory_space<vmem>> -> memref<4x4x4x128xf32, #tpu.memory_space<vmem>>
    %dma_wait3A_450 = arith.constant 0 : i32
    %dma_wait3A_451 = arith.constant 0 : i32
    %dma_wait3A_452 = arith.constant 0 : i32
    %dma_wait3A_453 = tpu.memref_slice %arg2[%add3A_426, %dma_wait3A_450, %dma_wait3A_451, %dma_wait3A_452] : memref<4096x4x4x128xf32, #tpu.memory_space<hbm>> -> memref<4x4x4x128xf32, #tpu.memory_space<hbm>>
    %dma_wait3A_454 = arith.constant 0 : i32
    %dma_wait3A_455 = arith.constant 0 : i32
    %dma_wait3A_456 = arith.constant 1 : i32
    %dma_wait3A_457 = arith.constant 0 : i32
    %dma_wait3A_458 = tpu.memref_slice %arg5[%dma_wait3A_454, %dma_wait3A_455, %dma_wait3A_456, %dma_wait3A_457] : memref<4x8x8x128xf32, #tpu.memory_space<vmem>> -> memref<4x4x4x128xf32, #tpu.memory_space<vmem>>
    %dma_wait3A_459 = arith.constant 0 : i32
    %dma_wait3A_460 = arith.constant 0 : i32
    %dma_wait3A_461 = arith.constant 0 : i32
    %dma_wait3A_462 = tpu.memref_slice %arg2[%add3A_426, %dma_wait3A_459, %dma_wait3A_460, %dma_wait3A_461] : memref<4096x4x4x128xf32, #tpu.memory_space<hbm>> -> memref<4x4x4x128xf32, #tpu.memory_space<hbm>>
    tpu.wait_dma2 semaphore(%arg7 : memref<!tpu.dma_semaphore, #tpu.memory_space<semaphore_mem>>) src(%dma_wait3A_462 : memref<4x4x4x128xf32, #tpu.memory_space<hbm>>) dst(%dma_wait3A_458 : memref<4x4x4x128xf32, #tpu.memory_space<vmem>>)
    %dma_start3A_463 = arith.constant 0 : i32
    %dma_start3A_464 = arith.constant 0 : i32
    %dma_start3A_465 = arith.constant 0 : i32
    %dma_start3A_466 = tpu.memref_slice %arg4[%add3A_426, %dma_start3A_463, %dma_start3A_464, %dma_start3A_465] : memref<4096x8x8x128xf32, #tpu.memory_space<hbm>> -> memref<4x8x8x128xf32, #tpu.memory_space<hbm>>
    %dma_start3A_467 = arith.constant 0 : i32
    %dma_start3A_468 = arith.constant 0 : i32
    %dma_start3A_469 = arith.constant 0 : i32
    %dma_start3A_470 = tpu.memref_slice %arg4[%add3A_426, %dma_start3A_467, %dma_start3A_468, %dma_start3A_469] : memref<4096x8x8x128xf32, #tpu.memory_space<hbm>> -> memref<4x8x8x128xf32, #tpu.memory_space<hbm>>
    tpu.enqueue_dma source(%arg5 : memref<4x8x8x128xf32, #tpu.memory_space<vmem>>) target(%dma_start3A_470 : memref<4x8x8x128xf32, #tpu.memory_space<hbm>>) target_semaphore(%arg9 : memref<!tpu.dma_semaphore, #tpu.memory_space<semaphore_mem>>)
    %dma_wait3A_471 = arith.constant 0 : i32
    %dma_wait3A_472 = arith.constant 0 : i32
    %dma_wait3A_473 = arith.constant 0 : i32
    %dma_wait3A_474 = tpu.memref_slice %arg4[%add3A_372, %dma_wait3A_471, %dma_wait3A_472, %dma_wait3A_473] : memref<4096x8x8x128xf32, #tpu.memory_space<hbm>> -> memref<4x8x8x128xf32, #tpu.memory_space<hbm>>
    %dma_wait3A_475 = arith.constant 0 : i32
    %dma_wait3A_476 = arith.constant 0 : i32
    %dma_wait3A_477 = arith.constant 0 : i32
    %dma_wait3A_478 = tpu.memref_slice %arg4[%add3A_372, %dma_wait3A_475, %dma_wait3A_476, %dma_wait3A_477] : memref<4096x8x8x128xf32, #tpu.memory_space<hbm>> -> memref<4x8x8x128xf32, #tpu.memory_space<hbm>>
    tpu.wait_dma2 semaphore(%arg10 : memref<!tpu.dma_semaphore, #tpu.memory_space<semaphore_mem>>) src(%arg6 : memref<4x8x8x128xf32, #tpu.memory_space<vmem>>) dst(%dma_wait3A_478 : memref<4x8x8x128xf32, #tpu.memory_space<hbm>>)
    %add3A_479 = arith.constant 36 : i32
    %add3A_480 = arith.addi %mul3A_2, %add3A_479 : i32
    %dma_start3A_481 = arith.constant 0 : i32
    %dma_start3A_482 = arith.constant 0 : i32
    %dma_start3A_483 = arith.constant 1 : i32
    %dma_start3A_484 = arith.constant 0 : i32
    %dma_start3A_485 = tpu.memref_slice %arg6[%dma_start3A_481, %dma_start3A_482, %dma_start3A_483, %dma_start3A_484] : memref<4x8x8x128xf32, #tpu.memory_space<vmem>> -> memref<4x4x4x128xf32, #tpu.memory_space<vmem>>
    %dma_start3A_486 = arith.constant 0 : i32
    %dma_start3A_487 = arith.constant 0 : i32
    %dma_start3A_488 = arith.constant 0 : i32
    %dma_start3A_489 = tpu.memref_slice %arg2[%add3A_480, %dma_start3A_486, %dma_start3A_487, %dma_start3A_488] : memref<4096x4x4x128xf32, #tpu.memory_space<hbm>> -> memref<4x4x4x128xf32, #tpu.memory_space<hbm>>
    %dma_start3A_490 = arith.constant 0 : i32
    %dma_start3A_491 = arith.constant 0 : i32
    %dma_start3A_492 = arith.constant 1 : i32
    %dma_start3A_493 = arith.constant 0 : i32
    %dma_start3A_494 = tpu.memref_slice %arg6[%dma_start3A_490, %dma_start3A_491, %dma_start3A_492, %dma_start3A_493] : memref<4x8x8x128xf32, #tpu.memory_space<vmem>> -> memref<4x4x4x128xf32, #tpu.memory_space<vmem>>
    %dma_start3A_495 = arith.constant 0 : i32
    %dma_start3A_496 = arith.constant 0 : i32
    %dma_start3A_497 = arith.constant 0 : i32
    %dma_start3A_498 = tpu.memref_slice %arg2[%add3A_480, %dma_start3A_495, %dma_start3A_496, %dma_start3A_497] : memref<4096x4x4x128xf32, #tpu.memory_space<hbm>> -> memref<4x4x4x128xf32, #tpu.memory_space<hbm>>
    tpu.enqueue_dma source(%dma_start3A_498 : memref<4x4x4x128xf32, #tpu.memory_space<hbm>>) target(%dma_start3A_494 : memref<4x4x4x128xf32, #tpu.memory_space<vmem>>) target_semaphore(%arg8 : memref<!tpu.dma_semaphore, #tpu.memory_space<semaphore_mem>>)
    %dma_wait3A_499 = arith.constant 0 : i32
    %dma_wait3A_500 = arith.constant 0 : i32
    %dma_wait3A_501 = arith.constant 1 : i32
    %dma_wait3A_502 = arith.constant 0 : i32
    %dma_wait3A_503 = tpu.memref_slice %arg6[%dma_wait3A_499, %dma_wait3A_500, %dma_wait3A_501, %dma_wait3A_502] : memref<4x8x8x128xf32, #tpu.memory_space<vmem>> -> memref<4x4x4x128xf32, #tpu.memory_space<vmem>>
    %dma_wait3A_504 = arith.constant 0 : i32
    %dma_wait3A_505 = arith.constant 0 : i32
    %dma_wait3A_506 = arith.constant 0 : i32
    %dma_wait3A_507 = tpu.memref_slice %arg2[%add3A_480, %dma_wait3A_504, %dma_wait3A_505, %dma_wait3A_506] : memref<4096x4x4x128xf32, #tpu.memory_space<hbm>> -> memref<4x4x4x128xf32, #tpu.memory_space<hbm>>
    %dma_wait3A_508 = arith.constant 0 : i32
    %dma_wait3A_509 = arith.constant 0 : i32
    %dma_wait3A_510 = arith.constant 1 : i32
    %dma_wait3A_511 = arith.constant 0 : i32
    %dma_wait3A_512 = tpu.memref_slice %arg6[%dma_wait3A_508, %dma_wait3A_509, %dma_wait3A_510, %dma_wait3A_511] : memref<4x8x8x128xf32, #tpu.memory_space<vmem>> -> memref<4x4x4x128xf32, #tpu.memory_space<vmem>>
    %dma_wait3A_513 = arith.constant 0 : i32
    %dma_wait3A_514 = arith.constant 0 : i32
    %dma_wait3A_515 = arith.constant 0 : i32
    %dma_wait3A_516 = tpu.memref_slice %arg2[%add3A_480, %dma_wait3A_513, %dma_wait3A_514, %dma_wait3A_515] : memref<4096x4x4x128xf32, #tpu.memory_space<hbm>> -> memref<4x4x4x128xf32, #tpu.memory_space<hbm>>
    tpu.wait_dma2 semaphore(%arg8 : memref<!tpu.dma_semaphore, #tpu.memory_space<semaphore_mem>>) src(%dma_wait3A_516 : memref<4x4x4x128xf32, #tpu.memory_space<hbm>>) dst(%dma_wait3A_512 : memref<4x4x4x128xf32, #tpu.memory_space<vmem>>)
    %dma_start3A_517 = arith.constant 0 : i32
    %dma_start3A_518 = arith.constant 0 : i32
    %dma_start3A_519 = arith.constant 0 : i32
    %dma_start3A_520 = tpu.memref_slice %arg4[%add3A_480, %dma_start3A_517, %dma_start3A_518, %dma_start3A_519] : memref<4096x8x8x128xf32, #tpu.memory_space<hbm>> -> memref<4x8x8x128xf32, #tpu.memory_space<hbm>>
    %dma_start3A_521 = arith.constant 0 : i32
    %dma_start3A_522 = arith.constant 0 : i32
    %dma_start3A_523 = arith.constant 0 : i32
    %dma_start3A_524 = tpu.memref_slice %arg4[%add3A_480, %dma_start3A_521, %dma_start3A_522, %dma_start3A_523] : memref<4096x8x8x128xf32, #tpu.memory_space<hbm>> -> memref<4x8x8x128xf32, #tpu.memory_space<hbm>>
    tpu.enqueue_dma source(%arg6 : memref<4x8x8x128xf32, #tpu.memory_space<vmem>>) target(%dma_start3A_524 : memref<4x8x8x128xf32, #tpu.memory_space<hbm>>) target_semaphore(%arg10 : memref<!tpu.dma_semaphore, #tpu.memory_space<semaphore_mem>>)
    %dma_wait3A_525 = arith.constant 0 : i32
    %dma_wait3A_526 = arith.constant 0 : i32
    %dma_wait3A_527 = arith.constant 0 : i32
    %dma_wait3A_528 = tpu.memref_slice %arg4[%add3A_426, %dma_wait3A_525, %dma_wait3A_526, %dma_wait3A_527] : memref<4096x8x8x128xf32, #tpu.memory_space<hbm>> -> memref<4x8x8x128xf32, #tpu.memory_space<hbm>>
    %dma_wait3A_529 = arith.constant 0 : i32
    %dma_wait3A_530 = arith.constant 0 : i32
    %dma_wait3A_531 = arith.constant 0 : i32
    %dma_wait3A_532 = tpu.memref_slice %arg4[%add3A_426, %dma_wait3A_529, %dma_wait3A_530, %dma_wait3A_531] : memref<4096x8x8x128xf32, #tpu.memory_space<hbm>> -> memref<4x8x8x128xf32, #tpu.memory_space<hbm>>
    tpu.wait_dma2 semaphore(%arg9 : memref<!tpu.dma_semaphore, #tpu.memory_space<semaphore_mem>>) src(%arg5 : memref<4x8x8x128xf32, #tpu.memory_space<vmem>>) dst(%dma_wait3A_532 : memref<4x8x8x128xf32, #tpu.memory_space<hbm>>)
    %add3A_533 = arith.constant 40 : i32
    %add3A_534 = arith.addi %mul3A_2, %add3A_533 : i32
    %dma_start3A_535 = arith.constant 0 : i32
    %dma_start3A_536 = arith.constant 0 : i32
    %dma_start3A_537 = arith.constant 1 : i32
    %dma_start3A_538 = arith.constant 0 : i32
    %dma_start3A_539 = tpu.memref_slice %arg5[%dma_start3A_535, %dma_start3A_536, %dma_start3A_537, %dma_start3A_538] : memref<4x8x8x128xf32, #tpu.memory_space<vmem>> -> memref<4x4x4x128xf32, #tpu.memory_space<vmem>>
    %dma_start3A_540 = arith.constant 0 : i32
    %dma_start3A_541 = arith.constant 0 : i32
    %dma_start3A_542 = arith.constant 0 : i32
    %dma_start3A_543 = tpu.memref_slice %arg2[%add3A_534, %dma_start3A_540, %dma_start3A_541, %dma_start3A_542] : memref<4096x4x4x128xf32, #tpu.memory_space<hbm>> -> memref<4x4x4x128xf32, #tpu.memory_space<hbm>>
    %dma_start3A_544 = arith.constant 0 : i32
    %dma_start3A_545 = arith.constant 0 : i32
    %dma_start3A_546 = arith.constant 1 : i32
    %dma_start3A_547 = arith.constant 0 : i32
    %dma_start3A_548 = tpu.memref_slice %arg5[%dma_start3A_544, %dma_start3A_545, %dma_start3A_546, %dma_start3A_547] : memref<4x8x8x128xf32, #tpu.memory_space<vmem>> -> memref<4x4x4x128xf32, #tpu.memory_space<vmem>>
    %dma_start3A_549 = arith.constant 0 : i32
    %dma_start3A_550 = arith.constant 0 : i32
    %dma_start3A_551 = arith.constant 0 : i32
    %dma_start3A_552 = tpu.memref_slice %arg2[%add3A_534, %dma_start3A_549, %dma_start3A_550, %dma_start3A_551] : memref<4096x4x4x128xf32, #tpu.memory_space<hbm>> -> memref<4x4x4x128xf32, #tpu.memory_space<hbm>>
    tpu.enqueue_dma source(%dma_start3A_552 : memref<4x4x4x128xf32, #tpu.memory_space<hbm>>) target(%dma_start3A_548 : memref<4x4x4x128xf32, #tpu.memory_space<vmem>>) target_semaphore(%arg7 : memref<!tpu.dma_semaphore, #tpu.memory_space<semaphore_mem>>)
    %dma_wait3A_553 = arith.constant 0 : i32
    %dma_wait3A_554 = arith.constant 0 : i32
    %dma_wait3A_555 = arith.constant 1 : i32
    %dma_wait3A_556 = arith.constant 0 : i32
    %dma_wait3A_557 = tpu.memref_slice %arg5[%dma_wait3A_553, %dma_wait3A_554, %dma_wait3A_555, %dma_wait3A_556] : memref<4x8x8x128xf32, #tpu.memory_space<vmem>> -> memref<4x4x4x128xf32, #tpu.memory_space<vmem>>
    %dma_wait3A_558 = arith.constant 0 : i32
    %dma_wait3A_559 = arith.constant 0 : i32
    %dma_wait3A_560 = arith.constant 0 : i32
    %dma_wait3A_561 = tpu.memref_slice %arg2[%add3A_534, %dma_wait3A_558, %dma_wait3A_559, %dma_wait3A_560] : memref<4096x4x4x128xf32, #tpu.memory_space<hbm>> -> memref<4x4x4x128xf32, #tpu.memory_space<hbm>>
    %dma_wait3A_562 = arith.constant 0 : i32
    %dma_wait3A_563 = arith.constant 0 : i32
    %dma_wait3A_564 = arith.constant 1 : i32
    %dma_wait3A_565 = arith.constant 0 : i32
    %dma_wait3A_566 = tpu.memref_slice %arg5[%dma_wait3A_562, %dma_wait3A_563, %dma_wait3A_564, %dma_wait3A_565] : memref<4x8x8x128xf32, #tpu.memory_space<vmem>> -> memref<4x4x4x128xf32, #tpu.memory_space<vmem>>
    %dma_wait3A_567 = arith.constant 0 : i32
    %dma_wait3A_568 = arith.constant 0 : i32
    %dma_wait3A_569 = arith.constant 0 : i32
    %dma_wait3A_570 = tpu.memref_slice %arg2[%add3A_534, %dma_wait3A_567, %dma_wait3A_568, %dma_wait3A_569] : memref<4096x4x4x128xf32, #tpu.memory_space<hbm>> -> memref<4x4x4x128xf32, #tpu.memory_space<hbm>>
    tpu.wait_dma2 semaphore(%arg7 : memref<!tpu.dma_semaphore, #tpu.memory_space<semaphore_mem>>) src(%dma_wait3A_570 : memref<4x4x4x128xf32, #tpu.memory_space<hbm>>) dst(%dma_wait3A_566 : memref<4x4x4x128xf32, #tpu.memory_space<vmem>>)
    %dma_start3A_571 = arith.constant 0 : i32
    %dma_start3A_572 = arith.constant 0 : i32
    %dma_start3A_573 = arith.constant 0 : i32
    %dma_start3A_574 = tpu.memref_slice %arg4[%add3A_534, %dma_start3A_571, %dma_start3A_572, %dma_start3A_573] : memref<4096x8x8x128xf32, #tpu.memory_space<hbm>> -> memref<4x8x8x128xf32, #tpu.memory_space<hbm>>
    %dma_start3A_575 = arith.constant 0 : i32
    %dma_start3A_576 = arith.constant 0 : i32
    %dma_start3A_577 = arith.constant 0 : i32
    %dma_start3A_578 = tpu.memref_slice %arg4[%add3A_534, %dma_start3A_575, %dma_start3A_576, %dma_start3A_577] : memref<4096x8x8x128xf32, #tpu.memory_space<hbm>> -> memref<4x8x8x128xf32, #tpu.memory_space<hbm>>
    tpu.enqueue_dma source(%arg5 : memref<4x8x8x128xf32, #tpu.memory_space<vmem>>) target(%dma_start3A_578 : memref<4x8x8x128xf32, #tpu.memory_space<hbm>>) target_semaphore(%arg9 : memref<!tpu.dma_semaphore, #tpu.memory_space<semaphore_mem>>)
    %dma_wait3A_579 = arith.constant 0 : i32
    %dma_wait3A_580 = arith.constant 0 : i32
    %dma_wait3A_581 = arith.constant 0 : i32
    %dma_wait3A_582 = tpu.memref_slice %arg4[%add3A_480, %dma_wait3A_579, %dma_wait3A_580, %dma_wait3A_581] : memref<4096x8x8x128xf32, #tpu.memory_space<hbm>> -> memref<4x8x8x128xf32, #tpu.memory_space<hbm>>
    %dma_wait3A_583 = arith.constant 0 : i32
    %dma_wait3A_584 = arith.constant 0 : i32
    %dma_wait3A_585 = arith.constant 0 : i32
    %dma_wait3A_586 = tpu.memref_slice %arg4[%add3A_480, %dma_wait3A_583, %dma_wait3A_584, %dma_wait3A_585] : memref<4096x8x8x128xf32, #tpu.memory_space<hbm>> -> memref<4x8x8x128xf32, #tpu.memory_space<hbm>>
    tpu.wait_dma2 semaphore(%arg10 : memref<!tpu.dma_semaphore, #tpu.memory_space<semaphore_mem>>) src(%arg6 : memref<4x8x8x128xf32, #tpu.memory_space<vmem>>) dst(%dma_wait3A_586 : memref<4x8x8x128xf32, #tpu.memory_space<hbm>>)
    %add3A_587 = arith.constant 44 : i32
    %add3A_588 = arith.addi %mul3A_2, %add3A_587 : i32
    %dma_start3A_589 = arith.constant 0 : i32
    %dma_start3A_590 = arith.constant 0 : i32
    %dma_start3A_591 = arith.constant 1 : i32
    %dma_start3A_592 = arith.constant 0 : i32
    %dma_start3A_593 = tpu.memref_slice %arg6[%dma_start3A_589, %dma_start3A_590, %dma_start3A_591, %dma_start3A_592] : memref<4x8x8x128xf32, #tpu.memory_space<vmem>> -> memref<4x4x4x128xf32, #tpu.memory_space<vmem>>
    %dma_start3A_594 = arith.constant 0 : i32
    %dma_start3A_595 = arith.constant 0 : i32
    %dma_start3A_596 = arith.constant 0 : i32
    %dma_start3A_597 = tpu.memref_slice %arg2[%add3A_588, %dma_start3A_594, %dma_start3A_595, %dma_start3A_596] : memref<4096x4x4x128xf32, #tpu.memory_space<hbm>> -> memref<4x4x4x128xf32, #tpu.memory_space<hbm>>
    %dma_start3A_598 = arith.constant 0 : i32
    %dma_start3A_599 = arith.constant 0 : i32
    %dma_start3A_600 = arith.constant 1 : i32
    %dma_start3A_601 = arith.constant 0 : i32
    %dma_start3A_602 = tpu.memref_slice %arg6[%dma_start3A_598, %dma_start3A_599, %dma_start3A_600, %dma_start3A_601] : memref<4x8x8x128xf32, #tpu.memory_space<vmem>> -> memref<4x4x4x128xf32, #tpu.memory_space<vmem>>
    %dma_start3A_603 = arith.constant 0 : i32
    %dma_start3A_604 = arith.constant 0 : i32
    %dma_start3A_605 = arith.constant 0 : i32
    %dma_start3A_606 = tpu.memref_slice %arg2[%add3A_588, %dma_start3A_603, %dma_start3A_604, %dma_start3A_605] : memref<4096x4x4x128xf32, #tpu.memory_space<hbm>> -> memref<4x4x4x128xf32, #tpu.memory_space<hbm>>
    tpu.enqueue_dma source(%dma_start3A_606 : memref<4x4x4x128xf32, #tpu.memory_space<hbm>>) target(%dma_start3A_602 : memref<4x4x4x128xf32, #tpu.memory_space<vmem>>) target_semaphore(%arg8 : memref<!tpu.dma_semaphore, #tpu.memory_space<semaphore_mem>>)
    %dma_wait3A_607 = arith.constant 0 : i32
    %dma_wait3A_608 = arith.constant 0 : i32
    %dma_wait3A_609 = arith.constant 1 : i32
    %dma_wait3A_610 = arith.constant 0 : i32
    %dma_wait3A_611 = tpu.memref_slice %arg6[%dma_wait3A_607, %dma_wait3A_608, %dma_wait3A_609, %dma_wait3A_610] : memref<4x8x8x128xf32, #tpu.memory_space<vmem>> -> memref<4x4x4x128xf32, #tpu.memory_space<vmem>>
    %dma_wait3A_612 = arith.constant 0 : i32
    %dma_wait3A_613 = arith.constant 0 : i32
    %dma_wait3A_614 = arith.constant 0 : i32
    %dma_wait3A_615 = tpu.memref_slice %arg2[%add3A_588, %dma_wait3A_612, %dma_wait3A_613, %dma_wait3A_614] : memref<4096x4x4x128xf32, #tpu.memory_space<hbm>> -> memref<4x4x4x128xf32, #tpu.memory_space<hbm>>
    %dma_wait3A_616 = arith.constant 0 : i32
    %dma_wait3A_617 = arith.constant 0 : i32
    %dma_wait3A_618 = arith.constant 1 : i32
    %dma_wait3A_619 = arith.constant 0 : i32
    %dma_wait3A_620 = tpu.memref_slice %arg6[%dma_wait3A_616, %dma_wait3A_617, %dma_wait3A_618, %dma_wait3A_619] : memref<4x8x8x128xf32, #tpu.memory_space<vmem>> -> memref<4x4x4x128xf32, #tpu.memory_space<vmem>>
    %dma_wait3A_621 = arith.constant 0 : i32
    %dma_wait3A_622 = arith.constant 0 : i32
    %dma_wait3A_623 = arith.constant 0 : i32
    %dma_wait3A_624 = tpu.memref_slice %arg2[%add3A_588, %dma_wait3A_621, %dma_wait3A_622, %dma_wait3A_623] : memref<4096x4x4x128xf32, #tpu.memory_space<hbm>> -> memref<4x4x4x128xf32, #tpu.memory_space<hbm>>
    tpu.wait_dma2 semaphore(%arg8 : memref<!tpu.dma_semaphore, #tpu.memory_space<semaphore_mem>>) src(%dma_wait3A_624 : memref<4x4x4x128xf32, #tpu.memory_space<hbm>>) dst(%dma_wait3A_620 : memref<4x4x4x128xf32, #tpu.memory_space<vmem>>)
    %dma_start3A_625 = arith.constant 0 : i32
    %dma_start3A_626 = arith.constant 0 : i32
    %dma_start3A_627 = arith.constant 0 : i32
    %dma_start3A_628 = tpu.memref_slice %arg4[%add3A_588, %dma_start3A_625, %dma_start3A_626, %dma_start3A_627] : memref<4096x8x8x128xf32, #tpu.memory_space<hbm>> -> memref<4x8x8x128xf32, #tpu.memory_space<hbm>>
    %dma_start3A_629 = arith.constant 0 : i32
    %dma_start3A_630 = arith.constant 0 : i32
    %dma_start3A_631 = arith.constant 0 : i32
    %dma_start3A_632 = tpu.memref_slice %arg4[%add3A_588, %dma_start3A_629, %dma_start3A_630, %dma_start3A_631] : memref<4096x8x8x128xf32, #tpu.memory_space<hbm>> -> memref<4x8x8x128xf32, #tpu.memory_space<hbm>>
    tpu.enqueue_dma source(%arg6 : memref<4x8x8x128xf32, #tpu.memory_space<vmem>>) target(%dma_start3A_632 : memref<4x8x8x128xf32, #tpu.memory_space<hbm>>) target_semaphore(%arg10 : memref<!tpu.dma_semaphore, #tpu.memory_space<semaphore_mem>>)
    %dma_wait3A_633 = arith.constant 0 : i32
    %dma_wait3A_634 = arith.constant 0 : i32
    %dma_wait3A_635 = arith.constant 0 : i32
    %dma_wait3A_636 = tpu.memref_slice %arg4[%add3A_534, %dma_wait3A_633, %dma_wait3A_634, %dma_wait3A_635] : memref<4096x8x8x128xf32, #tpu.memory_space<hbm>> -> memref<4x8x8x128xf32, #tpu.memory_space<hbm>>
    %dma_wait3A_637 = arith.constant 0 : i32
    %dma_wait3A_638 = arith.constant 0 : i32
    %dma_wait3A_639 = arith.constant 0 : i32
    %dma_wait3A_640 = tpu.memref_slice %arg4[%add3A_534, %dma_wait3A_637, %dma_wait3A_638, %dma_wait3A_639] : memref<4096x8x8x128xf32, #tpu.memory_space<hbm>> -> memref<4x8x8x128xf32, #tpu.memory_space<hbm>>
    tpu.wait_dma2 semaphore(%arg9 : memref<!tpu.dma_semaphore, #tpu.memory_space<semaphore_mem>>) src(%arg5 : memref<4x8x8x128xf32, #tpu.memory_space<vmem>>) dst(%dma_wait3A_640 : memref<4x8x8x128xf32, #tpu.memory_space<hbm>>)
    %add3A_641 = arith.constant 48 : i32
    %add3A_642 = arith.addi %mul3A_2, %add3A_641 : i32
    %dma_start3A_643 = arith.constant 0 : i32
    %dma_start3A_644 = arith.constant 0 : i32
    %dma_start3A_645 = arith.constant 1 : i32
    %dma_start3A_646 = arith.constant 0 : i32
    %dma_start3A_647 = tpu.memref_slice %arg5[%dma_start3A_643, %dma_start3A_644, %dma_start3A_645, %dma_start3A_646] : memref<4x8x8x128xf32, #tpu.memory_space<vmem>> -> memref<4x4x4x128xf32, #tpu.memory_space<vmem>>
    %dma_start3A_648 = arith.constant 0 : i32
    %dma_start3A_649 = arith.constant 0 : i32
    %dma_start3A_650 = arith.constant 0 : i32
    %dma_start3A_651 = tpu.memref_slice %arg2[%add3A_642, %dma_start3A_648, %dma_start3A_649, %dma_start3A_650] : memref<4096x4x4x128xf32, #tpu.memory_space<hbm>> -> memref<4x4x4x128xf32, #tpu.memory_space<hbm>>
    %dma_start3A_652 = arith.constant 0 : i32
    %dma_start3A_653 = arith.constant 0 : i32
    %dma_start3A_654 = arith.constant 1 : i32
    %dma_start3A_655 = arith.constant 0 : i32
    %dma_start3A_656 = tpu.memref_slice %arg5[%dma_start3A_652, %dma_start3A_653, %dma_start3A_654, %dma_start3A_655] : memref<4x8x8x128xf32, #tpu.memory_space<vmem>> -> memref<4x4x4x128xf32, #tpu.memory_space<vmem>>
    %dma_start3A_657 = arith.constant 0 : i32
    %dma_start3A_658 = arith.constant 0 : i32
    %dma_start3A_659 = arith.constant 0 : i32
    %dma_start3A_660 = tpu.memref_slice %arg2[%add3A_642, %dma_start3A_657, %dma_start3A_658, %dma_start3A_659] : memref<4096x4x4x128xf32, #tpu.memory_space<hbm>> -> memref<4x4x4x128xf32, #tpu.memory_space<hbm>>
    tpu.enqueue_dma source(%dma_start3A_660 : memref<4x4x4x128xf32, #tpu.memory_space<hbm>>) target(%dma_start3A_656 : memref<4x4x4x128xf32, #tpu.memory_space<vmem>>) target_semaphore(%arg7 : memref<!tpu.dma_semaphore, #tpu.memory_space<semaphore_mem>>)
    %dma_wait3A_661 = arith.constant 0 : i32
    %dma_wait3A_662 = arith.constant 0 : i32
    %dma_wait3A_663 = arith.constant 1 : i32
    %dma_wait3A_664 = arith.constant 0 : i32
    %dma_wait3A_665 = tpu.memref_slice %arg5[%dma_wait3A_661, %dma_wait3A_662, %dma_wait3A_663, %dma_wait3A_664] : memref<4x8x8x128xf32, #tpu.memory_space<vmem>> -> memref<4x4x4x128xf32, #tpu.memory_space<vmem>>
    %dma_wait3A_666 = arith.constant 0 : i32
    %dma_wait3A_667 = arith.constant 0 : i32
    %dma_wait3A_668 = arith.constant 0 : i32
    %dma_wait3A_669 = tpu.memref_slice %arg2[%add3A_642, %dma_wait3A_666, %dma_wait3A_667, %dma_wait3A_668] : memref<4096x4x4x128xf32, #tpu.memory_space<hbm>> -> memref<4x4x4x128xf32, #tpu.memory_space<hbm>>
    %dma_wait3A_670 = arith.constant 0 : i32
    %dma_wait3A_671 = arith.constant 0 : i32
    %dma_wait3A_672 = arith.constant 1 : i32
    %dma_wait3A_673 = arith.constant 0 : i32
    %dma_wait3A_674 = tpu.memref_slice %arg5[%dma_wait3A_670, %dma_wait3A_671, %dma_wait3A_672, %dma_wait3A_673] : memref<4x8x8x128xf32, #tpu.memory_space<vmem>> -> memref<4x4x4x128xf32, #tpu.memory_space<vmem>>
    %dma_wait3A_675 = arith.constant 0 : i32
    %dma_wait3A_676 = arith.constant 0 : i32
    %dma_wait3A_677 = arith.constant 0 : i32
    %dma_wait3A_678 = tpu.memref_slice %arg2[%add3A_642, %dma_wait3A_675, %dma_wait3A_676, %dma_wait3A_677] : memref<4096x4x4x128xf32, #tpu.memory_space<hbm>> -> memref<4x4x4x128xf32, #tpu.memory_space<hbm>>
    tpu.wait_dma2 semaphore(%arg7 : memref<!tpu.dma_semaphore, #tpu.memory_space<semaphore_mem>>) src(%dma_wait3A_678 : memref<4x4x4x128xf32, #tpu.memory_space<hbm>>) dst(%dma_wait3A_674 : memref<4x4x4x128xf32, #tpu.memory_space<vmem>>)
    %dma_start3A_679 = arith.constant 0 : i32
    %dma_start3A_680 = arith.constant 0 : i32
    %dma_start3A_681 = arith.constant 0 : i32
    %dma_start3A_682 = tpu.memref_slice %arg4[%add3A_642, %dma_start3A_679, %dma_start3A_680, %dma_start3A_681] : memref<4096x8x8x128xf32, #tpu.memory_space<hbm>> -> memref<4x8x8x128xf32, #tpu.memory_space<hbm>>
    %dma_start3A_683 = arith.constant 0 : i32
    %dma_start3A_684 = arith.constant 0 : i32
    %dma_start3A_685 = arith.constant 0 : i32
    %dma_start3A_686 = tpu.memref_slice %arg4[%add3A_642, %dma_start3A_683, %dma_start3A_684, %dma_start3A_685] : memref<4096x8x8x128xf32, #tpu.memory_space<hbm>> -> memref<4x8x8x128xf32, #tpu.memory_space<hbm>>
    tpu.enqueue_dma source(%arg5 : memref<4x8x8x128xf32, #tpu.memory_space<vmem>>) target(%dma_start3A_686 : memref<4x8x8x128xf32, #tpu.memory_space<hbm>>) target_semaphore(%arg9 : memref<!tpu.dma_semaphore, #tpu.memory_space<semaphore_mem>>)
    %dma_wait3A_687 = arith.constant 0 : i32
    %dma_wait3A_688 = arith.constant 0 : i32
    %dma_wait3A_689 = arith.constant 0 : i32
    %dma_wait3A_690 = tpu.memref_slice %arg4[%add3A_588, %dma_wait3A_687, %dma_wait3A_688, %dma_wait3A_689] : memref<4096x8x8x128xf32, #tpu.memory_space<hbm>> -> memref<4x8x8x128xf32, #tpu.memory_space<hbm>>
    %dma_wait3A_691 = arith.constant 0 : i32
    %dma_wait3A_692 = arith.constant 0 : i32
    %dma_wait3A_693 = arith.constant 0 : i32
    %dma_wait3A_694 = tpu.memref_slice %arg4[%add3A_588, %dma_wait3A_691, %dma_wait3A_692, %dma_wait3A_693] : memref<4096x8x8x128xf32, #tpu.memory_space<hbm>> -> memref<4x8x8x128xf32, #tpu.memory_space<hbm>>
    tpu.wait_dma2 semaphore(%arg10 : memref<!tpu.dma_semaphore, #tpu.memory_space<semaphore_mem>>) src(%arg6 : memref<4x8x8x128xf32, #tpu.memory_space<vmem>>) dst(%dma_wait3A_694 : memref<4x8x8x128xf32, #tpu.memory_space<hbm>>)
    %add3A_695 = arith.constant 52 : i32
    %add3A_696 = arith.addi %mul3A_2, %add3A_695 : i32
    %dma_start3A_697 = arith.constant 0 : i32
    %dma_start3A_698 = arith.constant 0 : i32
    %dma_start3A_699 = arith.constant 1 : i32
    %dma_start3A_700 = arith.constant 0 : i32
    %dma_start3A_701 = tpu.memref_slice %arg6[%dma_start3A_697, %dma_start3A_698, %dma_start3A_699, %dma_start3A_700] : memref<4x8x8x128xf32, #tpu.memory_space<vmem>> -> memref<4x4x4x128xf32, #tpu.memory_space<vmem>>
    %dma_start3A_702 = arith.constant 0 : i32
    %dma_start3A_703 = arith.constant 0 : i32
    %dma_start3A_704 = arith.constant 0 : i32
    %dma_start3A_705 = tpu.memref_slice %arg2[%add3A_696, %dma_start3A_702, %dma_start3A_703, %dma_start3A_704] : memref<4096x4x4x128xf32, #tpu.memory_space<hbm>> -> memref<4x4x4x128xf32, #tpu.memory_space<hbm>>
    %dma_start3A_706 = arith.constant 0 : i32
    %dma_start3A_707 = arith.constant 0 : i32
    %dma_start3A_708 = arith.constant 1 : i32
    %dma_start3A_709 = arith.constant 0 : i32
    %dma_start3A_710 = tpu.memref_slice %arg6[%dma_start3A_706, %dma_start3A_707, %dma_start3A_708, %dma_start3A_709] : memref<4x8x8x128xf32, #tpu.memory_space<vmem>> -> memref<4x4x4x128xf32, #tpu.memory_space<vmem>>
    %dma_start3A_711 = arith.constant 0 : i32
    %dma_start3A_712 = arith.constant 0 : i32
    %dma_start3A_713 = arith.constant 0 : i32
    %dma_start3A_714 = tpu.memref_slice %arg2[%add3A_696, %dma_start3A_711, %dma_start3A_712, %dma_start3A_713] : memref<4096x4x4x128xf32, #tpu.memory_space<hbm>> -> memref<4x4x4x128xf32, #tpu.memory_space<hbm>>
    tpu.enqueue_dma source(%dma_start3A_714 : memref<4x4x4x128xf32, #tpu.memory_space<hbm>>) target(%dma_start3A_710 : memref<4x4x4x128xf32, #tpu.memory_space<vmem>>) target_semaphore(%arg8 : memref<!tpu.dma_semaphore, #tpu.memory_space<semaphore_mem>>)
    %dma_wait3A_715 = arith.constant 0 : i32
    %dma_wait3A_716 = arith.constant 0 : i32
    %dma_wait3A_717 = arith.constant 1 : i32
    %dma_wait3A_718 = arith.constant 0 : i32
    %dma_wait3A_719 = tpu.memref_slice %arg6[%dma_wait3A_715, %dma_wait3A_716, %dma_wait3A_717, %dma_wait3A_718] : memref<4x8x8x128xf32, #tpu.memory_space<vmem>> -> memref<4x4x4x128xf32, #tpu.memory_space<vmem>>
    %dma_wait3A_720 = arith.constant 0 : i32
    %dma_wait3A_721 = arith.constant 0 : i32
    %dma_wait3A_722 = arith.constant 0 : i32
    %dma_wait3A_723 = tpu.memref_slice %arg2[%add3A_696, %dma_wait3A_720, %dma_wait3A_721, %dma_wait3A_722] : memref<4096x4x4x128xf32, #tpu.memory_space<hbm>> -> memref<4x4x4x128xf32, #tpu.memory_space<hbm>>
    %dma_wait3A_724 = arith.constant 0 : i32
    %dma_wait3A_725 = arith.constant 0 : i32
    %dma_wait3A_726 = arith.constant 1 : i32
    %dma_wait3A_727 = arith.constant 0 : i32
    %dma_wait3A_728 = tpu.memref_slice %arg6[%dma_wait3A_724, %dma_wait3A_725, %dma_wait3A_726, %dma_wait3A_727] : memref<4x8x8x128xf32, #tpu.memory_space<vmem>> -> memref<4x4x4x128xf32, #tpu.memory_space<vmem>>
    %dma_wait3A_729 = arith.constant 0 : i32
    %dma_wait3A_730 = arith.constant 0 : i32
    %dma_wait3A_731 = arith.constant 0 : i32
    %dma_wait3A_732 = tpu.memref_slice %arg2[%add3A_696, %dma_wait3A_729, %dma_wait3A_730, %dma_wait3A_731] : memref<4096x4x4x128xf32, #tpu.memory_space<hbm>> -> memref<4x4x4x128xf32, #tpu.memory_space<hbm>>
    tpu.wait_dma2 semaphore(%arg8 : memref<!tpu.dma_semaphore, #tpu.memory_space<semaphore_mem>>) src(%dma_wait3A_732 : memref<4x4x4x128xf32, #tpu.memory_space<hbm>>) dst(%dma_wait3A_728 : memref<4x4x4x128xf32, #tpu.memory_space<vmem>>)
    %dma_start3A_733 = arith.constant 0 : i32
    %dma_start3A_734 = arith.constant 0 : i32
    %dma_start3A_735 = arith.constant 0 : i32
    %dma_start3A_736 = tpu.memref_slice %arg4[%add3A_696, %dma_start3A_733, %dma_start3A_734, %dma_start3A_735] : memref<4096x8x8x128xf32, #tpu.memory_space<hbm>> -> memref<4x8x8x128xf32, #tpu.memory_space<hbm>>
    %dma_start3A_737 = arith.constant 0 : i32
    %dma_start3A_738 = arith.constant 0 : i32
    %dma_start3A_739 = arith.constant 0 : i32
    %dma_start3A_740 = tpu.memref_slice %arg4[%add3A_696, %dma_start3A_737, %dma_start3A_738, %dma_start3A_739] : memref<4096x8x8x128xf32, #tpu.memory_space<hbm>> -> memref<4x8x8x128xf32, #tpu.memory_space<hbm>>
    tpu.enqueue_dma source(%arg6 : memref<4x8x8x128xf32, #tpu.memory_space<vmem>>) target(%dma_start3A_740 : memref<4x8x8x128xf32, #tpu.memory_space<hbm>>) target_semaphore(%arg10 : memref<!tpu.dma_semaphore, #tpu.memory_space<semaphore_mem>>)
    %dma_wait3A_741 = arith.constant 0 : i32
    %dma_wait3A_742 = arith.constant 0 : i32
    %dma_wait3A_743 = arith.constant 0 : i32
    %dma_wait3A_744 = tpu.memref_slice %arg4[%add3A_642, %dma_wait3A_741, %dma_wait3A_742, %dma_wait3A_743] : memref<4096x8x8x128xf32, #tpu.memory_space<hbm>> -> memref<4x8x8x128xf32, #tpu.memory_space<hbm>>
    %dma_wait3A_745 = arith.constant 0 : i32
    %dma_wait3A_746 = arith.constant 0 : i32
    %dma_wait3A_747 = arith.constant 0 : i32
    %dma_wait3A_748 = tpu.memref_slice %arg4[%add3A_642, %dma_wait3A_745, %dma_wait3A_746, %dma_wait3A_747] : memref<4096x8x8x128xf32, #tpu.memory_space<hbm>> -> memref<4x8x8x128xf32, #tpu.memory_space<hbm>>
    tpu.wait_dma2 semaphore(%arg9 : memref<!tpu.dma_semaphore, #tpu.memory_space<semaphore_mem>>) src(%arg5 : memref<4x8x8x128xf32, #tpu.memory_space<vmem>>) dst(%dma_wait3A_748 : memref<4x8x8x128xf32, #tpu.memory_space<hbm>>)
    %add3A_749 = arith.constant 56 : i32
    %add3A_750 = arith.addi %mul3A_2, %add3A_749 : i32
    %dma_start3A_751 = arith.constant 0 : i32
    %dma_start3A_752 = arith.constant 0 : i32
    %dma_start3A_753 = arith.constant 1 : i32
    %dma_start3A_754 = arith.constant 0 : i32
    %dma_start3A_755 = tpu.memref_slice %arg5[%dma_start3A_751, %dma_start3A_752, %dma_start3A_753, %dma_start3A_754] : memref<4x8x8x128xf32, #tpu.memory_space<vmem>> -> memref<4x4x4x128xf32, #tpu.memory_space<vmem>>
    %dma_start3A_756 = arith.constant 0 : i32
    %dma_start3A_757 = arith.constant 0 : i32
    %dma_start3A_758 = arith.constant 0 : i32
    %dma_start3A_759 = tpu.memref_slice %arg2[%add3A_750, %dma_start3A_756, %dma_start3A_757, %dma_start3A_758] : memref<4096x4x4x128xf32, #tpu.memory_space<hbm>> -> memref<4x4x4x128xf32, #tpu.memory_space<hbm>>
    %dma_start3A_760 = arith.constant 0 : i32
    %dma_start3A_761 = arith.constant 0 : i32
    %dma_start3A_762 = arith.constant 1 : i32
    %dma_start3A_763 = arith.constant 0 : i32
    %dma_start3A_764 = tpu.memref_slice %arg5[%dma_start3A_760, %dma_start3A_761, %dma_start3A_762, %dma_start3A_763] : memref<4x8x8x128xf32, #tpu.memory_space<vmem>> -> memref<4x4x4x128xf32, #tpu.memory_space<vmem>>
    %dma_start3A_765 = arith.constant 0 : i32
    %dma_start3A_766 = arith.constant 0 : i32
    %dma_start3A_767 = arith.constant 0 : i32
    %dma_start3A_768 = tpu.memref_slice %arg2[%add3A_750, %dma_start3A_765, %dma_start3A_766, %dma_start3A_767] : memref<4096x4x4x128xf32, #tpu.memory_space<hbm>> -> memref<4x4x4x128xf32, #tpu.memory_space<hbm>>
    tpu.enqueue_dma source(%dma_start3A_768 : memref<4x4x4x128xf32, #tpu.memory_space<hbm>>) target(%dma_start3A_764 : memref<4x4x4x128xf32, #tpu.memory_space<vmem>>) target_semaphore(%arg7 : memref<!tpu.dma_semaphore, #tpu.memory_space<semaphore_mem>>)
    %dma_wait3A_769 = arith.constant 0 : i32
    %dma_wait3A_770 = arith.constant 0 : i32
    %dma_wait3A_771 = arith.constant 1 : i32
    %dma_wait3A_772 = arith.constant 0 : i32
    %dma_wait3A_773 = tpu.memref_slice %arg5[%dma_wait3A_769, %dma_wait3A_770, %dma_wait3A_771, %dma_wait3A_772] : memref<4x8x8x128xf32, #tpu.memory_space<vmem>> -> memref<4x4x4x128xf32, #tpu.memory_space<vmem>>
    %dma_wait3A_774 = arith.constant 0 : i32
    %dma_wait3A_775 = arith.constant 0 : i32
    %dma_wait3A_776 = arith.constant 0 : i32
    %dma_wait3A_777 = tpu.memref_slice %arg2[%add3A_750, %dma_wait3A_774, %dma_wait3A_775, %dma_wait3A_776] : memref<4096x4x4x128xf32, #tpu.memory_space<hbm>> -> memref<4x4x4x128xf32, #tpu.memory_space<hbm>>
    %dma_wait3A_778 = arith.constant 0 : i32
    %dma_wait3A_779 = arith.constant 0 : i32
    %dma_wait3A_780 = arith.constant 1 : i32
    %dma_wait3A_781 = arith.constant 0 : i32
    %dma_wait3A_782 = tpu.memref_slice %arg5[%dma_wait3A_778, %dma_wait3A_779, %dma_wait3A_780, %dma_wait3A_781] : memref<4x8x8x128xf32, #tpu.memory_space<vmem>> -> memref<4x4x4x128xf32, #tpu.memory_space<vmem>>
    %dma_wait3A_783 = arith.constant 0 : i32
    %dma_wait3A_784 = arith.constant 0 : i32
    %dma_wait3A_785 = arith.constant 0 : i32
    %dma_wait3A_786 = tpu.memref_slice %arg2[%add3A_750, %dma_wait3A_783, %dma_wait3A_784, %dma_wait3A_785] : memref<4096x4x4x128xf32, #tpu.memory_space<hbm>> -> memref<4x4x4x128xf32, #tpu.memory_space<hbm>>
    tpu.wait_dma2 semaphore(%arg7 : memref<!tpu.dma_semaphore, #tpu.memory_space<semaphore_mem>>) src(%dma_wait3A_786 : memref<4x4x4x128xf32, #tpu.memory_space<hbm>>) dst(%dma_wait3A_782 : memref<4x4x4x128xf32, #tpu.memory_space<vmem>>)
    %dma_start3A_787 = arith.constant 0 : i32
    %dma_start3A_788 = arith.constant 0 : i32
    %dma_start3A_789 = arith.constant 0 : i32
    %dma_start3A_790 = tpu.memref_slice %arg4[%add3A_750, %dma_start3A_787, %dma_start3A_788, %dma_start3A_789] : memref<4096x8x8x128xf32, #tpu.memory_space<hbm>> -> memref<4x8x8x128xf32, #tpu.memory_space<hbm>>
    %dma_start3A_791 = arith.constant 0 : i32
    %dma_start3A_792 = arith.constant 0 : i32
    %dma_start3A_793 = arith.constant 0 : i32
    %dma_start3A_794 = tpu.memref_slice %arg4[%add3A_750, %dma_start3A_791, %dma_start3A_792, %dma_start3A_793] : memref<4096x8x8x128xf32, #tpu.memory_space<hbm>> -> memref<4x8x8x128xf32, #tpu.memory_space<hbm>>
    tpu.enqueue_dma source(%arg5 : memref<4x8x8x128xf32, #tpu.memory_space<vmem>>) target(%dma_start3A_794 : memref<4x8x8x128xf32, #tpu.memory_space<hbm>>) target_semaphore(%arg9 : memref<!tpu.dma_semaphore, #tpu.memory_space<semaphore_mem>>)
    %dma_wait3A_795 = arith.constant 0 : i32
    %dma_wait3A_796 = arith.constant 0 : i32
    %dma_wait3A_797 = arith.constant 0 : i32
    %dma_wait3A_798 = tpu.memref_slice %arg4[%add3A_696, %dma_wait3A_795, %dma_wait3A_796, %dma_wait3A_797] : memref<4096x8x8x128xf32, #tpu.memory_space<hbm>> -> memref<4x8x8x128xf32, #tpu.memory_space<hbm>>
    %dma_wait3A_799 = arith.constant 0 : i32
    %dma_wait3A_800 = arith.constant 0 : i32
    %dma_wait3A_801 = arith.constant 0 : i32
    %dma_wait3A_802 = tpu.memref_slice %arg4[%add3A_696, %dma_wait3A_799, %dma_wait3A_800, %dma_wait3A_801] : memref<4096x8x8x128xf32, #tpu.memory_space<hbm>> -> memref<4x8x8x128xf32, #tpu.memory_space<hbm>>
    tpu.wait_dma2 semaphore(%arg10 : memref<!tpu.dma_semaphore, #tpu.memory_space<semaphore_mem>>) src(%arg6 : memref<4x8x8x128xf32, #tpu.memory_space<vmem>>) dst(%dma_wait3A_802 : memref<4x8x8x128xf32, #tpu.memory_space<hbm>>)
    %add3A_803 = arith.constant 60 : i32
    %add3A_804 = arith.addi %mul3A_2, %add3A_803 : i32
    %dma_start3A_805 = arith.constant 0 : i32
    %dma_start3A_806 = arith.constant 0 : i32
    %dma_start3A_807 = arith.constant 1 : i32
    %dma_start3A_808 = arith.constant 0 : i32
    %dma_start3A_809 = tpu.memref_slice %arg6[%dma_start3A_805, %dma_start3A_806, %dma_start3A_807, %dma_start3A_808] : memref<4x8x8x128xf32, #tpu.memory_space<vmem>> -> memref<4x4x4x128xf32, #tpu.memory_space<vmem>>
    %dma_start3A_810 = arith.constant 0 : i32
    %dma_start3A_811 = arith.constant 0 : i32
    %dma_start3A_812 = arith.constant 0 : i32
    %dma_start3A_813 = tpu.memref_slice %arg2[%add3A_804, %dma_start3A_810, %dma_start3A_811, %dma_start3A_812] : memref<4096x4x4x128xf32, #tpu.memory_space<hbm>> -> memref<4x4x4x128xf32, #tpu.memory_space<hbm>>
    %dma_start3A_814 = arith.constant 0 : i32
    %dma_start3A_815 = arith.constant 0 : i32
    %dma_start3A_816 = arith.constant 1 : i32
    %dma_start3A_817 = arith.constant 0 : i32
    %dma_start3A_818 = tpu.memref_slice %arg6[%dma_start3A_814, %dma_start3A_815, %dma_start3A_816, %dma_start3A_817] : memref<4x8x8x128xf32, #tpu.memory_space<vmem>> -> memref<4x4x4x128xf32, #tpu.memory_space<vmem>>
    %dma_start3A_819 = arith.constant 0 : i32
    %dma_start3A_820 = arith.constant 0 : i32
    %dma_start3A_821 = arith.constant 0 : i32
    %dma_start3A_822 = tpu.memref_slice %arg2[%add3A_804, %dma_start3A_819, %dma_start3A_820, %dma_start3A_821] : memref<4096x4x4x128xf32, #tpu.memory_space<hbm>> -> memref<4x4x4x128xf32, #tpu.memory_space<hbm>>
    tpu.enqueue_dma source(%dma_start3A_822 : memref<4x4x4x128xf32, #tpu.memory_space<hbm>>) target(%dma_start3A_818 : memref<4x4x4x128xf32, #tpu.memory_space<vmem>>) target_semaphore(%arg8 : memref<!tpu.dma_semaphore, #tpu.memory_space<semaphore_mem>>)
    %dma_wait3A_823 = arith.constant 0 : i32
    %dma_wait3A_824 = arith.constant 0 : i32
    %dma_wait3A_825 = arith.constant 1 : i32
    %dma_wait3A_826 = arith.constant 0 : i32
    %dma_wait3A_827 = tpu.memref_slice %arg6[%dma_wait3A_823, %dma_wait3A_824, %dma_wait3A_825, %dma_wait3A_826] : memref<4x8x8x128xf32, #tpu.memory_space<vmem>> -> memref<4x4x4x128xf32, #tpu.memory_space<vmem>>
    %dma_wait3A_828 = arith.constant 0 : i32
    %dma_wait3A_829 = arith.constant 0 : i32
    %dma_wait3A_830 = arith.constant 0 : i32
    %dma_wait3A_831 = tpu.memref_slice %arg2[%add3A_804, %dma_wait3A_828, %dma_wait3A_829, %dma_wait3A_830] : memref<4096x4x4x128xf32, #tpu.memory_space<hbm>> -> memref<4x4x4x128xf32, #tpu.memory_space<hbm>>
    %dma_wait3A_832 = arith.constant 0 : i32
    %dma_wait3A_833 = arith.constant 0 : i32
    %dma_wait3A_834 = arith.constant 1 : i32
    %dma_wait3A_835 = arith.constant 0 : i32
    %dma_wait3A_836 = tpu.memref_slice %arg6[%dma_wait3A_832, %dma_wait3A_833, %dma_wait3A_834, %dma_wait3A_835] : memref<4x8x8x128xf32, #tpu.memory_space<vmem>> -> memref<4x4x4x128xf32, #tpu.memory_space<vmem>>
    %dma_wait3A_837 = arith.constant 0 : i32
    %dma_wait3A_838 = arith.constant 0 : i32
    %dma_wait3A_839 = arith.constant 0 : i32
    %dma_wait3A_840 = tpu.memref_slice %arg2[%add3A_804, %dma_wait3A_837, %dma_wait3A_838, %dma_wait3A_839] : memref<4096x4x4x128xf32, #tpu.memory_space<hbm>> -> memref<4x4x4x128xf32, #tpu.memory_space<hbm>>
    tpu.wait_dma2 semaphore(%arg8 : memref<!tpu.dma_semaphore, #tpu.memory_space<semaphore_mem>>) src(%dma_wait3A_840 : memref<4x4x4x128xf32, #tpu.memory_space<hbm>>) dst(%dma_wait3A_836 : memref<4x4x4x128xf32, #tpu.memory_space<vmem>>)
    %dma_start3A_841 = arith.constant 0 : i32
    %dma_start3A_842 = arith.constant 0 : i32
    %dma_start3A_843 = arith.constant 0 : i32
    %dma_start3A_844 = tpu.memref_slice %arg4[%add3A_804, %dma_start3A_841, %dma_start3A_842, %dma_start3A_843] : memref<4096x8x8x128xf32, #tpu.memory_space<hbm>> -> memref<4x8x8x128xf32, #tpu.memory_space<hbm>>
    %dma_start3A_845 = arith.constant 0 : i32
    %dma_start3A_846 = arith.constant 0 : i32
    %dma_start3A_847 = arith.constant 0 : i32
    %dma_start3A_848 = tpu.memref_slice %arg4[%add3A_804, %dma_start3A_845, %dma_start3A_846, %dma_start3A_847] : memref<4096x8x8x128xf32, #tpu.memory_space<hbm>> -> memref<4x8x8x128xf32, #tpu.memory_space<hbm>>
    tpu.enqueue_dma source(%arg6 : memref<4x8x8x128xf32, #tpu.memory_space<vmem>>) target(%dma_start3A_848 : memref<4x8x8x128xf32, #tpu.memory_space<hbm>>) target_semaphore(%arg10 : memref<!tpu.dma_semaphore, #tpu.memory_space<semaphore_mem>>)
    %dma_wait3A_849 = arith.constant 0 : i32
    %dma_wait3A_850 = arith.constant 0 : i32
    %dma_wait3A_851 = arith.constant 0 : i32
    %dma_wait3A_852 = tpu.memref_slice %arg4[%add3A_750, %dma_wait3A_849, %dma_wait3A_850, %dma_wait3A_851] : memref<4096x8x8x128xf32, #tpu.memory_space<hbm>> -> memref<4x8x8x128xf32, #tpu.memory_space<hbm>>
    %dma_wait3A_853 = arith.constant 0 : i32
    %dma_wait3A_854 = arith.constant 0 : i32
    %dma_wait3A_855 = arith.constant 0 : i32
    %dma_wait3A_856 = tpu.memref_slice %arg4[%add3A_750, %dma_wait3A_853, %dma_wait3A_854, %dma_wait3A_855] : memref<4096x8x8x128xf32, #tpu.memory_space<hbm>> -> memref<4x8x8x128xf32, #tpu.memory_space<hbm>>
    tpu.wait_dma2 semaphore(%arg9 : memref<!tpu.dma_semaphore, #tpu.memory_space<semaphore_mem>>) src(%arg5 : memref<4x8x8x128xf32, #tpu.memory_space<vmem>>) dst(%dma_wait3A_856 : memref<4x8x8x128xf32, #tpu.memory_space<hbm>>)
    %add3A_857 = arith.constant 64 : i32
    %add3A_858 = arith.addi %mul3A_2, %add3A_857 : i32
    %dma_start3A_859 = arith.constant 0 : i32
    %dma_start3A_860 = arith.constant 0 : i32
    %dma_start3A_861 = arith.constant 1 : i32
    %dma_start3A_862 = arith.constant 0 : i32
    %dma_start3A_863 = tpu.memref_slice %arg5[%dma_start3A_859, %dma_start3A_860, %dma_start3A_861, %dma_start3A_862] : memref<4x8x8x128xf32, #tpu.memory_space<vmem>> -> memref<4x4x4x128xf32, #tpu.memory_space<vmem>>
    %dma_start3A_864 = arith.constant 0 : i32
    %dma_start3A_865 = arith.constant 0 : i32
    %dma_start3A_866 = arith.constant 0 : i32
    %dma_start3A_867 = tpu.memref_slice %arg2[%add3A_858, %dma_start3A_864, %dma_start3A_865, %dma_start3A_866] : memref<4096x4x4x128xf32, #tpu.memory_space<hbm>> -> memref<4x4x4x128xf32, #tpu.memory_space<hbm>>
    %dma_start3A_868 = arith.constant 0 : i32
    %dma_start3A_869 = arith.constant 0 : i32
    %dma_start3A_870 = arith.constant 1 : i32
    %dma_start3A_871 = arith.constant 0 : i32
    %dma_start3A_872 = tpu.memref_slice %arg5[%dma_start3A_868, %dma_start3A_869, %dma_start3A_870, %dma_start3A_871] : memref<4x8x8x128xf32, #tpu.memory_space<vmem>> -> memref<4x4x4x128xf32, #tpu.memory_space<vmem>>
    %dma_start3A_873 = arith.constant 0 : i32
    %dma_start3A_874 = arith.constant 0 : i32
    %dma_start3A_875 = arith.constant 0 : i32
    %dma_start3A_876 = tpu.memref_slice %arg2[%add3A_858, %dma_start3A_873, %dma_start3A_874, %dma_start3A_875] : memref<4096x4x4x128xf32, #tpu.memory_space<hbm>> -> memref<4x4x4x128xf32, #tpu.memory_space<hbm>>
    tpu.enqueue_dma source(%dma_start3A_876 : memref<4x4x4x128xf32, #tpu.memory_space<hbm>>) target(%dma_start3A_872 : memref<4x4x4x128xf32, #tpu.memory_space<vmem>>) target_semaphore(%arg7 : memref<!tpu.dma_semaphore, #tpu.memory_space<semaphore_mem>>)
    %dma_wait3A_877 = arith.constant 0 : i32
    %dma_wait3A_878 = arith.constant 0 : i32
    %dma_wait3A_879 = arith.constant 1 : i32
    %dma_wait3A_880 = arith.constant 0 : i32
    %dma_wait3A_881 = tpu.memref_slice %arg5[%dma_wait3A_877, %dma_wait3A_878, %dma_wait3A_879, %dma_wait3A_880] : memref<4x8x8x128xf32, #tpu.memory_space<vmem>> -> memref<4x4x4x128xf32, #tpu.memory_space<vmem>>
    %dma_wait3A_882 = arith.constant 0 : i32
    %dma_wait3A_883 = arith.constant 0 : i32
    %dma_wait3A_884 = arith.constant 0 : i32
    %dma_wait3A_885 = tpu.memref_slice %arg2[%add3A_858, %dma_wait3A_882, %dma_wait3A_883, %dma_wait3A_884] : memref<4096x4x4x128xf32, #tpu.memory_space<hbm>> -> memref<4x4x4x128xf32, #tpu.memory_space<hbm>>
    %dma_wait3A_886 = arith.constant 0 : i32
    %dma_wait3A_887 = arith.constant 0 : i32
    %dma_wait3A_888 = arith.constant 1 : i32
    %dma_wait3A_889 = arith.constant 0 : i32
    %dma_wait3A_890 = tpu.memref_slice %arg5[%dma_wait3A_886, %dma_wait3A_887, %dma_wait3A_888, %dma_wait3A_889] : memref<4x8x8x128xf32, #tpu.memory_space<vmem>> -> memref<4x4x4x128xf32, #tpu.memory_space<vmem>>
    %dma_wait3A_891 = arith.constant 0 : i32
    %dma_wait3A_892 = arith.constant 0 : i32
    %dma_wait3A_893 = arith.constant 0 : i32
    %dma_wait3A_894 = tpu.memref_slice %arg2[%add3A_858, %dma_wait3A_891, %dma_wait3A_892, %dma_wait3A_893] : memref<4096x4x4x128xf32, #tpu.memory_space<hbm>> -> memref<4x4x4x128xf32, #tpu.memory_space<hbm>>
    tpu.wait_dma2 semaphore(%arg7 : memref<!tpu.dma_semaphore, #tpu.memory_space<semaphore_mem>>) src(%dma_wait3A_894 : memref<4x4x4x128xf32, #tpu.memory_space<hbm>>) dst(%dma_wait3A_890 : memref<4x4x4x128xf32, #tpu.memory_space<vmem>>)
    %dma_start3A_895 = arith.constant 0 : i32
    %dma_start3A_896 = arith.constant 0 : i32
    %dma_start3A_897 = arith.constant 0 : i32
    %dma_start3A_898 = tpu.memref_slice %arg4[%add3A_858, %dma_start3A_895, %dma_start3A_896, %dma_start3A_897] : memref<4096x8x8x128xf32, #tpu.memory_space<hbm>> -> memref<4x8x8x128xf32, #tpu.memory_space<hbm>>
    %dma_start3A_899 = arith.constant 0 : i32
    %dma_start3A_900 = arith.constant 0 : i32
    %dma_start3A_901 = arith.constant 0 : i32
    %dma_start3A_902 = tpu.memref_slice %arg4[%add3A_858, %dma_start3A_899, %dma_start3A_900, %dma_start3A_901] : memref<4096x8x8x128xf32, #tpu.memory_space<hbm>> -> memref<4x8x8x128xf32, #tpu.memory_space<hbm>>
    tpu.enqueue_dma source(%arg5 : memref<4x8x8x128xf32, #tpu.memory_space<vmem>>) target(%dma_start3A_902 : memref<4x8x8x128xf32, #tpu.memory_space<hbm>>) target_semaphore(%arg9 : memref<!tpu.dma_semaphore, #tpu.memory_space<semaphore_mem>>)
    %dma_wait3A_903 = arith.constant 0 : i32
    %dma_wait3A_904 = arith.constant 0 : i32
    %dma_wait3A_905 = arith.constant 0 : i32
    %dma_wait3A_906 = tpu.memref_slice %arg4[%add3A_804, %dma_wait3A_903, %dma_wait3A_904, %dma_wait3A_905] : memref<4096x8x8x128xf32, #tpu.memory_space<hbm>> -> memref<4x8x8x128xf32, #tpu.memory_space<hbm>>
    %dma_wait3A_907 = arith.constant 0 : i32
    %dma_wait3A_908 = arith.constant 0 : i32
    %dma_wait3A_909 = arith.constant 0 : i32
    %dma_wait3A_910 = tpu.memref_slice %arg4[%add3A_804, %dma_wait3A_907, %dma_wait3A_908, %dma_wait3A_909] : memref<4096x8x8x128xf32, #tpu.memory_space<hbm>> -> memref<4x8x8x128xf32, #tpu.memory_space<hbm>>
    tpu.wait_dma2 semaphore(%arg10 : memref<!tpu.dma_semaphore, #tpu.memory_space<semaphore_mem>>) src(%arg6 : memref<4x8x8x128xf32, #tpu.memory_space<vmem>>) dst(%dma_wait3A_910 : memref<4x8x8x128xf32, #tpu.memory_space<hbm>>)
    %add3A_911 = arith.constant 68 : i32
    %add3A_912 = arith.addi %mul3A_2, %add3A_911 : i32
    %dma_start3A_913 = arith.constant 0 : i32
    %dma_start3A_914 = arith.constant 0 : i32
    %dma_start3A_915 = arith.constant 1 : i32
    %dma_start3A_916 = arith.constant 0 : i32
    %dma_start3A_917 = tpu.memref_slice %arg6[%dma_start3A_913, %dma_start3A_914, %dma_start3A_915, %dma_start3A_916] : memref<4x8x8x128xf32, #tpu.memory_space<vmem>> -> memref<4x4x4x128xf32, #tpu.memory_space<vmem>>
    %dma_start3A_918 = arith.constant 0 : i32
    %dma_start3A_919 = arith.constant 0 : i32
    %dma_start3A_920 = arith.constant 0 : i32
    %dma_start3A_921 = tpu.memref_slice %arg2[%add3A_912, %dma_start3A_918, %dma_start3A_919, %dma_start3A_920] : memref<4096x4x4x128xf32, #tpu.memory_space<hbm>> -> memref<4x4x4x128xf32, #tpu.memory_space<hbm>>
    %dma_start3A_922 = arith.constant 0 : i32
    %dma_start3A_923 = arith.constant 0 : i32
    %dma_start3A_924 = arith.constant 1 : i32
    %dma_start3A_925 = arith.constant 0 : i32
    %dma_start3A_926 = tpu.memref_slice %arg6[%dma_start3A_922, %dma_start3A_923, %dma_start3A_924, %dma_start3A_925] : memref<4x8x8x128xf32, #tpu.memory_space<vmem>> -> memref<4x4x4x128xf32, #tpu.memory_space<vmem>>
    %dma_start3A_927 = arith.constant 0 : i32
    %dma_start3A_928 = arith.constant 0 : i32
    %dma_start3A_929 = arith.constant 0 : i32
    %dma_start3A_930 = tpu.memref_slice %arg2[%add3A_912, %dma_start3A_927, %dma_start3A_928, %dma_start3A_929] : memref<4096x4x4x128xf32, #tpu.memory_space<hbm>> -> memref<4x4x4x128xf32, #tpu.memory_space<hbm>>
    tpu.enqueue_dma source(%dma_start3A_930 : memref<4x4x4x128xf32, #tpu.memory_space<hbm>>) target(%dma_start3A_926 : memref<4x4x4x128xf32, #tpu.memory_space<vmem>>) target_semaphore(%arg8 : memref<!tpu.dma_semaphore, #tpu.memory_space<semaphore_mem>>)
    %dma_wait3A_931 = arith.constant 0 : i32
    %dma_wait3A_932 = arith.constant 0 : i32
    %dma_wait3A_933 = arith.constant 1 : i32
    %dma_wait3A_934 = arith.constant 0 : i32
    %dma_wait3A_935 = tpu.memref_slice %arg6[%dma_wait3A_931, %dma_wait3A_932, %dma_wait3A_933, %dma_wait3A_934] : memref<4x8x8x128xf32, #tpu.memory_space<vmem>> -> memref<4x4x4x128xf32, #tpu.memory_space<vmem>>
    %dma_wait3A_936 = arith.constant 0 : i32
    %dma_wait3A_937 = arith.constant 0 : i32
    %dma_wait3A_938 = arith.constant 0 : i32
    %dma_wait3A_939 = tpu.memref_slice %arg2[%add3A_912, %dma_wait3A_936, %dma_wait3A_937, %dma_wait3A_938] : memref<4096x4x4x128xf32, #tpu.memory_space<hbm>> -> memref<4x4x4x128xf32, #tpu.memory_space<hbm>>
    %dma_wait3A_940 = arith.constant 0 : i32
    %dma_wait3A_941 = arith.constant 0 : i32
    %dma_wait3A_942 = arith.constant 1 : i32
    %dma_wait3A_943 = arith.constant 0 : i32
    %dma_wait3A_944 = tpu.memref_slice %arg6[%dma_wait3A_940, %dma_wait3A_941, %dma_wait3A_942, %dma_wait3A_943] : memref<4x8x8x128xf32, #tpu.memory_space<vmem>> -> memref<4x4x4x128xf32, #tpu.memory_space<vmem>>
    %dma_wait3A_945 = arith.constant 0 : i32
    %dma_wait3A_946 = arith.constant 0 : i32
    %dma_wait3A_947 = arith.constant 0 : i32
    %dma_wait3A_948 = tpu.memref_slice %arg2[%add3A_912, %dma_wait3A_945, %dma_wait3A_946, %dma_wait3A_947] : memref<4096x4x4x128xf32, #tpu.memory_space<hbm>> -> memref<4x4x4x128xf32, #tpu.memory_space<hbm>>
    tpu.wait_dma2 semaphore(%arg8 : memref<!tpu.dma_semaphore, #tpu.memory_space<semaphore_mem>>) src(%dma_wait3A_948 : memref<4x4x4x128xf32, #tpu.memory_space<hbm>>) dst(%dma_wait3A_944 : memref<4x4x4x128xf32, #tpu.memory_space<vmem>>)
    %dma_start3A_949 = arith.constant 0 : i32
    %dma_start3A_950 = arith.constant 0 : i32
    %dma_start3A_951 = arith.constant 0 : i32
    %dma_start3A_952 = tpu.memref_slice %arg4[%add3A_912, %dma_start3A_949, %dma_start3A_950, %dma_start3A_951] : memref<4096x8x8x128xf32, #tpu.memory_space<hbm>> -> memref<4x8x8x128xf32, #tpu.memory_space<hbm>>
    %dma_start3A_953 = arith.constant 0 : i32
    %dma_start3A_954 = arith.constant 0 : i32
    %dma_start3A_955 = arith.constant 0 : i32
    %dma_start3A_956 = tpu.memref_slice %arg4[%add3A_912, %dma_start3A_953, %dma_start3A_954, %dma_start3A_955] : memref<4096x8x8x128xf32, #tpu.memory_space<hbm>> -> memref<4x8x8x128xf32, #tpu.memory_space<hbm>>
    tpu.enqueue_dma source(%arg6 : memref<4x8x8x128xf32, #tpu.memory_space<vmem>>) target(%dma_start3A_956 : memref<4x8x8x128xf32, #tpu.memory_space<hbm>>) target_semaphore(%arg10 : memref<!tpu.dma_semaphore, #tpu.memory_space<semaphore_mem>>)
    %dma_wait3A_957 = arith.constant 0 : i32
    %dma_wait3A_958 = arith.constant 0 : i32
    %dma_wait3A_959 = arith.constant 0 : i32
    %dma_wait3A_960 = tpu.memref_slice %arg4[%add3A_858, %dma_wait3A_957, %dma_wait3A_958, %dma_wait3A_959] : memref<4096x8x8x128xf32, #tpu.memory_space<hbm>> -> memref<4x8x8x128xf32, #tpu.memory_space<hbm>>
    %dma_wait3A_961 = arith.constant 0 : i32
    %dma_wait3A_962 = arith.constant 0 : i32
    %dma_wait3A_963 = arith.constant 0 : i32
    %dma_wait3A_964 = tpu.memref_slice %arg4[%add3A_858, %dma_wait3A_961, %dma_wait3A_962, %dma_wait3A_963] : memref<4096x8x8x128xf32, #tpu.memory_space<hbm>> -> memref<4x8x8x128xf32, #tpu.memory_space<hbm>>
    tpu.wait_dma2 semaphore(%arg9 : memref<!tpu.dma_semaphore, #tpu.memory_space<semaphore_mem>>) src(%arg5 : memref<4x8x8x128xf32, #tpu.memory_space<vmem>>) dst(%dma_wait3A_964 : memref<4x8x8x128xf32, #tpu.memory_space<hbm>>)
    %add3A_965 = arith.constant 72 : i32
    %add3A_966 = arith.addi %mul3A_2, %add3A_965 : i32
    %dma_start3A_967 = arith.constant 0 : i32
    %dma_start3A_968 = arith.constant 0 : i32
    %dma_start3A_969 = arith.constant 1 : i32
    %dma_start3A_970 = arith.constant 0 : i32
    %dma_start3A_971 = tpu.memref_slice %arg5[%dma_start3A_967, %dma_start3A_968, %dma_start3A_969, %dma_start3A_970] : memref<4x8x8x128xf32, #tpu.memory_space<vmem>> -> memref<4x4x4x128xf32, #tpu.memory_space<vmem>>
    %dma_start3A_972 = arith.constant 0 : i32
    %dma_start3A_973 = arith.constant 0 : i32
    %dma_start3A_974 = arith.constant 0 : i32
    %dma_start3A_975 = tpu.memref_slice %arg2[%add3A_966, %dma_start3A_972, %dma_start3A_973, %dma_start3A_974] : memref<4096x4x4x128xf32, #tpu.memory_space<hbm>> -> memref<4x4x4x128xf32, #tpu.memory_space<hbm>>
    %dma_start3A_976 = arith.constant 0 : i32
    %dma_start3A_977 = arith.constant 0 : i32
    %dma_start3A_978 = arith.constant 1 : i32
    %dma_start3A_979 = arith.constant 0 : i32
    %dma_start3A_980 = tpu.memref_slice %arg5[%dma_start3A_976, %dma_start3A_977, %dma_start3A_978, %dma_start3A_979] : memref<4x8x8x128xf32, #tpu.memory_space<vmem>> -> memref<4x4x4x128xf32, #tpu.memory_space<vmem>>
    %dma_start3A_981 = arith.constant 0 : i32
    %dma_start3A_982 = arith.constant 0 : i32
    %dma_start3A_983 = arith.constant 0 : i32
    %dma_start3A_984 = tpu.memref_slice %arg2[%add3A_966, %dma_start3A_981, %dma_start3A_982, %dma_start3A_983] : memref<4096x4x4x128xf32, #tpu.memory_space<hbm>> -> memref<4x4x4x128xf32, #tpu.memory_space<hbm>>
    tpu.enqueue_dma source(%dma_start3A_984 : memref<4x4x4x128xf32, #tpu.memory_space<hbm>>) target(%dma_start3A_980 : memref<4x4x4x128xf32, #tpu.memory_space<vmem>>) target_semaphore(%arg7 : memref<!tpu.dma_semaphore, #tpu.memory_space<semaphore_mem>>)
    %dma_wait3A_985 = arith.constant 0 : i32
    %dma_wait3A_986 = arith.constant 0 : i32
    %dma_wait3A_987 = arith.constant 1 : i32
    %dma_wait3A_988 = arith.constant 0 : i32
    %dma_wait3A_989 = tpu.memref_slice %arg5[%dma_wait3A_985, %dma_wait3A_986, %dma_wait3A_987, %dma_wait3A_988] : memref<4x8x8x128xf32, #tpu.memory_space<vmem>> -> memref<4x4x4x128xf32, #tpu.memory_space<vmem>>
    %dma_wait3A_990 = arith.constant 0 : i32
    %dma_wait3A_991 = arith.constant 0 : i32
    %dma_wait3A_992 = arith.constant 0 : i32
    %dma_wait3A_993 = tpu.memref_slice %arg2[%add3A_966, %dma_wait3A_990, %dma_wait3A_991, %dma_wait3A_992] : memref<4096x4x4x128xf32, #tpu.memory_space<hbm>> -> memref<4x4x4x128xf32, #tpu.memory_space<hbm>>
    %dma_wait3A_994 = arith.constant 0 : i32
    %dma_wait3A_995 = arith.constant 0 : i32
    %dma_wait3A_996 = arith.constant 1 : i32
    %dma_wait3A_997 = arith.constant 0 : i32
    %dma_wait3A_998 = tpu.memref_slice %arg5[%dma_wait3A_994, %dma_wait3A_995, %dma_wait3A_996, %dma_wait3A_997] : memref<4x8x8x128xf32, #tpu.memory_space<vmem>> -> memref<4x4x4x128xf32, #tpu.memory_space<vmem>>
    %dma_wait3A_999 = arith.constant 0 : i32
    %dma_wait3A_1000 = arith.constant 0 : i32
    %dma_wait3A_1001 = arith.constant 0 : i32
    %dma_wait3A_1002 = tpu.memref_slice %arg2[%add3A_966, %dma_wait3A_999, %dma_wait3A_1000, %dma_wait3A_1001] : memref<4096x4x4x128xf32, #tpu.memory_space<hbm>> -> memref<4x4x4x128xf32, #tpu.memory_space<hbm>>
    tpu.wait_dma2 semaphore(%arg7 : memref<!tpu.dma_semaphore, #tpu.memory_space<semaphore_mem>>) src(%dma_wait3A_1002 : memref<4x4x4x128xf32, #tpu.memory_space<hbm>>) dst(%dma_wait3A_998 : memref<4x4x4x128xf32, #tpu.memory_space<vmem>>)
    %dma_start3A_1003 = arith.constant 0 : i32
    %dma_start3A_1004 = arith.constant 0 : i32
    %dma_start3A_1005 = arith.constant 0 : i32
    %dma_start3A_1006 = tpu.memref_slice %arg4[%add3A_966, %dma_start3A_1003, %dma_start3A_1004, %dma_start3A_1005] : memref<4096x8x8x128xf32, #tpu.memory_space<hbm>> -> memref<4x8x8x128xf32, #tpu.memory_space<hbm>>
    %dma_start3A_1007 = arith.constant 0 : i32
    %dma_start3A_1008 = arith.constant 0 : i32
    %dma_start3A_1009 = arith.constant 0 : i32
    %dma_start3A_1010 = tpu.memref_slice %arg4[%add3A_966, %dma_start3A_1007, %dma_start3A_1008, %dma_start3A_1009] : memref<4096x8x8x128xf32, #tpu.memory_space<hbm>> -> memref<4x8x8x128xf32, #tpu.memory_space<hbm>>
    tpu.enqueue_dma source(%arg5 : memref<4x8x8x128xf32, #tpu.memory_space<vmem>>) target(%dma_start3A_1010 : memref<4x8x8x128xf32, #tpu.memory_space<hbm>>) target_semaphore(%arg9 : memref<!tpu.dma_semaphore, #tpu.memory_space<semaphore_mem>>)
    %dma_wait3A_1011 = arith.constant 0 : i32
    %dma_wait3A_1012 = arith.constant 0 : i32
    %dma_wait3A_1013 = arith.constant 0 : i32
    %dma_wait3A_1014 = tpu.memref_slice %arg4[%add3A_912, %dma_wait3A_1011, %dma_wait3A_1012, %dma_wait3A_1013] : memref<4096x8x8x128xf32, #tpu.memory_space<hbm>> -> memref<4x8x8x128xf32, #tpu.memory_space<hbm>>
    %dma_wait3A_1015 = arith.constant 0 : i32
    %dma_wait3A_1016 = arith.constant 0 : i32
    %dma_wait3A_1017 = arith.constant 0 : i32
    %dma_wait3A_1018 = tpu.memref_slice %arg4[%add3A_912, %dma_wait3A_1015, %dma_wait3A_1016, %dma_wait3A_1017] : memref<4096x8x8x128xf32, #tpu.memory_space<hbm>> -> memref<4x8x8x128xf32, #tpu.memory_space<hbm>>
    tpu.wait_dma2 semaphore(%arg10 : memref<!tpu.dma_semaphore, #tpu.memory_space<semaphore_mem>>) src(%arg6 : memref<4x8x8x128xf32, #tpu.memory_space<vmem>>) dst(%dma_wait3A_1018 : memref<4x8x8x128xf32, #tpu.memory_space<hbm>>)
    %add3A_1019 = arith.constant 76 : i32
    %add3A_1020 = arith.addi %mul3A_2, %add3A_1019 : i32
    %dma_start3A_1021 = arith.constant 0 : i32
    %dma_start3A_1022 = arith.constant 0 : i32
    %dma_start3A_1023 = arith.constant 1 : i32
    %dma_start3A_1024 = arith.constant 0 : i32
    %dma_start3A_1025 = tpu.memref_slice %arg6[%dma_start3A_1021, %dma_start3A_1022, %dma_start3A_1023, %dma_start3A_1024] : memref<4x8x8x128xf32, #tpu.memory_space<vmem>> -> memref<4x4x4x128xf32, #tpu.memory_space<vmem>>
    %dma_start3A_1026 = arith.constant 0 : i32
    %dma_start3A_1027 = arith.constant 0 : i32
    %dma_start3A_1028 = arith.constant 0 : i32
    %dma_start3A_1029 = tpu.memref_slice %arg2[%add3A_1020, %dma_start3A_1026, %dma_start3A_1027, %dma_start3A_1028] : memref<4096x4x4x128xf32, #tpu.memory_space<hbm>> -> memref<4x4x4x128xf32, #tpu.memory_space<hbm>>
    %dma_start3A_1030 = arith.constant 0 : i32
    %dma_start3A_1031 = arith.constant 0 : i32
    %dma_start3A_1032 = arith.constant 1 : i32
    %dma_start3A_1033 = arith.constant 0 : i32
    %dma_start3A_1034 = tpu.memref_slice %arg6[%dma_start3A_1030, %dma_start3A_1031, %dma_start3A_1032, %dma_start3A_1033] : memref<4x8x8x128xf32, #tpu.memory_space<vmem>> -> memref<4x4x4x128xf32, #tpu.memory_space<vmem>>
    %dma_start3A_1035 = arith.constant 0 : i32
    %dma_start3A_1036 = arith.constant 0 : i32
    %dma_start3A_1037 = arith.constant 0 : i32
    %dma_start3A_1038 = tpu.memref_slice %arg2[%add3A_1020, %dma_start3A_1035, %dma_start3A_1036, %dma_start3A_1037] : memref<4096x4x4x128xf32, #tpu.memory_space<hbm>> -> memref<4x4x4x128xf32, #tpu.memory_space<hbm>>
    tpu.enqueue_dma source(%dma_start3A_1038 : memref<4x4x4x128xf32, #tpu.memory_space<hbm>>) target(%dma_start3A_1034 : memref<4x4x4x128xf32, #tpu.memory_space<vmem>>) target_semaphore(%arg8 : memref<!tpu.dma_semaphore, #tpu.memory_space<semaphore_mem>>)
    %dma_wait3A_1039 = arith.constant 0 : i32
    %dma_wait3A_1040 = arith.constant 0 : i32
    %dma_wait3A_1041 = arith.constant 1 : i32
    %dma_wait3A_1042 = arith.constant 0 : i32
    %dma_wait3A_1043 = tpu.memref_slice %arg6[%dma_wait3A_1039, %dma_wait3A_1040, %dma_wait3A_1041, %dma_wait3A_1042] : memref<4x8x8x128xf32, #tpu.memory_space<vmem>> -> memref<4x4x4x128xf32, #tpu.memory_space<vmem>>
    %dma_wait3A_1044 = arith.constant 0 : i32
    %dma_wait3A_1045 = arith.constant 0 : i32
    %dma_wait3A_1046 = arith.constant 0 : i32
    %dma_wait3A_1047 = tpu.memref_slice %arg2[%add3A_1020, %dma_wait3A_1044, %dma_wait3A_1045, %dma_wait3A_1046] : memref<4096x4x4x128xf32, #tpu.memory_space<hbm>> -> memref<4x4x4x128xf32, #tpu.memory_space<hbm>>
    %dma_wait3A_1048 = arith.constant 0 : i32
    %dma_wait3A_1049 = arith.constant 0 : i32
    %dma_wait3A_1050 = arith.constant 1 : i32
    %dma_wait3A_1051 = arith.constant 0 : i32
    %dma_wait3A_1052 = tpu.memref_slice %arg6[%dma_wait3A_1048, %dma_wait3A_1049, %dma_wait3A_1050, %dma_wait3A_1051] : memref<4x8x8x128xf32, #tpu.memory_space<vmem>> -> memref<4x4x4x128xf32, #tpu.memory_space<vmem>>
    %dma_wait3A_1053 = arith.constant 0 : i32
    %dma_wait3A_1054 = arith.constant 0 : i32
    %dma_wait3A_1055 = arith.constant 0 : i32
    %dma_wait3A_1056 = tpu.memref_slice %arg2[%add3A_1020, %dma_wait3A_1053, %dma_wait3A_1054, %dma_wait3A_1055] : memref<4096x4x4x128xf32, #tpu.memory_space<hbm>> -> memref<4x4x4x128xf32, #tpu.memory_space<hbm>>
    tpu.wait_dma2 semaphore(%arg8 : memref<!tpu.dma_semaphore, #tpu.memory_space<semaphore_mem>>) src(%dma_wait3A_1056 : memref<4x4x4x128xf32, #tpu.memory_space<hbm>>) dst(%dma_wait3A_1052 : memref<4x4x4x128xf32, #tpu.memory_space<vmem>>)
    %dma_start3A_1057 = arith.constant 0 : i32
    %dma_start3A_1058 = arith.constant 0 : i32
    %dma_start3A_1059 = arith.constant 0 : i32
    %dma_start3A_1060 = tpu.memref_slice %arg4[%add3A_1020, %dma_start3A_1057, %dma_start3A_1058, %dma_start3A_1059] : memref<4096x8x8x128xf32, #tpu.memory_space<hbm>> -> memref<4x8x8x128xf32, #tpu.memory_space<hbm>>
    %dma_start3A_1061 = arith.constant 0 : i32
    %dma_start3A_1062 = arith.constant 0 : i32
    %dma_start3A_1063 = arith.constant 0 : i32
    %dma_start3A_1064 = tpu.memref_slice %arg4[%add3A_1020, %dma_start3A_1061, %dma_start3A_1062, %dma_start3A_1063] : memref<4096x8x8x128xf32, #tpu.memory_space<hbm>> -> memref<4x8x8x128xf32, #tpu.memory_space<hbm>>
    tpu.enqueue_dma source(%arg6 : memref<4x8x8x128xf32, #tpu.memory_space<vmem>>) target(%dma_start3A_1064 : memref<4x8x8x128xf32, #tpu.memory_space<hbm>>) target_semaphore(%arg10 : memref<!tpu.dma_semaphore, #tpu.memory_space<semaphore_mem>>)
    %dma_wait3A_1065 = arith.constant 0 : i32
    %dma_wait3A_1066 = arith.constant 0 : i32
    %dma_wait3A_1067 = arith.constant 0 : i32
    %dma_wait3A_1068 = tpu.memref_slice %arg4[%add3A_966, %dma_wait3A_1065, %dma_wait3A_1066, %dma_wait3A_1067] : memref<4096x8x8x128xf32, #tpu.memory_space<hbm>> -> memref<4x8x8x128xf32, #tpu.memory_space<hbm>>
    %dma_wait3A_1069 = arith.constant 0 : i32
    %dma_wait3A_1070 = arith.constant 0 : i32
    %dma_wait3A_1071 = arith.constant 0 : i32
    %dma_wait3A_1072 = tpu.memref_slice %arg4[%add3A_966, %dma_wait3A_1069, %dma_wait3A_1070, %dma_wait3A_1071] : memref<4096x8x8x128xf32, #tpu.memory_space<hbm>> -> memref<4x8x8x128xf32, #tpu.memory_space<hbm>>
    tpu.wait_dma2 semaphore(%arg9 : memref<!tpu.dma_semaphore, #tpu.memory_space<semaphore_mem>>) src(%arg5 : memref<4x8x8x128xf32, #tpu.memory_space<vmem>>) dst(%dma_wait3A_1072 : memref<4x8x8x128xf32, #tpu.memory_space<hbm>>)
    %add3A_1073 = arith.constant 80 : i32
    %add3A_1074 = arith.addi %mul3A_2, %add3A_1073 : i32
    %dma_start3A_1075 = arith.constant 0 : i32
    %dma_start3A_1076 = arith.constant 0 : i32
    %dma_start3A_1077 = arith.constant 1 : i32
    %dma_start3A_1078 = arith.constant 0 : i32
    %dma_start3A_1079 = tpu.memref_slice %arg5[%dma_start3A_1075, %dma_start3A_1076, %dma_start3A_1077, %dma_start3A_1078] : memref<4x8x8x128xf32, #tpu.memory_space<vmem>> -> memref<4x4x4x128xf32, #tpu.memory_space<vmem>>
    %dma_start3A_1080 = arith.constant 0 : i32
    %dma_start3A_1081 = arith.constant 0 : i32
    %dma_start3A_1082 = arith.constant 0 : i32
    %dma_start3A_1083 = tpu.memref_slice %arg2[%add3A_1074, %dma_start3A_1080, %dma_start3A_1081, %dma_start3A_1082] : memref<4096x4x4x128xf32, #tpu.memory_space<hbm>> -> memref<4x4x4x128xf32, #tpu.memory_space<hbm>>
    %dma_start3A_1084 = arith.constant 0 : i32
    %dma_start3A_1085 = arith.constant 0 : i32
    %dma_start3A_1086 = arith.constant 1 : i32
    %dma_start3A_1087 = arith.constant 0 : i32
    %dma_start3A_1088 = tpu.memref_slice %arg5[%dma_start3A_1084, %dma_start3A_1085, %dma_start3A_1086, %dma_start3A_1087] : memref<4x8x8x128xf32, #tpu.memory_space<vmem>> -> memref<4x4x4x128xf32, #tpu.memory_space<vmem>>
    %dma_start3A_1089 = arith.constant 0 : i32
    %dma_start3A_1090 = arith.constant 0 : i32
    %dma_start3A_1091 = arith.constant 0 : i32
    %dma_start3A_1092 = tpu.memref_slice %arg2[%add3A_1074, %dma_start3A_1089, %dma_start3A_1090, %dma_start3A_1091] : memref<4096x4x4x128xf32, #tpu.memory_space<hbm>> -> memref<4x4x4x128xf32, #tpu.memory_space<hbm>>
    tpu.enqueue_dma source(%dma_start3A_1092 : memref<4x4x4x128xf32, #tpu.memory_space<hbm>>) target(%dma_start3A_1088 : memref<4x4x4x128xf32, #tpu.memory_space<vmem>>) target_semaphore(%arg7 : memref<!tpu.dma_semaphore, #tpu.memory_space<semaphore_mem>>)
    %dma_wait3A_1093 = arith.constant 0 : i32
    %dma_wait3A_1094 = arith.constant 0 : i32
    %dma_wait3A_1095 = arith.constant 1 : i32
    %dma_wait3A_1096 = arith.constant 0 : i32
    %dma_wait3A_1097 = tpu.memref_slice %arg5[%dma_wait3A_1093, %dma_wait3A_1094, %dma_wait3A_1095, %dma_wait3A_1096] : memref<4x8x8x128xf32, #tpu.memory_space<vmem>> -> memref<4x4x4x128xf32, #tpu.memory_space<vmem>>
    %dma_wait3A_1098 = arith.constant 0 : i32
    %dma_wait3A_1099 = arith.constant 0 : i32
    %dma_wait3A_1100 = arith.constant 0 : i32
    %dma_wait3A_1101 = tpu.memref_slice %arg2[%add3A_1074, %dma_wait3A_1098, %dma_wait3A_1099, %dma_wait3A_1100] : memref<4096x4x4x128xf32, #tpu.memory_space<hbm>> -> memref<4x4x4x128xf32, #tpu.memory_space<hbm>>
    %dma_wait3A_1102 = arith.constant 0 : i32
    %dma_wait3A_1103 = arith.constant 0 : i32
    %dma_wait3A_1104 = arith.constant 1 : i32
    %dma_wait3A_1105 = arith.constant 0 : i32
    %dma_wait3A_1106 = tpu.memref_slice %arg5[%dma_wait3A_1102, %dma_wait3A_1103, %dma_wait3A_1104, %dma_wait3A_1105] : memref<4x8x8x128xf32, #tpu.memory_space<vmem>> -> memref<4x4x4x128xf32, #tpu.memory_space<vmem>>
    %dma_wait3A_1107 = arith.constant 0 : i32
    %dma_wait3A_1108 = arith.constant 0 : i32
    %dma_wait3A_1109 = arith.constant 0 : i32
    %dma_wait3A_1110 = tpu.memref_slice %arg2[%add3A_1074, %dma_wait3A_1107, %dma_wait3A_1108, %dma_wait3A_1109] : memref<4096x4x4x128xf32, #tpu.memory_space<hbm>> -> memref<4x4x4x128xf32, #tpu.memory_space<hbm>>
    tpu.wait_dma2 semaphore(%arg7 : memref<!tpu.dma_semaphore, #tpu.memory_space<semaphore_mem>>) src(%dma_wait3A_1110 : memref<4x4x4x128xf32, #tpu.memory_space<hbm>>) dst(%dma_wait3A_1106 : memref<4x4x4x128xf32, #tpu.memory_space<vmem>>)
    %dma_start3A_1111 = arith.constant 0 : i32
    %dma_start3A_1112 = arith.constant 0 : i32
    %dma_start3A_1113 = arith.constant 0 : i32
    %dma_start3A_1114 = tpu.memref_slice %arg4[%add3A_1074, %dma_start3A_1111, %dma_start3A_1112, %dma_start3A_1113] : memref<4096x8x8x128xf32, #tpu.memory_space<hbm>> -> memref<4x8x8x128xf32, #tpu.memory_space<hbm>>
    %dma_start3A_1115 = arith.constant 0 : i32
    %dma_start3A_1116 = arith.constant 0 : i32
    %dma_start3A_1117 = arith.constant 0 : i32
    %dma_start3A_1118 = tpu.memref_slice %arg4[%add3A_1074, %dma_start3A_1115, %dma_start3A_1116, %dma_start3A_1117] : memref<4096x8x8x128xf32, #tpu.memory_space<hbm>> -> memref<4x8x8x128xf32, #tpu.memory_space<hbm>>
    tpu.enqueue_dma source(%arg5 : memref<4x8x8x128xf32, #tpu.memory_space<vmem>>) target(%dma_start3A_1118 : memref<4x8x8x128xf32, #tpu.memory_space<hbm>>) target_semaphore(%arg9 : memref<!tpu.dma_semaphore, #tpu.memory_space<semaphore_mem>>)
    %dma_wait3A_1119 = arith.constant 0 : i32
    %dma_wait3A_1120 = arith.constant 0 : i32
    %dma_wait3A_1121 = arith.constant 0 : i32
    %dma_wait3A_1122 = tpu.memref_slice %arg4[%add3A_1020, %dma_wait3A_1119, %dma_wait3A_1120, %dma_wait3A_1121] : memref<4096x8x8x128xf32, #tpu.memory_space<hbm>> -> memref<4x8x8x128xf32, #tpu.memory_space<hbm>>
    %dma_wait3A_1123 = arith.constant 0 : i32
    %dma_wait3A_1124 = arith.constant 0 : i32
    %dma_wait3A_1125 = arith.constant 0 : i32
    %dma_wait3A_1126 = tpu.memref_slice %arg4[%add3A_1020, %dma_wait3A_1123, %dma_wait3A_1124, %dma_wait3A_1125] : memref<4096x8x8x128xf32, #tpu.memory_space<hbm>> -> memref<4x8x8x128xf32, #tpu.memory_space<hbm>>
    tpu.wait_dma2 semaphore(%arg10 : memref<!tpu.dma_semaphore, #tpu.memory_space<semaphore_mem>>) src(%arg6 : memref<4x8x8x128xf32, #tpu.memory_space<vmem>>) dst(%dma_wait3A_1126 : memref<4x8x8x128xf32, #tpu.memory_space<hbm>>)
    %add3A_1127 = arith.constant 84 : i32
    %add3A_1128 = arith.addi %mul3A_2, %add3A_1127 : i32
    %dma_start3A_1129 = arith.constant 0 : i32
    %dma_start3A_1130 = arith.constant 0 : i32
    %dma_start3A_1131 = arith.constant 1 : i32
    %dma_start3A_1132 = arith.constant 0 : i32
    %dma_start3A_1133 = tpu.memref_slice %arg6[%dma_start3A_1129, %dma_start3A_1130, %dma_start3A_1131, %dma_start3A_1132] : memref<4x8x8x128xf32, #tpu.memory_space<vmem>> -> memref<4x4x4x128xf32, #tpu.memory_space<vmem>>
    %dma_start3A_1134 = arith.constant 0 : i32
    %dma_start3A_1135 = arith.constant 0 : i32
    %dma_start3A_1136 = arith.constant 0 : i32
    %dma_start3A_1137 = tpu.memref_slice %arg2[%add3A_1128, %dma_start3A_1134, %dma_start3A_1135, %dma_start3A_1136] : memref<4096x4x4x128xf32, #tpu.memory_space<hbm>> -> memref<4x4x4x128xf32, #tpu.memory_space<hbm>>
    %dma_start3A_1138 = arith.constant 0 : i32
    %dma_start3A_1139 = arith.constant 0 : i32
    %dma_start3A_1140 = arith.constant 1 : i32
    %dma_start3A_1141 = arith.constant 0 : i32
    %dma_start3A_1142 = tpu.memref_slice %arg6[%dma_start3A_1138, %dma_start3A_1139, %dma_start3A_1140, %dma_start3A_1141] : memref<4x8x8x128xf32, #tpu.memory_space<vmem>> -> memref<4x4x4x128xf32, #tpu.memory_space<vmem>>
    %dma_start3A_1143 = arith.constant 0 : i32
    %dma_start3A_1144 = arith.constant 0 : i32
    %dma_start3A_1145 = arith.constant 0 : i32
    %dma_start3A_1146 = tpu.memref_slice %arg2[%add3A_1128, %dma_start3A_1143, %dma_start3A_1144, %dma_start3A_1145] : memref<4096x4x4x128xf32, #tpu.memory_space<hbm>> -> memref<4x4x4x128xf32, #tpu.memory_space<hbm>>
    tpu.enqueue_dma source(%dma_start3A_1146 : memref<4x4x4x128xf32, #tpu.memory_space<hbm>>) target(%dma_start3A_1142 : memref<4x4x4x128xf32, #tpu.memory_space<vmem>>) target_semaphore(%arg8 : memref<!tpu.dma_semaphore, #tpu.memory_space<semaphore_mem>>)
    %dma_wait3A_1147 = arith.constant 0 : i32
    %dma_wait3A_1148 = arith.constant 0 : i32
    %dma_wait3A_1149 = arith.constant 1 : i32
    %dma_wait3A_1150 = arith.constant 0 : i32
    %dma_wait3A_1151 = tpu.memref_slice %arg6[%dma_wait3A_1147, %dma_wait3A_1148, %dma_wait3A_1149, %dma_wait3A_1150] : memref<4x8x8x128xf32, #tpu.memory_space<vmem>> -> memref<4x4x4x128xf32, #tpu.memory_space<vmem>>
    %dma_wait3A_1152 = arith.constant 0 : i32
    %dma_wait3A_1153 = arith.constant 0 : i32
    %dma_wait3A_1154 = arith.constant 0 : i32
    %dma_wait3A_1155 = tpu.memref_slice %arg2[%add3A_1128, %dma_wait3A_1152, %dma_wait3A_1153, %dma_wait3A_1154] : memref<4096x4x4x128xf32, #tpu.memory_space<hbm>> -> memref<4x4x4x128xf32, #tpu.memory_space<hbm>>
    %dma_wait3A_1156 = arith.constant 0 : i32
    %dma_wait3A_1157 = arith.constant 0 : i32
    %dma_wait3A_1158 = arith.constant 1 : i32
    %dma_wait3A_1159 = arith.constant 0 : i32
    %dma_wait3A_1160 = tpu.memref_slice %arg6[%dma_wait3A_1156, %dma_wait3A_1157, %dma_wait3A_1158, %dma_wait3A_1159] : memref<4x8x8x128xf32, #tpu.memory_space<vmem>> -> memref<4x4x4x128xf32, #tpu.memory_space<vmem>>
    %dma_wait3A_1161 = arith.constant 0 : i32
    %dma_wait3A_1162 = arith.constant 0 : i32
    %dma_wait3A_1163 = arith.constant 0 : i32
    %dma_wait3A_1164 = tpu.memref_slice %arg2[%add3A_1128, %dma_wait3A_1161, %dma_wait3A_1162, %dma_wait3A_1163] : memref<4096x4x4x128xf32, #tpu.memory_space<hbm>> -> memref<4x4x4x128xf32, #tpu.memory_space<hbm>>
    tpu.wait_dma2 semaphore(%arg8 : memref<!tpu.dma_semaphore, #tpu.memory_space<semaphore_mem>>) src(%dma_wait3A_1164 : memref<4x4x4x128xf32, #tpu.memory_space<hbm>>) dst(%dma_wait3A_1160 : memref<4x4x4x128xf32, #tpu.memory_space<vmem>>)
    %dma_start3A_1165 = arith.constant 0 : i32
    %dma_start3A_1166 = arith.constant 0 : i32
    %dma_start3A_1167 = arith.constant 0 : i32
    %dma_start3A_1168 = tpu.memref_slice %arg4[%add3A_1128, %dma_start3A_1165, %dma_start3A_1166, %dma_start3A_1167] : memref<4096x8x8x128xf32, #tpu.memory_space<hbm>> -> memref<4x8x8x128xf32, #tpu.memory_space<hbm>>
    %dma_start3A_1169 = arith.constant 0 : i32
    %dma_start3A_1170 = arith.constant 0 : i32
    %dma_start3A_1171 = arith.constant 0 : i32
    %dma_start3A_1172 = tpu.memref_slice %arg4[%add3A_1128, %dma_start3A_1169, %dma_start3A_1170, %dma_start3A_1171] : memref<4096x8x8x128xf32, #tpu.memory_space<hbm>> -> memref<4x8x8x128xf32, #tpu.memory_space<hbm>>
    tpu.enqueue_dma source(%arg6 : memref<4x8x8x128xf32, #tpu.memory_space<vmem>>) target(%dma_start3A_1172 : memref<4x8x8x128xf32, #tpu.memory_space<hbm>>) target_semaphore(%arg10 : memref<!tpu.dma_semaphore, #tpu.memory_space<semaphore_mem>>)
    %dma_wait3A_1173 = arith.constant 0 : i32
    %dma_wait3A_1174 = arith.constant 0 : i32
    %dma_wait3A_1175 = arith.constant 0 : i32
    %dma_wait3A_1176 = tpu.memref_slice %arg4[%add3A_1074, %dma_wait3A_1173, %dma_wait3A_1174, %dma_wait3A_1175] : memref<4096x8x8x128xf32, #tpu.memory_space<hbm>> -> memref<4x8x8x128xf32, #tpu.memory_space<hbm>>
    %dma_wait3A_1177 = arith.constant 0 : i32
    %dma_wait3A_1178 = arith.constant 0 : i32
    %dma_wait3A_1179 = arith.constant 0 : i32
    %dma_wait3A_1180 = tpu.memref_slice %arg4[%add3A_1074, %dma_wait3A_1177, %dma_wait3A_1178, %dma_wait3A_1179] : memref<4096x8x8x128xf32, #tpu.memory_space<hbm>> -> memref<4x8x8x128xf32, #tpu.memory_space<hbm>>
    tpu.wait_dma2 semaphore(%arg9 : memref<!tpu.dma_semaphore, #tpu.memory_space<semaphore_mem>>) src(%arg5 : memref<4x8x8x128xf32, #tpu.memory_space<vmem>>) dst(%dma_wait3A_1180 : memref<4x8x8x128xf32, #tpu.memory_space<hbm>>)
    %add3A_1181 = arith.constant 88 : i32
    %add3A_1182 = arith.addi %mul3A_2, %add3A_1181 : i32
    %dma_start3A_1183 = arith.constant 0 : i32
    %dma_start3A_1184 = arith.constant 0 : i32
    %dma_start3A_1185 = arith.constant 1 : i32
    %dma_start3A_1186 = arith.constant 0 : i32
    %dma_start3A_1187 = tpu.memref_slice %arg5[%dma_start3A_1183, %dma_start3A_1184, %dma_start3A_1185, %dma_start3A_1186] : memref<4x8x8x128xf32, #tpu.memory_space<vmem>> -> memref<4x4x4x128xf32, #tpu.memory_space<vmem>>
    %dma_start3A_1188 = arith.constant 0 : i32
    %dma_start3A_1189 = arith.constant 0 : i32
    %dma_start3A_1190 = arith.constant 0 : i32
    %dma_start3A_1191 = tpu.memref_slice %arg2[%add3A_1182, %dma_start3A_1188, %dma_start3A_1189, %dma_start3A_1190] : memref<4096x4x4x128xf32, #tpu.memory_space<hbm>> -> memref<4x4x4x128xf32, #tpu.memory_space<hbm>>
    %dma_start3A_1192 = arith.constant 0 : i32
    %dma_start3A_1193 = arith.constant 0 : i32
    %dma_start3A_1194 = arith.constant 1 : i32
    %dma_start3A_1195 = arith.constant 0 : i32
    %dma_start3A_1196 = tpu.memref_slice %arg5[%dma_start3A_1192, %dma_start3A_1193, %dma_start3A_1194, %dma_start3A_1195] : memref<4x8x8x128xf32, #tpu.memory_space<vmem>> -> memref<4x4x4x128xf32, #tpu.memory_space<vmem>>
    %dma_start3A_1197 = arith.constant 0 : i32
    %dma_start3A_1198 = arith.constant 0 : i32
    %dma_start3A_1199 = arith.constant 0 : i32
    %dma_start3A_1200 = tpu.memref_slice %arg2[%add3A_1182, %dma_start3A_1197, %dma_start3A_1198, %dma_start3A_1199] : memref<4096x4x4x128xf32, #tpu.memory_space<hbm>> -> memref<4x4x4x128xf32, #tpu.memory_space<hbm>>
    tpu.enqueue_dma source(%dma_start3A_1200 : memref<4x4x4x128xf32, #tpu.memory_space<hbm>>) target(%dma_start3A_1196 : memref<4x4x4x128xf32, #tpu.memory_space<vmem>>) target_semaphore(%arg7 : memref<!tpu.dma_semaphore, #tpu.memory_space<semaphore_mem>>)
    %dma_wait3A_1201 = arith.constant 0 : i32
    %dma_wait3A_1202 = arith.constant 0 : i32
    %dma_wait3A_1203 = arith.constant 1 : i32
    %dma_wait3A_1204 = arith.constant 0 : i32
    %dma_wait3A_1205 = tpu.memref_slice %arg5[%dma_wait3A_1201, %dma_wait3A_1202, %dma_wait3A_1203, %dma_wait3A_1204] : memref<4x8x8x128xf32, #tpu.memory_space<vmem>> -> memref<4x4x4x128xf32, #tpu.memory_space<vmem>>
    %dma_wait3A_1206 = arith.constant 0 : i32
    %dma_wait3A_1207 = arith.constant 0 : i32
    %dma_wait3A_1208 = arith.constant 0 : i32
    %dma_wait3A_1209 = tpu.memref_slice %arg2[%add3A_1182, %dma_wait3A_1206, %dma_wait3A_1207, %dma_wait3A_1208] : memref<4096x4x4x128xf32, #tpu.memory_space<hbm>> -> memref<4x4x4x128xf32, #tpu.memory_space<hbm>>
    %dma_wait3A_1210 = arith.constant 0 : i32
    %dma_wait3A_1211 = arith.constant 0 : i32
    %dma_wait3A_1212 = arith.constant 1 : i32
    %dma_wait3A_1213 = arith.constant 0 : i32
    %dma_wait3A_1214 = tpu.memref_slice %arg5[%dma_wait3A_1210, %dma_wait3A_1211, %dma_wait3A_1212, %dma_wait3A_1213] : memref<4x8x8x128xf32, #tpu.memory_space<vmem>> -> memref<4x4x4x128xf32, #tpu.memory_space<vmem>>
    %dma_wait3A_1215 = arith.constant 0 : i32
    %dma_wait3A_1216 = arith.constant 0 : i32
    %dma_wait3A_1217 = arith.constant 0 : i32
    %dma_wait3A_1218 = tpu.memref_slice %arg2[%add3A_1182, %dma_wait3A_1215, %dma_wait3A_1216, %dma_wait3A_1217] : memref<4096x4x4x128xf32, #tpu.memory_space<hbm>> -> memref<4x4x4x128xf32, #tpu.memory_space<hbm>>
    tpu.wait_dma2 semaphore(%arg7 : memref<!tpu.dma_semaphore, #tpu.memory_space<semaphore_mem>>) src(%dma_wait3A_1218 : memref<4x4x4x128xf32, #tpu.memory_space<hbm>>) dst(%dma_wait3A_1214 : memref<4x4x4x128xf32, #tpu.memory_space<vmem>>)
    %dma_start3A_1219 = arith.constant 0 : i32
    %dma_start3A_1220 = arith.constant 0 : i32
    %dma_start3A_1221 = arith.constant 0 : i32
    %dma_start3A_1222 = tpu.memref_slice %arg4[%add3A_1182, %dma_start3A_1219, %dma_start3A_1220, %dma_start3A_1221] : memref<4096x8x8x128xf32, #tpu.memory_space<hbm>> -> memref<4x8x8x128xf32, #tpu.memory_space<hbm>>
    %dma_start3A_1223 = arith.constant 0 : i32
    %dma_start3A_1224 = arith.constant 0 : i32
    %dma_start3A_1225 = arith.constant 0 : i32
    %dma_start3A_1226 = tpu.memref_slice %arg4[%add3A_1182, %dma_start3A_1223, %dma_start3A_1224, %dma_start3A_1225] : memref<4096x8x8x128xf32, #tpu.memory_space<hbm>> -> memref<4x8x8x128xf32, #tpu.memory_space<hbm>>
    tpu.enqueue_dma source(%arg5 : memref<4x8x8x128xf32, #tpu.memory_space<vmem>>) target(%dma_start3A_1226 : memref<4x8x8x128xf32, #tpu.memory_space<hbm>>) target_semaphore(%arg9 : memref<!tpu.dma_semaphore, #tpu.memory_space<semaphore_mem>>)
    %dma_wait3A_1227 = arith.constant 0 : i32
    %dma_wait3A_1228 = arith.constant 0 : i32
    %dma_wait3A_1229 = arith.constant 0 : i32
    %dma_wait3A_1230 = tpu.memref_slice %arg4[%add3A_1128, %dma_wait3A_1227, %dma_wait3A_1228, %dma_wait3A_1229] : memref<4096x8x8x128xf32, #tpu.memory_space<hbm>> -> memref<4x8x8x128xf32, #tpu.memory_space<hbm>>
    %dma_wait3A_1231 = arith.constant 0 : i32
    %dma_wait3A_1232 = arith.constant 0 : i32
    %dma_wait3A_1233 = arith.constant 0 : i32
    %dma_wait3A_1234 = tpu.memref_slice %arg4[%add3A_1128, %dma_wait3A_1231, %dma_wait3A_1232, %dma_wait3A_1233] : memref<4096x8x8x128xf32, #tpu.memory_space<hbm>> -> memref<4x8x8x128xf32, #tpu.memory_space<hbm>>
    tpu.wait_dma2 semaphore(%arg10 : memref<!tpu.dma_semaphore, #tpu.memory_space<semaphore_mem>>) src(%arg6 : memref<4x8x8x128xf32, #tpu.memory_space<vmem>>) dst(%dma_wait3A_1234 : memref<4x8x8x128xf32, #tpu.memory_space<hbm>>)
    %add3A_1235 = arith.constant 92 : i32
    %add3A_1236 = arith.addi %mul3A_2, %add3A_1235 : i32
    %dma_start3A_1237 = arith.constant 0 : i32
    %dma_start3A_1238 = arith.constant 0 : i32
    %dma_start3A_1239 = arith.constant 1 : i32
    %dma_start3A_1240 = arith.constant 0 : i32
    %dma_start3A_1241 = tpu.memref_slice %arg6[%dma_start3A_1237, %dma_start3A_1238, %dma_start3A_1239, %dma_start3A_1240] : memref<4x8x8x128xf32, #tpu.memory_space<vmem>> -> memref<4x4x4x128xf32, #tpu.memory_space<vmem>>
    %dma_start3A_1242 = arith.constant 0 : i32
    %dma_start3A_1243 = arith.constant 0 : i32
    %dma_start3A_1244 = arith.constant 0 : i32
    %dma_start3A_1245 = tpu.memref_slice %arg2[%add3A_1236, %dma_start3A_1242, %dma_start3A_1243, %dma_start3A_1244] : memref<4096x4x4x128xf32, #tpu.memory_space<hbm>> -> memref<4x4x4x128xf32, #tpu.memory_space<hbm>>
    %dma_start3A_1246 = arith.constant 0 : i32
    %dma_start3A_1247 = arith.constant 0 : i32
    %dma_start3A_1248 = arith.constant 1 : i32
    %dma_start3A_1249 = arith.constant 0 : i32
    %dma_start3A_1250 = tpu.memref_slice %arg6[%dma_start3A_1246, %dma_start3A_1247, %dma_start3A_1248, %dma_start3A_1249] : memref<4x8x8x128xf32, #tpu.memory_space<vmem>> -> memref<4x4x4x128xf32, #tpu.memory_space<vmem>>
    %dma_start3A_1251 = arith.constant 0 : i32
    %dma_start3A_1252 = arith.constant 0 : i32
    %dma_start3A_1253 = arith.constant 0 : i32
    %dma_start3A_1254 = tpu.memref_slice %arg2[%add3A_1236, %dma_start3A_1251, %dma_start3A_1252, %dma_start3A_1253] : memref<4096x4x4x128xf32, #tpu.memory_space<hbm>> -> memref<4x4x4x128xf32, #tpu.memory_space<hbm>>
    tpu.enqueue_dma source(%dma_start3A_1254 : memref<4x4x4x128xf32, #tpu.memory_space<hbm>>) target(%dma_start3A_1250 : memref<4x4x4x128xf32, #tpu.memory_space<vmem>>) target_semaphore(%arg8 : memref<!tpu.dma_semaphore, #tpu.memory_space<semaphore_mem>>)
    %dma_wait3A_1255 = arith.constant 0 : i32
    %dma_wait3A_1256 = arith.constant 0 : i32
    %dma_wait3A_1257 = arith.constant 1 : i32
    %dma_wait3A_1258 = arith.constant 0 : i32
    %dma_wait3A_1259 = tpu.memref_slice %arg6[%dma_wait3A_1255, %dma_wait3A_1256, %dma_wait3A_1257, %dma_wait3A_1258] : memref<4x8x8x128xf32, #tpu.memory_space<vmem>> -> memref<4x4x4x128xf32, #tpu.memory_space<vmem>>
    %dma_wait3A_1260 = arith.constant 0 : i32
    %dma_wait3A_1261 = arith.constant 0 : i32
    %dma_wait3A_1262 = arith.constant 0 : i32
    %dma_wait3A_1263 = tpu.memref_slice %arg2[%add3A_1236, %dma_wait3A_1260, %dma_wait3A_1261, %dma_wait3A_1262] : memref<4096x4x4x128xf32, #tpu.memory_space<hbm>> -> memref<4x4x4x128xf32, #tpu.memory_space<hbm>>
    %dma_wait3A_1264 = arith.constant 0 : i32
    %dma_wait3A_1265 = arith.constant 0 : i32
    %dma_wait3A_1266 = arith.constant 1 : i32
    %dma_wait3A_1267 = arith.constant 0 : i32
    %dma_wait3A_1268 = tpu.memref_slice %arg6[%dma_wait3A_1264, %dma_wait3A_1265, %dma_wait3A_1266, %dma_wait3A_1267] : memref<4x8x8x128xf32, #tpu.memory_space<vmem>> -> memref<4x4x4x128xf32, #tpu.memory_space<vmem>>
    %dma_wait3A_1269 = arith.constant 0 : i32
    %dma_wait3A_1270 = arith.constant 0 : i32
    %dma_wait3A_1271 = arith.constant 0 : i32
    %dma_wait3A_1272 = tpu.memref_slice %arg2[%add3A_1236, %dma_wait3A_1269, %dma_wait3A_1270, %dma_wait3A_1271] : memref<4096x4x4x128xf32, #tpu.memory_space<hbm>> -> memref<4x4x4x128xf32, #tpu.memory_space<hbm>>
    tpu.wait_dma2 semaphore(%arg8 : memref<!tpu.dma_semaphore, #tpu.memory_space<semaphore_mem>>) src(%dma_wait3A_1272 : memref<4x4x4x128xf32, #tpu.memory_space<hbm>>) dst(%dma_wait3A_1268 : memref<4x4x4x128xf32, #tpu.memory_space<vmem>>)
    %dma_start3A_1273 = arith.constant 0 : i32
    %dma_start3A_1274 = arith.constant 0 : i32
    %dma_start3A_1275 = arith.constant 0 : i32
    %dma_start3A_1276 = tpu.memref_slice %arg4[%add3A_1236, %dma_start3A_1273, %dma_start3A_1274, %dma_start3A_1275] : memref<4096x8x8x128xf32, #tpu.memory_space<hbm>> -> memref<4x8x8x128xf32, #tpu.memory_space<hbm>>
    %dma_start3A_1277 = arith.constant 0 : i32
    %dma_start3A_1278 = arith.constant 0 : i32
    %dma_start3A_1279 = arith.constant 0 : i32
    %dma_start3A_1280 = tpu.memref_slice %arg4[%add3A_1236, %dma_start3A_1277, %dma_start3A_1278, %dma_start3A_1279] : memref<4096x8x8x128xf32, #tpu.memory_space<hbm>> -> memref<4x8x8x128xf32, #tpu.memory_space<hbm>>
    tpu.enqueue_dma source(%arg6 : memref<4x8x8x128xf32, #tpu.memory_space<vmem>>) target(%dma_start3A_1280 : memref<4x8x8x128xf32, #tpu.memory_space<hbm>>) target_semaphore(%arg10 : memref<!tpu.dma_semaphore, #tpu.memory_space<semaphore_mem>>)
    %dma_wait3A_1281 = arith.constant 0 : i32
    %dma_wait3A_1282 = arith.constant 0 : i32
    %dma_wait3A_1283 = arith.constant 0 : i32
    %dma_wait3A_1284 = tpu.memref_slice %arg4[%add3A_1182, %dma_wait3A_1281, %dma_wait3A_1282, %dma_wait3A_1283] : memref<4096x8x8x128xf32, #tpu.memory_space<hbm>> -> memref<4x8x8x128xf32, #tpu.memory_space<hbm>>
    %dma_wait3A_1285 = arith.constant 0 : i32
    %dma_wait3A_1286 = arith.constant 0 : i32
    %dma_wait3A_1287 = arith.constant 0 : i32
    %dma_wait3A_1288 = tpu.memref_slice %arg4[%add3A_1182, %dma_wait3A_1285, %dma_wait3A_1286, %dma_wait3A_1287] : memref<4096x8x8x128xf32, #tpu.memory_space<hbm>> -> memref<4x8x8x128xf32, #tpu.memory_space<hbm>>
    tpu.wait_dma2 semaphore(%arg9 : memref<!tpu.dma_semaphore, #tpu.memory_space<semaphore_mem>>) src(%arg5 : memref<4x8x8x128xf32, #tpu.memory_space<vmem>>) dst(%dma_wait3A_1288 : memref<4x8x8x128xf32, #tpu.memory_space<hbm>>)
    %add3A_1289 = arith.constant 96 : i32
    %add3A_1290 = arith.addi %mul3A_2, %add3A_1289 : i32
    %dma_start3A_1291 = arith.constant 0 : i32
    %dma_start3A_1292 = arith.constant 0 : i32
    %dma_start3A_1293 = arith.constant 1 : i32
    %dma_start3A_1294 = arith.constant 0 : i32
    %dma_start3A_1295 = tpu.memref_slice %arg5[%dma_start3A_1291, %dma_start3A_1292, %dma_start3A_1293, %dma_start3A_1294] : memref<4x8x8x128xf32, #tpu.memory_space<vmem>> -> memref<4x4x4x128xf32, #tpu.memory_space<vmem>>
    %dma_start3A_1296 = arith.constant 0 : i32
    %dma_start3A_1297 = arith.constant 0 : i32
    %dma_start3A_1298 = arith.constant 0 : i32
    %dma_start3A_1299 = tpu.memref_slice %arg2[%add3A_1290, %dma_start3A_1296, %dma_start3A_1297, %dma_start3A_1298] : memref<4096x4x4x128xf32, #tpu.memory_space<hbm>> -> memref<4x4x4x128xf32, #tpu.memory_space<hbm>>
    %dma_start3A_1300 = arith.constant 0 : i32
    %dma_start3A_1301 = arith.constant 0 : i32
    %dma_start3A_1302 = arith.constant 1 : i32
    %dma_start3A_1303 = arith.constant 0 : i32
    %dma_start3A_1304 = tpu.memref_slice %arg5[%dma_start3A_1300, %dma_start3A_1301, %dma_start3A_1302, %dma_start3A_1303] : memref<4x8x8x128xf32, #tpu.memory_space<vmem>> -> memref<4x4x4x128xf32, #tpu.memory_space<vmem>>
    %dma_start3A_1305 = arith.constant 0 : i32
    %dma_start3A_1306 = arith.constant 0 : i32
    %dma_start3A_1307 = arith.constant 0 : i32
    %dma_start3A_1308 = tpu.memref_slice %arg2[%add3A_1290, %dma_start3A_1305, %dma_start3A_1306, %dma_start3A_1307] : memref<4096x4x4x128xf32, #tpu.memory_space<hbm>> -> memref<4x4x4x128xf32, #tpu.memory_space<hbm>>
    tpu.enqueue_dma source(%dma_start3A_1308 : memref<4x4x4x128xf32, #tpu.memory_space<hbm>>) target(%dma_start3A_1304 : memref<4x4x4x128xf32, #tpu.memory_space<vmem>>) target_semaphore(%arg7 : memref<!tpu.dma_semaphore, #tpu.memory_space<semaphore_mem>>)
    %dma_wait3A_1309 = arith.constant 0 : i32
    %dma_wait3A_1310 = arith.constant 0 : i32
    %dma_wait3A_1311 = arith.constant 1 : i32
    %dma_wait3A_1312 = arith.constant 0 : i32
    %dma_wait3A_1313 = tpu.memref_slice %arg5[%dma_wait3A_1309, %dma_wait3A_1310, %dma_wait3A_1311, %dma_wait3A_1312] : memref<4x8x8x128xf32, #tpu.memory_space<vmem>> -> memref<4x4x4x128xf32, #tpu.memory_space<vmem>>
    %dma_wait3A_1314 = arith.constant 0 : i32
    %dma_wait3A_1315 = arith.constant 0 : i32
    %dma_wait3A_1316 = arith.constant 0 : i32
    %dma_wait3A_1317 = tpu.memref_slice %arg2[%add3A_1290, %dma_wait3A_1314, %dma_wait3A_1315, %dma_wait3A_1316] : memref<4096x4x4x128xf32, #tpu.memory_space<hbm>> -> memref<4x4x4x128xf32, #tpu.memory_space<hbm>>
    %dma_wait3A_1318 = arith.constant 0 : i32
    %dma_wait3A_1319 = arith.constant 0 : i32
    %dma_wait3A_1320 = arith.constant 1 : i32
    %dma_wait3A_1321 = arith.constant 0 : i32
    %dma_wait3A_1322 = tpu.memref_slice %arg5[%dma_wait3A_1318, %dma_wait3A_1319, %dma_wait3A_1320, %dma_wait3A_1321] : memref<4x8x8x128xf32, #tpu.memory_space<vmem>> -> memref<4x4x4x128xf32, #tpu.memory_space<vmem>>
    %dma_wait3A_1323 = arith.constant 0 : i32
    %dma_wait3A_1324 = arith.constant 0 : i32
    %dma_wait3A_1325 = arith.constant 0 : i32
    %dma_wait3A_1326 = tpu.memref_slice %arg2[%add3A_1290, %dma_wait3A_1323, %dma_wait3A_1324, %dma_wait3A_1325] : memref<4096x4x4x128xf32, #tpu.memory_space<hbm>> -> memref<4x4x4x128xf32, #tpu.memory_space<hbm>>
    tpu.wait_dma2 semaphore(%arg7 : memref<!tpu.dma_semaphore, #tpu.memory_space<semaphore_mem>>) src(%dma_wait3A_1326 : memref<4x4x4x128xf32, #tpu.memory_space<hbm>>) dst(%dma_wait3A_1322 : memref<4x4x4x128xf32, #tpu.memory_space<vmem>>)
    %dma_start3A_1327 = arith.constant 0 : i32
    %dma_start3A_1328 = arith.constant 0 : i32
    %dma_start3A_1329 = arith.constant 0 : i32
    %dma_start3A_1330 = tpu.memref_slice %arg4[%add3A_1290, %dma_start3A_1327, %dma_start3A_1328, %dma_start3A_1329] : memref<4096x8x8x128xf32, #tpu.memory_space<hbm>> -> memref<4x8x8x128xf32, #tpu.memory_space<hbm>>
    %dma_start3A_1331 = arith.constant 0 : i32
    %dma_start3A_1332 = arith.constant 0 : i32
    %dma_start3A_1333 = arith.constant 0 : i32
    %dma_start3A_1334 = tpu.memref_slice %arg4[%add3A_1290, %dma_start3A_1331, %dma_start3A_1332, %dma_start3A_1333] : memref<4096x8x8x128xf32, #tpu.memory_space<hbm>> -> memref<4x8x8x128xf32, #tpu.memory_space<hbm>>
    tpu.enqueue_dma source(%arg5 : memref<4x8x8x128xf32, #tpu.memory_space<vmem>>) target(%dma_start3A_1334 : memref<4x8x8x128xf32, #tpu.memory_space<hbm>>) target_semaphore(%arg9 : memref<!tpu.dma_semaphore, #tpu.memory_space<semaphore_mem>>)
    %dma_wait3A_1335 = arith.constant 0 : i32
    %dma_wait3A_1336 = arith.constant 0 : i32
    %dma_wait3A_1337 = arith.constant 0 : i32
    %dma_wait3A_1338 = tpu.memref_slice %arg4[%add3A_1236, %dma_wait3A_1335, %dma_wait3A_1336, %dma_wait3A_1337] : memref<4096x8x8x128xf32, #tpu.memory_space<hbm>> -> memref<4x8x8x128xf32, #tpu.memory_space<hbm>>
    %dma_wait3A_1339 = arith.constant 0 : i32
    %dma_wait3A_1340 = arith.constant 0 : i32
    %dma_wait3A_1341 = arith.constant 0 : i32
    %dma_wait3A_1342 = tpu.memref_slice %arg4[%add3A_1236, %dma_wait3A_1339, %dma_wait3A_1340, %dma_wait3A_1341] : memref<4096x8x8x128xf32, #tpu.memory_space<hbm>> -> memref<4x8x8x128xf32, #tpu.memory_space<hbm>>
    tpu.wait_dma2 semaphore(%arg10 : memref<!tpu.dma_semaphore, #tpu.memory_space<semaphore_mem>>) src(%arg6 : memref<4x8x8x128xf32, #tpu.memory_space<vmem>>) dst(%dma_wait3A_1342 : memref<4x8x8x128xf32, #tpu.memory_space<hbm>>)
    %add3A_1343 = arith.constant 100 : i32
    %add3A_1344 = arith.addi %mul3A_2, %add3A_1343 : i32
    %dma_start3A_1345 = arith.constant 0 : i32
    %dma_start3A_1346 = arith.constant 0 : i32
    %dma_start3A_1347 = arith.constant 1 : i32
    %dma_start3A_1348 = arith.constant 0 : i32
    %dma_start3A_1349 = tpu.memref_slice %arg6[%dma_start3A_1345, %dma_start3A_1346, %dma_start3A_1347, %dma_start3A_1348] : memref<4x8x8x128xf32, #tpu.memory_space<vmem>> -> memref<4x4x4x128xf32, #tpu.memory_space<vmem>>
    %dma_start3A_1350 = arith.constant 0 : i32
    %dma_start3A_1351 = arith.constant 0 : i32
    %dma_start3A_1352 = arith.constant 0 : i32
    %dma_start3A_1353 = tpu.memref_slice %arg2[%add3A_1344, %dma_start3A_1350, %dma_start3A_1351, %dma_start3A_1352] : memref<4096x4x4x128xf32, #tpu.memory_space<hbm>> -> memref<4x4x4x128xf32, #tpu.memory_space<hbm>>
    %dma_start3A_1354 = arith.constant 0 : i32
    %dma_start3A_1355 = arith.constant 0 : i32
    %dma_start3A_1356 = arith.constant 1 : i32
    %dma_start3A_1357 = arith.constant 0 : i32
    %dma_start3A_1358 = tpu.memref_slice %arg6[%dma_start3A_1354, %dma_start3A_1355, %dma_start3A_1356, %dma_start3A_1357] : memref<4x8x8x128xf32, #tpu.memory_space<vmem>> -> memref<4x4x4x128xf32, #tpu.memory_space<vmem>>
    %dma_start3A_1359 = arith.constant 0 : i32
    %dma_start3A_1360 = arith.constant 0 : i32
    %dma_start3A_1361 = arith.constant 0 : i32
    %dma_start3A_1362 = tpu.memref_slice %arg2[%add3A_1344, %dma_start3A_1359, %dma_start3A_1360, %dma_start3A_1361] : memref<4096x4x4x128xf32, #tpu.memory_space<hbm>> -> memref<4x4x4x128xf32, #tpu.memory_space<hbm>>
    tpu.enqueue_dma source(%dma_start3A_1362 : memref<4x4x4x128xf32, #tpu.memory_space<hbm>>) target(%dma_start3A_1358 : memref<4x4x4x128xf32, #tpu.memory_space<vmem>>) target_semaphore(%arg8 : memref<!tpu.dma_semaphore, #tpu.memory_space<semaphore_mem>>)
    %dma_wait3A_1363 = arith.constant 0 : i32
    %dma_wait3A_1364 = arith.constant 0 : i32
    %dma_wait3A_1365 = arith.constant 1 : i32
    %dma_wait3A_1366 = arith.constant 0 : i32
    %dma_wait3A_1367 = tpu.memref_slice %arg6[%dma_wait3A_1363, %dma_wait3A_1364, %dma_wait3A_1365, %dma_wait3A_1366] : memref<4x8x8x128xf32, #tpu.memory_space<vmem>> -> memref<4x4x4x128xf32, #tpu.memory_space<vmem>>
    %dma_wait3A_1368 = arith.constant 0 : i32
    %dma_wait3A_1369 = arith.constant 0 : i32
    %dma_wait3A_1370 = arith.constant 0 : i32
    %dma_wait3A_1371 = tpu.memref_slice %arg2[%add3A_1344, %dma_wait3A_1368, %dma_wait3A_1369, %dma_wait3A_1370] : memref<4096x4x4x128xf32, #tpu.memory_space<hbm>> -> memref<4x4x4x128xf32, #tpu.memory_space<hbm>>
    %dma_wait3A_1372 = arith.constant 0 : i32
    %dma_wait3A_1373 = arith.constant 0 : i32
    %dma_wait3A_1374 = arith.constant 1 : i32
    %dma_wait3A_1375 = arith.constant 0 : i32
    %dma_wait3A_1376 = tpu.memref_slice %arg6[%dma_wait3A_1372, %dma_wait3A_1373, %dma_wait3A_1374, %dma_wait3A_1375] : memref<4x8x8x128xf32, #tpu.memory_space<vmem>> -> memref<4x4x4x128xf32, #tpu.memory_space<vmem>>
    %dma_wait3A_1377 = arith.constant 0 : i32
    %dma_wait3A_1378 = arith.constant 0 : i32
    %dma_wait3A_1379 = arith.constant 0 : i32
    %dma_wait3A_1380 = tpu.memref_slice %arg2[%add3A_1344, %dma_wait3A_1377, %dma_wait3A_1378, %dma_wait3A_1379] : memref<4096x4x4x128xf32, #tpu.memory_space<hbm>> -> memref<4x4x4x128xf32, #tpu.memory_space<hbm>>
    tpu.wait_dma2 semaphore(%arg8 : memref<!tpu.dma_semaphore, #tpu.memory_space<semaphore_mem>>) src(%dma_wait3A_1380 : memref<4x4x4x128xf32, #tpu.memory_space<hbm>>) dst(%dma_wait3A_1376 : memref<4x4x4x128xf32, #tpu.memory_space<vmem>>)
    %dma_start3A_1381 = arith.constant 0 : i32
    %dma_start3A_1382 = arith.constant 0 : i32
    %dma_start3A_1383 = arith.constant 0 : i32
    %dma_start3A_1384 = tpu.memref_slice %arg4[%add3A_1344, %dma_start3A_1381, %dma_start3A_1382, %dma_start3A_1383] : memref<4096x8x8x128xf32, #tpu.memory_space<hbm>> -> memref<4x8x8x128xf32, #tpu.memory_space<hbm>>
    %dma_start3A_1385 = arith.constant 0 : i32
    %dma_start3A_1386 = arith.constant 0 : i32
    %dma_start3A_1387 = arith.constant 0 : i32
    %dma_start3A_1388 = tpu.memref_slice %arg4[%add3A_1344, %dma_start3A_1385, %dma_start3A_1386, %dma_start3A_1387] : memref<4096x8x8x128xf32, #tpu.memory_space<hbm>> -> memref<4x8x8x128xf32, #tpu.memory_space<hbm>>
    tpu.enqueue_dma source(%arg6 : memref<4x8x8x128xf32, #tpu.memory_space<vmem>>) target(%dma_start3A_1388 : memref<4x8x8x128xf32, #tpu.memory_space<hbm>>) target_semaphore(%arg10 : memref<!tpu.dma_semaphore, #tpu.memory_space<semaphore_mem>>)
    %dma_wait3A_1389 = arith.constant 0 : i32
    %dma_wait3A_1390 = arith.constant 0 : i32
    %dma_wait3A_1391 = arith.constant 0 : i32
    %dma_wait3A_1392 = tpu.memref_slice %arg4[%add3A_1290, %dma_wait3A_1389, %dma_wait3A_1390, %dma_wait3A_1391] : memref<4096x8x8x128xf32, #tpu.memory_space<hbm>> -> memref<4x8x8x128xf32, #tpu.memory_space<hbm>>
    %dma_wait3A_1393 = arith.constant 0 : i32
    %dma_wait3A_1394 = arith.constant 0 : i32
    %dma_wait3A_1395 = arith.constant 0 : i32
    %dma_wait3A_1396 = tpu.memref_slice %arg4[%add3A_1290, %dma_wait3A_1393, %dma_wait3A_1394, %dma_wait3A_1395] : memref<4096x8x8x128xf32, #tpu.memory_space<hbm>> -> memref<4x8x8x128xf32, #tpu.memory_space<hbm>>
    tpu.wait_dma2 semaphore(%arg9 : memref<!tpu.dma_semaphore, #tpu.memory_space<semaphore_mem>>) src(%arg5 : memref<4x8x8x128xf32, #tpu.memory_space<vmem>>) dst(%dma_wait3A_1396 : memref<4x8x8x128xf32, #tpu.memory_space<hbm>>)
    %add3A_1397 = arith.constant 104 : i32
    %add3A_1398 = arith.addi %mul3A_2, %add3A_1397 : i32
    %dma_start3A_1399 = arith.constant 0 : i32
    %dma_start3A_1400 = arith.constant 0 : i32
    %dma_start3A_1401 = arith.constant 1 : i32
    %dma_start3A_1402 = arith.constant 0 : i32
    %dma_start3A_1403 = tpu.memref_slice %arg5[%dma_start3A_1399, %dma_start3A_1400, %dma_start3A_1401, %dma_start3A_1402] : memref<4x8x8x128xf32, #tpu.memory_space<vmem>> -> memref<4x4x4x128xf32, #tpu.memory_space<vmem>>
    %dma_start3A_1404 = arith.constant 0 : i32
    %dma_start3A_1405 = arith.constant 0 : i32
    %dma_start3A_1406 = arith.constant 0 : i32
    %dma_start3A_1407 = tpu.memref_slice %arg2[%add3A_1398, %dma_start3A_1404, %dma_start3A_1405, %dma_start3A_1406] : memref<4096x4x4x128xf32, #tpu.memory_space<hbm>> -> memref<4x4x4x128xf32, #tpu.memory_space<hbm>>
    %dma_start3A_1408 = arith.constant 0 : i32
    %dma_start3A_1409 = arith.constant 0 : i32
    %dma_start3A_1410 = arith.constant 1 : i32
    %dma_start3A_1411 = arith.constant 0 : i32
    %dma_start3A_1412 = tpu.memref_slice %arg5[%dma_start3A_1408, %dma_start3A_1409, %dma_start3A_1410, %dma_start3A_1411] : memref<4x8x8x128xf32, #tpu.memory_space<vmem>> -> memref<4x4x4x128xf32, #tpu.memory_space<vmem>>
    %dma_start3A_1413 = arith.constant 0 : i32
    %dma_start3A_1414 = arith.constant 0 : i32
    %dma_start3A_1415 = arith.constant 0 : i32
    %dma_start3A_1416 = tpu.memref_slice %arg2[%add3A_1398, %dma_start3A_1413, %dma_start3A_1414, %dma_start3A_1415] : memref<4096x4x4x128xf32, #tpu.memory_space<hbm>> -> memref<4x4x4x128xf32, #tpu.memory_space<hbm>>
    tpu.enqueue_dma source(%dma_start3A_1416 : memref<4x4x4x128xf32, #tpu.memory_space<hbm>>) target(%dma_start3A_1412 : memref<4x4x4x128xf32, #tpu.memory_space<vmem>>) target_semaphore(%arg7 : memref<!tpu.dma_semaphore, #tpu.memory_space<semaphore_mem>>)
    %dma_wait3A_1417 = arith.constant 0 : i32
    %dma_wait3A_1418 = arith.constant 0 : i32
    %dma_wait3A_1419 = arith.constant 1 : i32
    %dma_wait3A_1420 = arith.constant 0 : i32
    %dma_wait3A_1421 = tpu.memref_slice %arg5[%dma_wait3A_1417, %dma_wait3A_1418, %dma_wait3A_1419, %dma_wait3A_1420] : memref<4x8x8x128xf32, #tpu.memory_space<vmem>> -> memref<4x4x4x128xf32, #tpu.memory_space<vmem>>
    %dma_wait3A_1422 = arith.constant 0 : i32
    %dma_wait3A_1423 = arith.constant 0 : i32
    %dma_wait3A_1424 = arith.constant 0 : i32
    %dma_wait3A_1425 = tpu.memref_slice %arg2[%add3A_1398, %dma_wait3A_1422, %dma_wait3A_1423, %dma_wait3A_1424] : memref<4096x4x4x128xf32, #tpu.memory_space<hbm>> -> memref<4x4x4x128xf32, #tpu.memory_space<hbm>>
    %dma_wait3A_1426 = arith.constant 0 : i32
    %dma_wait3A_1427 = arith.constant 0 : i32
    %dma_wait3A_1428 = arith.constant 1 : i32
    %dma_wait3A_1429 = arith.constant 0 : i32
    %dma_wait3A_1430 = tpu.memref_slice %arg5[%dma_wait3A_1426, %dma_wait3A_1427, %dma_wait3A_1428, %dma_wait3A_1429] : memref<4x8x8x128xf32, #tpu.memory_space<vmem>> -> memref<4x4x4x128xf32, #tpu.memory_space<vmem>>
    %dma_wait3A_1431 = arith.constant 0 : i32
    %dma_wait3A_1432 = arith.constant 0 : i32
    %dma_wait3A_1433 = arith.constant 0 : i32
    %dma_wait3A_1434 = tpu.memref_slice %arg2[%add3A_1398, %dma_wait3A_1431, %dma_wait3A_1432, %dma_wait3A_1433] : memref<4096x4x4x128xf32, #tpu.memory_space<hbm>> -> memref<4x4x4x128xf32, #tpu.memory_space<hbm>>
    tpu.wait_dma2 semaphore(%arg7 : memref<!tpu.dma_semaphore, #tpu.memory_space<semaphore_mem>>) src(%dma_wait3A_1434 : memref<4x4x4x128xf32, #tpu.memory_space<hbm>>) dst(%dma_wait3A_1430 : memref<4x4x4x128xf32, #tpu.memory_space<vmem>>)
    %dma_start3A_1435 = arith.constant 0 : i32
    %dma_start3A_1436 = arith.constant 0 : i32
    %dma_start3A_1437 = arith.constant 0 : i32
    %dma_start3A_1438 = tpu.memref_slice %arg4[%add3A_1398, %dma_start3A_1435, %dma_start3A_1436, %dma_start3A_1437] : memref<4096x8x8x128xf32, #tpu.memory_space<hbm>> -> memref<4x8x8x128xf32, #tpu.memory_space<hbm>>
    %dma_start3A_1439 = arith.constant 0 : i32
    %dma_start3A_1440 = arith.constant 0 : i32
    %dma_start3A_1441 = arith.constant 0 : i32
    %dma_start3A_1442 = tpu.memref_slice %arg4[%add3A_1398, %dma_start3A_1439, %dma_start3A_1440, %dma_start3A_1441] : memref<4096x8x8x128xf32, #tpu.memory_space<hbm>> -> memref<4x8x8x128xf32, #tpu.memory_space<hbm>>
    tpu.enqueue_dma source(%arg5 : memref<4x8x8x128xf32, #tpu.memory_space<vmem>>) target(%dma_start3A_1442 : memref<4x8x8x128xf32, #tpu.memory_space<hbm>>) target_semaphore(%arg9 : memref<!tpu.dma_semaphore, #tpu.memory_space<semaphore_mem>>)
    %dma_wait3A_1443 = arith.constant 0 : i32
    %dma_wait3A_1444 = arith.constant 0 : i32
    %dma_wait3A_1445 = arith.constant 0 : i32
    %dma_wait3A_1446 = tpu.memref_slice %arg4[%add3A_1344, %dma_wait3A_1443, %dma_wait3A_1444, %dma_wait3A_1445] : memref<4096x8x8x128xf32, #tpu.memory_space<hbm>> -> memref<4x8x8x128xf32, #tpu.memory_space<hbm>>
    %dma_wait3A_1447 = arith.constant 0 : i32
    %dma_wait3A_1448 = arith.constant 0 : i32
    %dma_wait3A_1449 = arith.constant 0 : i32
    %dma_wait3A_1450 = tpu.memref_slice %arg4[%add3A_1344, %dma_wait3A_1447, %dma_wait3A_1448, %dma_wait3A_1449] : memref<4096x8x8x128xf32, #tpu.memory_space<hbm>> -> memref<4x8x8x128xf32, #tpu.memory_space<hbm>>
    tpu.wait_dma2 semaphore(%arg10 : memref<!tpu.dma_semaphore, #tpu.memory_space<semaphore_mem>>) src(%arg6 : memref<4x8x8x128xf32, #tpu.memory_space<vmem>>) dst(%dma_wait3A_1450 : memref<4x8x8x128xf32, #tpu.memory_space<hbm>>)
    %add3A_1451 = arith.constant 108 : i32
    %add3A_1452 = arith.addi %mul3A_2, %add3A_1451 : i32
    %dma_start3A_1453 = arith.constant 0 : i32
    %dma_start3A_1454 = arith.constant 0 : i32
    %dma_start3A_1455 = arith.constant 1 : i32
    %dma_start3A_1456 = arith.constant 0 : i32
    %dma_start3A_1457 = tpu.memref_slice %arg6[%dma_start3A_1453, %dma_start3A_1454, %dma_start3A_1455, %dma_start3A_1456] : memref<4x8x8x128xf32, #tpu.memory_space<vmem>> -> memref<4x4x4x128xf32, #tpu.memory_space<vmem>>
    %dma_start3A_1458 = arith.constant 0 : i32
    %dma_start3A_1459 = arith.constant 0 : i32
    %dma_start3A_1460 = arith.constant 0 : i32
    %dma_start3A_1461 = tpu.memref_slice %arg2[%add3A_1452, %dma_start3A_1458, %dma_start3A_1459, %dma_start3A_1460] : memref<4096x4x4x128xf32, #tpu.memory_space<hbm>> -> memref<4x4x4x128xf32, #tpu.memory_space<hbm>>
    %dma_start3A_1462 = arith.constant 0 : i32
    %dma_start3A_1463 = arith.constant 0 : i32
    %dma_start3A_1464 = arith.constant 1 : i32
    %dma_start3A_1465 = arith.constant 0 : i32
    %dma_start3A_1466 = tpu.memref_slice %arg6[%dma_start3A_1462, %dma_start3A_1463, %dma_start3A_1464, %dma_start3A_1465] : memref<4x8x8x128xf32, #tpu.memory_space<vmem>> -> memref<4x4x4x128xf32, #tpu.memory_space<vmem>>
    %dma_start3A_1467 = arith.constant 0 : i32
    %dma_start3A_1468 = arith.constant 0 : i32
    %dma_start3A_1469 = arith.constant 0 : i32
    %dma_start3A_1470 = tpu.memref_slice %arg2[%add3A_1452, %dma_start3A_1467, %dma_start3A_1468, %dma_start3A_1469] : memref<4096x4x4x128xf32, #tpu.memory_space<hbm>> -> memref<4x4x4x128xf32, #tpu.memory_space<hbm>>
    tpu.enqueue_dma source(%dma_start3A_1470 : memref<4x4x4x128xf32, #tpu.memory_space<hbm>>) target(%dma_start3A_1466 : memref<4x4x4x128xf32, #tpu.memory_space<vmem>>) target_semaphore(%arg8 : memref<!tpu.dma_semaphore, #tpu.memory_space<semaphore_mem>>)
    %dma_wait3A_1471 = arith.constant 0 : i32
    %dma_wait3A_1472 = arith.constant 0 : i32
    %dma_wait3A_1473 = arith.constant 1 : i32
    %dma_wait3A_1474 = arith.constant 0 : i32
    %dma_wait3A_1475 = tpu.memref_slice %arg6[%dma_wait3A_1471, %dma_wait3A_1472, %dma_wait3A_1473, %dma_wait3A_1474] : memref<4x8x8x128xf32, #tpu.memory_space<vmem>> -> memref<4x4x4x128xf32, #tpu.memory_space<vmem>>
    %dma_wait3A_1476 = arith.constant 0 : i32
    %dma_wait3A_1477 = arith.constant 0 : i32
    %dma_wait3A_1478 = arith.constant 0 : i32
    %dma_wait3A_1479 = tpu.memref_slice %arg2[%add3A_1452, %dma_wait3A_1476, %dma_wait3A_1477, %dma_wait3A_1478] : memref<4096x4x4x128xf32, #tpu.memory_space<hbm>> -> memref<4x4x4x128xf32, #tpu.memory_space<hbm>>
    %dma_wait3A_1480 = arith.constant 0 : i32
    %dma_wait3A_1481 = arith.constant 0 : i32
    %dma_wait3A_1482 = arith.constant 1 : i32
    %dma_wait3A_1483 = arith.constant 0 : i32
    %dma_wait3A_1484 = tpu.memref_slice %arg6[%dma_wait3A_1480, %dma_wait3A_1481, %dma_wait3A_1482, %dma_wait3A_1483] : memref<4x8x8x128xf32, #tpu.memory_space<vmem>> -> memref<4x4x4x128xf32, #tpu.memory_space<vmem>>
    %dma_wait3A_1485 = arith.constant 0 : i32
    %dma_wait3A_1486 = arith.constant 0 : i32
    %dma_wait3A_1487 = arith.constant 0 : i32
    %dma_wait3A_1488 = tpu.memref_slice %arg2[%add3A_1452, %dma_wait3A_1485, %dma_wait3A_1486, %dma_wait3A_1487] : memref<4096x4x4x128xf32, #tpu.memory_space<hbm>> -> memref<4x4x4x128xf32, #tpu.memory_space<hbm>>
    tpu.wait_dma2 semaphore(%arg8 : memref<!tpu.dma_semaphore, #tpu.memory_space<semaphore_mem>>) src(%dma_wait3A_1488 : memref<4x4x4x128xf32, #tpu.memory_space<hbm>>) dst(%dma_wait3A_1484 : memref<4x4x4x128xf32, #tpu.memory_space<vmem>>)
    %dma_start3A_1489 = arith.constant 0 : i32
    %dma_start3A_1490 = arith.constant 0 : i32
    %dma_start3A_1491 = arith.constant 0 : i32
    %dma_start3A_1492 = tpu.memref_slice %arg4[%add3A_1452, %dma_start3A_1489, %dma_start3A_1490, %dma_start3A_1491] : memref<4096x8x8x128xf32, #tpu.memory_space<hbm>> -> memref<4x8x8x128xf32, #tpu.memory_space<hbm>>
    %dma_start3A_1493 = arith.constant 0 : i32
    %dma_start3A_1494 = arith.constant 0 : i32
    %dma_start3A_1495 = arith.constant 0 : i32
    %dma_start3A_1496 = tpu.memref_slice %arg4[%add3A_1452, %dma_start3A_1493, %dma_start3A_1494, %dma_start3A_1495] : memref<4096x8x8x128xf32, #tpu.memory_space<hbm>> -> memref<4x8x8x128xf32, #tpu.memory_space<hbm>>
    tpu.enqueue_dma source(%arg6 : memref<4x8x8x128xf32, #tpu.memory_space<vmem>>) target(%dma_start3A_1496 : memref<4x8x8x128xf32, #tpu.memory_space<hbm>>) target_semaphore(%arg10 : memref<!tpu.dma_semaphore, #tpu.memory_space<semaphore_mem>>)
    %dma_wait3A_1497 = arith.constant 0 : i32
    %dma_wait3A_1498 = arith.constant 0 : i32
    %dma_wait3A_1499 = arith.constant 0 : i32
    %dma_wait3A_1500 = tpu.memref_slice %arg4[%add3A_1398, %dma_wait3A_1497, %dma_wait3A_1498, %dma_wait3A_1499] : memref<4096x8x8x128xf32, #tpu.memory_space<hbm>> -> memref<4x8x8x128xf32, #tpu.memory_space<hbm>>
    %dma_wait3A_1501 = arith.constant 0 : i32
    %dma_wait3A_1502 = arith.constant 0 : i32
    %dma_wait3A_1503 = arith.constant 0 : i32
    %dma_wait3A_1504 = tpu.memref_slice %arg4[%add3A_1398, %dma_wait3A_1501, %dma_wait3A_1502, %dma_wait3A_1503] : memref<4096x8x8x128xf32, #tpu.memory_space<hbm>> -> memref<4x8x8x128xf32, #tpu.memory_space<hbm>>
    tpu.wait_dma2 semaphore(%arg9 : memref<!tpu.dma_semaphore, #tpu.memory_space<semaphore_mem>>) src(%arg5 : memref<4x8x8x128xf32, #tpu.memory_space<vmem>>) dst(%dma_wait3A_1504 : memref<4x8x8x128xf32, #tpu.memory_space<hbm>>)
    %add3A_1505 = arith.constant 112 : i32
    %add3A_1506 = arith.addi %mul3A_2, %add3A_1505 : i32
    %dma_start3A_1507 = arith.constant 0 : i32
    %dma_start3A_1508 = arith.constant 0 : i32
    %dma_start3A_1509 = arith.constant 1 : i32
    %dma_start3A_1510 = arith.constant 0 : i32
    %dma_start3A_1511 = tpu.memref_slice %arg5[%dma_start3A_1507, %dma_start3A_1508, %dma_start3A_1509, %dma_start3A_1510] : memref<4x8x8x128xf32, #tpu.memory_space<vmem>> -> memref<4x4x4x128xf32, #tpu.memory_space<vmem>>
    %dma_start3A_1512 = arith.constant 0 : i32
    %dma_start3A_1513 = arith.constant 0 : i32
    %dma_start3A_1514 = arith.constant 0 : i32
    %dma_start3A_1515 = tpu.memref_slice %arg2[%add3A_1506, %dma_start3A_1512, %dma_start3A_1513, %dma_start3A_1514] : memref<4096x4x4x128xf32, #tpu.memory_space<hbm>> -> memref<4x4x4x128xf32, #tpu.memory_space<hbm>>
    %dma_start3A_1516 = arith.constant 0 : i32
    %dma_start3A_1517 = arith.constant 0 : i32
    %dma_start3A_1518 = arith.constant 1 : i32
    %dma_start3A_1519 = arith.constant 0 : i32
    %dma_start3A_1520 = tpu.memref_slice %arg5[%dma_start3A_1516, %dma_start3A_1517, %dma_start3A_1518, %dma_start3A_1519] : memref<4x8x8x128xf32, #tpu.memory_space<vmem>> -> memref<4x4x4x128xf32, #tpu.memory_space<vmem>>
    %dma_start3A_1521 = arith.constant 0 : i32
    %dma_start3A_1522 = arith.constant 0 : i32
    %dma_start3A_1523 = arith.constant 0 : i32
    %dma_start3A_1524 = tpu.memref_slice %arg2[%add3A_1506, %dma_start3A_1521, %dma_start3A_1522, %dma_start3A_1523] : memref<4096x4x4x128xf32, #tpu.memory_space<hbm>> -> memref<4x4x4x128xf32, #tpu.memory_space<hbm>>
    tpu.enqueue_dma source(%dma_start3A_1524 : memref<4x4x4x128xf32, #tpu.memory_space<hbm>>) target(%dma_start3A_1520 : memref<4x4x4x128xf32, #tpu.memory_space<vmem>>) target_semaphore(%arg7 : memref<!tpu.dma_semaphore, #tpu.memory_space<semaphore_mem>>)
    %dma_wait3A_1525 = arith.constant 0 : i32
    %dma_wait3A_1526 = arith.constant 0 : i32
    %dma_wait3A_1527 = arith.constant 1 : i32
    %dma_wait3A_1528 = arith.constant 0 : i32
    %dma_wait3A_1529 = tpu.memref_slice %arg5[%dma_wait3A_1525, %dma_wait3A_1526, %dma_wait3A_1527, %dma_wait3A_1528] : memref<4x8x8x128xf32, #tpu.memory_space<vmem>> -> memref<4x4x4x128xf32, #tpu.memory_space<vmem>>
    %dma_wait3A_1530 = arith.constant 0 : i32
    %dma_wait3A_1531 = arith.constant 0 : i32
    %dma_wait3A_1532 = arith.constant 0 : i32
    %dma_wait3A_1533 = tpu.memref_slice %arg2[%add3A_1506, %dma_wait3A_1530, %dma_wait3A_1531, %dma_wait3A_1532] : memref<4096x4x4x128xf32, #tpu.memory_space<hbm>> -> memref<4x4x4x128xf32, #tpu.memory_space<hbm>>
    %dma_wait3A_1534 = arith.constant 0 : i32
    %dma_wait3A_1535 = arith.constant 0 : i32
    %dma_wait3A_1536 = arith.constant 1 : i32
    %dma_wait3A_1537 = arith.constant 0 : i32
    %dma_wait3A_1538 = tpu.memref_slice %arg5[%dma_wait3A_1534, %dma_wait3A_1535, %dma_wait3A_1536, %dma_wait3A_1537] : memref<4x8x8x128xf32, #tpu.memory_space<vmem>> -> memref<4x4x4x128xf32, #tpu.memory_space<vmem>>
    %dma_wait3A_1539 = arith.constant 0 : i32
    %dma_wait3A_1540 = arith.constant 0 : i32
    %dma_wait3A_1541 = arith.constant 0 : i32
    %dma_wait3A_1542 = tpu.memref_slice %arg2[%add3A_1506, %dma_wait3A_1539, %dma_wait3A_1540, %dma_wait3A_1541] : memref<4096x4x4x128xf32, #tpu.memory_space<hbm>> -> memref<4x4x4x128xf32, #tpu.memory_space<hbm>>
    tpu.wait_dma2 semaphore(%arg7 : memref<!tpu.dma_semaphore, #tpu.memory_space<semaphore_mem>>) src(%dma_wait3A_1542 : memref<4x4x4x128xf32, #tpu.memory_space<hbm>>) dst(%dma_wait3A_1538 : memref<4x4x4x128xf32, #tpu.memory_space<vmem>>)
    %dma_start3A_1543 = arith.constant 0 : i32
    %dma_start3A_1544 = arith.constant 0 : i32
    %dma_start3A_1545 = arith.constant 0 : i32
    %dma_start3A_1546 = tpu.memref_slice %arg4[%add3A_1506, %dma_start3A_1543, %dma_start3A_1544, %dma_start3A_1545] : memref<4096x8x8x128xf32, #tpu.memory_space<hbm>> -> memref<4x8x8x128xf32, #tpu.memory_space<hbm>>
    %dma_start3A_1547 = arith.constant 0 : i32
    %dma_start3A_1548 = arith.constant 0 : i32
    %dma_start3A_1549 = arith.constant 0 : i32
    %dma_start3A_1550 = tpu.memref_slice %arg4[%add3A_1506, %dma_start3A_1547, %dma_start3A_1548, %dma_start3A_1549] : memref<4096x8x8x128xf32, #tpu.memory_space<hbm>> -> memref<4x8x8x128xf32, #tpu.memory_space<hbm>>
    tpu.enqueue_dma source(%arg5 : memref<4x8x8x128xf32, #tpu.memory_space<vmem>>) target(%dma_start3A_1550 : memref<4x8x8x128xf32, #tpu.memory_space<hbm>>) target_semaphore(%arg9 : memref<!tpu.dma_semaphore, #tpu.memory_space<semaphore_mem>>)
    %dma_wait3A_1551 = arith.constant 0 : i32
    %dma_wait3A_1552 = arith.constant 0 : i32
    %dma_wait3A_1553 = arith.constant 0 : i32
    %dma_wait3A_1554 = tpu.memref_slice %arg4[%add3A_1452, %dma_wait3A_1551, %dma_wait3A_1552, %dma_wait3A_1553] : memref<4096x8x8x128xf32, #tpu.memory_space<hbm>> -> memref<4x8x8x128xf32, #tpu.memory_space<hbm>>
    %dma_wait3A_1555 = arith.constant 0 : i32
    %dma_wait3A_1556 = arith.constant 0 : i32
    %dma_wait3A_1557 = arith.constant 0 : i32
    %dma_wait3A_1558 = tpu.memref_slice %arg4[%add3A_1452, %dma_wait3A_1555, %dma_wait3A_1556, %dma_wait3A_1557] : memref<4096x8x8x128xf32, #tpu.memory_space<hbm>> -> memref<4x8x8x128xf32, #tpu.memory_space<hbm>>
    tpu.wait_dma2 semaphore(%arg10 : memref<!tpu.dma_semaphore, #tpu.memory_space<semaphore_mem>>) src(%arg6 : memref<4x8x8x128xf32, #tpu.memory_space<vmem>>) dst(%dma_wait3A_1558 : memref<4x8x8x128xf32, #tpu.memory_space<hbm>>)
    %add3A_1559 = arith.constant 116 : i32
    %add3A_1560 = arith.addi %mul3A_2, %add3A_1559 : i32
    %dma_start3A_1561 = arith.constant 0 : i32
    %dma_start3A_1562 = arith.constant 0 : i32
    %dma_start3A_1563 = arith.constant 1 : i32
    %dma_start3A_1564 = arith.constant 0 : i32
    %dma_start3A_1565 = tpu.memref_slice %arg6[%dma_start3A_1561, %dma_start3A_1562, %dma_start3A_1563, %dma_start3A_1564] : memref<4x8x8x128xf32, #tpu.memory_space<vmem>> -> memref<4x4x4x128xf32, #tpu.memory_space<vmem>>
    %dma_start3A_1566 = arith.constant 0 : i32
    %dma_start3A_1567 = arith.constant 0 : i32
    %dma_start3A_1568 = arith.constant 0 : i32
    %dma_start3A_1569 = tpu.memref_slice %arg2[%add3A_1560, %dma_start3A_1566, %dma_start3A_1567, %dma_start3A_1568] : memref<4096x4x4x128xf32, #tpu.memory_space<hbm>> -> memref<4x4x4x128xf32, #tpu.memory_space<hbm>>
    %dma_start3A_1570 = arith.constant 0 : i32
    %dma_start3A_1571 = arith.constant 0 : i32
    %dma_start3A_1572 = arith.constant 1 : i32
    %dma_start3A_1573 = arith.constant 0 : i32
    %dma_start3A_1574 = tpu.memref_slice %arg6[%dma_start3A_1570, %dma_start3A_1571, %dma_start3A_1572, %dma_start3A_1573] : memref<4x8x8x128xf32, #tpu.memory_space<vmem>> -> memref<4x4x4x128xf32, #tpu.memory_space<vmem>>
    %dma_start3A_1575 = arith.constant 0 : i32
    %dma_start3A_1576 = arith.constant 0 : i32
    %dma_start3A_1577 = arith.constant 0 : i32
    %dma_start3A_1578 = tpu.memref_slice %arg2[%add3A_1560, %dma_start3A_1575, %dma_start3A_1576, %dma_start3A_1577] : memref<4096x4x4x128xf32, #tpu.memory_space<hbm>> -> memref<4x4x4x128xf32, #tpu.memory_space<hbm>>
    tpu.enqueue_dma source(%dma_start3A_1578 : memref<4x4x4x128xf32, #tpu.memory_space<hbm>>) target(%dma_start3A_1574 : memref<4x4x4x128xf32, #tpu.memory_space<vmem>>) target_semaphore(%arg8 : memref<!tpu.dma_semaphore, #tpu.memory_space<semaphore_mem>>)
    %dma_wait3A_1579 = arith.constant 0 : i32
    %dma_wait3A_1580 = arith.constant 0 : i32
    %dma_wait3A_1581 = arith.constant 1 : i32
    %dma_wait3A_1582 = arith.constant 0 : i32
    %dma_wait3A_1583 = tpu.memref_slice %arg6[%dma_wait3A_1579, %dma_wait3A_1580, %dma_wait3A_1581, %dma_wait3A_1582] : memref<4x8x8x128xf32, #tpu.memory_space<vmem>> -> memref<4x4x4x128xf32, #tpu.memory_space<vmem>>
    %dma_wait3A_1584 = arith.constant 0 : i32
    %dma_wait3A_1585 = arith.constant 0 : i32
    %dma_wait3A_1586 = arith.constant 0 : i32
    %dma_wait3A_1587 = tpu.memref_slice %arg2[%add3A_1560, %dma_wait3A_1584, %dma_wait3A_1585, %dma_wait3A_1586] : memref<4096x4x4x128xf32, #tpu.memory_space<hbm>> -> memref<4x4x4x128xf32, #tpu.memory_space<hbm>>
    %dma_wait3A_1588 = arith.constant 0 : i32
    %dma_wait3A_1589 = arith.constant 0 : i32
    %dma_wait3A_1590 = arith.constant 1 : i32
    %dma_wait3A_1591 = arith.constant 0 : i32
    %dma_wait3A_1592 = tpu.memref_slice %arg6[%dma_wait3A_1588, %dma_wait3A_1589, %dma_wait3A_1590, %dma_wait3A_1591] : memref<4x8x8x128xf32, #tpu.memory_space<vmem>> -> memref<4x4x4x128xf32, #tpu.memory_space<vmem>>
    %dma_wait3A_1593 = arith.constant 0 : i32
    %dma_wait3A_1594 = arith.constant 0 : i32
    %dma_wait3A_1595 = arith.constant 0 : i32
    %dma_wait3A_1596 = tpu.memref_slice %arg2[%add3A_1560, %dma_wait3A_1593, %dma_wait3A_1594, %dma_wait3A_1595] : memref<4096x4x4x128xf32, #tpu.memory_space<hbm>> -> memref<4x4x4x128xf32, #tpu.memory_space<hbm>>
    tpu.wait_dma2 semaphore(%arg8 : memref<!tpu.dma_semaphore, #tpu.memory_space<semaphore_mem>>) src(%dma_wait3A_1596 : memref<4x4x4x128xf32, #tpu.memory_space<hbm>>) dst(%dma_wait3A_1592 : memref<4x4x4x128xf32, #tpu.memory_space<vmem>>)
    %dma_start3A_1597 = arith.constant 0 : i32
    %dma_start3A_1598 = arith.constant 0 : i32
    %dma_start3A_1599 = arith.constant 0 : i32
    %dma_start3A_1600 = tpu.memref_slice %arg4[%add3A_1560, %dma_start3A_1597, %dma_start3A_1598, %dma_start3A_1599] : memref<4096x8x8x128xf32, #tpu.memory_space<hbm>> -> memref<4x8x8x128xf32, #tpu.memory_space<hbm>>
    %dma_start3A_1601 = arith.constant 0 : i32
    %dma_start3A_1602 = arith.constant 0 : i32
    %dma_start3A_1603 = arith.constant 0 : i32
    %dma_start3A_1604 = tpu.memref_slice %arg4[%add3A_1560, %dma_start3A_1601, %dma_start3A_1602, %dma_start3A_1603] : memref<4096x8x8x128xf32, #tpu.memory_space<hbm>> -> memref<4x8x8x128xf32, #tpu.memory_space<hbm>>
    tpu.enqueue_dma source(%arg6 : memref<4x8x8x128xf32, #tpu.memory_space<vmem>>) target(%dma_start3A_1604 : memref<4x8x8x128xf32, #tpu.memory_space<hbm>>) target_semaphore(%arg10 : memref<!tpu.dma_semaphore, #tpu.memory_space<semaphore_mem>>)
    %dma_wait3A_1605 = arith.constant 0 : i32
    %dma_wait3A_1606 = arith.constant 0 : i32
    %dma_wait3A_1607 = arith.constant 0 : i32
    %dma_wait3A_1608 = tpu.memref_slice %arg4[%add3A_1506, %dma_wait3A_1605, %dma_wait3A_1606, %dma_wait3A_1607] : memref<4096x8x8x128xf32, #tpu.memory_space<hbm>> -> memref<4x8x8x128xf32, #tpu.memory_space<hbm>>
    %dma_wait3A_1609 = arith.constant 0 : i32
    %dma_wait3A_1610 = arith.constant 0 : i32
    %dma_wait3A_1611 = arith.constant 0 : i32
    %dma_wait3A_1612 = tpu.memref_slice %arg4[%add3A_1506, %dma_wait3A_1609, %dma_wait3A_1610, %dma_wait3A_1611] : memref<4096x8x8x128xf32, #tpu.memory_space<hbm>> -> memref<4x8x8x128xf32, #tpu.memory_space<hbm>>
    tpu.wait_dma2 semaphore(%arg9 : memref<!tpu.dma_semaphore, #tpu.memory_space<semaphore_mem>>) src(%arg5 : memref<4x8x8x128xf32, #tpu.memory_space<vmem>>) dst(%dma_wait3A_1612 : memref<4x8x8x128xf32, #tpu.memory_space<hbm>>)
    %add3A_1613 = arith.constant 120 : i32
    %add3A_1614 = arith.addi %mul3A_2, %add3A_1613 : i32
    %dma_start3A_1615 = arith.constant 0 : i32
    %dma_start3A_1616 = arith.constant 0 : i32
    %dma_start3A_1617 = arith.constant 1 : i32
    %dma_start3A_1618 = arith.constant 0 : i32
    %dma_start3A_1619 = tpu.memref_slice %arg5[%dma_start3A_1615, %dma_start3A_1616, %dma_start3A_1617, %dma_start3A_1618] : memref<4x8x8x128xf32, #tpu.memory_space<vmem>> -> memref<4x4x4x128xf32, #tpu.memory_space<vmem>>
    %dma_start3A_1620 = arith.constant 0 : i32
    %dma_start3A_1621 = arith.constant 0 : i32
    %dma_start3A_1622 = arith.constant 0 : i32
    %dma_start3A_1623 = tpu.memref_slice %arg2[%add3A_1614, %dma_start3A_1620, %dma_start3A_1621, %dma_start3A_1622] : memref<4096x4x4x128xf32, #tpu.memory_space<hbm>> -> memref<4x4x4x128xf32, #tpu.memory_space<hbm>>
    %dma_start3A_1624 = arith.constant 0 : i32
    %dma_start3A_1625 = arith.constant 0 : i32
    %dma_start3A_1626 = arith.constant 1 : i32
    %dma_start3A_1627 = arith.constant 0 : i32
    %dma_start3A_1628 = tpu.memref_slice %arg5[%dma_start3A_1624, %dma_start3A_1625, %dma_start3A_1626, %dma_start3A_1627] : memref<4x8x8x128xf32, #tpu.memory_space<vmem>> -> memref<4x4x4x128xf32, #tpu.memory_space<vmem>>
    %dma_start3A_1629 = arith.constant 0 : i32
    %dma_start3A_1630 = arith.constant 0 : i32
    %dma_start3A_1631 = arith.constant 0 : i32
    %dma_start3A_1632 = tpu.memref_slice %arg2[%add3A_1614, %dma_start3A_1629, %dma_start3A_1630, %dma_start3A_1631] : memref<4096x4x4x128xf32, #tpu.memory_space<hbm>> -> memref<4x4x4x128xf32, #tpu.memory_space<hbm>>
    tpu.enqueue_dma source(%dma_start3A_1632 : memref<4x4x4x128xf32, #tpu.memory_space<hbm>>) target(%dma_start3A_1628 : memref<4x4x4x128xf32, #tpu.memory_space<vmem>>) target_semaphore(%arg7 : memref<!tpu.dma_semaphore, #tpu.memory_space<semaphore_mem>>)
    %dma_wait3A_1633 = arith.constant 0 : i32
    %dma_wait3A_1634 = arith.constant 0 : i32
    %dma_wait3A_1635 = arith.constant 1 : i32
    %dma_wait3A_1636 = arith.constant 0 : i32
    %dma_wait3A_1637 = tpu.memref_slice %arg5[%dma_wait3A_1633, %dma_wait3A_1634, %dma_wait3A_1635, %dma_wait3A_1636] : memref<4x8x8x128xf32, #tpu.memory_space<vmem>> -> memref<4x4x4x128xf32, #tpu.memory_space<vmem>>
    %dma_wait3A_1638 = arith.constant 0 : i32
    %dma_wait3A_1639 = arith.constant 0 : i32
    %dma_wait3A_1640 = arith.constant 0 : i32
    %dma_wait3A_1641 = tpu.memref_slice %arg2[%add3A_1614, %dma_wait3A_1638, %dma_wait3A_1639, %dma_wait3A_1640] : memref<4096x4x4x128xf32, #tpu.memory_space<hbm>> -> memref<4x4x4x128xf32, #tpu.memory_space<hbm>>
    %dma_wait3A_1642 = arith.constant 0 : i32
    %dma_wait3A_1643 = arith.constant 0 : i32
    %dma_wait3A_1644 = arith.constant 1 : i32
    %dma_wait3A_1645 = arith.constant 0 : i32
    %dma_wait3A_1646 = tpu.memref_slice %arg5[%dma_wait3A_1642, %dma_wait3A_1643, %dma_wait3A_1644, %dma_wait3A_1645] : memref<4x8x8x128xf32, #tpu.memory_space<vmem>> -> memref<4x4x4x128xf32, #tpu.memory_space<vmem>>
    %dma_wait3A_1647 = arith.constant 0 : i32
    %dma_wait3A_1648 = arith.constant 0 : i32
    %dma_wait3A_1649 = arith.constant 0 : i32
    %dma_wait3A_1650 = tpu.memref_slice %arg2[%add3A_1614, %dma_wait3A_1647, %dma_wait3A_1648, %dma_wait3A_1649] : memref<4096x4x4x128xf32, #tpu.memory_space<hbm>> -> memref<4x4x4x128xf32, #tpu.memory_space<hbm>>
    tpu.wait_dma2 semaphore(%arg7 : memref<!tpu.dma_semaphore, #tpu.memory_space<semaphore_mem>>) src(%dma_wait3A_1650 : memref<4x4x4x128xf32, #tpu.memory_space<hbm>>) dst(%dma_wait3A_1646 : memref<4x4x4x128xf32, #tpu.memory_space<vmem>>)
    %dma_start3A_1651 = arith.constant 0 : i32
    %dma_start3A_1652 = arith.constant 0 : i32
    %dma_start3A_1653 = arith.constant 0 : i32
    %dma_start3A_1654 = tpu.memref_slice %arg4[%add3A_1614, %dma_start3A_1651, %dma_start3A_1652, %dma_start3A_1653] : memref<4096x8x8x128xf32, #tpu.memory_space<hbm>> -> memref<4x8x8x128xf32, #tpu.memory_space<hbm>>
    %dma_start3A_1655 = arith.constant 0 : i32
    %dma_start3A_1656 = arith.constant 0 : i32
    %dma_start3A_1657 = arith.constant 0 : i32
    %dma_start3A_1658 = tpu.memref_slice %arg4[%add3A_1614, %dma_start3A_1655, %dma_start3A_1656, %dma_start3A_1657] : memref<4096x8x8x128xf32, #tpu.memory_space<hbm>> -> memref<4x8x8x128xf32, #tpu.memory_space<hbm>>
    tpu.enqueue_dma source(%arg5 : memref<4x8x8x128xf32, #tpu.memory_space<vmem>>) target(%dma_start3A_1658 : memref<4x8x8x128xf32, #tpu.memory_space<hbm>>) target_semaphore(%arg9 : memref<!tpu.dma_semaphore, #tpu.memory_space<semaphore_mem>>)
    %dma_wait3A_1659 = arith.constant 0 : i32
    %dma_wait3A_1660 = arith.constant 0 : i32
    %dma_wait3A_1661 = arith.constant 0 : i32
    %dma_wait3A_1662 = tpu.memref_slice %arg4[%add3A_1560, %dma_wait3A_1659, %dma_wait3A_1660, %dma_wait3A_1661] : memref<4096x8x8x128xf32, #tpu.memory_space<hbm>> -> memref<4x8x8x128xf32, #tpu.memory_space<hbm>>
    %dma_wait3A_1663 = arith.constant 0 : i32
    %dma_wait3A_1664 = arith.constant 0 : i32
    %dma_wait3A_1665 = arith.constant 0 : i32
    %dma_wait3A_1666 = tpu.memref_slice %arg4[%add3A_1560, %dma_wait3A_1663, %dma_wait3A_1664, %dma_wait3A_1665] : memref<4096x8x8x128xf32, #tpu.memory_space<hbm>> -> memref<4x8x8x128xf32, #tpu.memory_space<hbm>>
    tpu.wait_dma2 semaphore(%arg10 : memref<!tpu.dma_semaphore, #tpu.memory_space<semaphore_mem>>) src(%arg6 : memref<4x8x8x128xf32, #tpu.memory_space<vmem>>) dst(%dma_wait3A_1666 : memref<4x8x8x128xf32, #tpu.memory_space<hbm>>)
    %add3A_1667 = arith.constant 124 : i32
    %add3A_1668 = arith.addi %mul3A_2, %add3A_1667 : i32
    %dma_start3A_1669 = arith.constant 0 : i32
    %dma_start3A_1670 = arith.constant 0 : i32
    %dma_start3A_1671 = arith.constant 1 : i32
    %dma_start3A_1672 = arith.constant 0 : i32
    %dma_start3A_1673 = tpu.memref_slice %arg6[%dma_start3A_1669, %dma_start3A_1670, %dma_start3A_1671, %dma_start3A_1672] : memref<4x8x8x128xf32, #tpu.memory_space<vmem>> -> memref<4x4x4x128xf32, #tpu.memory_space<vmem>>
    %dma_start3A_1674 = arith.constant 0 : i32
    %dma_start3A_1675 = arith.constant 0 : i32
    %dma_start3A_1676 = arith.constant 0 : i32
    %dma_start3A_1677 = tpu.memref_slice %arg2[%add3A_1668, %dma_start3A_1674, %dma_start3A_1675, %dma_start3A_1676] : memref<4096x4x4x128xf32, #tpu.memory_space<hbm>> -> memref<4x4x4x128xf32, #tpu.memory_space<hbm>>
    %dma_start3A_1678 = arith.constant 0 : i32
    %dma_start3A_1679 = arith.constant 0 : i32
    %dma_start3A_1680 = arith.constant 1 : i32
    %dma_start3A_1681 = arith.constant 0 : i32
    %dma_start3A_1682 = tpu.memref_slice %arg6[%dma_start3A_1678, %dma_start3A_1679, %dma_start3A_1680, %dma_start3A_1681] : memref<4x8x8x128xf32, #tpu.memory_space<vmem>> -> memref<4x4x4x128xf32, #tpu.memory_space<vmem>>
    %dma_start3A_1683 = arith.constant 0 : i32
    %dma_start3A_1684 = arith.constant 0 : i32
    %dma_start3A_1685 = arith.constant 0 : i32
    %dma_start3A_1686 = tpu.memref_slice %arg2[%add3A_1668, %dma_start3A_1683, %dma_start3A_1684, %dma_start3A_1685] : memref<4096x4x4x128xf32, #tpu.memory_space<hbm>> -> memref<4x4x4x128xf32, #tpu.memory_space<hbm>>
    tpu.enqueue_dma source(%dma_start3A_1686 : memref<4x4x4x128xf32, #tpu.memory_space<hbm>>) target(%dma_start3A_1682 : memref<4x4x4x128xf32, #tpu.memory_space<vmem>>) target_semaphore(%arg8 : memref<!tpu.dma_semaphore, #tpu.memory_space<semaphore_mem>>)
    %dma_wait3A_1687 = arith.constant 0 : i32
    %dma_wait3A_1688 = arith.constant 0 : i32
    %dma_wait3A_1689 = arith.constant 1 : i32
    %dma_wait3A_1690 = arith.constant 0 : i32
    %dma_wait3A_1691 = tpu.memref_slice %arg6[%dma_wait3A_1687, %dma_wait3A_1688, %dma_wait3A_1689, %dma_wait3A_1690] : memref<4x8x8x128xf32, #tpu.memory_space<vmem>> -> memref<4x4x4x128xf32, #tpu.memory_space<vmem>>
    %dma_wait3A_1692 = arith.constant 0 : i32
    %dma_wait3A_1693 = arith.constant 0 : i32
    %dma_wait3A_1694 = arith.constant 0 : i32
    %dma_wait3A_1695 = tpu.memref_slice %arg2[%add3A_1668, %dma_wait3A_1692, %dma_wait3A_1693, %dma_wait3A_1694] : memref<4096x4x4x128xf32, #tpu.memory_space<hbm>> -> memref<4x4x4x128xf32, #tpu.memory_space<hbm>>
    %dma_wait3A_1696 = arith.constant 0 : i32
    %dma_wait3A_1697 = arith.constant 0 : i32
    %dma_wait3A_1698 = arith.constant 1 : i32
    %dma_wait3A_1699 = arith.constant 0 : i32
    %dma_wait3A_1700 = tpu.memref_slice %arg6[%dma_wait3A_1696, %dma_wait3A_1697, %dma_wait3A_1698, %dma_wait3A_1699] : memref<4x8x8x128xf32, #tpu.memory_space<vmem>> -> memref<4x4x4x128xf32, #tpu.memory_space<vmem>>
    %dma_wait3A_1701 = arith.constant 0 : i32
    %dma_wait3A_1702 = arith.constant 0 : i32
    %dma_wait3A_1703 = arith.constant 0 : i32
    %dma_wait3A_1704 = tpu.memref_slice %arg2[%add3A_1668, %dma_wait3A_1701, %dma_wait3A_1702, %dma_wait3A_1703] : memref<4096x4x4x128xf32, #tpu.memory_space<hbm>> -> memref<4x4x4x128xf32, #tpu.memory_space<hbm>>
    tpu.wait_dma2 semaphore(%arg8 : memref<!tpu.dma_semaphore, #tpu.memory_space<semaphore_mem>>) src(%dma_wait3A_1704 : memref<4x4x4x128xf32, #tpu.memory_space<hbm>>) dst(%dma_wait3A_1700 : memref<4x4x4x128xf32, #tpu.memory_space<vmem>>)
    %dma_start3A_1705 = arith.constant 0 : i32
    %dma_start3A_1706 = arith.constant 0 : i32
    %dma_start3A_1707 = arith.constant 0 : i32
    %dma_start3A_1708 = tpu.memref_slice %arg4[%add3A_1668, %dma_start3A_1705, %dma_start3A_1706, %dma_start3A_1707] : memref<4096x8x8x128xf32, #tpu.memory_space<hbm>> -> memref<4x8x8x128xf32, #tpu.memory_space<hbm>>
    %dma_start3A_1709 = arith.constant 0 : i32
    %dma_start3A_1710 = arith.constant 0 : i32
    %dma_start3A_1711 = arith.constant 0 : i32
    %dma_start3A_1712 = tpu.memref_slice %arg4[%add3A_1668, %dma_start3A_1709, %dma_start3A_1710, %dma_start3A_1711] : memref<4096x8x8x128xf32, #tpu.memory_space<hbm>> -> memref<4x8x8x128xf32, #tpu.memory_space<hbm>>
    tpu.enqueue_dma source(%arg6 : memref<4x8x8x128xf32, #tpu.memory_space<vmem>>) target(%dma_start3A_1712 : memref<4x8x8x128xf32, #tpu.memory_space<hbm>>) target_semaphore(%arg10 : memref<!tpu.dma_semaphore, #tpu.memory_space<semaphore_mem>>)
    %dma_wait3A_1713 = arith.constant 0 : i32
    %dma_wait3A_1714 = arith.constant 0 : i32
    %dma_wait3A_1715 = arith.constant 0 : i32
    %dma_wait3A_1716 = tpu.memref_slice %arg4[%add3A_1614, %dma_wait3A_1713, %dma_wait3A_1714, %dma_wait3A_1715] : memref<4096x8x8x128xf32, #tpu.memory_space<hbm>> -> memref<4x8x8x128xf32, #tpu.memory_space<hbm>>
    %dma_wait3A_1717 = arith.constant 0 : i32
    %dma_wait3A_1718 = arith.constant 0 : i32
    %dma_wait3A_1719 = arith.constant 0 : i32
    %dma_wait3A_1720 = tpu.memref_slice %arg4[%add3A_1614, %dma_wait3A_1717, %dma_wait3A_1718, %dma_wait3A_1719] : memref<4096x8x8x128xf32, #tpu.memory_space<hbm>> -> memref<4x8x8x128xf32, #tpu.memory_space<hbm>>
    tpu.wait_dma2 semaphore(%arg9 : memref<!tpu.dma_semaphore, #tpu.memory_space<semaphore_mem>>) src(%arg5 : memref<4x8x8x128xf32, #tpu.memory_space<vmem>>) dst(%dma_wait3A_1720 : memref<4x8x8x128xf32, #tpu.memory_space<hbm>>)
    %dma_wait3A_1721 = arith.constant 0 : i32
    %dma_wait3A_1722 = arith.constant 0 : i32
    %dma_wait3A_1723 = arith.constant 0 : i32
    %dma_wait3A_1724 = tpu.memref_slice %arg4[%add3A_1668, %dma_wait3A_1721, %dma_wait3A_1722, %dma_wait3A_1723] : memref<4096x8x8x128xf32, #tpu.memory_space<hbm>> -> memref<4x8x8x128xf32, #tpu.memory_space<hbm>>
    %dma_wait3A_1725 = arith.constant 0 : i32
    %dma_wait3A_1726 = arith.constant 0 : i32
    %dma_wait3A_1727 = arith.constant 0 : i32
    %dma_wait3A_1728 = tpu.memref_slice %arg4[%add3A_1668, %dma_wait3A_1725, %dma_wait3A_1726, %dma_wait3A_1727] : memref<4096x8x8x128xf32, #tpu.memory_space<hbm>> -> memref<4x8x8x128xf32, #tpu.memory_space<hbm>>
    tpu.wait_dma2 semaphore(%arg10 : memref<!tpu.dma_semaphore, #tpu.memory_space<semaphore_mem>>) src(%arg6 : memref<4x8x8x128xf32, #tpu.memory_space<vmem>>) dst(%dma_wait3A_1728 : memref<4x8x8x128xf32, #tpu.memory_space<hbm>>)
    return
  }
}

</mosaic_0001>

<sc_bundles>
// kernel: _run.3.cloned.1.call-start
scs
__scs_entry_jumppad:
0x0: {  	(pc) =	sbr.rel $0x88, $3  }
0x1: {  	(tag) =	ssettag $0x0;
	lr =	simm.s32 $0x1  }
0x2: {  	[smem:$0x3F9F] =	sst lr;
	_ =	strace $0xD0000000  }
0x3: {  	_ = 	snop  }
0x4: {  	_ = 	snop  }
0x5: {  	_ = 	snop  }
0x6: {  	_ = 	snop  }
0x7: {  	_ = 	snop  }
__scs_overlays_trampoline_lowered:
0x8: {  	[smem:$0x3FAE] =	sst s0  }
0x9: {  	[smem:$0x3FAF] =	sst s1  }
0xa: {  	[smem:$0x3FB0] =	sst s2  }
0xb: {  	[smem:$0x3FB1] =	sst s3  }
0xc: {  	[smem:$0x3FB2] =	sst s4  }
0xd: {  	[smem:$0x3FB3] =	sst s5  }
0xe: {  	[smem:$0x3FB4] =	sst s6  }
0xf: {  	[smem:$0x3FB5] =	sst s7  }
0x10: {  	[smem:$0x3FB6] =	sst s8  }
0x11: {  	[smem:$0x3FB7] =	sst s9;
	s0 =	simm.s32 @!p0 $0x0  }
0x12: {  	s1 =	sld [smem:$0x3F9D];
	s0 =	simm.s32 @p0 $0x1  }
0x13: {  	[smem:$0x3FB8] =	sst s0;
	s0 =	simm.s32 @!p1 $0x0  }
0x14: {  	s2 =	sld [smem:$0x3F9C];
	s0 =	simm.s32 @p1 $0x1  }
0x15: {  	[smem:$0x3FB9] =	sst s0;
	s0 =	simm.s32 @!p2 $0x0  }
0x16: {  	s3 =	sld [smem:$0x3FDB];
	s0 =	simm.s32 @p2 $0x1  }
0x17: {  	s4 =	simm.s32 $0x1BF5;
	[smem:$0x3FBB] =	sst s0  }
0x18: {  	s0 =	sld [smem:$0x3F9E];
	_ =	swait.ge [sflag:s4], $0x0  }
0x19: {  	s7 =	sld [smem:$0x3F9F]  }
0x1a: {  	s8 =	sadd.s32 $0xFFFFE003, lr  }
0x1b: {  	s9 =	sadd.s32 $0xFFFFFEF7, lr;
	s5 =	simm.s32 $0xFFFFFFFF;
	p2 =	slt.u32 s8, $0xFFFFF086  }
0x1c: {  	p1 =	slt.u32 s9, $0xF7A;
	s5 =	simm.s32 @!p2 $0x0  }
0x1d: {  	s5 =	simm.s32 @p1 $0x1;
	p0 =	seq.s32 s7, s2  }
0x1e: {  	s7 =	smul.u32 @!p0 $0xF7A, s2;
	p2 =	seq.s32 @!p0 s5, $0x0  }
0x1f: {  	s9 =	smul.u32 $0xF7A, s1;
	s8 =	simm.s32 @!p0 $0x1BF5;
	p2 =	por !p2, p0  }
0x20: {  	[sflag:s8] =	ssyncset.s32 @!p0 $0xFFFFF086;
	s6 =	sadd.s32 @!p0 s3, s7;
	s7 =	simm.s32 @!p0 $0x108  }
0x21: {  	s3 =	sadd.s32 s3, s9;
	s6 =	sadd.s32 @!p0 $0x88, s6;
	s7 =	simm.s32 @p2 $0x1082  }
0x22: {  	[simem:s7], [sflag:s8] =	dma.local @!p0 [hbm:s6], $0xF7A  }
0x23: {  	s9 =	sor.u32 $0xD0000000, s2;
	s6 =	simm.s32 $0x108;
	_ =	swait.ge @!p0 [sflag:s8], $0x0  }
0x24: {  	s3 =	sadd.s32 $0x88, s3;
	s6 =	simm.s32 @!p1 $0x1082;
	[sflag:s4] =	ssyncset.s32 $0xFFFFF086  }
0x25: {  	[simem:s6], [sflag:s4] =	dma.local [hbm:s3], $0xF7A  }
0x26: {  	[smem:$0x3F9F] =	sst s1;
	(tag) =	ssettag s2;
	_ =	strace s9  }
0x27: {  	s1 =	sld [smem:$0x3FAF]  }
0x28: {  	s2 =	sld [smem:$0x3FB0]  }
0x29: {  	s4 =	sld [smem:$0x3FB2]  }
0x2a: {  	p0 =	seq.s32 s5, $0x0;
	s5 =	sld [smem:$0x3FB3]  }
0x2b: {  	s6 =	sld [smem:$0x3FB4]  }
0x2c: {  	s7 =	sld [smem:$0x3FB5]  }
0x2d: {  	s3 =	simm.s32 $0x108;
	s8 =	sld [smem:$0x3FB6]  }
0x2e: {  	s3 =	simm.s32 @!p0 $0x1082;
	s9 =	sld [smem:$0x3FB7]  }
0x2f: {  	lr =	sadd.s32 s0, s3;
	s0 =	sld [smem:$0x3FAE]  }
0x30: {  	s3 =	sld [smem:$0x3FB1]  }
0x31: {  	[smem:$0x3FBA] =	sst s10  }
0x32: {  	s10 =	sld [smem:$0x3FB8];
	_ =	sdelay $0x3  }
0x33: {  	p0 =	seq.s32 s10, $0x1;
	s10 =	sld [smem:$0x3FBA];
	_ =	sdelay $0x3  }
0x34: {  	[smem:$0x3FBA] =	sst s10  }
0x35: {  	s10 =	sld [smem:$0x3FB9];
	_ =	sdelay $0x3  }
0x36: {  	p1 =	seq.s32 s10, $0x1;
	s10 =	sld [smem:$0x3FBA];
	_ =	sdelay $0x3  }
0x37: {  	[smem:$0x3FBA] =	sst s10  }
0x38: {  	s10 =	sld [smem:$0x3FBB]  }
0x39: {  	_ = 	snop;
	(pc) =	sbr.ind lr, $3  }
0x3a: {  	_ = 	snop  }
0x3b: {  	_ = 	snop  }
0x3c: {  	p2 =	seq.s32 s10, $0x1;
	s10 =	sld [smem:$0x3FBA]  }
0x3d: {  	_ =	shalt  }
0x3e: {  	_ =	shalt  }
0x3f: {  	_ =	shalt  }
0x40: {  	_ =	shalt  }
0x41: {  	_ =	shalt  }
0x42: {  	_ =	shalt  }
0x43: {  	_ =	shalt  }
0x44: {  	_ =	shalt  }
0x45: {  	_ =	shalt  }
0x46: {  	_ =	shalt  }
0x47: {  	_ =	shalt  }
0x48: {  	_ =	shalt  }
0x49: {  	_ =	shalt  }
0x4a: {  	_ =	shalt  }
0x4b: {  	_ =	shalt  }
0x4c: {  	_ =	shalt  }
0x4d: {  	_ =	shalt  }
0x4e: {  	_ =	shalt  }
0x4f: {  	_ =	shalt  }
0x50: {  	_ =	shalt  }
0x51: {  	_ =	shalt  }
0x52: {  	_ =	shalt  }
0x53: {  	_ =	shalt  }
0x54: {  	_ =	shalt  }
0x55: {  	_ =	shalt  }
0x56: {  	_ =	shalt  }
0x57: {  	_ =	shalt  }
0x58: {  	_ =	shalt  }
0x59: {  	_ =	shalt  }
0x5a: {  	_ =	shalt  }
0x5b: {  	_ =	shalt  }
0x5c: {  	_ =	shalt  }
0x5d: {  	_ =	shalt  }
0x5e: {  	_ =	shalt  }
0x5f: {  	_ =	shalt  }
0x60: {  	_ =	shalt  }
0x61: {  	_ =	shalt  }
0x62: {  	_ =	shalt  }
0x63: {  	_ =	shalt  }
0x64: {  	_ =	shalt  }
0x65: {  	_ =	shalt  }
0x66: {  	_ =	shalt  }
0x67: {  	_ =	shalt  }
0x68: {  	_ =	shalt  }
0x69: {  	_ =	shalt  }
0x6a: {  	_ =	shalt  }
0x6b: {  	_ =	shalt  }
0x6c: {  	_ =	shalt  }
0x6d: {  	_ =	shalt  }
0x6e: {  	_ =	shalt  }
0x6f: {  	_ =	shalt  }
0x70: {  	_ =	shalt  }
0x71: {  	_ =	shalt  }
0x72: {  	_ =	shalt  }
0x73: {  	_ =	shalt  }
0x74: {  	_ =	shalt  }
0x75: {  	_ =	shalt  }
0x76: {  	_ =	shalt  }
0x77: {  	_ =	shalt  }
0x78: {  	_ =	shalt  }
0x79: {  	_ =	shalt  }
0x7a: {  	_ =	shalt  }
0x7b: {  	_ =	shalt  }
0x7c: {  	_ =	shalt  }
0x7d: {  	_ =	shalt  }
0x7e: {  	_ =	shalt  }
0x7f: {  	_ =	shalt  }
0x80: {  	_ =	shalt  }
0x81: {  	_ =	shalt  }
0x82: {  	_ =	shalt  }
0x83: {  	_ =	shalt  }
0x84: {  	_ =	shalt  }
0x85: {  	_ =	shalt  }
0x86: {  	_ =	shalt  }
0x87: {  	_ =	shalt  }
.Lfunc_end0:
.L_simem_size_0:
called_computation_lowered:
.L_overlay_start_0:
0x88: {  	s2 =	sld [smem:$0x3FD9]  }
0x89: {  	s3 =	sld [smem:$0x3FFE];
	_ =	sdelay $0x1  }
0x8a: {  	s1 =	srdreg.scid  }
0x8b: {  	s0 =	sand.u32 $0x1, s1  }
0x8c: {  	s18 =	sshll.u32 s0, $0xA;
	s2 =	sadd.s32 s3, s2  }
0x8d: {  	s2 =	sadd.s32 s2, s18  }
0x8e: {  	[smem:$0x3FC6] =	sst s2  }
0x8f: {  	_ = 	snop  }
0x90: {  	s2 =	sld [smem:$0x3FC9]  }
0x91: {  	s19 =	sld [smem:$0x3FC8]  }
0x92: {  	s4 =	sld [smem:$0x3FD0];
	(tm) =	ssettm $0x1  }
0x93: {  	s5 =	sld [smem:$0x3FFB];
	_ =	sdelay $0x3  }
0x94: {  	_ =	strace s5  }
0x95: {  	s5 =	sld [smem:$0x3FFC];
	_ =	sdelay $0x3  }
0x96: {  	_ =	strace s5  }
0x97: {  	s5 =	sld [smem:$0x3FFD];
	_ =	sdelay $0x3  }
0x98: {  	_ =	strace s5  }
0x99: {  	_ =	strace $0x8FFFFFFF  }
0x9a: {  	s20 =	sld [smem:$0x3FDB];
	_ =	sdelay $0x1  }
0x9b: {  	s6 =	simm.s32 $_scs_section_size  }
0x9c: {  	s7 =	simm.s32 $_size__tile_overlayer_lowered;
	s8 =	simm.s32 $_tile_overlayer_lowered  }
0x9d: {  	s23 =	simm.s32 $0x1BFF;
	s22 =	sshll.u32 s8, $0x1;
	s5 =	sadd.s32 s6, s20  }
0x9e: {  	s9 =	simm.s32 $0x0;
	s21 =	sshll.u32 s7, $0x1;
	s7 =	sadd.s32 s22, s5  }
0x9f: {  	[timem:s9], [sflag:s23] =	dma.local [hbm:s7], s21  }
0xa0: {  	_ =	swait.ge [sflag:s23], s21  }
0xa1: {  	s6 =	ssub.s32 $0x0, s21;
	[sflag:s23] =	ssyncset.done $0x0  }
0xa2: {  	[sflag:s23] =	ssyncadd.s32 s6;
	_ =	sdelay $0x1  }
0xa3: {  	s24 =	simm.s32 $0x1B8B  }
0xa4: {  	_ =	swait.ge [sflag:s24], $0x1  }
0xa5: {  	[sflag:s24] =	ssyncset.done $0x0  }
0xa6: {  	s25 =	simm.s32 $0x1B8E;
	[sflag:s24] =	ssyncadd.s32 $0xFFFFFFFF  }
0xa7: {  	s26 =	simm.s32 $execute0_lowered;
	[smem:$0x3FD2] =	sst s25  }
0xa8: {  	s6 =	sshll.u32 s26, $0x1;
	_ =	strace $0x80000046;
	[dreg:$0x1] =	wrdreg $0xFFFFFFFF  }
0xa9: {  	s28 =	simm.s32 $_size_execute0_lowered;
	s5 =	sadd.s32 s5, s6;
	[dreg:$0x0] =	wrdreg $0x0  }
0xaa: {  	s6 =	sshll.u32 s28, $0x1;
	[dreg:$0x2] =	wrdreg s5  }
0xab: {  	[dreg:$0x3] =	wrdreg s6  }
0xac: {  	[dreg:$0x4] =	wrdreg $0xC0  }
0xad: {  	_ =	task [dreg:s9], $0x5FFFF  }
0xae: {  	[dreg:$0x1] =	wrdreg $0xFFFFFFFF  }
0xaf: {  	[dreg:$0x0] =	wrdreg $0x60  }
0xb0: {  	[dreg:$0x2] =	wrdreg s2  }
0xb1: {  	[dreg:$0x3] =	wrdreg s19  }
0xb2: {  	[dreg:$0x4] =	wrdreg s4  }
0xb3: {  	[dreg:$0x5] =	wrdreg $0x9  }
0xb4: {  	_ =	task.clear_ibuf [dreg:s9], $0x6FFFF;
	_ =	strace $0x90000046  }
0xb5: {  	s29 =	simm.s32 $0x9;
	_ =	strace $0x80000048  }
0xb6: {  	_ =	swait.ge [sflag:s29], $0x1  }
0xb7: {  	[sflag:s29] =	ssyncadd.s32 $0xFFFFFFFF  }
0xb8: {  	_ =	strace $0x90000048  }
0xb9: {  	_ =	sfence  }
0xba: {  	s30 =	sld [smem:$0x0];
	_ =	sdelay $0x2  }
0xbb: {  	s31 =	sshll.u32 s1, $0xD;
	s1 =	sshrl.u32 s1, $0x2  }
0xbc: {  	s3 =	sand.u32 $0x4000, s31;
	s1 =	sadd.s32 s1, s30  }
0xbd: {  	s0 =	sor.u32 s3, s0;
	s1 =	sshll.u32 s1, $0x11  }
0xbe: {  	s0 =	sor.u32 s1, s0  }
0xbf: {  	s0 =	sadd.s32 $0x8F2B, s0  }
0xc0: {  	[sflag:s0] =	ssyncadd.remote.s32 $0x1  }
0xc1: {  	_ =	sfence.sel $0xFFFF  }
0xc2: {  	[dreg:$0x0] =	wrdreg $0xFFFFFFFF;
	(pc) =	sbr.abs _section_cstart, $3  }
0xc3: {  	[dreg:$0x1] =	wrdreg $0xFFFFFFFF  }
0xc4: {  	_ =	task.clear_ibuf [dreg:s9], $0x2FFFF;
	_ =	strace $0x9FFFFFFF  }
0xc5: {  	(tm) =	ssettm $0x7FFFFFFF  }
tec
execute0_lowered:
.L_overlay_start_1:
0x0: {  	(tag) =	ssettag $0x1  }
0x1: {  	s5 =	rddreg [dreg:$0x0];
	s0 =	srdreg.scid  }
0x2: {  	s1 =	stileid.u32;
	s6 =	rddreg [dreg:$0x2];
	s2 =	sand.u32 $0x1, s0  }
0x3: {  	s3 =	simm.s32 $0x0;
	s28 =	sshll.u32 s1, $0x8;
	s29 =	sshll.u32 s2, $0x7  }
0x4: {  	[smem:$0x7FF] =	sst s3;
	s4 =	sor.u32 s29, s28  }
0x5: {  	[smem:$0x7D3] =	sst s2;
	s0 =	sshll.u32 s4, $0xA;
	s1 =	sor.u32 $0x4, s4  }
0x6: {  	[smem:$0x7D7] =	sst s1;
	s0 =	sadd.s32 s6, s0  }
0x7: {  	s31 =	sor.u32 $0x8, s4;
	_ =	strace $0x80000047;
	[dreg:$0x4] =	wrdreg s0  }
0x8: {  	s2 =	sor.u32 $0xC, s4;
	s7 =	sor.u32 $0x10, s4;
	[smem:$0x7D8] =	sst s31  }
0x9: {  	s11 =	sor.u32 $0x14, s4;
	s1 =	sshll.u32 s1, $0xA;
	[smem:$0x7DB] =	sst s2  }
0xa: {  	s9 =	sshll.u32 s7, $0xA;
	s12 =	sshll.u32 s11, $0xA;
	[smem:$0x7DD] =	sst s7  }
0xb: {  	s30 =	sadd.s32 s6, s1;
	s1 =	sshll.u32 s31, $0xA;
	[smem:$0x7DE] =	sst s11  }
0xc: {  	s10 =	sadd.s32 s6, s9;
	s11 =	sor.u32 $0x1C, s4;
	[dreg:$0x5] =	wrdreg s30  }
0xd: {  	s0 =	sadd.s32 s6, s1;
	s1 =	sshll.u32 s2, $0xA;
	[dreg:$0x8] =	wrdreg s10  }
0xe: {  	s10 =	sor.u32 $0x18, s4;
	s15 =	sshll.u32 s11, $0xA;
	[dreg:$0x6] =	wrdreg s0  }
0xf: {  	s8 =	sadd.s32 s6, s1;
	s0 =	sadd.s32 s6, s12;
	s13 =	sshll.u32 s10, $0xA  }
0x10: {  	s16 =	sadd.s32 s6, s15;
	s12 =	sor.u32 $0x20, s4;
	[dreg:$0x7] =	wrdreg s8  }
0x11: {  	s15 =	sor.u32 $0x2C, s4;
	[dreg:$0x9] =	wrdreg s0;
	s14 =	sadd.s32 s6, s13  }
0x12: {  	[dreg:$0xb] =	wrdreg s16;
	s17 =	sshll.u32 s12, $0xA;
	s13 =	sor.u32 $0x24, s4  }
0x13: {  	s22 =	sshll.u32 s15, $0xA;
	s16 =	sor.u32 $0x30, s4;
	[dreg:$0xa] =	wrdreg s14  }
0x14: {  	s0 =	sadd.s32 s6, s17;
	s18 =	sshll.u32 s13, $0xA;
	s14 =	sor.u32 $0x28, s4  }
0x15: {  	s23 =	sshll.u32 s16, $0xA;
	s17 =	sor.u32 $0x34, s4;
	[dreg:$0xc] =	wrdreg s0  }
0x16: {  	s19 =	sadd.s32 s6, s18;
	s20 =	sshll.u32 s14, $0xA;
	s0 =	sadd.s32 s6, s22  }
0x17: {  	s24 =	sadd.s32 s6, s23;
	s25 =	sshll.u32 s17, $0xA;
	[dreg:$0xd] =	wrdreg s19  }
0x18: {  	s18 =	sor.u32 $0x38, s4;
	s22 =	sor.u32 $0x48, s4;
	[dreg:$0xf] =	wrdreg s0  }
0x19: {  	s23 =	sor.u32 $0x4C, s4;
	s21 =	sadd.s32 s6, s20;
	[dreg:$0x10] =	wrdreg s24  }
0x1a: {  	s26 =	sadd.s32 s6, s25;
	s28 =	sshll.u32 s18, $0xA;
	s19 =	sor.u32 $0x3C, s4  }
0x1b: {  	s20 =	sor.u32 $0x40, s4;
	s8 =	sshll.u32 s22, $0xA;
	[dreg:$0xe] =	wrdreg s21  }
0x1c: {  	s24 =	sshll.u32 s23, $0xA;
	[dreg:$0x11] =	wrdreg s26;
	s0 =	sadd.s32 s6, s28  }
0x1d: {  	s29 =	sshll.u32 s19, $0xA;
	s31 =	sshll.u32 s20, $0xA;
	s21 =	sor.u32 $0x44, s4  }
0x1e: {  	s9 =	sadd.s32 s6, s8;
	s25 =	sadd.s32 s6, s24;
	[dreg:$0x12] =	wrdreg s0  }
0x1f: {  	s24 =	sor.u32 $0x50, s4;
	s30 =	sadd.s32 s6, s29;
	[dreg:$0x16] =	wrdreg s9  }
0x20: {  	s2 =	sadd.s32 s6, s31;
	s7 =	sshll.u32 s21, $0xA;
	[dreg:$0x17] =	wrdreg s25  }
0x21: {  	s26 =	sshll.u32 s24, $0xA;
	s25 =	sor.u32 $0x54, s4;
	[dreg:$0x13] =	wrdreg s30  }
0x22: {  	[dreg:$0x14] =	wrdreg s2;
	s0 =	sadd.s32 s6, s7;
	s28 =	sshll.u32 s25, $0xA  }
0x23: {  	[dreg:$0x15] =	wrdreg s0;
	s0 =	sadd.s32 s6, s26;
	s26 =	sor.u32 $0x58, s4  }
0x24: {  	s29 =	sadd.s32 s6, s28;
	s28 =	sor.u32 $0x5C, s4;
	[dreg:$0x18] =	wrdreg s0  }
0x25: {  	s30 =	sshll.u32 s26, $0xA;
	[dreg:$0x19] =	wrdreg s29;
	s1 =	sshll.u32 s28, $0xA  }
0x26: {  	s29 =	sor.u32 $0x60, s4;
	s31 =	sadd.s32 s6, s30;
	s0 =	sadd.s32 s6, s1  }
0x27: {  	s2 =	sshll.u32 s29, $0xA;
	s30 =	sor.u32 $0x64, s4;
	[dreg:$0x1a] =	wrdreg s31  }
0x28: {  	[dreg:$0x1b] =	wrdreg s0;
	s7 =	sadd.s32 s6, s2;
	s8 =	sshll.u32 s30, $0xA  }
0x29: {  	s31 =	sor.u32 $0x68, s4;
	s2 =	sor.u32 $0x6C, s4;
	[dreg:$0x1c] =	wrdreg s7  }
0x2a: {  	s9 =	sadd.s32 s6, s8;
	s1 =	sshll.u32 s31, $0xA;
	[smem:$0x7F6] =	sst s2  }
0x2b: {  	s7 =	sshll.u32 s2, $0xA;
	s2 =	sor.u32 $0x74, s4;
	[dreg:$0x1d] =	wrdreg s9  }
0x2c: {  	s0 =	sadd.s32 s6, s1;
	s9 =	sor.u32 $0x70, s4;
	s1 =	sld [smem:$0x7D3]  }
0x2d: {  	s7 =	sadd.s32 s6, s7;
	[dreg:$0x1e] =	wrdreg s0;
	s8 =	sshll.u32 s9, $0xA  }
0x2e: {  	[dreg:$0x1f] =	wrdreg s7;
	s7 =	sadd.s32 s6, s8;
	s8 =	sshll.u32 s2, $0xA  }
0x2f: {  	[smem:$0x7D2] =	sst s7;
	s0 =	ssub.s32 $0x2, s1;
	s8 =	sadd.s32 s6, s8  }
0x30: {  	s7 =	sor.u32 $0x78, s4;
	[smem:$0x7D4] =	sst s8;
	s8 =	sshrl.u32 s0, $0x1  }
0x31: {  	s1 =	sshll.u32 s7, $0xA;
	s0 =	ssub.s32 s0, s8  }
0x32: {  	s1 =	sadd.s32 s6, s1;
	[smem:$0x7FD] =	sst s0  }
0x33: {  	[smem:$0x7D5] =	sst s1  }
0x34: {  	s8 =	sshll.u32 s4, $0x8;
	s1 =	sld [smem:$0x7D7]  }
0x35: {  	s0 =	sadd.s32 s5, s8;
	s8 =	sld [smem:$0x7D8];
	_ =	sdelay $0x2  }
0x36: {  	[smem:$0x7D6] =	sst s0;
	s0 =	sshll.u32 s1, $0x8;
	s1 =	sshll.u32 s8, $0x8  }
0x37: {  	s8 =	sld [smem:$0x7DB];
	s1 =	sadd.s32 s5, s1  }
0x38: {  	[smem:$0x7DA] =	sst s1  }
0x39: {  	s0 =	sadd.s32 s5, s0;
	s1 =	sld [smem:$0x7DD]  }
0x3a: {  	[smem:$0x7D9] =	sst s0;
	s0 =	sshll.u32 s8, $0x8  }
0x3b: {  	s8 =	sld [smem:$0x7DE];
	s0 =	sadd.s32 s5, s0  }
0x3c: {  	[smem:$0x7DC] =	sst s0;
	s0 =	sshll.u32 s1, $0x8  }
0x3d: {  	s0 =	sadd.s32 s5, s0  }
0x3e: {  	s10 =	sshll.u32 s10, $0x8;
	s1 =	sshll.u32 s8, $0x8;
	[smem:$0x7DF] =	sst s0  }
0x3f: {  	s8 =	sadd.s32 s5, s1;
	s0 =	sadd.s32 s5, s10;
	s1 =	sshll.u32 s11, $0x8  }
0x40: {  	s11 =	sshll.u32 s13, $0x8;
	s13 =	sshll.u32 s15, $0x8;
	s15 =	sshll.u32 s16, $0x8  }
0x41: {  	s16 =	sshll.u32 s17, $0x8;
	s17 =	sshll.u32 s18, $0x8;
	[smem:$0x7E0] =	sst s8  }
0x42: {  	[smem:$0x7E1] =	sst s0;
	s8 =	sshll.u32 s12, $0x8;
	s0 =	sadd.s32 s5, s1  }
0x43: {  	s12 =	sshll.u32 s14, $0x8;
	s14 =	sadd.s32 s5, s13;
	[smem:$0x7E2] =	sst s0  }
0x44: {  	s18 =	sadd.s32 s5, s17;
	[smem:$0x7E6] =	sst s14  }
0x45: {  	s4 =	sor.u32 $0x7C, s4;
	s10 =	sadd.s32 s5, s8;
	[smem:$0x7E9] =	sst s18  }
0x46: {  	s8 =	sshll.u32 s21, $0x8;
	s21 =	sshll.u32 s31, $0x8;
	s31 =	sld [smem:$0x7FD]  }
0x47: {  	s13 =	sshll.u32 s24, $0x8;
	s0 =	sadd.s32 s5, s11;
	[smem:$0x7E3] =	sst s10  }
0x48: {  	s17 =	sshll.u32 s28, $0x8;
	s14 =	sadd.s32 s5, s13;
	[smem:$0x7E4] =	sst s0  }
0x49: {  	s28 =	sshll.u32 s4, $0xA;
	s18 =	sadd.s32 s5, s17;
	[smem:$0x7EF] =	sst s14  }
0x4a: {  	s6 =	sadd.s32 s6, s28;
	[smem:$0x7F2] =	sst s18  }
0x4b: {  	s0 =	sadd.s32 s5, s12;
	s12 =	sshll.u32 s23, $0x8;
	s23 =	sld [smem:$0x7F6]  }
0x4c: {  	[smem:$0x7FC] =	sst s6  }
0x4d: {  	s19 =	sshll.u32 s19, $0x8;
	s10 =	sadd.s32 s5, s8;
	[smem:$0x7E5] =	sst s0  }
0x4e: {  	s11 =	sshll.u32 s22, $0x8;
	s22 =	sadd.s32 s5, s21;
	[smem:$0x7EC] =	sst s10  }
0x4f: {  	s2 =	sshll.u32 s2, $0x8;
	s0 =	sadd.s32 s5, s15;
	[smem:$0x7F5] =	sst s22  }
0x50: {  	s15 =	sshll.u32 s25, $0x8;
	s25 =	sadd.s32 s5, s2;
	[smem:$0x7E7] =	sst s0  }
0x51: {  	s7 =	sshll.u32 s7, $0x8;
	s0 =	sadd.s32 s5, s16;
	[smem:$0x7F9] =	sst s25  }
0x52: {  	s1 =	sshll.u32 s20, $0x8;
	[smem:$0x7E8] =	sst s0;
	s0 =	sadd.s32 s5, s19  }
0x53: {  	s19 =	sshll.u32 s29, $0x8;
	s29 =	sadd.s32 s5, s7;
	[smem:$0x7EA] =	sst s0  }
0x54: {  	s0 =	sadd.s32 s5, s1;
	[smem:$0x7FA] =	sst s29  }
0x55: {  	[smem:$0x7EB] =	sst s0;
	s0 =	sadd.s32 s5, s11  }
0x56: {  	s20 =	sshll.u32 s30, $0x8;
	[smem:$0x7ED] =	sst s0;
	s0 =	sadd.s32 s5, s12  }
0x57: {  	s16 =	sshll.u32 s26, $0x8;
	[smem:$0x7EE] =	sst s0;
	s0 =	sadd.s32 s5, s15  }
0x58: {  	s24 =	sshll.u32 s9, $0x8;
	[smem:$0x7F0] =	sst s0;
	s0 =	sadd.s32 s5, s16  }
0x59: {  	s9 =	simm.s32 $0x2;
	[smem:$0x7F1] =	sst s0;
	s0 =	sadd.s32 s5, s19  }
0x5a: {  	s26 =	sshll.u32 s4, $0x8;
	[smem:$0x7F3] =	sst s0;
	s0 =	sadd.s32 s5, s20  }
0x5b: {  	s30 =	sadd.s32 s5, s26;
	[smem:$0x7F4] =	sst s0;
	s0 =	sshll.u32 s23, $0x8  }
0x5c: {  	s6 =	simm.s32 $0x3;
	[smem:$0x7FB] =	sst s30;
	s0 =	sadd.s32 s5, s0  }
0x5d: {  	s8 =	simm.s32 $0x1;
	[smem:$0x7F7] =	sst s0;
	s0 =	sadd.s32 s5, s24  }
0x5e: {  	s10 =	smax.u32 s31, $0x1;
	s7 =	simm.s32 $0x4;
	[smem:$0x7F8] =	sst s0  }
.LBB2_1:
0x5f: {  	s5 =	rddreg [dreg:$0x1]  }
0x60: {  	[tilespmem:s3], [sflag:$0x3] =	stream.linear.gather [hbm4b:s5+s3], $0x8000, $0x38;
	[tilespmem:$0x10000] =	vst v63  }
0x61: {  	[smem:$0x7D1] =	sst s10;
	s11 =	simm.s32 $0x8000  }
0x62: {  	[tilespmem:s11], [sflag:$0x4] =	stream.linear.gather [hbm4b:s5+s3], $0x8000, $0x38;
	[tilespmem:$0x10000] =	vst v63  }
0x63: {  	_ =	swait.ge [sflag:s6], $0x8000  }
0x64: {  	[sflag:s6] =	ssyncset.done $0x0  }
0x65: {  	[sflag:s6] =	ssyncadd.s32 $0xFFFF8000  }
0x66: {  	_ =	swait.ge [sflag:s7], $0x8000  }
0x67: {  	s11 =	sld [smem:$0x7D6]  }
0x68: {  	[sflag:s7] =	ssyncset.done $0x0  }
0x69: {  	s12 =	simm.s32 $0x80;
	[sflag:s7] =	ssyncadd.s32 $0xFFFF8000  }
0x6a: {  	[tilespmem:s12], [sflag:$0x1] =	stream.linear.gather [hbm4b:s11+s3], $0x200, $0x38;
	[tilespmem:$0x10000] =	vst v63  }
0x6b: {  	s13 =	sadd.s32 $0x40, s11;
	s12 =	simm.s32 $0x480  }
0x6c: {  	[tilespmem:s12], [sflag:$0x1] =	stream.linear.gather [hbm4b:s13+s3], $0x200, $0x38;
	[tilespmem:$0x10000] =	vst v63  }
0x6d: {  	s15 =	simm.s32 $0x880;
	s14 =	sadd.s32 $0x80, s11  }
0x6e: {  	[tilespmem:s15], [sflag:$0x1] =	stream.linear.gather [hbm4b:s14+s3], $0x200, $0x38;
	[tilespmem:$0x10000] =	vst v63  }
0x6f: {  	s17 =	simm.s32 $0xC80;
	s16 =	sadd.s32 $0xC0, s11  }
0x70: {  	[tilespmem:s17], [sflag:$0x1] =	stream.linear.gather [hbm4b:s16+s3], $0x200, $0x38;
	[tilespmem:$0x10000] =	vst v63  }
0x71: {  	s19 =	simm.s32 $0x2080;
	s18 =	sadd.s32 $0x100, s11  }
0x72: {  	[tilespmem:s19], [sflag:$0x1] =	stream.linear.gather [hbm4b:s18+s3], $0x200, $0x38;
	[tilespmem:$0x10000] =	vst v63  }
0x73: {  	s21 =	simm.s32 $0x2480;
	s20 =	sadd.s32 $0x140, s11  }
0x74: {  	[tilespmem:s21], [sflag:$0x1] =	stream.linear.gather [hbm4b:s20+s3], $0x200, $0x38;
	[tilespmem:$0x10000] =	vst v63  }
0x75: {  	s24 =	simm.s32 $0x2880;
	s22 =	sadd.s32 $0x180, s11  }
0x76: {  	[tilespmem:s24], [sflag:$0x1] =	stream.linear.gather [hbm4b:s22+s3], $0x200, $0x38;
	[tilespmem:$0x10000] =	vst v63  }
0x77: {  	s26 =	simm.s32 $0x2C80;
	s25 =	sadd.s32 $0x1C0, s11  }
0x78: {  	[tilespmem:s26], [sflag:$0x1] =	stream.linear.gather [hbm4b:s25+s3], $0x200, $0x38;
	[tilespmem:$0x10000] =	vst v63  }
0x79: {  	s29 =	simm.s32 $0x4080;
	s28 =	sadd.s32 $0x200, s11  }
0x7a: {  	[tilespmem:s29], [sflag:$0x1] =	stream.linear.gather [hbm4b:s28+s3], $0x200, $0x38;
	[tilespmem:$0x10000] =	vst v63  }
0x7b: {  	s31 =	simm.s32 $0x4480;
	s30 =	sadd.s32 $0x240, s11  }
0x7c: {  	[tilespmem:s31], [sflag:$0x1] =	stream.linear.gather [hbm4b:s30+s3], $0x200, $0x38;
	[tilespmem:$0x10000] =	vst v63  }
0x7d: {  	s2 =	simm.s32 $0x4880;
	s1 =	sadd.s32 $0x280, s11  }
0x7e: {  	[tilespmem:s2], [sflag:$0x1] =	stream.linear.gather [hbm4b:s1+s3], $0x200, $0x38;
	[tilespmem:$0x10000] =	vst v63  }
0x7f: {  	s5 =	simm.s32 $0x4C80;
	s4 =	sadd.s32 $0x2C0, s11  }
0x80: {  	[tilespmem:s5], [sflag:$0x1] =	stream.linear.gather [hbm4b:s4+s3], $0x200, $0x38;
	[tilespmem:$0x10000] =	vst v63  }
0x81: {  	s12 =	sadd.s32 $0x300, s11;
	s24 =	simm.s32 $0x6080  }
0x82: {  	[tilespmem:s24], [sflag:$0x1] =	stream.linear.gather [hbm4b:s12+s3], $0x200, $0x38;
	[tilespmem:$0x10000] =	vst v63  }
0x83: {  	s25 =	sadd.s32 $0x340, s11;
	s26 =	simm.s32 $0x6480  }
0x84: {  	[tilespmem:s26], [sflag:$0x1] =	stream.linear.gather [hbm4b:s25+s3], $0x200, $0x38;
	[tilespmem:$0x10000] =	vst v63  }
0x85: {  	s28 =	sadd.s32 $0x380, s11;
	s29 =	simm.s32 $0x6880  }
0x86: {  	[tilespmem:s29], [sflag:$0x1] =	stream.linear.gather [hbm4b:s28+s3], $0x200, $0x38;
	[tilespmem:$0x10000] =	vst v63  }
0x87: {  	s30 =	sadd.s32 $0x3C0, s11;
	s31 =	simm.s32 $0x6C80  }
0x88: {  	[tilespmem:s31], [sflag:$0x1] =	stream.linear.gather [hbm4b:s30+s3], $0x200, $0x38;
	[tilespmem:$0x10000] =	vst v63  }
0x89: {  	_ =	swait.ge [sflag:s8], $0x2000  }
0x8a: {  	s1 =	rddreg [dreg:$0x4];
	[sflag:s8] =	ssyncset.done $0x0  }
0x8b: {  	s11 =	sld [smem:$0x7D9];
	[sflag:s8] =	ssyncadd.s32 $0xFFFFE000  }
0x8c: {  	[hbm4b:s1+s3] =	stream.linear.scatter [tilespmem:s3], [sflag:$0x3], $0x8000, $0x38;
	[tilespmem:$0x10000] =	vst v63  }
0x8d: {  	s2 =	simm.s32 $0x8080  }
0x8e: {  	[tilespmem:s2], [sflag:$0x2] =	stream.linear.gather [hbm4b:s11+s3], $0x200, $0x38;
	[tilespmem:$0x10000] =	vst v63  }
0x8f: {  	s5 =	simm.s32 $0x8480;
	s4 =	sadd.s32 $0x40, s11  }
0x90: {  	[tilespmem:s5], [sflag:$0x2] =	stream.linear.gather [hbm4b:s4+s3], $0x200, $0x38;
	[tilespmem:$0x10000] =	vst v63  }
0x91: {  	s26 =	simm.s32 $0x8880;
	s24 =	sadd.s32 $0x80, s11  }
0x92: {  	[tilespmem:s26], [sflag:$0x2] =	stream.linear.gather [hbm4b:s24+s3], $0x200, $0x38;
	[tilespmem:$0x10000] =	vst v63  }
0x93: {  	s29 =	simm.s32 $0x8C80;
	s28 =	sadd.s32 $0xC0, s11  }
0x94: {  	[tilespmem:s29], [sflag:$0x2] =	stream.linear.gather [hbm4b:s28+s3], $0x200, $0x38;
	[tilespmem:$0x10000] =	vst v63  }
0x95: {  	s31 =	simm.s32 $0xA080;
	s30 =	sadd.s32 $0x100, s11  }
0x96: {  	[tilespmem:s31], [sflag:$0x2] =	stream.linear.gather [hbm4b:s30+s3], $0x200, $0x38;
	[tilespmem:$0x10000] =	vst v63  }
0x97: {  	s1 =	sadd.s32 $0x140, s11;
	s2 =	simm.s32 $0xA480  }
0x98: {  	[tilespmem:s2], [sflag:$0x2] =	stream.linear.gather [hbm4b:s1+s3], $0x200, $0x38;
	[tilespmem:$0x10000] =	vst v63  }
0x99: {  	s4 =	sadd.s32 $0x180, s11;
	s5 =	simm.s32 $0xA880  }
0x9a: {  	[tilespmem:s5], [sflag:$0x2] =	stream.linear.gather [hbm4b:s4+s3], $0x200, $0x38;
	[tilespmem:$0x10000] =	vst v63  }
0x9b: {  	s24 =	sadd.s32 $0x1C0, s11;
	s26 =	simm.s32 $0xAC80  }
0x9c: {  	[tilespmem:s26], [sflag:$0x2] =	stream.linear.gather [hbm4b:s24+s3], $0x200, $0x38;
	[tilespmem:$0x10000] =	vst v63  }
0x9d: {  	s28 =	sadd.s32 $0x200, s11;
	s29 =	simm.s32 $0xC080  }
0x9e: {  	[tilespmem:s29], [sflag:$0x2] =	stream.linear.gather [hbm4b:s28+s3], $0x200, $0x38;
	[tilespmem:$0x10000] =	vst v63  }
0x9f: {  	s30 =	sadd.s32 $0x240, s11;
	s31 =	simm.s32 $0xC480  }
0xa0: {  	[tilespmem:s31], [sflag:$0x2] =	stream.linear.gather [hbm4b:s30+s3], $0x200, $0x38;
	[tilespmem:$0x10000] =	vst v63  }
0xa1: {  	s1 =	sadd.s32 $0x280, s11;
	s2 =	simm.s32 $0xC880  }
0xa2: {  	[tilespmem:s2], [sflag:$0x2] =	stream.linear.gather [hbm4b:s1+s3], $0x200, $0x38;
	[tilespmem:$0x10000] =	vst v63  }
0xa3: {  	s4 =	sadd.s32 $0x2C0, s11;
	s5 =	simm.s32 $0xCC80  }
0xa4: {  	[tilespmem:s5], [sflag:$0x2] =	stream.linear.gather [hbm4b:s4+s3], $0x200, $0x38;
	[tilespmem:$0x10000] =	vst v63  }
0xa5: {  	s24 =	sadd.s32 $0x300, s11;
	s26 =	simm.s32 $0xE080  }
0xa6: {  	[tilespmem:s26], [sflag:$0x2] =	stream.linear.gather [hbm4b:s24+s3], $0x200, $0x38;
	[tilespmem:$0x10000] =	vst v63  }
0xa7: {  	s28 =	sadd.s32 $0x340, s11;
	s29 =	simm.s32 $0xE480  }
0xa8: {  	[tilespmem:s29], [sflag:$0x2] =	stream.linear.gather [hbm4b:s28+s3], $0x200, $0x38;
	[tilespmem:$0x10000] =	vst v63  }
0xa9: {  	s30 =	sadd.s32 $0x380, s11;
	s31 =	simm.s32 $0xE880  }
0xaa: {  	[tilespmem:s31], [sflag:$0x2] =	stream.linear.gather [hbm4b:s30+s3], $0x200, $0x38;
	[tilespmem:$0x10000] =	vst v63  }
0xab: {  	s1 =	sadd.s32 $0x3C0, s11;
	s2 =	simm.s32 $0xEC80  }
0xac: {  	[tilespmem:s2], [sflag:$0x2] =	stream.linear.gather [hbm4b:s1+s3], $0x200, $0x38;
	[tilespmem:$0x10000] =	vst v63  }
0xad: {  	_ =	swait.ge [sflag:s9], $0x2000  }
0xae: {  	[sflag:s9] =	ssyncset.done $0x0  }
0xaf: {  	s0 =	simm.s32 $0x8000;
	s4 =	rddreg [dreg:$0x5];
	[sflag:s9] =	ssyncadd.s32 $0xFFFFE000  }
0xb0: {  	[hbm4b:s4+s3] =	stream.linear.scatter [tilespmem:s0], [sflag:$0x4], $0x8000, $0x38;
	[tilespmem:$0x10000] =	vst v63  }
0xb1: {  	_ =	swait.ge [sflag:s6], $0x8000  }
0xb2: {  	s11 =	sld [smem:$0x7DA]  }
0xb3: {  	[sflag:s6] =	ssyncset.done $0x0  }
0xb4: {  	s23 =	simm.s32 $0x80;
	[sflag:s6] =	ssyncadd.s32 $0xFFFF8000  }
0xb5: {  	[tilespmem:s23], [sflag:$0x1] =	stream.linear.gather [hbm4b:s11+s3], $0x200, $0x38;
	[tilespmem:$0x10000] =	vst v63  }
0xb6: {  	s13 =	simm.s32 $0x480;
	s5 =	sadd.s32 $0x40, s11  }
0xb7: {  	[tilespmem:s13], [sflag:$0x1] =	stream.linear.gather [hbm4b:s5+s3], $0x200, $0x38;
	[tilespmem:$0x10000] =	vst v63  }
0xb8: {  	s14 =	simm.s32 $0x880;
	s13 =	sadd.s32 $0x80, s11  }
0xb9: {  	[tilespmem:s14], [sflag:$0x1] =	stream.linear.gather [hbm4b:s13+s3], $0x200, $0x38;
	[tilespmem:$0x10000] =	vst v63  }
0xba: {  	s15 =	simm.s32 $0xC80;
	s14 =	sadd.s32 $0xC0, s11  }
0xbb: {  	[tilespmem:s15], [sflag:$0x1] =	stream.linear.gather [hbm4b:s14+s3], $0x200, $0x38;
	[tilespmem:$0x10000] =	vst v63  }
0xbc: {  	s16 =	simm.s32 $0x2080;
	s15 =	sadd.s32 $0x100, s11  }
0xbd: {  	[tilespmem:s16], [sflag:$0x1] =	stream.linear.gather [hbm4b:s15+s3], $0x200, $0x38;
	[tilespmem:$0x10000] =	vst v63  }
0xbe: {  	s17 =	simm.s32 $0x2480;
	s16 =	sadd.s32 $0x140, s11  }
0xbf: {  	[tilespmem:s17], [sflag:$0x1] =	stream.linear.gather [hbm4b:s16+s3], $0x200, $0x38;
	[tilespmem:$0x10000] =	vst v63  }
0xc0: {  	s18 =	simm.s32 $0x2880;
	s23 =	sadd.s32 $0x180, s11  }
0xc1: {  	[tilespmem:s18], [sflag:$0x1] =	stream.linear.gather [hbm4b:s23+s3], $0x200, $0x38;
	[tilespmem:$0x10000] =	vst v63  }
0xc2: {  	s19 =	simm.s32 $0x2C80;
	s24 =	sadd.s32 $0x1C0, s11  }
0xc3: {  	[tilespmem:s19], [sflag:$0x1] =	stream.linear.gather [hbm4b:s24+s3], $0x200, $0x38;
	[tilespmem:$0x10000] =	vst v63  }
0xc4: {  	s20 =	simm.s32 $0x4080;
	s26 =	sadd.s32 $0x200, s11  }
0xc5: {  	[tilespmem:s20], [sflag:$0x1] =	stream.linear.gather [hbm4b:s26+s3], $0x200, $0x38;
	[tilespmem:$0x10000] =	vst v63  }
0xc6: {  	s21 =	simm.s32 $0x4480;
	s29 =	sadd.s32 $0x240, s11  }
0xc7: {  	[tilespmem:s21], [sflag:$0x1] =	stream.linear.gather [hbm4b:s29+s3], $0x200, $0x38;
	[tilespmem:$0x10000] =	vst v63  }
0xc8: {  	s22 =	simm.s32 $0x4880;
	s30 =	sadd.s32 $0x280, s11  }
0xc9: {  	[tilespmem:s22], [sflag:$0x1] =	stream.linear.gather [hbm4b:s30+s3], $0x200, $0x38;
	[tilespmem:$0x10000] =	vst v63  }
0xca: {  	s31 =	sadd.s32 $0x2C0, s11;
	s23 =	simm.s32 $0x4C80  }
0xcb: {  	[tilespmem:s23], [sflag:$0x1] =	stream.linear.gather [hbm4b:s31+s3], $0x200, $0x38;
	[tilespmem:$0x10000] =	vst v63  }
0xcc: {  	s0 =	sadd.s32 $0x300, s11;
	s24 =	simm.s32 $0x6080  }
0xcd: {  	[tilespmem:s24], [sflag:$0x1] =	stream.linear.gather [hbm4b:s0+s3], $0x200, $0x38;
	[tilespmem:$0x10000] =	vst v63  }
0xce: {  	s25 =	simm.s32 $0x6480;
	s1 =	sadd.s32 $0x340, s11  }
0xcf: {  	[tilespmem:s25], [sflag:$0x1] =	stream.linear.gather [hbm4b:s1+s3], $0x200, $0x38;
	[tilespmem:$0x10000] =	vst v63  }
0xd0: {  	s5 =	sadd.s32 $0x380, s11;
	s30 =	simm.s32 $0x6880  }
0xd1: {  	[tilespmem:s30], [sflag:$0x1] =	stream.linear.gather [hbm4b:s5+s3], $0x200, $0x38;
	[tilespmem:$0x10000] =	vst v63  }
0xd2: {  	s11 =	sadd.s32 $0x3C0, s11;
	s25 =	simm.s32 $0x6C80  }
0xd3: {  	[tilespmem:s25], [sflag:$0x1] =	stream.linear.gather [hbm4b:s11+s3], $0x200, $0x38;
	[tilespmem:$0x10000] =	vst v63  }
0xd4: {  	_ =	swait.ge [sflag:s8], $0x2000  }
0xd5: {  	[sflag:s8] =	ssyncset.done $0x0  }
0xd6: {  	s13 =	rddreg [dreg:$0x6];
	[sflag:s8] =	ssyncadd.s32 $0xFFFFE000  }
0xd7: {  	[hbm4b:s13+s3] =	stream.linear.scatter [tilespmem:s3], [sflag:$0x3], $0x8000, $0x38;
	[tilespmem:$0x10000] =	vst v63  }
0xd8: {  	_ =	swait.ge [sflag:s7], $0x8000  }
0xd9: {  	s11 =	sld [smem:$0x7DC]  }
0xda: {  	[sflag:s7] =	ssyncset.done $0x0  }
0xdb: {  	s22 =	simm.s32 $0x8080;
	[sflag:s7] =	ssyncadd.s32 $0xFFFF8000  }
0xdc: {  	[tilespmem:s22], [sflag:$0x2] =	stream.linear.gather [hbm4b:s11+s3], $0x200, $0x38;
	[tilespmem:$0x10000] =	vst v63  }
0xdd: {  	s13 =	simm.s32 $0x8480;
	s14 =	sadd.s32 $0x40, s11  }
0xde: {  	[tilespmem:s13], [sflag:$0x2] =	stream.linear.gather [hbm4b:s14+s3], $0x200, $0x38;
	[tilespmem:$0x10000] =	vst v63  }
0xdf: {  	s0 =	simm.s32 $0x8880;
	s15 =	sadd.s32 $0x80, s11  }
0xe0: {  	[tilespmem:s0], [sflag:$0x2] =	stream.linear.gather [hbm4b:s15+s3], $0x200, $0x38;
	[tilespmem:$0x10000] =	vst v63  }
0xe1: {  	s16 =	sadd.s32 $0xC0, s11;
	s14 =	simm.s32 $0x8C80  }
0xe2: {  	[tilespmem:s14], [sflag:$0x2] =	stream.linear.gather [hbm4b:s16+s3], $0x200, $0x38;
	[tilespmem:$0x10000] =	vst v63  }
0xe3: {  	s17 =	sadd.s32 $0x100, s11;
	s15 =	simm.s32 $0xA080  }
0xe4: {  	[tilespmem:s15], [sflag:$0x2] =	stream.linear.gather [hbm4b:s17+s3], $0x200, $0x38;
	[tilespmem:$0x10000] =	vst v63  }
0xe5: {  	s5 =	simm.s32 $0xA480;
	s18 =	sadd.s32 $0x140, s11  }
0xe6: {  	[tilespmem:s5], [sflag:$0x2] =	stream.linear.gather [hbm4b:s18+s3], $0x200, $0x38;
	[tilespmem:$0x10000] =	vst v63  }
0xe7: {  	s19 =	sadd.s32 $0x180, s11;
	s16 =	simm.s32 $0xA880  }
0xe8: {  	[tilespmem:s16], [sflag:$0x2] =	stream.linear.gather [hbm4b:s19+s3], $0x200, $0x38;
	[tilespmem:$0x10000] =	vst v63  }
0xe9: {  	s20 =	sadd.s32 $0x1C0, s11;
	s17 =	simm.s32 $0xAC80  }
0xea: {  	[tilespmem:s17], [sflag:$0x2] =	stream.linear.gather [hbm4b:s20+s3], $0x200, $0x38;
	[tilespmem:$0x10000] =	vst v63  }
0xeb: {  	s31 =	simm.s32 $0xC080;
	s21 =	sadd.s32 $0x200, s11  }
0xec: {  	[tilespmem:s31], [sflag:$0x2] =	stream.linear.gather [hbm4b:s21+s3], $0x200, $0x38;
	[tilespmem:$0x10000] =	vst v63  }
0xed: {  	s26 =	sadd.s32 $0x240, s11;
	s18 =	simm.s32 $0xC480  }
0xee: {  	[tilespmem:s18], [sflag:$0x2] =	stream.linear.gather [hbm4b:s26+s3], $0x200, $0x38;
	[tilespmem:$0x10000] =	vst v63  }
0xef: {  	s1 =	sadd.s32 $0x280, s11;
	s19 =	simm.s32 $0xC880  }
0xf0: {  	[tilespmem:s19], [sflag:$0x2] =	stream.linear.gather [hbm4b:s1+s3], $0x200, $0x38;
	[tilespmem:$0x10000] =	vst v63  }
0xf1: {  	s20 =	sadd.s32 $0x2C0, s11;
	s26 =	simm.s32 $0xCC80  }
0xf2: {  	[tilespmem:s26], [sflag:$0x2] =	stream.linear.gather [hbm4b:s20+s3], $0x200, $0x38;
	[tilespmem:$0x10000] =	vst v63  }
0xf3: {  	s21 =	sadd.s32 $0x300, s11;
	s20 =	simm.s32 $0xE080  }
0xf4: {  	[tilespmem:s20], [sflag:$0x2] =	stream.linear.gather [hbm4b:s21+s3], $0x200, $0x38;
	[tilespmem:$0x10000] =	vst v63  }
0xf5: {  	s1 =	sadd.s32 $0x340, s11;
	s21 =	simm.s32 $0xE480  }
0xf6: {  	[tilespmem:s21], [sflag:$0x2] =	stream.linear.gather [hbm4b:s1+s3], $0x200, $0x38;
	[tilespmem:$0x10000] =	vst v63  }
0xf7: {  	s10 =	sadd.s32 $0x380, s11;
	s1 =	simm.s32 $0xE880  }
0xf8: {  	[tilespmem:s1], [sflag:$0x2] =	stream.linear.gather [hbm4b:s10+s3], $0x200, $0x38;
	[tilespmem:$0x10000] =	vst v63  }
0xf9: {  	s12 =	simm.s32 $0xEC80;
	s11 =	sadd.s32 $0x3C0, s11  }
0xfa: {  	[tilespmem:s12], [sflag:$0x2] =	stream.linear.gather [hbm4b:s11+s3], $0x200, $0x38;
	[tilespmem:$0x10000] =	vst v63  }
0xfb: {  	_ =	swait.ge [sflag:s9], $0x2000  }
0xfc: {  	[sflag:s9] =	ssyncset.done $0x0  }
0xfd: {  	s1 =	simm.s32 $0x8000;
	s12 =	rddreg [dreg:$0x7];
	[sflag:s9] =	ssyncadd.s32 $0xFFFFE000  }
0xfe: {  	[hbm4b:s12+s3] =	stream.linear.scatter [tilespmem:s1], [sflag:$0x4], $0x8000, $0x38;
	[tilespmem:$0x10000] =	vst v63  }
0xff: {  	_ =	swait.ge [sflag:s6], $0x8000  }
0x100: {  	s11 =	sld [smem:$0x7DF]  }
0x101: {  	[sflag:s6] =	ssyncset.done $0x0  }
0x102: {  	s12 =	simm.s32 $0x80;
	[sflag:s6] =	ssyncadd.s32 $0xFFFF8000  }
0x103: {  	[tilespmem:s12], [sflag:$0x1] =	stream.linear.gather [hbm4b:s11+s3], $0x200, $0x38;
	[tilespmem:$0x10000] =	vst v63  }
0x104: {  	s1 =	sadd.s32 $0x40, s11;
	s12 =	simm.s32 $0x480  }
0x105: {  	[tilespmem:s12], [sflag:$0x1] =	stream.linear.gather [hbm4b:s1+s3], $0x200, $0x38;
	[tilespmem:$0x10000] =	vst v63  }
0x106: {  	s1 =	sadd.s32 $0x80, s11;
	s12 =	simm.s32 $0x880  }
0x107: {  	[tilespmem:s12], [sflag:$0x1] =	stream.linear.gather [hbm4b:s1+s3], $0x200, $0x38;
	[tilespmem:$0x10000] =	vst v63  }
0x108: {  	s10 =	sadd.s32 $0xC0, s11;
	s12 =	simm.s32 $0xC80  }
0x109: {  	[tilespmem:s12], [sflag:$0x1] =	stream.linear.gather [hbm4b:s10+s3], $0x200, $0x38;
	[tilespmem:$0x10000] =	vst v63  }
0x10a: {  	s10 =	sadd.s32 $0x100, s11;
	s12 =	simm.s32 $0x2080  }
0x10b: {  	[tilespmem:s12], [sflag:$0x1] =	stream.linear.gather [hbm4b:s10+s3], $0x200, $0x38;
	[tilespmem:$0x10000] =	vst v63  }
0x10c: {  	s28 =	simm.s32 $0x2480;
	s12 =	sadd.s32 $0x140, s11  }
0x10d: {  	[tilespmem:s28], [sflag:$0x1] =	stream.linear.gather [hbm4b:s12+s3], $0x200, $0x38;
	[tilespmem:$0x10000] =	vst v63  }
0x10e: {  	s12 =	sadd.s32 $0x180, s11;
	s28 =	simm.s32 $0x2880  }
0x10f: {  	[tilespmem:s28], [sflag:$0x1] =	stream.linear.gather [hbm4b:s12+s3], $0x200, $0x38;
	[tilespmem:$0x10000] =	vst v63  }
0x110: {  	s12 =	sadd.s32 $0x1C0, s11;
	s28 =	simm.s32 $0x2C80  }
0x111: {  	[tilespmem:s28], [sflag:$0x1] =	stream.linear.gather [hbm4b:s12+s3], $0x200, $0x38;
	[tilespmem:$0x10000] =	vst v63  }
0x112: {  	s2 =	simm.s32 $0x4080;
	s28 =	sadd.s32 $0x200, s11  }
0x113: {  	[tilespmem:s2], [sflag:$0x1] =	stream.linear.gather [hbm4b:s28+s3], $0x200, $0x38;
	[tilespmem:$0x10000] =	vst v63  }
0x114: {  	s12 =	sadd.s32 $0x240, s11;
	s28 =	simm.s32 $0x4480  }
0x115: {  	[tilespmem:s28], [sflag:$0x1] =	stream.linear.gather [hbm4b:s12+s3], $0x200, $0x38;
	[tilespmem:$0x10000] =	vst v63  }
0x116: {  	s4 =	simm.s32 $0x4880;
	s12 =	sadd.s32 $0x280, s11  }
0x117: {  	[tilespmem:s4], [sflag:$0x1] =	stream.linear.gather [hbm4b:s12+s3], $0x200, $0x38;
	[tilespmem:$0x10000] =	vst v63  }
0x118: {  	s28 =	sadd.s32 $0x2C0, s11  }
0x119: {  	[tilespmem:s23], [sflag:$0x1] =	stream.linear.gather [hbm4b:s28+s3], $0x200, $0x38;
	[tilespmem:$0x10000] =	vst v63  }
0x11a: {  	s12 =	sadd.s32 $0x300, s11  }
0x11b: {  	[tilespmem:s24], [sflag:$0x1] =	stream.linear.gather [hbm4b:s12+s3], $0x200, $0x38;
	[tilespmem:$0x10000] =	vst v63  }
0x11c: {  	s29 =	simm.s32 $0x6480;
	s28 =	sadd.s32 $0x340, s11  }
0x11d: {  	[tilespmem:s29], [sflag:$0x1] =	stream.linear.gather [hbm4b:s28+s3], $0x200, $0x38;
	[tilespmem:$0x10000] =	vst v63  }
0x11e: {  	s12 =	sadd.s32 $0x380, s11  }
0x11f: {  	[tilespmem:s30], [sflag:$0x1] =	stream.linear.gather [hbm4b:s12+s3], $0x200, $0x38;
	[tilespmem:$0x10000] =	vst v63  }
0x120: {  	s28 =	sadd.s32 $0x3C0, s11  }
0x121: {  	[tilespmem:s25], [sflag:$0x1] =	stream.linear.gather [hbm4b:s28+s3], $0x200, $0x38;
	[tilespmem:$0x10000] =	vst v63  }
0x122: {  	_ =	swait.ge [sflag:s8], $0x2000  }
0x123: {  	[sflag:s8] =	ssyncset.done $0x0  }
0x124: {  	s11 =	rddreg [dreg:$0x8];
	[sflag:s8] =	ssyncadd.s32 $0xFFFFE000  }
0x125: {  	[hbm4b:s11+s3] =	stream.linear.scatter [tilespmem:s3], [sflag:$0x3], $0x8000, $0x38;
	[tilespmem:$0x10000] =	vst v63  }
0x126: {  	_ =	swait.ge [sflag:s7], $0x8000  }
0x127: {  	s11 =	sld [smem:$0x7E0]  }
0x128: {  	[sflag:s7] =	ssyncset.done $0x0  }
0x129: {  	[sflag:s7] =	ssyncadd.s32 $0xFFFF8000  }
0x12a: {  	[tilespmem:s22], [sflag:$0x2] =	stream.linear.gather [hbm4b:s11+s3], $0x200, $0x38;
	[tilespmem:$0x10000] =	vst v63  }
0x12b: {  	s12 =	sadd.s32 $0x40, s11  }
0x12c: {  	[tilespmem:s13], [sflag:$0x2] =	stream.linear.gather [hbm4b:s12+s3], $0x200, $0x38;
	[tilespmem:$0x10000] =	vst v63  }
0x12d: {  	s28 =	sadd.s32 $0x80, s11  }
0x12e: {  	[tilespmem:s0], [sflag:$0x2] =	stream.linear.gather [hbm4b:s28+s3], $0x200, $0x38;
	[tilespmem:$0x10000] =	vst v63  }
0x12f: {  	s0 =	sadd.s32 $0xC0, s11  }
0x130: {  	[tilespmem:s14], [sflag:$0x2] =	stream.linear.gather [hbm4b:s0+s3], $0x200, $0x38;
	[tilespmem:$0x10000] =	vst v63  }
0x131: {  	s12 =	sadd.s32 $0x100, s11  }
0x132: {  	[tilespmem:s15], [sflag:$0x2] =	stream.linear.gather [hbm4b:s12+s3], $0x200, $0x38;
	[tilespmem:$0x10000] =	vst v63  }
0x133: {  	s0 =	sadd.s32 $0x140, s11  }
0x134: {  	[tilespmem:s5], [sflag:$0x2] =	stream.linear.gather [hbm4b:s0+s3], $0x200, $0x38;
	[tilespmem:$0x10000] =	vst v63  }
0x135: {  	s5 =	sadd.s32 $0x180, s11  }
0x136: {  	[tilespmem:s16], [sflag:$0x2] =	stream.linear.gather [hbm4b:s5+s3], $0x200, $0x38;
	[tilespmem:$0x10000] =	vst v63  }
0x137: {  	s0 =	sadd.s32 $0x1C0, s11  }
0x138: {  	[tilespmem:s17], [sflag:$0x2] =	stream.linear.gather [hbm4b:s0+s3], $0x200, $0x38;
	[tilespmem:$0x10000] =	vst v63  }
0x139: {  	s5 =	sadd.s32 $0x200, s11  }
0x13a: {  	[tilespmem:s31], [sflag:$0x2] =	stream.linear.gather [hbm4b:s5+s3], $0x200, $0x38;
	[tilespmem:$0x10000] =	vst v63  }
0x13b: {  	s0 =	sadd.s32 $0x240, s11  }
0x13c: {  	[tilespmem:s18], [sflag:$0x2] =	stream.linear.gather [hbm4b:s0+s3], $0x200, $0x38;
	[tilespmem:$0x10000] =	vst v63  }
0x13d: {  	s31 =	sadd.s32 $0x280, s11  }
0x13e: {  	[tilespmem:s19], [sflag:$0x2] =	stream.linear.gather [hbm4b:s31+s3], $0x200, $0x38;
	[tilespmem:$0x10000] =	vst v63  }
0x13f: {  	s0 =	sadd.s32 $0x2C0, s11  }
0x140: {  	[tilespmem:s26], [sflag:$0x2] =	stream.linear.gather [hbm4b:s0+s3], $0x200, $0x38;
	[tilespmem:$0x10000] =	vst v63  }
0x141: {  	s26 =	sadd.s32 $0x300, s11  }
0x142: {  	[tilespmem:s20], [sflag:$0x2] =	stream.linear.gather [hbm4b:s26+s3], $0x200, $0x38;
	[tilespmem:$0x10000] =	vst v63  }
0x143: {  	s31 =	sadd.s32 $0x340, s11  }
0x144: {  	[tilespmem:s21], [sflag:$0x2] =	stream.linear.gather [hbm4b:s31+s3], $0x200, $0x38;
	[tilespmem:$0x10000] =	vst v63  }
0x145: {  	s26 =	sadd.s32 $0x380, s11;
	s31 =	simm.s32 $0xE880  }
0x146: {  	[tilespmem:s31], [sflag:$0x2] =	stream.linear.gather [hbm4b:s26+s3], $0x200, $0x38;
	[tilespmem:$0x10000] =	vst v63  }
0x147: {  	s26 =	sadd.s32 $0x3C0, s11;
	s31 =	simm.s32 $0xEC80  }
0x148: {  	[tilespmem:s31], [sflag:$0x2] =	stream.linear.gather [hbm4b:s26+s3], $0x200, $0x38;
	[tilespmem:$0x10000] =	vst v63  }
0x149: {  	_ =	swait.ge [sflag:s9], $0x2000  }
0x14a: {  	[sflag:s9] =	ssyncset.done $0x0  }
0x14b: {  	s26 =	simm.s32 $0x8000;
	s11 =	rddreg [dreg:$0x9];
	[sflag:s9] =	ssyncadd.s32 $0xFFFFE000  }
0x14c: {  	[hbm4b:s11+s3] =	stream.linear.scatter [tilespmem:s26], [sflag:$0x4], $0x8000, $0x38;
	[tilespmem:$0x10000] =	vst v63  }
0x14d: {  	_ =	swait.ge [sflag:s6], $0x8000  }
0x14e: {  	s11 =	sld [smem:$0x7E1]  }
0x14f: {  	[sflag:s6] =	ssyncset.done $0x0  }
0x150: {  	s31 =	simm.s32 $0x80;
	[sflag:s6] =	ssyncadd.s32 $0xFFFF8000  }
0x151: {  	[tilespmem:s31], [sflag:$0x1] =	stream.linear.gather [hbm4b:s11+s3], $0x200, $0x38;
	[tilespmem:$0x10000] =	vst v63  }
0x152: {  	s26 =	sadd.s32 $0x40, s11;
	s31 =	simm.s32 $0x480  }
0x153: {  	[tilespmem:s31], [sflag:$0x1] =	stream.linear.gather [hbm4b:s26+s3], $0x200, $0x38;
	[tilespmem:$0x10000] =	vst v63  }
0x154: {  	s1 =	simm.s32 $0x880;
	s31 =	sadd.s32 $0x80, s11  }
0x155: {  	[tilespmem:s1], [sflag:$0x1] =	stream.linear.gather [hbm4b:s31+s3], $0x200, $0x38;
	[tilespmem:$0x10000] =	vst v63  }
0x156: {  	s1 =	sadd.s32 $0xC0, s11;
	s31 =	simm.s32 $0xC80  }
0x157: {  	[tilespmem:s31], [sflag:$0x1] =	stream.linear.gather [hbm4b:s1+s3], $0x200, $0x38;
	[tilespmem:$0x10000] =	vst v63  }
0x158: {  	s1 =	sadd.s32 $0x100, s11;
	s31 =	simm.s32 $0x2080  }
0x159: {  	[tilespmem:s31], [sflag:$0x1] =	stream.linear.gather [hbm4b:s1+s3], $0x200, $0x38;
	[tilespmem:$0x10000] =	vst v63  }
0x15a: {  	s1 =	sadd.s32 $0x140, s11;
	s31 =	simm.s32 $0x2480  }
0x15b: {  	[tilespmem:s31], [sflag:$0x1] =	stream.linear.gather [hbm4b:s1+s3], $0x200, $0x38;
	[tilespmem:$0x10000] =	vst v63  }
0x15c: {  	s10 =	sadd.s32 $0x180, s11;
	s1 =	simm.s32 $0x2880  }
0x15d: {  	[tilespmem:s1], [sflag:$0x1] =	stream.linear.gather [hbm4b:s10+s3], $0x200, $0x38;
	[tilespmem:$0x10000] =	vst v63  }
0x15e: {  	s10 =	sadd.s32 $0x1C0, s11;
	s1 =	simm.s32 $0x2C80  }
0x15f: {  	[tilespmem:s1], [sflag:$0x1] =	stream.linear.gather [hbm4b:s10+s3], $0x200, $0x38;
	[tilespmem:$0x10000] =	vst v63  }
0x160: {  	s2 =	simm.s32 $0x4080;
	s1 =	sadd.s32 $0x200, s11  }
0x161: {  	[tilespmem:s2], [sflag:$0x1] =	stream.linear.gather [hbm4b:s1+s3], $0x200, $0x38;
	[tilespmem:$0x10000] =	vst v63  }
0x162: {  	s10 =	sadd.s32 $0x240, s11;
	s1 =	simm.s32 $0x4480  }
0x163: {  	[tilespmem:s1], [sflag:$0x1] =	stream.linear.gather [hbm4b:s10+s3], $0x200, $0x38;
	[tilespmem:$0x10000] =	vst v63  }
0x164: {  	s4 =	simm.s32 $0x4880;
	s1 =	sadd.s32 $0x280, s11  }
0x165: {  	[tilespmem:s4], [sflag:$0x1] =	stream.linear.gather [hbm4b:s1+s3], $0x200, $0x38;
	[tilespmem:$0x10000] =	vst v63  }
0x166: {  	s23 =	simm.s32 $0x4C80;
	s1 =	sadd.s32 $0x2C0, s11  }
0x167: {  	[tilespmem:s23], [sflag:$0x1] =	stream.linear.gather [hbm4b:s1+s3], $0x200, $0x38;
	[tilespmem:$0x10000] =	vst v63  }
0x168: {  	s24 =	simm.s32 $0x6080;
	s23 =	sadd.s32 $0x300, s11  }
0x169: {  	[tilespmem:s24], [sflag:$0x1] =	stream.linear.gather [hbm4b:s23+s3], $0x200, $0x38;
	[tilespmem:$0x10000] =	vst v63  }
0x16a: {  	s29 =	simm.s32 $0x6480;
	s23 =	sadd.s32 $0x340, s11  }
0x16b: {  	[tilespmem:s29], [sflag:$0x1] =	stream.linear.gather [hbm4b:s23+s3], $0x200, $0x38;
	[tilespmem:$0x10000] =	vst v63  }
0x16c: {  	s30 =	simm.s32 $0x6880;
	s23 =	sadd.s32 $0x380, s11  }
0x16d: {  	[tilespmem:s30], [sflag:$0x1] =	stream.linear.gather [hbm4b:s23+s3], $0x200, $0x38;
	[tilespmem:$0x10000] =	vst v63  }
0x16e: {  	s25 =	simm.s32 $0x6C80;
	s30 =	sadd.s32 $0x3C0, s11  }
0x16f: {  	[tilespmem:s25], [sflag:$0x1] =	stream.linear.gather [hbm4b:s30+s3], $0x200, $0x38;
	[tilespmem:$0x10000] =	vst v63  }
0x170: {  	_ =	swait.ge [sflag:s8], $0x2000  }
0x171: {  	[sflag:s8] =	ssyncset.done $0x0  }
0x172: {  	s11 =	rddreg [dreg:$0xa];
	[sflag:s8] =	ssyncadd.s32 $0xFFFFE000  }
0x173: {  	[hbm4b:s11+s3] =	stream.linear.scatter [tilespmem:s3], [sflag:$0x3], $0x8000, $0x38;
	[tilespmem:$0x10000] =	vst v63  }
0x174: {  	_ =	swait.ge [sflag:s7], $0x8000  }
0x175: {  	s11 =	sld [smem:$0x7E2]  }
0x176: {  	[sflag:s7] =	ssyncset.done $0x0  }
0x177: {  	s22 =	simm.s32 $0x8080;
	[sflag:s7] =	ssyncadd.s32 $0xFFFF8000  }
0x178: {  	[tilespmem:s22], [sflag:$0x2] =	stream.linear.gather [hbm4b:s11+s3], $0x200, $0x38;
	[tilespmem:$0x10000] =	vst v63  }
0x179: {  	s13 =	simm.s32 $0x8480;
	s22 =	sadd.s32 $0x40, s11  }
0x17a: {  	[tilespmem:s13], [sflag:$0x2] =	stream.linear.gather [hbm4b:s22+s3], $0x200, $0x38;
	[tilespmem:$0x10000] =	vst v63  }
0x17b: {  	s28 =	simm.s32 $0x8880;
	s30 =	sadd.s32 $0x80, s11  }
0x17c: {  	[tilespmem:s28], [sflag:$0x2] =	stream.linear.gather [hbm4b:s30+s3], $0x200, $0x38;
	[tilespmem:$0x10000] =	vst v63  }
0x17d: {  	s14 =	simm.s32 $0x8C80;
	s13 =	sadd.s32 $0xC0, s11  }
0x17e: {  	[tilespmem:s14], [sflag:$0x2] =	stream.linear.gather [hbm4b:s13+s3], $0x200, $0x38;
	[tilespmem:$0x10000] =	vst v63  }
0x17f: {  	s15 =	simm.s32 $0xA080;
	s28 =	sadd.s32 $0x100, s11  }
0x180: {  	[tilespmem:s15], [sflag:$0x2] =	stream.linear.gather [hbm4b:s28+s3], $0x200, $0x38;
	[tilespmem:$0x10000] =	vst v63  }
0x181: {  	s12 =	simm.s32 $0xA480;
	s13 =	sadd.s32 $0x140, s11  }
0x182: {  	[tilespmem:s12], [sflag:$0x2] =	stream.linear.gather [hbm4b:s13+s3], $0x200, $0x38;
	[tilespmem:$0x10000] =	vst v63  }
0x183: {  	s16 =	simm.s32 $0xA880;
	s28 =	sadd.s32 $0x180, s11  }
0x184: {  	[tilespmem:s16], [sflag:$0x2] =	stream.linear.gather [hbm4b:s28+s3], $0x200, $0x38;
	[tilespmem:$0x10000] =	vst v63  }
0x185: {  	s17 =	simm.s32 $0xAC80;
	s12 =	sadd.s32 $0x1C0, s11  }
0x186: {  	[tilespmem:s17], [sflag:$0x2] =	stream.linear.gather [hbm4b:s12+s3], $0x200, $0x38;
	[tilespmem:$0x10000] =	vst v63  }
0x187: {  	s5 =	simm.s32 $0xC080;
	s13 =	sadd.s32 $0x200, s11  }
0x188: {  	[tilespmem:s5], [sflag:$0x2] =	stream.linear.gather [hbm4b:s13+s3], $0x200, $0x38;
	[tilespmem:$0x10000] =	vst v63  }
0x189: {  	s18 =	simm.s32 $0xC480;
	s28 =	sadd.s32 $0x240, s11  }
0x18a: {  	[tilespmem:s18], [sflag:$0x2] =	stream.linear.gather [hbm4b:s28+s3], $0x200, $0x38;
	[tilespmem:$0x10000] =	vst v63  }
0x18b: {  	s19 =	simm.s32 $0xC880;
	s12 =	sadd.s32 $0x280, s11  }
0x18c: {  	[tilespmem:s19], [sflag:$0x2] =	stream.linear.gather [hbm4b:s12+s3], $0x200, $0x38;
	[tilespmem:$0x10000] =	vst v63  }
0x18d: {  	s0 =	simm.s32 $0xCC80;
	s13 =	sadd.s32 $0x2C0, s11  }
0x18e: {  	[tilespmem:s0], [sflag:$0x2] =	stream.linear.gather [hbm4b:s13+s3], $0x200, $0x38;
	[tilespmem:$0x10000] =	vst v63  }
0x18f: {  	s20 =	simm.s32 $0xE080;
	s28 =	sadd.s32 $0x300, s11  }
0x190: {  	[tilespmem:s20], [sflag:$0x2] =	stream.linear.gather [hbm4b:s28+s3], $0x200, $0x38;
	[tilespmem:$0x10000] =	vst v63  }
0x191: {  	s21 =	simm.s32 $0xE480;
	s12 =	sadd.s32 $0x340, s11  }
0x192: {  	[tilespmem:s21], [sflag:$0x2] =	stream.linear.gather [hbm4b:s12+s3], $0x200, $0x38;
	[tilespmem:$0x10000] =	vst v63  }
0x193: {  	s13 =	sadd.s32 $0x380, s11;
	s28 =	simm.s32 $0xE880  }
0x194: {  	[tilespmem:s28], [sflag:$0x2] =	stream.linear.gather [hbm4b:s13+s3], $0x200, $0x38;
	[tilespmem:$0x10000] =	vst v63  }
0x195: {  	s11 =	sadd.s32 $0x3C0, s11;
	s12 =	simm.s32 $0xEC80  }
0x196: {  	[tilespmem:s12], [sflag:$0x2] =	stream.linear.gather [hbm4b:s11+s3], $0x200, $0x38;
	[tilespmem:$0x10000] =	vst v63  }
0x197: {  	_ =	swait.ge [sflag:s9], $0x2000  }
0x198: {  	[sflag:s9] =	ssyncset.done $0x0  }
0x199: {  	s11 =	simm.s32 $0x8000;
	s13 =	rddreg [dreg:$0xb];
	[sflag:s9] =	ssyncadd.s32 $0xFFFFE000  }
0x19a: {  	[hbm4b:s13+s3] =	stream.linear.scatter [tilespmem:s11], [sflag:$0x4], $0x8000, $0x38;
	[tilespmem:$0x10000] =	vst v63  }
0x19b: {  	_ =	swait.ge [sflag:s6], $0x8000  }
0x19c: {  	s12 =	sld [smem:$0x7E3]  }
0x19d: {  	[sflag:s6] =	ssyncset.done $0x0  }
0x19e: {  	s28 =	simm.s32 $0x80;
	[sflag:s6] =	ssyncadd.s32 $0xFFFF8000  }
0x19f: {  	[tilespmem:s28], [sflag:$0x1] =	stream.linear.gather [hbm4b:s12+s3], $0x200, $0x38;
	[tilespmem:$0x10000] =	vst v63  }
0x1a0: {  	s13 =	sadd.s32 $0x40, s12;
	s28 =	simm.s32 $0x480  }
0x1a1: {  	[tilespmem:s28], [sflag:$0x1] =	stream.linear.gather [hbm4b:s13+s3], $0x200, $0x38;
	[tilespmem:$0x10000] =	vst v63  }
0x1a2: {  	s26 =	simm.s32 $0x880;
	s13 =	sadd.s32 $0x80, s12  }
0x1a3: {  	[tilespmem:s26], [sflag:$0x1] =	stream.linear.gather [hbm4b:s13+s3], $0x200, $0x38;
	[tilespmem:$0x10000] =	vst v63  }
0x1a4: {  	s28 =	simm.s32 $0xC80;
	s26 =	sadd.s32 $0xC0, s12  }
0x1a5: {  	[tilespmem:s28], [sflag:$0x1] =	stream.linear.gather [hbm4b:s26+s3], $0x200, $0x38;
	[tilespmem:$0x10000] =	vst v63  }
0x1a6: {  	s26 =	sadd.s32 $0x100, s12;
	s28 =	simm.s32 $0x2080  }
0x1a7: {  	[tilespmem:s28], [sflag:$0x1] =	stream.linear.gather [hbm4b:s26+s3], $0x200, $0x38;
	[tilespmem:$0x10000] =	vst v63  }
0x1a8: {  	s31 =	simm.s32 $0x2480;
	s26 =	sadd.s32 $0x140, s12  }
0x1a9: {  	[tilespmem:s31], [sflag:$0x1] =	stream.linear.gather [hbm4b:s26+s3], $0x200, $0x38;
	[tilespmem:$0x10000] =	vst v63  }
0x1aa: {  	s28 =	sadd.s32 $0x180, s12;
	s31 =	simm.s32 $0x2880  }
0x1ab: {  	[tilespmem:s31], [sflag:$0x1] =	stream.linear.gather [hbm4b:s28+s3], $0x200, $0x38;
	[tilespmem:$0x10000] =	vst v63  }
0x1ac: {  	s26 =	sadd.s32 $0x1C0, s12;
	s28 =	simm.s32 $0x2C80  }
0x1ad: {  	[tilespmem:s28], [sflag:$0x1] =	stream.linear.gather [hbm4b:s26+s3], $0x200, $0x38;
	[tilespmem:$0x10000] =	vst v63  }
0x1ae: {  	s2 =	simm.s32 $0x4080;
	s31 =	sadd.s32 $0x200, s12  }
0x1af: {  	[tilespmem:s2], [sflag:$0x1] =	stream.linear.gather [hbm4b:s31+s3], $0x200, $0x38;
	[tilespmem:$0x10000] =	vst v63  }
0x1b0: {  	s13 =	sadd.s32 $0x240, s12;
	s26 =	simm.s32 $0x4480  }
0x1b1: {  	[tilespmem:s26], [sflag:$0x1] =	stream.linear.gather [hbm4b:s13+s3], $0x200, $0x38;
	[tilespmem:$0x10000] =	vst v63  }
0x1b2: {  	s4 =	simm.s32 $0x4880;
	s28 =	sadd.s32 $0x280, s12  }
0x1b3: {  	[tilespmem:s4], [sflag:$0x1] =	stream.linear.gather [hbm4b:s28+s3], $0x200, $0x38;
	[tilespmem:$0x10000] =	vst v63  }
0x1b4: {  	s1 =	simm.s32 $0x4C80;
	s31 =	sadd.s32 $0x2C0, s12  }
0x1b5: {  	[tilespmem:s1], [sflag:$0x1] =	stream.linear.gather [hbm4b:s31+s3], $0x200, $0x38;
	[tilespmem:$0x10000] =	vst v63  }
0x1b6: {  	s24 =	simm.s32 $0x6080;
	s2 =	sadd.s32 $0x300, s12  }
0x1b7: {  	[tilespmem:s24], [sflag:$0x1] =	stream.linear.gather [hbm4b:s2+s3], $0x200, $0x38;
	[tilespmem:$0x10000] =	vst v63  }
0x1b8: {  	s29 =	simm.s32 $0x6480;
	s4 =	sadd.s32 $0x340, s12  }
0x1b9: {  	[tilespmem:s29], [sflag:$0x1] =	stream.linear.gather [hbm4b:s4+s3], $0x200, $0x38;
	[tilespmem:$0x10000] =	vst v63  }
0x1ba: {  	s13 =	sadd.s32 $0x380, s12;
	s24 =	simm.s32 $0x6880  }
0x1bb: {  	[tilespmem:s24], [sflag:$0x1] =	stream.linear.gather [hbm4b:s13+s3], $0x200, $0x38;
	[tilespmem:$0x10000] =	vst v63  }
0x1bc: {  	s25 =	simm.s32 $0x6C80;
	s28 =	sadd.s32 $0x3C0, s12  }
0x1bd: {  	[tilespmem:s25], [sflag:$0x1] =	stream.linear.gather [hbm4b:s28+s3], $0x200, $0x38;
	[tilespmem:$0x10000] =	vst v63  }
0x1be: {  	_ =	swait.ge [sflag:s8], $0x2000  }
0x1bf: {  	[sflag:s8] =	ssyncset.done $0x0  }
0x1c0: {  	s29 =	rddreg [dreg:$0xc];
	[sflag:s8] =	ssyncadd.s32 $0xFFFFE000  }
0x1c1: {  	[hbm4b:s29+s3] =	stream.linear.scatter [tilespmem:s3], [sflag:$0x3], $0x8000, $0x38;
	[tilespmem:$0x10000] =	vst v63  }
0x1c2: {  	_ =	swait.ge [sflag:s7], $0x8000  }
0x1c3: {  	s13 =	sld [smem:$0x7E4]  }
0x1c4: {  	[sflag:s7] =	ssyncset.done $0x0  }
0x1c5: {  	s23 =	simm.s32 $0x8080;
	[sflag:s7] =	ssyncadd.s32 $0xFFFF8000  }
0x1c6: {  	[tilespmem:s23], [sflag:$0x2] =	stream.linear.gather [hbm4b:s13+s3], $0x200, $0x38;
	[tilespmem:$0x10000] =	vst v63  }
0x1c7: {  	s22 =	simm.s32 $0x8480;
	s31 =	sadd.s32 $0x40, s13  }
0x1c8: {  	[tilespmem:s22], [sflag:$0x2] =	stream.linear.gather [hbm4b:s31+s3], $0x200, $0x38;
	[tilespmem:$0x10000] =	vst v63  }
0x1c9: {  	s30 =	simm.s32 $0x8880;
	s1 =	sadd.s32 $0x80, s13  }
0x1ca: {  	[tilespmem:s30], [sflag:$0x2] =	stream.linear.gather [hbm4b:s1+s3], $0x200, $0x38;
	[tilespmem:$0x10000] =	vst v63  }
0x1cb: {  	s14 =	simm.s32 $0x8C80;
	s2 =	sadd.s32 $0xC0, s13  }
0x1cc: {  	[tilespmem:s14], [sflag:$0x2] =	stream.linear.gather [hbm4b:s2+s3], $0x200, $0x38;
	[tilespmem:$0x10000] =	vst v63  }
0x1cd: {  	s15 =	simm.s32 $0xA080;
	s4 =	sadd.s32 $0x100, s13  }
0x1ce: {  	[tilespmem:s15], [sflag:$0x2] =	stream.linear.gather [hbm4b:s4+s3], $0x200, $0x38;
	[tilespmem:$0x10000] =	vst v63  }
0x1cf: {  	s12 =	sadd.s32 $0x140, s13;
	s14 =	simm.s32 $0xA480  }
0x1d0: {  	[tilespmem:s14], [sflag:$0x2] =	stream.linear.gather [hbm4b:s12+s3], $0x200, $0x38;
	[tilespmem:$0x10000] =	vst v63  }
0x1d1: {  	s16 =	simm.s32 $0xA880;
	s15 =	sadd.s32 $0x180, s13  }
0x1d2: {  	[tilespmem:s16], [sflag:$0x2] =	stream.linear.gather [hbm4b:s15+s3], $0x200, $0x38;
	[tilespmem:$0x10000] =	vst v63  }
0x1d3: {  	s17 =	simm.s32 $0xAC80;
	s16 =	sadd.s32 $0x1C0, s13  }
0x1d4: {  	[tilespmem:s17], [sflag:$0x2] =	stream.linear.gather [hbm4b:s16+s3], $0x200, $0x38;
	[tilespmem:$0x10000] =	vst v63  }
0x1d5: {  	s5 =	simm.s32 $0xC080;
	s17 =	sadd.s32 $0x200, s13  }
0x1d6: {  	[tilespmem:s5], [sflag:$0x2] =	stream.linear.gather [hbm4b:s17+s3], $0x200, $0x38;
	[tilespmem:$0x10000] =	vst v63  }
0x1d7: {  	s18 =	simm.s32 $0xC480;
	s25 =	sadd.s32 $0x240, s13  }
0x1d8: {  	[tilespmem:s18], [sflag:$0x2] =	stream.linear.gather [hbm4b:s25+s3], $0x200, $0x38;
	[tilespmem:$0x10000] =	vst v63  }
0x1d9: {  	s19 =	simm.s32 $0xC880;
	s29 =	sadd.s32 $0x280, s13  }
0x1da: {  	[tilespmem:s19], [sflag:$0x2] =	stream.linear.gather [hbm4b:s29+s3], $0x200, $0x38;
	[tilespmem:$0x10000] =	vst v63  }
0x1db: {  	s0 =	simm.s32 $0xCC80;
	s30 =	sadd.s32 $0x2C0, s13  }
0x1dc: {  	[tilespmem:s0], [sflag:$0x2] =	stream.linear.gather [hbm4b:s30+s3], $0x200, $0x38;
	[tilespmem:$0x10000] =	vst v63  }
0x1dd: {  	s20 =	simm.s32 $0xE080;
	s1 =	sadd.s32 $0x300, s13  }
0x1de: {  	[tilespmem:s20], [sflag:$0x2] =	stream.linear.gather [hbm4b:s1+s3], $0x200, $0x38;
	[tilespmem:$0x10000] =	vst v63  }
0x1df: {  	s21 =	simm.s32 $0xE480;
	s2 =	sadd.s32 $0x340, s13  }
0x1e0: {  	[tilespmem:s21], [sflag:$0x2] =	stream.linear.gather [hbm4b:s2+s3], $0x200, $0x38;
	[tilespmem:$0x10000] =	vst v63  }
0x1e1: {  	s4 =	sadd.s32 $0x380, s13;
	s12 =	simm.s32 $0xE880  }
0x1e2: {  	[tilespmem:s12], [sflag:$0x2] =	stream.linear.gather [hbm4b:s4+s3], $0x200, $0x38;
	[tilespmem:$0x10000] =	vst v63  }
0x1e3: {  	s5 =	sadd.s32 $0x3C0, s13;
	s13 =	simm.s32 $0xEC80  }
0x1e4: {  	[tilespmem:s13], [sflag:$0x2] =	stream.linear.gather [hbm4b:s5+s3], $0x200, $0x38;
	[tilespmem:$0x10000] =	vst v63  }
0x1e5: {  	_ =	swait.ge [sflag:s9], $0x2000  }
0x1e6: {  	[sflag:s9] =	ssyncset.done $0x0  }
0x1e7: {  	s14 =	rddreg [dreg:$0xd];
	[sflag:s9] =	ssyncadd.s32 $0xFFFFE000  }
0x1e8: {  	[hbm4b:s14+s3] =	stream.linear.scatter [tilespmem:s11], [sflag:$0x4], $0x8000, $0x38;
	[tilespmem:$0x10000] =	vst v63  }
0x1e9: {  	_ =	swait.ge [sflag:s6], $0x8000  }
0x1ea: {  	s13 =	sld [smem:$0x7E5]  }
0x1eb: {  	[sflag:s6] =	ssyncset.done $0x0  }
0x1ec: {  	s5 =	simm.s32 $0x80;
	[sflag:s6] =	ssyncadd.s32 $0xFFFF8000  }
0x1ed: {  	[tilespmem:s5], [sflag:$0x1] =	stream.linear.gather [hbm4b:s13+s3], $0x200, $0x38;
	[tilespmem:$0x10000] =	vst v63  }
0x1ee: {  	s29 =	simm.s32 $0x480;
	s15 =	sadd.s32 $0x40, s13  }
0x1ef: {  	[tilespmem:s29], [sflag:$0x1] =	stream.linear.gather [hbm4b:s15+s3], $0x200, $0x38;
	[tilespmem:$0x10000] =	vst v63  }
0x1f0: {  	s17 =	simm.s32 $0x880;
	s16 =	sadd.s32 $0x80, s13  }
0x1f1: {  	[tilespmem:s17], [sflag:$0x1] =	stream.linear.gather [hbm4b:s16+s3], $0x200, $0x38;
	[tilespmem:$0x10000] =	vst v63  }
0x1f2: {  	s30 =	simm.s32 $0xC80;
	s19 =	sadd.s32 $0xC0, s13  }
0x1f3: {  	[tilespmem:s30], [sflag:$0x1] =	stream.linear.gather [hbm4b:s19+s3], $0x200, $0x38;
	[tilespmem:$0x10000] =	vst v63  }
0x1f4: {  	s0 =	simm.s32 $0x2080;
	s20 =	sadd.s32 $0x100, s13  }
0x1f5: {  	[tilespmem:s0], [sflag:$0x1] =	stream.linear.gather [hbm4b:s20+s3], $0x200, $0x38;
	[tilespmem:$0x10000] =	vst v63  }
0x1f6: {  	s11 =	simm.s32 $0x2480;
	s1 =	sadd.s32 $0x140, s13  }
0x1f7: {  	[tilespmem:s11], [sflag:$0x1] =	stream.linear.gather [hbm4b:s1+s3], $0x200, $0x38;
	[tilespmem:$0x10000] =	vst v63  }
0x1f8: {  	s2 =	sadd.s32 $0x180, s13;
	s1 =	simm.s32 $0x2880  }
0x1f9: {  	[tilespmem:s1], [sflag:$0x1] =	stream.linear.gather [hbm4b:s2+s3], $0x200, $0x38;
	[tilespmem:$0x10000] =	vst v63  }
0x1fa: {  	s4 =	sadd.s32 $0x1C0, s13;
	s2 =	simm.s32 $0x2C80  }
0x1fb: {  	[tilespmem:s2], [sflag:$0x1] =	stream.linear.gather [hbm4b:s4+s3], $0x200, $0x38;
	[tilespmem:$0x10000] =	vst v63  }
0x1fc: {  	s14 =	sadd.s32 $0x200, s13;
	s19 =	simm.s32 $0x4080  }
0x1fd: {  	[tilespmem:s19], [sflag:$0x1] =	stream.linear.gather [hbm4b:s14+s3], $0x200, $0x38;
	[tilespmem:$0x10000] =	vst v63  }
0x1fe: {  	s15 =	sadd.s32 $0x240, s13;
	s4 =	simm.s32 $0x4480  }
0x1ff: {  	[tilespmem:s4], [sflag:$0x1] =	stream.linear.gather [hbm4b:s15+s3], $0x200, $0x38;
	[tilespmem:$0x10000] =	vst v63  }
0x200: {  	s16 =	sadd.s32 $0x280, s13;
	s20 =	simm.s32 $0x4880  }
0x201: {  	[tilespmem:s20], [sflag:$0x1] =	stream.linear.gather [hbm4b:s16+s3], $0x200, $0x38;
	[tilespmem:$0x10000] =	vst v63  }
0x202: {  	s14 =	sadd.s32 $0x2C0, s13;
	s16 =	simm.s32 $0x4C80  }
0x203: {  	[tilespmem:s16], [sflag:$0x1] =	stream.linear.gather [hbm4b:s14+s3], $0x200, $0x38;
	[tilespmem:$0x10000] =	vst v63  }
0x204: {  	s26 =	simm.s32 $0x6080;
	s15 =	sadd.s32 $0x300, s13  }
0x205: {  	[tilespmem:s26], [sflag:$0x1] =	stream.linear.gather [hbm4b:s15+s3], $0x200, $0x38;
	[tilespmem:$0x10000] =	vst v63  }
0x206: {  	s14 =	simm.s32 $0x6480;
	s26 =	sadd.s32 $0x340, s13  }
0x207: {  	[tilespmem:s14], [sflag:$0x1] =	stream.linear.gather [hbm4b:s26+s3], $0x200, $0x38;
	[tilespmem:$0x10000] =	vst v63  }
0x208: {  	s15 =	sadd.s32 $0x380, s13;
	s26 =	simm.s32 $0x6880  }
0x209: {  	[tilespmem:s26], [sflag:$0x1] =	stream.linear.gather [hbm4b:s15+s3], $0x200, $0x38;
	[tilespmem:$0x10000] =	vst v63  }
0x20a: {  	s28 =	simm.s32 $0x6C80;
	s13 =	sadd.s32 $0x3C0, s13  }
0x20b: {  	[tilespmem:s28], [sflag:$0x1] =	stream.linear.gather [hbm4b:s13+s3], $0x200, $0x38;
	[tilespmem:$0x10000] =	vst v63  }
0x20c: {  	_ =	swait.ge [sflag:s8], $0x2000  }
0x20d: {  	[sflag:s8] =	ssyncset.done $0x0  }
0x20e: {  	s15 =	rddreg [dreg:$0xe];
	[sflag:s8] =	ssyncadd.s32 $0xFFFFE000  }
0x20f: {  	[hbm4b:s15+s3] =	stream.linear.scatter [tilespmem:s3], [sflag:$0x3], $0x8000, $0x38;
	[tilespmem:$0x10000] =	vst v63  }
0x210: {  	_ =	swait.ge [sflag:s7], $0x8000  }
0x211: {  	s15 =	sld [smem:$0x7E6]  }
0x212: {  	[sflag:s7] =	ssyncset.done $0x0  }
0x213: {  	s24 =	simm.s32 $0x8080;
	[sflag:s7] =	ssyncadd.s32 $0xFFFF8000  }
0x214: {  	[tilespmem:s24], [sflag:$0x2] =	stream.linear.gather [hbm4b:s15+s3], $0x200, $0x38;
	[tilespmem:$0x10000] =	vst v63  }
0x215: {  	s22 =	simm.s32 $0x8480;
	s24 =	sadd.s32 $0x40, s15  }
0x216: {  	[tilespmem:s22], [sflag:$0x2] =	stream.linear.gather [hbm4b:s24+s3], $0x200, $0x38;
	[tilespmem:$0x10000] =	vst v63  }
0x217: {  	s13 =	simm.s32 $0x8880;
	s26 =	sadd.s32 $0x80, s15  }
0x218: {  	[tilespmem:s13], [sflag:$0x2] =	stream.linear.gather [hbm4b:s26+s3], $0x200, $0x38;
	[tilespmem:$0x10000] =	vst v63  }
0x219: {  	s31 =	simm.s32 $0x8C80;
	s24 =	sadd.s32 $0xC0, s15  }
0x21a: {  	[tilespmem:s31], [sflag:$0x2] =	stream.linear.gather [hbm4b:s24+s3], $0x200, $0x38;
	[tilespmem:$0x10000] =	vst v63  }
0x21b: {  	s23 =	simm.s32 $0xA080;
	s26 =	sadd.s32 $0x100, s15  }
0x21c: {  	[tilespmem:s23], [sflag:$0x2] =	stream.linear.gather [hbm4b:s26+s3], $0x200, $0x38;
	[tilespmem:$0x10000] =	vst v63  }
0x21d: {  	s24 =	sadd.s32 $0x140, s15;
	s26 =	simm.s32 $0xA480  }
0x21e: {  	[tilespmem:s26], [sflag:$0x2] =	stream.linear.gather [hbm4b:s24+s3], $0x200, $0x38;
	[tilespmem:$0x10000] =	vst v63  }
0x21f: {  	s24 =	sadd.s32 $0x180, s15;
	s26 =	simm.s32 $0xA880  }
0x220: {  	[tilespmem:s26], [sflag:$0x2] =	stream.linear.gather [hbm4b:s24+s3], $0x200, $0x38;
	[tilespmem:$0x10000] =	vst v63  }
0x221: {  	s24 =	sadd.s32 $0x1C0, s15;
	s26 =	simm.s32 $0xAC80  }
0x222: {  	[tilespmem:s26], [sflag:$0x2] =	stream.linear.gather [hbm4b:s24+s3], $0x200, $0x38;
	[tilespmem:$0x10000] =	vst v63  }
0x223: {  	s10 =	sadd.s32 $0x200, s15;
	s26 =	simm.s32 $0xC080  }
0x224: {  	[tilespmem:s26], [sflag:$0x2] =	stream.linear.gather [hbm4b:s10+s3], $0x200, $0x38;
	[tilespmem:$0x10000] =	vst v63  }
0x225: {  	s18 =	simm.s32 $0xC480;
	s26 =	sadd.s32 $0x240, s15  }
0x226: {  	[tilespmem:s18], [sflag:$0x2] =	stream.linear.gather [hbm4b:s26+s3], $0x200, $0x38;
	[tilespmem:$0x10000] =	vst v63  }
0x227: {  	s18 =	sadd.s32 $0x280, s15;
	s26 =	simm.s32 $0xC880  }
0x228: {  	[tilespmem:s26], [sflag:$0x2] =	stream.linear.gather [hbm4b:s18+s3], $0x200, $0x38;
	[tilespmem:$0x10000] =	vst v63  }
0x229: {  	s26 =	sadd.s32 $0x2C0, s15;
	s18 =	simm.s32 $0xCC80  }
0x22a: {  	[tilespmem:s18], [sflag:$0x2] =	stream.linear.gather [hbm4b:s26+s3], $0x200, $0x38;
	[tilespmem:$0x10000] =	vst v63  }
0x22b: {  	s10 =	sadd.s32 $0x300, s15;
	s26 =	simm.s32 $0xE080  }
0x22c: {  	[tilespmem:s26], [sflag:$0x2] =	stream.linear.gather [hbm4b:s10+s3], $0x200, $0x38;
	[tilespmem:$0x10000] =	vst v63  }
0x22d: {  	s21 =	simm.s32 $0xE480;
	s26 =	sadd.s32 $0x340, s15  }
0x22e: {  	[tilespmem:s21], [sflag:$0x2] =	stream.linear.gather [hbm4b:s26+s3], $0x200, $0x38;
	[tilespmem:$0x10000] =	vst v63  }
0x22f: {  	s26 =	sadd.s32 $0x380, s15  }
0x230: {  	[tilespmem:s12], [sflag:$0x2] =	stream.linear.gather [hbm4b:s26+s3], $0x200, $0x38;
	[tilespmem:$0x10000] =	vst v63  }
0x231: {  	s15 =	sadd.s32 $0x3C0, s15;
	s12 =	simm.s32 $0xEC80  }
0x232: {  	[tilespmem:s12], [sflag:$0x2] =	stream.linear.gather [hbm4b:s15+s3], $0x200, $0x38;
	[tilespmem:$0x10000] =	vst v63  }
0x233: {  	_ =	swait.ge [sflag:s9], $0x2000  }
0x234: {  	[sflag:s9] =	ssyncset.done $0x0  }
0x235: {  	s25 =	simm.s32 $0x8000;
	s15 =	rddreg [dreg:$0xf];
	[sflag:s9] =	ssyncadd.s32 $0xFFFFE000  }
0x236: {  	[hbm4b:s15+s3] =	stream.linear.scatter [tilespmem:s25], [sflag:$0x4], $0x8000, $0x38;
	[tilespmem:$0x10000] =	vst v63  }
0x237: {  	_ =	swait.ge [sflag:s6], $0x8000  }
0x238: {  	s15 =	sld [smem:$0x7E7]  }
0x239: {  	[sflag:s6] =	ssyncset.done $0x0  }
0x23a: {  	[sflag:s6] =	ssyncadd.s32 $0xFFFF8000  }
0x23b: {  	[tilespmem:s5], [sflag:$0x1] =	stream.linear.gather [hbm4b:s15+s3], $0x200, $0x38;
	[tilespmem:$0x10000] =	vst v63  }
0x23c: {  	s25 =	sadd.s32 $0x40, s15  }
0x23d: {  	[tilespmem:s29], [sflag:$0x1] =	stream.linear.gather [hbm4b:s25+s3], $0x200, $0x38;
	[tilespmem:$0x10000] =	vst v63  }
0x23e: {  	s29 =	sadd.s32 $0x80, s15  }
0x23f: {  	[tilespmem:s17], [sflag:$0x1] =	stream.linear.gather [hbm4b:s29+s3], $0x200, $0x38;
	[tilespmem:$0x10000] =	vst v63  }
0x240: {  	s29 =	sadd.s32 $0xC0, s15  }
0x241: {  	[tilespmem:s30], [sflag:$0x1] =	stream.linear.gather [hbm4b:s29+s3], $0x200, $0x38;
	[tilespmem:$0x10000] =	vst v63  }
0x242: {  	s30 =	sadd.s32 $0x100, s15  }
0x243: {  	[tilespmem:s0], [sflag:$0x1] =	stream.linear.gather [hbm4b:s30+s3], $0x200, $0x38;
	[tilespmem:$0x10000] =	vst v63  }
0x244: {  	s17 =	sadd.s32 $0x140, s15  }
0x245: {  	[tilespmem:s11], [sflag:$0x1] =	stream.linear.gather [hbm4b:s17+s3], $0x200, $0x38;
	[tilespmem:$0x10000] =	vst v63  }
0x246: {  	s30 =	sadd.s32 $0x180, s15  }
0x247: {  	[tilespmem:s1], [sflag:$0x1] =	stream.linear.gather [hbm4b:s30+s3], $0x200, $0x38;
	[tilespmem:$0x10000] =	vst v63  }
0x248: {  	s17 =	sadd.s32 $0x1C0, s15  }
0x249: {  	[tilespmem:s2], [sflag:$0x1] =	stream.linear.gather [hbm4b:s17+s3], $0x200, $0x38;
	[tilespmem:$0x10000] =	vst v63  }
0x24a: {  	s30 =	sadd.s32 $0x200, s15  }
0x24b: {  	[tilespmem:s19], [sflag:$0x1] =	stream.linear.gather [hbm4b:s30+s3], $0x200, $0x38;
	[tilespmem:$0x10000] =	vst v63  }
0x24c: {  	s17 =	sadd.s32 $0x240, s15  }
0x24d: {  	[tilespmem:s4], [sflag:$0x1] =	stream.linear.gather [hbm4b:s17+s3], $0x200, $0x38;
	[tilespmem:$0x10000] =	vst v63  }
0x24e: {  	s30 =	sadd.s32 $0x280, s15  }
0x24f: {  	[tilespmem:s20], [sflag:$0x1] =	stream.linear.gather [hbm4b:s30+s3], $0x200, $0x38;
	[tilespmem:$0x10000] =	vst v63  }
0x250: {  	s17 =	sadd.s32 $0x2C0, s15  }
0x251: {  	[tilespmem:s16], [sflag:$0x1] =	stream.linear.gather [hbm4b:s17+s3], $0x200, $0x38;
	[tilespmem:$0x10000] =	vst v63  }
0x252: {  	s20 =	sadd.s32 $0x300, s15;
	s30 =	simm.s32 $0x6080  }
0x253: {  	[tilespmem:s30], [sflag:$0x1] =	stream.linear.gather [hbm4b:s20+s3], $0x200, $0x38;
	[tilespmem:$0x10000] =	vst v63  }
0x254: {  	s17 =	sadd.s32 $0x340, s15  }
0x255: {  	[tilespmem:s14], [sflag:$0x1] =	stream.linear.gather [hbm4b:s17+s3], $0x200, $0x38;
	[tilespmem:$0x10000] =	vst v63  }
0x256: {  	s20 =	sadd.s32 $0x380, s15;
	s30 =	simm.s32 $0x6880  }
0x257: {  	[tilespmem:s30], [sflag:$0x1] =	stream.linear.gather [hbm4b:s20+s3], $0x200, $0x38;
	[tilespmem:$0x10000] =	vst v63  }
0x258: {  	s16 =	sadd.s32 $0x3C0, s15;
	s17 =	simm.s32 $0x6C80  }
0x259: {  	[tilespmem:s17], [sflag:$0x1] =	stream.linear.gather [hbm4b:s16+s3], $0x200, $0x38;
	[tilespmem:$0x10000] =	vst v63  }
0x25a: {  	_ =	swait.ge [sflag:s8], $0x2000  }
0x25b: {  	[sflag:s8] =	ssyncset.done $0x0  }
0x25c: {  	s20 =	rddreg [dreg:$0x10];
	[sflag:s8] =	ssyncadd.s32 $0xFFFFE000  }
0x25d: {  	[hbm4b:s20+s3] =	stream.linear.scatter [tilespmem:s3], [sflag:$0x3], $0x8000, $0x38;
	[tilespmem:$0x10000] =	vst v63  }
0x25e: {  	_ =	swait.ge [sflag:s7], $0x8000  }
0x25f: {  	s17 =	sld [smem:$0x7E8]  }
0x260: {  	[sflag:s7] =	ssyncset.done $0x0  }
0x261: {  	s28 =	simm.s32 $0x8080;
	[sflag:s7] =	ssyncadd.s32 $0xFFFF8000  }
0x262: {  	[tilespmem:s28], [sflag:$0x2] =	stream.linear.gather [hbm4b:s17+s3], $0x200, $0x38;
	[tilespmem:$0x10000] =	vst v63  }
0x263: {  	s22 =	simm.s32 $0x8480;
	s28 =	sadd.s32 $0x40, s17  }
0x264: {  	[tilespmem:s22], [sflag:$0x2] =	stream.linear.gather [hbm4b:s28+s3], $0x200, $0x38;
	[tilespmem:$0x10000] =	vst v63  }
0x265: {  	s30 =	sadd.s32 $0x80, s17  }
0x266: {  	[tilespmem:s13], [sflag:$0x2] =	stream.linear.gather [hbm4b:s30+s3], $0x200, $0x38;
	[tilespmem:$0x10000] =	vst v63  }
0x267: {  	s31 =	simm.s32 $0x8C80;
	s14 =	sadd.s32 $0xC0, s17  }
0x268: {  	[tilespmem:s31], [sflag:$0x2] =	stream.linear.gather [hbm4b:s14+s3], $0x200, $0x38;
	[tilespmem:$0x10000] =	vst v63  }
0x269: {  	s23 =	simm.s32 $0xA080;
	s15 =	sadd.s32 $0x100, s17  }
0x26a: {  	[tilespmem:s23], [sflag:$0x2] =	stream.linear.gather [hbm4b:s15+s3], $0x200, $0x38;
	[tilespmem:$0x10000] =	vst v63  }
0x26b: {  	s16 =	sadd.s32 $0x140, s17;
	s15 =	simm.s32 $0xA480  }
0x26c: {  	[tilespmem:s15], [sflag:$0x2] =	stream.linear.gather [hbm4b:s16+s3], $0x200, $0x38;
	[tilespmem:$0x10000] =	vst v63  }
0x26d: {  	s20 =	sadd.s32 $0x180, s17;
	s30 =	simm.s32 $0xA880  }
0x26e: {  	[tilespmem:s30], [sflag:$0x2] =	stream.linear.gather [hbm4b:s20+s3], $0x200, $0x38;
	[tilespmem:$0x10000] =	vst v63  }
0x26f: {  	s24 =	simm.s32 $0xAC80;
	s31 =	sadd.s32 $0x1C0, s17  }
0x270: {  	[tilespmem:s24], [sflag:$0x2] =	stream.linear.gather [hbm4b:s31+s3], $0x200, $0x38;
	[tilespmem:$0x10000] =	vst v63  }
0x271: {  	s13 =	sadd.s32 $0x200, s17;
	s20 =	simm.s32 $0xC080  }
0x272: {  	[tilespmem:s20], [sflag:$0x2] =	stream.linear.gather [hbm4b:s13+s3], $0x200, $0x38;
	[tilespmem:$0x10000] =	vst v63  }
0x273: {  	s30 =	sadd.s32 $0x240, s17;
	s31 =	simm.s32 $0xC480  }
0x274: {  	[tilespmem:s31], [sflag:$0x2] =	stream.linear.gather [hbm4b:s30+s3], $0x200, $0x38;
	[tilespmem:$0x10000] =	vst v63  }
0x275: {  	s20 =	sadd.s32 $0x280, s17;
	s30 =	simm.s32 $0xC880  }
0x276: {  	[tilespmem:s30], [sflag:$0x2] =	stream.linear.gather [hbm4b:s20+s3], $0x200, $0x38;
	[tilespmem:$0x10000] =	vst v63  }
0x277: {  	s20 =	sadd.s32 $0x2C0, s17  }
0x278: {  	[tilespmem:s18], [sflag:$0x2] =	stream.linear.gather [hbm4b:s20+s3], $0x200, $0x38;
	[tilespmem:$0x10000] =	vst v63  }
0x279: {  	s13 =	sadd.s32 $0x300, s17;
	s20 =	simm.s32 $0xE080  }
0x27a: {  	[tilespmem:s20], [sflag:$0x2] =	stream.linear.gather [hbm4b:s13+s3], $0x200, $0x38;
	[tilespmem:$0x10000] =	vst v63  }
0x27b: {  	s21 =	simm.s32 $0xE480;
	s13 =	sadd.s32 $0x340, s17  }
0x27c: {  	[tilespmem:s21], [sflag:$0x2] =	stream.linear.gather [hbm4b:s13+s3], $0x200, $0x38;
	[tilespmem:$0x10000] =	vst v63  }
0x27d: {  	s26 =	simm.s32 $0xE880;
	s13 =	sadd.s32 $0x380, s17  }
0x27e: {  	[tilespmem:s26], [sflag:$0x2] =	stream.linear.gather [hbm4b:s13+s3], $0x200, $0x38;
	[tilespmem:$0x10000] =	vst v63  }
0x27f: {  	s26 =	sadd.s32 $0x3C0, s17  }
0x280: {  	[tilespmem:s12], [sflag:$0x2] =	stream.linear.gather [hbm4b:s26+s3], $0x200, $0x38;
	[tilespmem:$0x10000] =	vst v63  }
0x281: {  	_ =	swait.ge [sflag:s9], $0x2000  }
0x282: {  	[sflag:s9] =	ssyncset.done $0x0  }
0x283: {  	s26 =	simm.s32 $0x8000;
	s17 =	rddreg [dreg:$0x11];
	[sflag:s9] =	ssyncadd.s32 $0xFFFFE000  }
0x284: {  	[hbm4b:s17+s3] =	stream.linear.scatter [tilespmem:s26], [sflag:$0x4], $0x8000, $0x38;
	[tilespmem:$0x10000] =	vst v63  }
0x285: {  	_ =	swait.ge [sflag:s6], $0x8000  }
0x286: {  	s17 =	sld [smem:$0x7E9]  }
0x287: {  	[sflag:s6] =	ssyncset.done $0x0  }
0x288: {  	s5 =	simm.s32 $0x80;
	[sflag:s6] =	ssyncadd.s32 $0xFFFF8000  }
0x289: {  	[tilespmem:s5], [sflag:$0x1] =	stream.linear.gather [hbm4b:s17+s3], $0x200, $0x38;
	[tilespmem:$0x10000] =	vst v63  }
0x28a: {  	s25 =	simm.s32 $0x480;
	s5 =	sadd.s32 $0x40, s17  }
0x28b: {  	[tilespmem:s25], [sflag:$0x1] =	stream.linear.gather [hbm4b:s5+s3], $0x200, $0x38;
	[tilespmem:$0x10000] =	vst v63  }
0x28c: {  	s5 =	sadd.s32 $0x80, s17;
	s25 =	simm.s32 $0x880  }
0x28d: {  	[tilespmem:s25], [sflag:$0x1] =	stream.linear.gather [hbm4b:s5+s3], $0x200, $0x38;
	[tilespmem:$0x10000] =	vst v63  }
0x28e: {  	s29 =	simm.s32 $0xC80;
	s5 =	sadd.s32 $0xC0, s17  }
0x28f: {  	[tilespmem:s29], [sflag:$0x1] =	stream.linear.gather [hbm4b:s5+s3], $0x200, $0x38;
	[tilespmem:$0x10000] =	vst v63  }
0x290: {  	s0 =	simm.s32 $0x2080;
	s25 =	sadd.s32 $0x100, s17  }
0x291: {  	[tilespmem:s0], [sflag:$0x1] =	stream.linear.gather [hbm4b:s25+s3], $0x200, $0x38;
	[tilespmem:$0x10000] =	vst v63  }
0x292: {  	s11 =	simm.s32 $0x2480;
	s29 =	sadd.s32 $0x140, s17  }
0x293: {  	[tilespmem:s11], [sflag:$0x1] =	stream.linear.gather [hbm4b:s29+s3], $0x200, $0x38;
	[tilespmem:$0x10000] =	vst v63  }
0x294: {  	s1 =	simm.s32 $0x2880;
	s0 =	sadd.s32 $0x180, s17  }
0x295: {  	[tilespmem:s1], [sflag:$0x1] =	stream.linear.gather [hbm4b:s0+s3], $0x200, $0x38;
	[tilespmem:$0x10000] =	vst v63  }
0x296: {  	s2 =	simm.s32 $0x2C80;
	s1 =	sadd.s32 $0x1C0, s17  }
0x297: {  	[tilespmem:s2], [sflag:$0x1] =	stream.linear.gather [hbm4b:s1+s3], $0x200, $0x38;
	[tilespmem:$0x10000] =	vst v63  }
0x298: {  	s19 =	simm.s32 $0x4080;
	s2 =	sadd.s32 $0x200, s17  }
0x299: {  	[tilespmem:s19], [sflag:$0x1] =	stream.linear.gather [hbm4b:s2+s3], $0x200, $0x38;
	[tilespmem:$0x10000] =	vst v63  }
0x29a: {  	s4 =	simm.s32 $0x4480;
	s5 =	sadd.s32 $0x240, s17  }
0x29b: {  	[tilespmem:s4], [sflag:$0x1] =	stream.linear.gather [hbm4b:s5+s3], $0x200, $0x38;
	[tilespmem:$0x10000] =	vst v63  }
0x29c: {  	s11 =	sadd.s32 $0x280, s17;
	s19 =	simm.s32 $0x4880  }
0x29d: {  	[tilespmem:s19], [sflag:$0x1] =	stream.linear.gather [hbm4b:s11+s3], $0x200, $0x38;
	[tilespmem:$0x10000] =	vst v63  }
0x29e: {  	s25 =	sadd.s32 $0x2C0, s17;
	s29 =	simm.s32 $0x4C80  }
0x29f: {  	[tilespmem:s29], [sflag:$0x1] =	stream.linear.gather [hbm4b:s25+s3], $0x200, $0x38;
	[tilespmem:$0x10000] =	vst v63  }
0x2a0: {  	s1 =	sadd.s32 $0x300, s17;
	s2 =	simm.s32 $0x6080  }
0x2a1: {  	[tilespmem:s2], [sflag:$0x1] =	stream.linear.gather [hbm4b:s1+s3], $0x200, $0x38;
	[tilespmem:$0x10000] =	vst v63  }
0x2a2: {  	s4 =	sadd.s32 $0x340, s17;
	s5 =	simm.s32 $0x6480  }
0x2a3: {  	[tilespmem:s5], [sflag:$0x1] =	stream.linear.gather [hbm4b:s4+s3], $0x200, $0x38;
	[tilespmem:$0x10000] =	vst v63  }
0x2a4: {  	s11 =	sadd.s32 $0x380, s17;
	s1 =	simm.s32 $0x6880  }
0x2a5: {  	[tilespmem:s1], [sflag:$0x1] =	stream.linear.gather [hbm4b:s11+s3], $0x200, $0x38;
	[tilespmem:$0x10000] =	vst v63  }
0x2a6: {  	s17 =	sadd.s32 $0x3C0, s17;
	s19 =	simm.s32 $0x6C80  }
0x2a7: {  	[tilespmem:s19], [sflag:$0x1] =	stream.linear.gather [hbm4b:s17+s3], $0x200, $0x38;
	[tilespmem:$0x10000] =	vst v63  }
0x2a8: {  	_ =	swait.ge [sflag:s8], $0x2000  }
0x2a9: {  	[sflag:s8] =	ssyncset.done $0x0  }
0x2aa: {  	s25 =	rddreg [dreg:$0x12];
	[sflag:s8] =	ssyncadd.s32 $0xFFFFE000  }
0x2ab: {  	[hbm4b:s25+s3] =	stream.linear.scatter [tilespmem:s3], [sflag:$0x3], $0x8000, $0x38;
	[tilespmem:$0x10000] =	vst v63  }
0x2ac: {  	_ =	swait.ge [sflag:s7], $0x8000  }
0x2ad: {  	s19 =	sld [smem:$0x7EA]  }
0x2ae: {  	[sflag:s7] =	ssyncset.done $0x0  }
0x2af: {  	s29 =	simm.s32 $0x8080;
	[sflag:s7] =	ssyncadd.s32 $0xFFFF8000  }
0x2b0: {  	[tilespmem:s29], [sflag:$0x2] =	stream.linear.gather [hbm4b:s19+s3], $0x200, $0x38;
	[tilespmem:$0x10000] =	vst v63  }
0x2b1: {  	s28 =	simm.s32 $0x8480;
	s0 =	sadd.s32 $0x40, s19  }
0x2b2: {  	[tilespmem:s28], [sflag:$0x2] =	stream.linear.gather [hbm4b:s0+s3], $0x200, $0x38;
	[tilespmem:$0x10000] =	vst v63  }
0x2b3: {  	s22 =	simm.s32 $0x8880;
	s2 =	sadd.s32 $0x80, s19  }
0x2b4: {  	[tilespmem:s22], [sflag:$0x2] =	stream.linear.gather [hbm4b:s2+s3], $0x200, $0x38;
	[tilespmem:$0x10000] =	vst v63  }
0x2b5: {  	s14 =	simm.s32 $0x8C80;
	s4 =	sadd.s32 $0xC0, s19  }
0x2b6: {  	[tilespmem:s14], [sflag:$0x2] =	stream.linear.gather [hbm4b:s4+s3], $0x200, $0x38;
	[tilespmem:$0x10000] =	vst v63  }
0x2b7: {  	s23 =	simm.s32 $0xA080;
	s11 =	sadd.s32 $0x100, s19  }
0x2b8: {  	[tilespmem:s23], [sflag:$0x2] =	stream.linear.gather [hbm4b:s11+s3], $0x200, $0x38;
	[tilespmem:$0x10000] =	vst v63  }
0x2b9: {  	s14 =	sadd.s32 $0x140, s19  }
0x2ba: {  	[tilespmem:s15], [sflag:$0x2] =	stream.linear.gather [hbm4b:s14+s3], $0x200, $0x38;
	[tilespmem:$0x10000] =	vst v63  }
0x2bb: {  	s16 =	simm.s32 $0xA880;
	s17 =	sadd.s32 $0x180, s19  }
0x2bc: {  	[tilespmem:s16], [sflag:$0x2] =	stream.linear.gather [hbm4b:s17+s3], $0x200, $0x38;
	[tilespmem:$0x10000] =	vst v63  }
0x2bd: {  	s24 =	simm.s32 $0xAC80;
	s23 =	sadd.s32 $0x1C0, s19  }
0x2be: {  	[tilespmem:s24], [sflag:$0x2] =	stream.linear.gather [hbm4b:s23+s3], $0x200, $0x38;
	[tilespmem:$0x10000] =	vst v63  }
0x2bf: {  	s28 =	sadd.s32 $0x200, s19;
	s17 =	simm.s32 $0xC080  }
0x2c0: {  	[tilespmem:s17], [sflag:$0x2] =	stream.linear.gather [hbm4b:s28+s3], $0x200, $0x38;
	[tilespmem:$0x10000] =	vst v63  }
0x2c1: {  	s31 =	simm.s32 $0xC480;
	s29 =	sadd.s32 $0x240, s19  }
0x2c2: {  	[tilespmem:s31], [sflag:$0x2] =	stream.linear.gather [hbm4b:s29+s3], $0x200, $0x38;
	[tilespmem:$0x10000] =	vst v63  }
0x2c3: {  	s30 =	simm.s32 $0xC880;
	s0 =	sadd.s32 $0x280, s19  }
0x2c4: {  	[tilespmem:s30], [sflag:$0x2] =	stream.linear.gather [hbm4b:s0+s3], $0x200, $0x38;
	[tilespmem:$0x10000] =	vst v63  }
0x2c5: {  	s18 =	simm.s32 $0xCC80;
	s11 =	sadd.s32 $0x2C0, s19  }
0x2c6: {  	[tilespmem:s18], [sflag:$0x2] =	stream.linear.gather [hbm4b:s11+s3], $0x200, $0x38;
	[tilespmem:$0x10000] =	vst v63  }
0x2c7: {  	s20 =	simm.s32 $0xE080;
	s14 =	sadd.s32 $0x300, s19  }
0x2c8: {  	[tilespmem:s20], [sflag:$0x2] =	stream.linear.gather [hbm4b:s14+s3], $0x200, $0x38;
	[tilespmem:$0x10000] =	vst v63  }
0x2c9: {  	s21 =	simm.s32 $0xE480;
	s15 =	sadd.s32 $0x340, s19  }
0x2ca: {  	[tilespmem:s21], [sflag:$0x2] =	stream.linear.gather [hbm4b:s15+s3], $0x200, $0x38;
	[tilespmem:$0x10000] =	vst v63  }
0x2cb: {  	s13 =	simm.s32 $0xE880;
	s16 =	sadd.s32 $0x380, s19  }
0x2cc: {  	[tilespmem:s13], [sflag:$0x2] =	stream.linear.gather [hbm4b:s16+s3], $0x200, $0x38;
	[tilespmem:$0x10000] =	vst v63  }
0x2cd: {  	s12 =	simm.s32 $0xEC80;
	s18 =	sadd.s32 $0x3C0, s19  }
0x2ce: {  	[tilespmem:s12], [sflag:$0x2] =	stream.linear.gather [hbm4b:s18+s3], $0x200, $0x38;
	[tilespmem:$0x10000] =	vst v63  }
0x2cf: {  	_ =	swait.ge [sflag:s9], $0x2000  }
0x2d0: {  	[sflag:s9] =	ssyncset.done $0x0  }
0x2d1: {  	s26 =	simm.s32 $0x8000;
	s19 =	rddreg [dreg:$0x13];
	[sflag:s9] =	ssyncadd.s32 $0xFFFFE000  }
0x2d2: {  	[hbm4b:s19+s3] =	stream.linear.scatter [tilespmem:s26], [sflag:$0x4], $0x8000, $0x38;
	[tilespmem:$0x10000] =	vst v63  }
0x2d3: {  	_ =	swait.ge [sflag:s6], $0x8000  }
0x2d4: {  	s19 =	sld [smem:$0x7EB]  }
0x2d5: {  	[sflag:s6] =	ssyncset.done $0x0  }
0x2d6: {  	s29 =	simm.s32 $0x80;
	[sflag:s6] =	ssyncadd.s32 $0xFFFF8000  }
0x2d7: {  	[tilespmem:s29], [sflag:$0x1] =	stream.linear.gather [hbm4b:s19+s3], $0x200, $0x38;
	[tilespmem:$0x10000] =	vst v63  }
0x2d8: {  	s14 =	simm.s32 $0x480;
	s20 =	sadd.s32 $0x40, s19  }
0x2d9: {  	[tilespmem:s14], [sflag:$0x1] =	stream.linear.gather [hbm4b:s20+s3], $0x200, $0x38;
	[tilespmem:$0x10000] =	vst v63  }
0x2da: {  	s12 =	simm.s32 $0x880;
	s21 =	sadd.s32 $0x80, s19  }
0x2db: {  	[tilespmem:s12], [sflag:$0x1] =	stream.linear.gather [hbm4b:s21+s3], $0x200, $0x38;
	[tilespmem:$0x10000] =	vst v63  }
0x2dc: {  	s13 =	simm.s32 $0xC80;
	s23 =	sadd.s32 $0xC0, s19  }
0x2dd: {  	[tilespmem:s13], [sflag:$0x1] =	stream.linear.gather [hbm4b:s23+s3], $0x200, $0x38;
	[tilespmem:$0x10000] =	vst v63  }
0x2de: {  	s15 =	simm.s32 $0x2080;
	s24 =	sadd.s32 $0x100, s19  }
0x2df: {  	[tilespmem:s15], [sflag:$0x1] =	stream.linear.gather [hbm4b:s24+s3], $0x200, $0x38;
	[tilespmem:$0x10000] =	vst v63  }
0x2e0: {  	s16 =	simm.s32 $0x2480;
	s26 =	sadd.s32 $0x140, s19  }
0x2e1: {  	[tilespmem:s16], [sflag:$0x1] =	stream.linear.gather [hbm4b:s26+s3], $0x200, $0x38;
	[tilespmem:$0x10000] =	vst v63  }
0x2e2: {  	s18 =	simm.s32 $0x2880;
	s28 =	sadd.s32 $0x180, s19  }
0x2e3: {  	[tilespmem:s18], [sflag:$0x1] =	stream.linear.gather [hbm4b:s28+s3], $0x200, $0x38;
	[tilespmem:$0x10000] =	vst v63  }
0x2e4: {  	s31 =	sadd.s32 $0x1C0, s19;
	s20 =	simm.s32 $0x2C80  }
0x2e5: {  	[tilespmem:s20], [sflag:$0x1] =	stream.linear.gather [hbm4b:s31+s3], $0x200, $0x38;
	[tilespmem:$0x10000] =	vst v63  }
0x2e6: {  	s0 =	sadd.s32 $0x200, s19;
	s24 =	simm.s32 $0x4080  }
0x2e7: {  	[tilespmem:s24], [sflag:$0x1] =	stream.linear.gather [hbm4b:s0+s3], $0x200, $0x38;
	[tilespmem:$0x10000] =	vst v63  }
0x2e8: {  	s11 =	sadd.s32 $0x240, s19;
	s26 =	simm.s32 $0x4480  }
0x2e9: {  	[tilespmem:s26], [sflag:$0x1] =	stream.linear.gather [hbm4b:s11+s3], $0x200, $0x38;
	[tilespmem:$0x10000] =	vst v63  }
0x2ea: {  	s21 =	sadd.s32 $0x280, s19;
	s28 =	simm.s32 $0x4880  }
0x2eb: {  	[tilespmem:s28], [sflag:$0x1] =	stream.linear.gather [hbm4b:s21+s3], $0x200, $0x38;
	[tilespmem:$0x10000] =	vst v63  }
0x2ec: {  	s23 =	sadd.s32 $0x2C0, s19;
	s31 =	simm.s32 $0x4C80  }
0x2ed: {  	[tilespmem:s31], [sflag:$0x1] =	stream.linear.gather [hbm4b:s23+s3], $0x200, $0x38;
	[tilespmem:$0x10000] =	vst v63  }
0x2ee: {  	s0 =	sadd.s32 $0x300, s19;
	s11 =	simm.s32 $0x6080  }
0x2ef: {  	[tilespmem:s11], [sflag:$0x1] =	stream.linear.gather [hbm4b:s0+s3], $0x200, $0x38;
	[tilespmem:$0x10000] =	vst v63  }
0x2f0: {  	s21 =	sadd.s32 $0x340, s19;
	s0 =	simm.s32 $0x6480  }
0x2f1: {  	[tilespmem:s0], [sflag:$0x1] =	stream.linear.gather [hbm4b:s21+s3], $0x200, $0x38;
	[tilespmem:$0x10000] =	vst v63  }
0x2f2: {  	s23 =	sadd.s32 $0x380, s19  }
0x2f3: {  	[tilespmem:s1], [sflag:$0x1] =	stream.linear.gather [hbm4b:s23+s3], $0x200, $0x38;
	[tilespmem:$0x10000] =	vst v63  }
0x2f4: {  	s19 =	sadd.s32 $0x3C0, s19;
	s23 =	simm.s32 $0x6C80  }
0x2f5: {  	[tilespmem:s23], [sflag:$0x1] =	stream.linear.gather [hbm4b:s19+s3], $0x200, $0x38;
	[tilespmem:$0x10000] =	vst v63  }
0x2f6: {  	_ =	swait.ge [sflag:s8], $0x2000  }
0x2f7: {  	[sflag:s8] =	ssyncset.done $0x0  }
0x2f8: {  	s21 =	rddreg [dreg:$0x14];
	[sflag:s8] =	ssyncadd.s32 $0xFFFFE000  }
0x2f9: {  	[hbm4b:s21+s3] =	stream.linear.scatter [tilespmem:s3], [sflag:$0x3], $0x8000, $0x38;
	[tilespmem:$0x10000] =	vst v63  }
0x2fa: {  	_ =	swait.ge [sflag:s7], $0x8000  }
0x2fb: {  	s21 =	sld [smem:$0x7EC]  }
0x2fc: {  	[sflag:s7] =	ssyncset.done $0x0  }
0x2fd: {  	s19 =	simm.s32 $0x8080;
	[sflag:s7] =	ssyncadd.s32 $0xFFFF8000  }
0x2fe: {  	[tilespmem:s19], [sflag:$0x2] =	stream.linear.gather [hbm4b:s21+s3], $0x200, $0x38;
	[tilespmem:$0x10000] =	vst v63  }
0x2ff: {  	s25 =	simm.s32 $0x8480;
	s19 =	sadd.s32 $0x40, s21  }
0x300: {  	[tilespmem:s25], [sflag:$0x2] =	stream.linear.gather [hbm4b:s19+s3], $0x200, $0x38;
	[tilespmem:$0x10000] =	vst v63  }
0x301: {  	s5 =	simm.s32 $0x8880;
	s25 =	sadd.s32 $0x80, s21  }
0x302: {  	[tilespmem:s5], [sflag:$0x2] =	stream.linear.gather [hbm4b:s25+s3], $0x200, $0x38;
	[tilespmem:$0x10000] =	vst v63  }
0x303: {  	s22 =	simm.s32 $0x8C80;
	s19 =	sadd.s32 $0xC0, s21  }
0x304: {  	[tilespmem:s22], [sflag:$0x2] =	stream.linear.gather [hbm4b:s19+s3], $0x200, $0x38;
	[tilespmem:$0x10000] =	vst v63  }
0x305: {  	s4 =	simm.s32 $0xA080;
	s22 =	sadd.s32 $0x100, s21  }
0x306: {  	[tilespmem:s4], [sflag:$0x2] =	stream.linear.gather [hbm4b:s22+s3], $0x200, $0x38;
	[tilespmem:$0x10000] =	vst v63  }
0x307: {  	s2 =	simm.s32 $0xA480;
	s25 =	sadd.s32 $0x140, s21  }
0x308: {  	[tilespmem:s2], [sflag:$0x2] =	stream.linear.gather [hbm4b:s25+s3], $0x200, $0x38;
	[tilespmem:$0x10000] =	vst v63  }
0x309: {  	s19 =	simm.s32 $0xA880;
	s4 =	sadd.s32 $0x180, s21  }
0x30a: {  	[tilespmem:s19], [sflag:$0x2] =	stream.linear.gather [hbm4b:s4+s3], $0x200, $0x38;
	[tilespmem:$0x10000] =	vst v63  }
0x30b: {  	s22 =	sadd.s32 $0x1C0, s21;
	s25 =	simm.s32 $0xAC80  }
0x30c: {  	[tilespmem:s25], [sflag:$0x2] =	stream.linear.gather [hbm4b:s22+s3], $0x200, $0x38;
	[tilespmem:$0x10000] =	vst v63  }
0x30d: {  	s2 =	sadd.s32 $0x200, s21  }
0x30e: {  	[tilespmem:s17], [sflag:$0x2] =	stream.linear.gather [hbm4b:s2+s3], $0x200, $0x38;
	[tilespmem:$0x10000] =	vst v63  }
0x30f: {  	s4 =	sadd.s32 $0x240, s21;
	s17 =	simm.s32 $0xC480  }
0x310: {  	[tilespmem:s17], [sflag:$0x2] =	stream.linear.gather [hbm4b:s4+s3], $0x200, $0x38;
	[tilespmem:$0x10000] =	vst v63  }
0x311: {  	s30 =	simm.s32 $0xC880;
	s19 =	sadd.s32 $0x280, s21  }
0x312: {  	[tilespmem:s30], [sflag:$0x2] =	stream.linear.gather [hbm4b:s19+s3], $0x200, $0x38;
	[tilespmem:$0x10000] =	vst v63  }
0x313: {  	s22 =	sadd.s32 $0x2C0, s21;
	s19 =	simm.s32 $0xCC80  }
0x314: {  	[tilespmem:s19], [sflag:$0x2] =	stream.linear.gather [hbm4b:s22+s3], $0x200, $0x38;
	[tilespmem:$0x10000] =	vst v63  }
0x315: {  	s25 =	sadd.s32 $0x300, s21;
	s30 =	simm.s32 $0xE080  }
0x316: {  	[tilespmem:s30], [sflag:$0x2] =	stream.linear.gather [hbm4b:s25+s3], $0x200, $0x38;
	[tilespmem:$0x10000] =	vst v63  }
0x317: {  	s4 =	sadd.s32 $0x340, s21;
	s17 =	simm.s32 $0xE480  }
0x318: {  	[tilespmem:s17], [sflag:$0x2] =	stream.linear.gather [hbm4b:s4+s3], $0x200, $0x38;
	[tilespmem:$0x10000] =	vst v63  }
0x319: {  	s22 =	sadd.s32 $0x380, s21;
	s25 =	simm.s32 $0xE880  }
0x31a: {  	[tilespmem:s25], [sflag:$0x2] =	stream.linear.gather [hbm4b:s22+s3], $0x200, $0x38;
	[tilespmem:$0x10000] =	vst v63  }
0x31b: {  	s30 =	sadd.s32 $0x3C0, s21;
	s21 =	simm.s32 $0xEC80  }
0x31c: {  	[tilespmem:s21], [sflag:$0x2] =	stream.linear.gather [hbm4b:s30+s3], $0x200, $0x38;
	[tilespmem:$0x10000] =	vst v63  }
0x31d: {  	_ =	swait.ge [sflag:s9], $0x2000  }
0x31e: {  	[sflag:s9] =	ssyncset.done $0x0  }
0x31f: {  	s4 =	simm.s32 $0x8000;
	s2 =	rddreg [dreg:$0x15];
	[sflag:s9] =	ssyncadd.s32 $0xFFFFE000  }
0x320: {  	[hbm4b:s2+s3] =	stream.linear.scatter [tilespmem:s4], [sflag:$0x4], $0x8000, $0x38;
	[tilespmem:$0x10000] =	vst v63  }
0x321: {  	_ =	swait.ge [sflag:s6], $0x8000  }
0x322: {  	s22 =	sld [smem:$0x7ED]  }
0x323: {  	[sflag:s6] =	ssyncset.done $0x0  }
0x324: {  	[sflag:s6] =	ssyncadd.s32 $0xFFFF8000  }
0x325: {  	[tilespmem:s29], [sflag:$0x1] =	stream.linear.gather [hbm4b:s22+s3], $0x200, $0x38;
	[tilespmem:$0x10000] =	vst v63  }
0x326: {  	s17 =	sadd.s32 $0x40, s22  }
0x327: {  	[tilespmem:s14], [sflag:$0x1] =	stream.linear.gather [hbm4b:s17+s3], $0x200, $0x38;
	[tilespmem:$0x10000] =	vst v63  }
0x328: {  	s25 =	sadd.s32 $0x80, s22  }
0x329: {  	[tilespmem:s12], [sflag:$0x1] =	stream.linear.gather [hbm4b:s25+s3], $0x200, $0x38;
	[tilespmem:$0x10000] =	vst v63  }
0x32a: {  	s30 =	sadd.s32 $0xC0, s22  }
0x32b: {  	[tilespmem:s13], [sflag:$0x1] =	stream.linear.gather [hbm4b:s30+s3], $0x200, $0x38;
	[tilespmem:$0x10000] =	vst v63  }
0x32c: {  	s2 =	sadd.s32 $0x100, s22  }
0x32d: {  	[tilespmem:s15], [sflag:$0x1] =	stream.linear.gather [hbm4b:s2+s3], $0x200, $0x38;
	[tilespmem:$0x10000] =	vst v63  }
0x32e: {  	s12 =	sadd.s32 $0x140, s22  }
0x32f: {  	[tilespmem:s16], [sflag:$0x1] =	stream.linear.gather [hbm4b:s12+s3], $0x200, $0x38;
	[tilespmem:$0x10000] =	vst v63  }
0x330: {  	s13 =	sadd.s32 $0x180, s22  }
0x331: {  	[tilespmem:s18], [sflag:$0x1] =	stream.linear.gather [hbm4b:s13+s3], $0x200, $0x38;
	[tilespmem:$0x10000] =	vst v63  }
0x332: {  	s14 =	sadd.s32 $0x1C0, s22  }
0x333: {  	[tilespmem:s20], [sflag:$0x1] =	stream.linear.gather [hbm4b:s14+s3], $0x200, $0x38;
	[tilespmem:$0x10000] =	vst v63  }
0x334: {  	s15 =	sadd.s32 $0x200, s22  }
0x335: {  	[tilespmem:s24], [sflag:$0x1] =	stream.linear.gather [hbm4b:s15+s3], $0x200, $0x38;
	[tilespmem:$0x10000] =	vst v63  }
0x336: {  	s16 =	sadd.s32 $0x240, s22  }
0x337: {  	[tilespmem:s26], [sflag:$0x1] =	stream.linear.gather [hbm4b:s16+s3], $0x200, $0x38;
	[tilespmem:$0x10000] =	vst v63  }
0x338: {  	s17 =	sadd.s32 $0x280, s22  }
0x339: {  	[tilespmem:s28], [sflag:$0x1] =	stream.linear.gather [hbm4b:s17+s3], $0x200, $0x38;
	[tilespmem:$0x10000] =	vst v63  }
0x33a: {  	s24 =	sadd.s32 $0x2C0, s22  }
0x33b: {  	[tilespmem:s31], [sflag:$0x1] =	stream.linear.gather [hbm4b:s24+s3], $0x200, $0x38;
	[tilespmem:$0x10000] =	vst v63  }
0x33c: {  	s25 =	sadd.s32 $0x300, s22  }
0x33d: {  	[tilespmem:s11], [sflag:$0x1] =	stream.linear.gather [hbm4b:s25+s3], $0x200, $0x38;
	[tilespmem:$0x10000] =	vst v63  }
0x33e: {  	s30 =	sadd.s32 $0x340, s22  }
0x33f: {  	[tilespmem:s0], [sflag:$0x1] =	stream.linear.gather [hbm4b:s30+s3], $0x200, $0x38;
	[tilespmem:$0x10000] =	vst v63  }
0x340: {  	s1 =	simm.s32 $0x6880;
	s0 =	sadd.s32 $0x380, s22  }
0x341: {  	[tilespmem:s1], [sflag:$0x1] =	stream.linear.gather [hbm4b:s0+s3], $0x200, $0x38;
	[tilespmem:$0x10000] =	vst v63  }
0x342: {  	s1 =	sadd.s32 $0x3C0, s22  }
0x343: {  	[tilespmem:s23], [sflag:$0x1] =	stream.linear.gather [hbm4b:s1+s3], $0x200, $0x38;
	[tilespmem:$0x10000] =	vst v63  }
0x344: {  	_ =	swait.ge [sflag:s8], $0x2000  }
0x345: {  	[sflag:s8] =	ssyncset.done $0x0  }
0x346: {  	s2 =	rddreg [dreg:$0x16];
	[sflag:s8] =	ssyncadd.s32 $0xFFFFE000  }
0x347: {  	[hbm4b:s2+s3] =	stream.linear.scatter [tilespmem:s3], [sflag:$0x3], $0x8000, $0x38;
	[tilespmem:$0x10000] =	vst v63  }
0x348: {  	_ =	swait.ge [sflag:s7], $0x8000  }
0x349: {  	s22 =	sld [smem:$0x7EE]  }
0x34a: {  	[sflag:s7] =	ssyncset.done $0x0  }
0x34b: {  	s0 =	simm.s32 $0x8080;
	[sflag:s7] =	ssyncadd.s32 $0xFFFF8000  }
0x34c: {  	[tilespmem:s0], [sflag:$0x2] =	stream.linear.gather [hbm4b:s22+s3], $0x200, $0x38;
	[tilespmem:$0x10000] =	vst v63  }
0x34d: {  	s16 =	simm.s32 $0x8480;
	s11 =	sadd.s32 $0x40, s22  }
0x34e: {  	[tilespmem:s16], [sflag:$0x2] =	stream.linear.gather [hbm4b:s11+s3], $0x200, $0x38;
	[tilespmem:$0x10000] =	vst v63  }
0x34f: {  	s5 =	simm.s32 $0x8880;
	s12 =	sadd.s32 $0x80, s22  }
0x350: {  	[tilespmem:s5], [sflag:$0x2] =	stream.linear.gather [hbm4b:s12+s3], $0x200, $0x38;
	[tilespmem:$0x10000] =	vst v63  }
0x351: {  	s17 =	simm.s32 $0x8C80;
	s13 =	sadd.s32 $0xC0, s22  }
0x352: {  	[tilespmem:s17], [sflag:$0x2] =	stream.linear.gather [hbm4b:s13+s3], $0x200, $0x38;
	[tilespmem:$0x10000] =	vst v63  }
0x353: {  	s2 =	simm.s32 $0xA080;
	s14 =	sadd.s32 $0x100, s22  }
0x354: {  	[tilespmem:s2], [sflag:$0x2] =	stream.linear.gather [hbm4b:s14+s3], $0x200, $0x38;
	[tilespmem:$0x10000] =	vst v63  }
0x355: {  	s1 =	simm.s32 $0xA480;
	s15 =	sadd.s32 $0x140, s22  }
0x356: {  	[tilespmem:s1], [sflag:$0x2] =	stream.linear.gather [hbm4b:s15+s3], $0x200, $0x38;
	[tilespmem:$0x10000] =	vst v63  }
0x357: {  	s30 =	simm.s32 $0xA880;
	s23 =	sadd.s32 $0x180, s22  }
0x358: {  	[tilespmem:s30], [sflag:$0x2] =	stream.linear.gather [hbm4b:s23+s3], $0x200, $0x38;
	[tilespmem:$0x10000] =	vst v63  }
0x359: {  	s24 =	sadd.s32 $0x1C0, s22;
	s5 =	simm.s32 $0xAC80  }
0x35a: {  	[tilespmem:s5], [sflag:$0x2] =	stream.linear.gather [hbm4b:s24+s3], $0x200, $0x38;
	[tilespmem:$0x10000] =	vst v63  }
0x35b: {  	s11 =	sadd.s32 $0x200, s22;
	s23 =	simm.s32 $0xC080  }
0x35c: {  	[tilespmem:s23], [sflag:$0x2] =	stream.linear.gather [hbm4b:s11+s3], $0x200, $0x38;
	[tilespmem:$0x10000] =	vst v63  }
0x35d: {  	s12 =	sadd.s32 $0x240, s22;
	s11 =	simm.s32 $0xC480  }
0x35e: {  	[tilespmem:s11], [sflag:$0x2] =	stream.linear.gather [hbm4b:s12+s3], $0x200, $0x38;
	[tilespmem:$0x10000] =	vst v63  }
0x35f: {  	s13 =	sadd.s32 $0x280, s22;
	s12 =	simm.s32 $0xC880  }
0x360: {  	[tilespmem:s12], [sflag:$0x2] =	stream.linear.gather [hbm4b:s13+s3], $0x200, $0x38;
	[tilespmem:$0x10000] =	vst v63  }
0x361: {  	s14 =	sadd.s32 $0x2C0, s22  }
0x362: {  	[tilespmem:s19], [sflag:$0x2] =	stream.linear.gather [hbm4b:s14+s3], $0x200, $0x38;
	[tilespmem:$0x10000] =	vst v63  }
0x363: {  	s15 =	sadd.s32 $0x300, s22;
	s13 =	simm.s32 $0xE080  }
0x364: {  	[tilespmem:s13], [sflag:$0x2] =	stream.linear.gather [hbm4b:s15+s3], $0x200, $0x38;
	[tilespmem:$0x10000] =	vst v63  }
0x365: {  	s19 =	sadd.s32 $0x340, s22;
	s14 =	simm.s32 $0xE480  }
0x366: {  	[tilespmem:s14], [sflag:$0x2] =	stream.linear.gather [hbm4b:s19+s3], $0x200, $0x38;
	[tilespmem:$0x10000] =	vst v63  }
0x367: {  	s24 =	sadd.s32 $0x380, s22;
	s15 =	simm.s32 $0xE880  }
0x368: {  	[tilespmem:s15], [sflag:$0x2] =	stream.linear.gather [hbm4b:s24+s3], $0x200, $0x38;
	[tilespmem:$0x10000] =	vst v63  }
0x369: {  	s19 =	sadd.s32 $0x3C0, s22  }
0x36a: {  	[tilespmem:s21], [sflag:$0x2] =	stream.linear.gather [hbm4b:s19+s3], $0x200, $0x38;
	[tilespmem:$0x10000] =	vst v63  }
0x36b: {  	_ =	swait.ge [sflag:s9], $0x2000  }
0x36c: {  	[sflag:s9] =	ssyncset.done $0x0  }
0x36d: {  	s21 =	rddreg [dreg:$0x17];
	[sflag:s9] =	ssyncadd.s32 $0xFFFFE000  }
0x36e: {  	[hbm4b:s21+s3] =	stream.linear.scatter [tilespmem:s4], [sflag:$0x4], $0x8000, $0x38;
	[tilespmem:$0x10000] =	vst v63  }
0x36f: {  	_ =	swait.ge [sflag:s6], $0x8000  }
0x370: {  	s24 =	sld [smem:$0x7EF]  }
0x371: {  	[sflag:s6] =	ssyncset.done $0x0  }
0x372: {  	s29 =	simm.s32 $0x80;
	[sflag:s6] =	ssyncadd.s32 $0xFFFF8000  }
0x373: {  	[tilespmem:s29], [sflag:$0x1] =	stream.linear.gather [hbm4b:s24+s3], $0x200, $0x38;
	[tilespmem:$0x10000] =	vst v63  }
0x374: {  	s22 =	sadd.s32 $0x40, s24;
	s29 =	simm.s32 $0x480  }
0x375: {  	[tilespmem:s29], [sflag:$0x1] =	stream.linear.gather [hbm4b:s22+s3], $0x200, $0x38;
	[tilespmem:$0x10000] =	vst v63  }
0x376: {  	s22 =	sadd.s32 $0x80, s24;
	s29 =	simm.s32 $0x880  }
0x377: {  	[tilespmem:s29], [sflag:$0x1] =	stream.linear.gather [hbm4b:s22+s3], $0x200, $0x38;
	[tilespmem:$0x10000] =	vst v63  }
0x378: {  	s22 =	sadd.s32 $0xC0, s24;
	s29 =	simm.s32 $0xC80  }
0x379: {  	[tilespmem:s29], [sflag:$0x1] =	stream.linear.gather [hbm4b:s22+s3], $0x200, $0x38;
	[tilespmem:$0x10000] =	vst v63  }
0x37a: {  	s22 =	sadd.s32 $0x100, s24;
	s29 =	simm.s32 $0x2080  }
0x37b: {  	[tilespmem:s29], [sflag:$0x1] =	stream.linear.gather [hbm4b:s22+s3], $0x200, $0x38;
	[tilespmem:$0x10000] =	vst v63  }
0x37c: {  	s22 =	sadd.s32 $0x140, s24;
	s29 =	simm.s32 $0x2480  }
0x37d: {  	[tilespmem:s29], [sflag:$0x1] =	stream.linear.gather [hbm4b:s22+s3], $0x200, $0x38;
	[tilespmem:$0x10000] =	vst v63  }
0x37e: {  	s22 =	sadd.s32 $0x180, s24;
	s29 =	simm.s32 $0x2880  }
0x37f: {  	[tilespmem:s29], [sflag:$0x1] =	stream.linear.gather [hbm4b:s22+s3], $0x200, $0x38;
	[tilespmem:$0x10000] =	vst v63  }
0x380: {  	s18 =	simm.s32 $0x2C80;
	s22 =	sadd.s32 $0x1C0, s24  }
0x381: {  	[tilespmem:s18], [sflag:$0x1] =	stream.linear.gather [hbm4b:s22+s3], $0x200, $0x38;
	[tilespmem:$0x10000] =	vst v63  }
0x382: {  	s20 =	simm.s32 $0x4080;
	s29 =	sadd.s32 $0x200, s24  }
0x383: {  	[tilespmem:s20], [sflag:$0x1] =	stream.linear.gather [hbm4b:s29+s3], $0x200, $0x38;
	[tilespmem:$0x10000] =	vst v63  }
0x384: {  	s26 =	simm.s32 $0x4480;
	s18 =	sadd.s32 $0x240, s24  }
0x385: {  	[tilespmem:s26], [sflag:$0x1] =	stream.linear.gather [hbm4b:s18+s3], $0x200, $0x38;
	[tilespmem:$0x10000] =	vst v63  }
0x386: {  	s28 =	simm.s32 $0x4880;
	s20 =	sadd.s32 $0x280, s24  }
0x387: {  	[tilespmem:s28], [sflag:$0x1] =	stream.linear.gather [hbm4b:s20+s3], $0x200, $0x38;
	[tilespmem:$0x10000] =	vst v63  }
0x388: {  	s31 =	simm.s32 $0x4C80;
	s21 =	sadd.s32 $0x2C0, s24  }
0x389: {  	[tilespmem:s31], [sflag:$0x1] =	stream.linear.gather [hbm4b:s21+s3], $0x200, $0x38;
	[tilespmem:$0x10000] =	vst v63  }
0x38a: {  	s22 =	sadd.s32 $0x300, s24;
	s26 =	simm.s32 $0x6080  }
0x38b: {  	[tilespmem:s26], [sflag:$0x1] =	stream.linear.gather [hbm4b:s22+s3], $0x200, $0x38;
	[tilespmem:$0x10000] =	vst v63  }
0x38c: {  	s29 =	simm.s32 $0x6480;
	s28 =	sadd.s32 $0x340, s24  }
0x38d: {  	[tilespmem:s29], [sflag:$0x1] =	stream.linear.gather [hbm4b:s28+s3], $0x200, $0x38;
	[tilespmem:$0x10000] =	vst v63  }
0x38e: {  	s31 =	sadd.s32 $0x380, s24;
	s22 =	simm.s32 $0x6880  }
0x38f: {  	[tilespmem:s22], [sflag:$0x1] =	stream.linear.gather [hbm4b:s31+s3], $0x200, $0x38;
	[tilespmem:$0x10000] =	vst v63  }
0x390: {  	s25 =	simm.s32 $0x6C80;
	s18 =	sadd.s32 $0x3C0, s24  }
0x391: {  	[tilespmem:s25], [sflag:$0x1] =	stream.linear.gather [hbm4b:s18+s3], $0x200, $0x38;
	[tilespmem:$0x10000] =	vst v63  }
0x392: {  	_ =	swait.ge [sflag:s8], $0x2000  }
0x393: {  	[sflag:s8] =	ssyncset.done $0x0  }
0x394: {  	s20 =	rddreg [dreg:$0x18];
	[sflag:s8] =	ssyncadd.s32 $0xFFFFE000  }
0x395: {  	[hbm4b:s20+s3] =	stream.linear.scatter [tilespmem:s3], [sflag:$0x3], $0x8000, $0x38;
	[tilespmem:$0x10000] =	vst v63  }
0x396: {  	_ =	swait.ge [sflag:s7], $0x8000  }
0x397: {  	s24 =	sld [smem:$0x7F0]  }
0x398: {  	[sflag:s7] =	ssyncset.done $0x0  }
0x399: {  	[sflag:s7] =	ssyncadd.s32 $0xFFFF8000  }
0x39a: {  	[tilespmem:s0], [sflag:$0x2] =	stream.linear.gather [hbm4b:s24+s3], $0x200, $0x38;
	[tilespmem:$0x10000] =	vst v63  }
0x39b: {  	s21 =	sadd.s32 $0x40, s24  }
0x39c: {  	[tilespmem:s16], [sflag:$0x2] =	stream.linear.gather [hbm4b:s21+s3], $0x200, $0x38;
	[tilespmem:$0x10000] =	vst v63  }
0x39d: {  	s26 =	simm.s32 $0x8880;
	s25 =	sadd.s32 $0x80, s24  }
0x39e: {  	[tilespmem:s26], [sflag:$0x2] =	stream.linear.gather [hbm4b:s25+s3], $0x200, $0x38;
	[tilespmem:$0x10000] =	vst v63  }
0x39f: {  	s28 =	sadd.s32 $0xC0, s24  }
0x3a0: {  	[tilespmem:s17], [sflag:$0x2] =	stream.linear.gather [hbm4b:s28+s3], $0x200, $0x38;
	[tilespmem:$0x10000] =	vst v63  }
0x3a1: {  	s29 =	sadd.s32 $0x100, s24  }
0x3a2: {  	[tilespmem:s2], [sflag:$0x2] =	stream.linear.gather [hbm4b:s29+s3], $0x200, $0x38;
	[tilespmem:$0x10000] =	vst v63  }
0x3a3: {  	s31 =	sadd.s32 $0x140, s24  }
0x3a4: {  	[tilespmem:s1], [sflag:$0x2] =	stream.linear.gather [hbm4b:s31+s3], $0x200, $0x38;
	[tilespmem:$0x10000] =	vst v63  }
0x3a5: {  	s2 =	sadd.s32 $0x180, s24  }
0x3a6: {  	[tilespmem:s30], [sflag:$0x2] =	stream.linear.gather [hbm4b:s2+s3], $0x200, $0x38;
	[tilespmem:$0x10000] =	vst v63  }
0x3a7: {  	s16 =	sadd.s32 $0x1C0, s24  }
0x3a8: {  	[tilespmem:s5], [sflag:$0x2] =	stream.linear.gather [hbm4b:s16+s3], $0x200, $0x38;
	[tilespmem:$0x10000] =	vst v63  }
0x3a9: {  	s17 =	sadd.s32 $0x200, s24  }
0x3aa: {  	[tilespmem:s23], [sflag:$0x2] =	stream.linear.gather [hbm4b:s17+s3], $0x200, $0x38;
	[tilespmem:$0x10000] =	vst v63  }
0x3ab: {  	s18 =	sadd.s32 $0x240, s24  }
0x3ac: {  	[tilespmem:s11], [sflag:$0x2] =	stream.linear.gather [hbm4b:s18+s3], $0x200, $0x38;
	[tilespmem:$0x10000] =	vst v63  }
0x3ad: {  	s20 =	sadd.s32 $0x280, s24  }
0x3ae: {  	[tilespmem:s12], [sflag:$0x2] =	stream.linear.gather [hbm4b:s20+s3], $0x200, $0x38;
	[tilespmem:$0x10000] =	vst v63  }
0x3af: {  	s21 =	sadd.s32 $0x2C0, s24;
	s23 =	simm.s32 $0xCC80  }
0x3b0: {  	[tilespmem:s23], [sflag:$0x2] =	stream.linear.gather [hbm4b:s21+s3], $0x200, $0x38;
	[tilespmem:$0x10000] =	vst v63  }
0x3b1: {  	s25 =	sadd.s32 $0x300, s24  }
0x3b2: {  	[tilespmem:s13], [sflag:$0x2] =	stream.linear.gather [hbm4b:s25+s3], $0x200, $0x38;
	[tilespmem:$0x10000] =	vst v63  }
0x3b3: {  	s26 =	sadd.s32 $0x340, s24  }
0x3b4: {  	[tilespmem:s14], [sflag:$0x2] =	stream.linear.gather [hbm4b:s26+s3], $0x200, $0x38;
	[tilespmem:$0x10000] =	vst v63  }
0x3b5: {  	s28 =	sadd.s32 $0x380, s24  }
0x3b6: {  	[tilespmem:s15], [sflag:$0x2] =	stream.linear.gather [hbm4b:s28+s3], $0x200, $0x38;
	[tilespmem:$0x10000] =	vst v63  }
0x3b7: {  	s19 =	simm.s32 $0xEC80;
	s11 =	sadd.s32 $0x3C0, s24  }
0x3b8: {  	[tilespmem:s19], [sflag:$0x2] =	stream.linear.gather [hbm4b:s11+s3], $0x200, $0x38;
	[tilespmem:$0x10000] =	vst v63  }
0x3b9: {  	_ =	swait.ge [sflag:s9], $0x2000  }
0x3ba: {  	[sflag:s9] =	ssyncset.done $0x0  }
0x3bb: {  	s4 =	simm.s32 $0x8000;
	s12 =	rddreg [dreg:$0x19];
	[sflag:s9] =	ssyncadd.s32 $0xFFFFE000  }
0x3bc: {  	[hbm4b:s12+s3] =	stream.linear.scatter [tilespmem:s4], [sflag:$0x4], $0x8000, $0x38;
	[tilespmem:$0x10000] =	vst v63  }
0x3bd: {  	_ =	swait.ge [sflag:s6], $0x8000  }
0x3be: {  	s28 =	sld [smem:$0x7F1]  }
0x3bf: {  	[sflag:s6] =	ssyncset.done $0x0  }
0x3c0: {  	s20 =	simm.s32 $0x80;
	[sflag:s6] =	ssyncadd.s32 $0xFFFF8000  }
0x3c1: {  	[tilespmem:s20], [sflag:$0x1] =	stream.linear.gather [hbm4b:s28+s3], $0x200, $0x38;
	[tilespmem:$0x10000] =	vst v63  }
0x3c2: {  	s25 =	simm.s32 $0x480;
	s13 =	sadd.s32 $0x40, s28  }
0x3c3: {  	[tilespmem:s25], [sflag:$0x1] =	stream.linear.gather [hbm4b:s13+s3], $0x200, $0x38;
	[tilespmem:$0x10000] =	vst v63  }
0x3c4: {  	s11 =	simm.s32 $0x880;
	s14 =	sadd.s32 $0x80, s28  }
0x3c5: {  	[tilespmem:s11], [sflag:$0x1] =	stream.linear.gather [hbm4b:s14+s3], $0x200, $0x38;
	[tilespmem:$0x10000] =	vst v63  }
0x3c6: {  	s12 =	simm.s32 $0xC80;
	s15 =	sadd.s32 $0xC0, s28  }
0x3c7: {  	[tilespmem:s12], [sflag:$0x1] =	stream.linear.gather [hbm4b:s15+s3], $0x200, $0x38;
	[tilespmem:$0x10000] =	vst v63  }
0x3c8: {  	s16 =	sadd.s32 $0x100, s28;
	s13 =	simm.s32 $0x2080  }
0x3c9: {  	[tilespmem:s13], [sflag:$0x1] =	stream.linear.gather [hbm4b:s16+s3], $0x200, $0x38;
	[tilespmem:$0x10000] =	vst v63  }
0x3ca: {  	s17 =	sadd.s32 $0x140, s28;
	s14 =	simm.s32 $0x2480  }
0x3cb: {  	[tilespmem:s14], [sflag:$0x1] =	stream.linear.gather [hbm4b:s17+s3], $0x200, $0x38;
	[tilespmem:$0x10000] =	vst v63  }
0x3cc: {  	s18 =	sadd.s32 $0x180, s28;
	s15 =	simm.s32 $0x2880  }
0x3cd: {  	[tilespmem:s15], [sflag:$0x1] =	stream.linear.gather [hbm4b:s18+s3], $0x200, $0x38;
	[tilespmem:$0x10000] =	vst v63  }
0x3ce: {  	s19 =	sadd.s32 $0x1C0, s28;
	s16 =	simm.s32 $0x2C80  }
0x3cf: {  	[tilespmem:s16], [sflag:$0x1] =	stream.linear.gather [hbm4b:s19+s3], $0x200, $0x38;
	[tilespmem:$0x10000] =	vst v63  }
0x3d0: {  	s21 =	sadd.s32 $0x200, s28;
	s17 =	simm.s32 $0x4080  }
0x3d1: {  	[tilespmem:s17], [sflag:$0x1] =	stream.linear.gather [hbm4b:s21+s3], $0x200, $0x38;
	[tilespmem:$0x10000] =	vst v63  }
0x3d2: {  	s24 =	sadd.s32 $0x240, s28;
	s18 =	simm.s32 $0x4480  }
0x3d3: {  	[tilespmem:s18], [sflag:$0x1] =	stream.linear.gather [hbm4b:s24+s3], $0x200, $0x38;
	[tilespmem:$0x10000] =	vst v63  }
0x3d4: {  	s26 =	sadd.s32 $0x280, s28;
	s19 =	simm.s32 $0x4880  }
0x3d5: {  	[tilespmem:s19], [sflag:$0x1] =	stream.linear.gather [hbm4b:s26+s3], $0x200, $0x38;
	[tilespmem:$0x10000] =	vst v63  }
0x3d6: {  	s4 =	sadd.s32 $0x2C0, s28;
	s21 =	simm.s32 $0x4C80  }
0x3d7: {  	[tilespmem:s21], [sflag:$0x1] =	stream.linear.gather [hbm4b:s4+s3], $0x200, $0x38;
	[tilespmem:$0x10000] =	vst v63  }
0x3d8: {  	s24 =	sadd.s32 $0x300, s28;
	s26 =	simm.s32 $0x6080  }
0x3d9: {  	[tilespmem:s26], [sflag:$0x1] =	stream.linear.gather [hbm4b:s24+s3], $0x200, $0x38;
	[tilespmem:$0x10000] =	vst v63  }
0x3da: {  	s4 =	sadd.s32 $0x340, s28;
	s24 =	simm.s32 $0x6480  }
0x3db: {  	[tilespmem:s24], [sflag:$0x1] =	stream.linear.gather [hbm4b:s4+s3], $0x200, $0x38;
	[tilespmem:$0x10000] =	vst v63  }
0x3dc: {  	s4 =	sadd.s32 $0x380, s28  }
0x3dd: {  	[tilespmem:s22], [sflag:$0x1] =	stream.linear.gather [hbm4b:s4+s3], $0x200, $0x38;
	[tilespmem:$0x10000] =	vst v63  }
0x3de: {  	s4 =	sadd.s32 $0x3C0, s28;
	s28 =	simm.s32 $0x6C80  }
0x3df: {  	[tilespmem:s28], [sflag:$0x1] =	stream.linear.gather [hbm4b:s4+s3], $0x200, $0x38;
	[tilespmem:$0x10000] =	vst v63  }
0x3e0: {  	_ =	swait.ge [sflag:s8], $0x2000  }
0x3e1: {  	[sflag:s8] =	ssyncset.done $0x0  }
0x3e2: {  	s22 =	rddreg [dreg:$0x1a];
	[sflag:s8] =	ssyncadd.s32 $0xFFFFE000  }
0x3e3: {  	[hbm4b:s22+s3] =	stream.linear.scatter [tilespmem:s3], [sflag:$0x3], $0x8000, $0x38;
	[tilespmem:$0x10000] =	vst v63  }
0x3e4: {  	_ =	swait.ge [sflag:s7], $0x8000  }
0x3e5: {  	s22 =	sld [smem:$0x7F2]  }
0x3e6: {  	[sflag:s7] =	ssyncset.done $0x0  }
0x3e7: {  	s0 =	simm.s32 $0x8080;
	[sflag:s7] =	ssyncadd.s32 $0xFFFF8000  }
0x3e8: {  	[tilespmem:s0], [sflag:$0x2] =	stream.linear.gather [hbm4b:s22+s3], $0x200, $0x38;
	[tilespmem:$0x10000] =	vst v63  }
0x3e9: {  	s4 =	simm.s32 $0x8480;
	s0 =	sadd.s32 $0x40, s22  }
0x3ea: {  	[tilespmem:s4], [sflag:$0x2] =	stream.linear.gather [hbm4b:s0+s3], $0x200, $0x38;
	[tilespmem:$0x10000] =	vst v63  }
0x3eb: {  	s0 =	sadd.s32 $0x80, s22;
	s4 =	simm.s32 $0x8880  }
0x3ec: {  	[tilespmem:s4], [sflag:$0x2] =	stream.linear.gather [hbm4b:s0+s3], $0x200, $0x38;
	[tilespmem:$0x10000] =	vst v63  }
0x3ed: {  	s0 =	sadd.s32 $0xC0, s22;
	s4 =	simm.s32 $0x8C80  }
0x3ee: {  	[tilespmem:s4], [sflag:$0x2] =	stream.linear.gather [hbm4b:s0+s3], $0x200, $0x38;
	[tilespmem:$0x10000] =	vst v63  }
0x3ef: {  	s29 =	simm.s32 $0xA080;
	s0 =	sadd.s32 $0x100, s22  }
0x3f0: {  	[tilespmem:s29], [sflag:$0x2] =	stream.linear.gather [hbm4b:s0+s3], $0x200, $0x38;
	[tilespmem:$0x10000] =	vst v63  }
0x3f1: {  	s4 =	sadd.s32 $0x140, s22;
	s29 =	simm.s32 $0xA480  }
0x3f2: {  	[tilespmem:s29], [sflag:$0x2] =	stream.linear.gather [hbm4b:s4+s3], $0x200, $0x38;
	[tilespmem:$0x10000] =	vst v63  }
0x3f3: {  	s1 =	simm.s32 $0xA880;
	s0 =	sadd.s32 $0x180, s22  }
0x3f4: {  	[tilespmem:s1], [sflag:$0x2] =	stream.linear.gather [hbm4b:s0+s3], $0x200, $0x38;
	[tilespmem:$0x10000] =	vst v63  }
0x3f5: {  	s5 =	simm.s32 $0xAC80;
	s1 =	sadd.s32 $0x1C0, s22  }
0x3f6: {  	[tilespmem:s5], [sflag:$0x2] =	stream.linear.gather [hbm4b:s1+s3], $0x200, $0x38;
	[tilespmem:$0x10000] =	vst v63  }
0x3f7: {  	s4 =	sadd.s32 $0x200, s22;
	s5 =	simm.s32 $0xC080  }
0x3f8: {  	[tilespmem:s5], [sflag:$0x2] =	stream.linear.gather [hbm4b:s4+s3], $0x200, $0x38;
	[tilespmem:$0x10000] =	vst v63  }
0x3f9: {  	s30 =	simm.s32 $0xC480;
	s29 =	sadd.s32 $0x240, s22  }
0x3fa: {  	[tilespmem:s30], [sflag:$0x2] =	stream.linear.gather [hbm4b:s29+s3], $0x200, $0x38;
	[tilespmem:$0x10000] =	vst v63  }
0x3fb: {  	s2 =	simm.s32 $0xC880;
	s30 =	sadd.s32 $0x280, s22  }
0x3fc: {  	[tilespmem:s2], [sflag:$0x2] =	stream.linear.gather [hbm4b:s30+s3], $0x200, $0x38;
	[tilespmem:$0x10000] =	vst v63  }
0x3fd: {  	s0 =	sadd.s32 $0x2C0, s22;
	s1 =	simm.s32 $0xCC80  }
0x3fe: {  	[tilespmem:s1], [sflag:$0x2] =	stream.linear.gather [hbm4b:s0+s3], $0x200, $0x38;
	[tilespmem:$0x10000] =	vst v63  }
0x3ff: {  	s23 =	simm.s32 $0xE080;
	s2 =	sadd.s32 $0x300, s22  }
0x400: {  	[tilespmem:s23], [sflag:$0x2] =	stream.linear.gather [hbm4b:s2+s3], $0x200, $0x38;
	[tilespmem:$0x10000] =	vst v63  }
0x401: {  	s31 =	simm.s32 $0xE480;
	s4 =	sadd.s32 $0x340, s22  }
0x402: {  	[tilespmem:s31], [sflag:$0x2] =	stream.linear.gather [hbm4b:s4+s3], $0x200, $0x38;
	[tilespmem:$0x10000] =	vst v63  }
0x403: {  	s5 =	sadd.s32 $0x380, s22;
	s23 =	simm.s32 $0xE880  }
0x404: {  	[tilespmem:s23], [sflag:$0x2] =	stream.linear.gather [hbm4b:s5+s3], $0x200, $0x38;
	[tilespmem:$0x10000] =	vst v63  }
0x405: {  	s29 =	sadd.s32 $0x3C0, s22;
	s1 =	simm.s32 $0xEC80  }
0x406: {  	[tilespmem:s1], [sflag:$0x2] =	stream.linear.gather [hbm4b:s29+s3], $0x200, $0x38;
	[tilespmem:$0x10000] =	vst v63  }
0x407: {  	_ =	swait.ge [sflag:s9], $0x2000  }
0x408: {  	[sflag:s9] =	ssyncset.done $0x0  }
0x409: {  	s23 =	simm.s32 $0x8000;
	s30 =	rddreg [dreg:$0x1b];
	[sflag:s9] =	ssyncadd.s32 $0xFFFFE000  }
0x40a: {  	[hbm4b:s30+s3] =	stream.linear.scatter [tilespmem:s23], [sflag:$0x4], $0x8000, $0x38;
	[tilespmem:$0x10000] =	vst v63  }
0x40b: {  	_ =	swait.ge [sflag:s6], $0x8000  }
0x40c: {  	s31 =	sld [smem:$0x7F3]  }
0x40d: {  	[sflag:s6] =	ssyncset.done $0x0  }
0x40e: {  	[sflag:s6] =	ssyncadd.s32 $0xFFFF8000  }
0x40f: {  	[tilespmem:s20], [sflag:$0x1] =	stream.linear.gather [hbm4b:s31+s3], $0x200, $0x38;
	[tilespmem:$0x10000] =	vst v63  }
0x410: {  	s2 =	sadd.s32 $0x40, s31  }
0x411: {  	[tilespmem:s25], [sflag:$0x1] =	stream.linear.gather [hbm4b:s2+s3], $0x200, $0x38;
	[tilespmem:$0x10000] =	vst v63  }
0x412: {  	s4 =	sadd.s32 $0x80, s31  }
0x413: {  	[tilespmem:s11], [sflag:$0x1] =	stream.linear.gather [hbm4b:s4+s3], $0x200, $0x38;
	[tilespmem:$0x10000] =	vst v63  }
0x414: {  	s5 =	sadd.s32 $0xC0, s31  }
0x415: {  	[tilespmem:s12], [sflag:$0x1] =	stream.linear.gather [hbm4b:s5+s3], $0x200, $0x38;
	[tilespmem:$0x10000] =	vst v63  }
0x416: {  	s11 =	sadd.s32 $0x100, s31  }
0x417: {  	[tilespmem:s13], [sflag:$0x1] =	stream.linear.gather [hbm4b:s11+s3], $0x200, $0x38;
	[tilespmem:$0x10000] =	vst v63  }
0x418: {  	s12 =	sadd.s32 $0x140, s31  }
0x419: {  	[tilespmem:s14], [sflag:$0x1] =	stream.linear.gather [hbm4b:s12+s3], $0x200, $0x38;
	[tilespmem:$0x10000] =	vst v63  }
0x41a: {  	s13 =	sadd.s32 $0x180, s31  }
0x41b: {  	[tilespmem:s15], [sflag:$0x1] =	stream.linear.gather [hbm4b:s13+s3], $0x200, $0x38;
	[tilespmem:$0x10000] =	vst v63  }
0x41c: {  	s14 =	sadd.s32 $0x1C0, s31  }
0x41d: {  	[tilespmem:s16], [sflag:$0x1] =	stream.linear.gather [hbm4b:s14+s3], $0x200, $0x38;
	[tilespmem:$0x10000] =	vst v63  }
0x41e: {  	s15 =	sadd.s32 $0x200, s31  }
0x41f: {  	[tilespmem:s17], [sflag:$0x1] =	stream.linear.gather [hbm4b:s15+s3], $0x200, $0x38;
	[tilespmem:$0x10000] =	vst v63  }
0x420: {  	s16 =	sadd.s32 $0x240, s31  }
0x421: {  	[tilespmem:s18], [sflag:$0x1] =	stream.linear.gather [hbm4b:s16+s3], $0x200, $0x38;
	[tilespmem:$0x10000] =	vst v63  }
0x422: {  	s17 =	sadd.s32 $0x280, s31  }
0x423: {  	[tilespmem:s19], [sflag:$0x1] =	stream.linear.gather [hbm4b:s17+s3], $0x200, $0x38;
	[tilespmem:$0x10000] =	vst v63  }
0x424: {  	s18 =	sadd.s32 $0x2C0, s31  }
0x425: {  	[tilespmem:s21], [sflag:$0x1] =	stream.linear.gather [hbm4b:s18+s3], $0x200, $0x38;
	[tilespmem:$0x10000] =	vst v63  }
0x426: {  	s19 =	sadd.s32 $0x300, s31  }
0x427: {  	[tilespmem:s26], [sflag:$0x1] =	stream.linear.gather [hbm4b:s19+s3], $0x200, $0x38;
	[tilespmem:$0x10000] =	vst v63  }
0x428: {  	s20 =	sadd.s32 $0x340, s31  }
0x429: {  	[tilespmem:s24], [sflag:$0x1] =	stream.linear.gather [hbm4b:s20+s3], $0x200, $0x38;
	[tilespmem:$0x10000] =	vst v63  }
0x42a: {  	s5 =	simm.s32 $0x6880;
	s21 =	sadd.s32 $0x380, s31  }
0x42b: {  	[tilespmem:s5], [sflag:$0x1] =	stream.linear.gather [hbm4b:s21+s3], $0x200, $0x38;
	[tilespmem:$0x10000] =	vst v63  }
0x42c: {  	s29 =	sadd.s32 $0x3C0, s31  }
0x42d: {  	[tilespmem:s28], [sflag:$0x1] =	stream.linear.gather [hbm4b:s29+s3], $0x200, $0x38;
	[tilespmem:$0x10000] =	vst v63  }
0x42e: {  	_ =	swait.ge [sflag:s8], $0x2000  }
0x42f: {  	[sflag:s8] =	ssyncset.done $0x0  }
0x430: {  	s30 =	rddreg [dreg:$0x1c];
	[sflag:s8] =	ssyncadd.s32 $0xFFFFE000  }
0x431: {  	[hbm4b:s30+s3] =	stream.linear.scatter [tilespmem:s3], [sflag:$0x3], $0x8000, $0x38;
	[tilespmem:$0x10000] =	vst v63  }
0x432: {  	_ =	swait.ge [sflag:s7], $0x8000  }
0x433: {  	s29 =	sld [smem:$0x7F4]  }
0x434: {  	[sflag:s7] =	ssyncset.done $0x0  }
0x435: {  	s20 =	simm.s32 $0x8080;
	[sflag:s7] =	ssyncadd.s32 $0xFFFF8000  }
0x436: {  	[tilespmem:s20], [sflag:$0x2] =	stream.linear.gather [hbm4b:s29+s3], $0x200, $0x38;
	[tilespmem:$0x10000] =	vst v63  }
0x437: {  	s11 =	simm.s32 $0x8480;
	s31 =	sadd.s32 $0x40, s29  }
0x438: {  	[tilespmem:s11], [sflag:$0x2] =	stream.linear.gather [hbm4b:s31+s3], $0x200, $0x38;
	[tilespmem:$0x10000] =	vst v63  }
0x439: {  	s21 =	simm.s32 $0x8880;
	s12 =	sadd.s32 $0x80, s29  }
0x43a: {  	[tilespmem:s21], [sflag:$0x2] =	stream.linear.gather [hbm4b:s12+s3], $0x200, $0x38;
	[tilespmem:$0x10000] =	vst v63  }
0x43b: {  	s13 =	sadd.s32 $0xC0, s29;
	s12 =	simm.s32 $0x8C80  }
0x43c: {  	[tilespmem:s12], [sflag:$0x2] =	stream.linear.gather [hbm4b:s13+s3], $0x200, $0x38;
	[tilespmem:$0x10000] =	vst v63  }
0x43d: {  	s14 =	sadd.s32 $0x100, s29;
	s13 =	simm.s32 $0xA080  }
0x43e: {  	[tilespmem:s13], [sflag:$0x2] =	stream.linear.gather [hbm4b:s14+s3], $0x200, $0x38;
	[tilespmem:$0x10000] =	vst v63  }
0x43f: {  	s16 =	simm.s32 $0xA480;
	s15 =	sadd.s32 $0x140, s29  }
0x440: {  	[tilespmem:s16], [sflag:$0x2] =	stream.linear.gather [hbm4b:s15+s3], $0x200, $0x38;
	[tilespmem:$0x10000] =	vst v63  }
0x441: {  	s17 =	sadd.s32 $0x180, s29;
	s14 =	simm.s32 $0xA880  }
0x442: {  	[tilespmem:s14], [sflag:$0x2] =	stream.linear.gather [hbm4b:s17+s3], $0x200, $0x38;
	[tilespmem:$0x10000] =	vst v63  }
0x443: {  	s18 =	sadd.s32 $0x1C0, s29;
	s15 =	simm.s32 $0xAC80  }
0x444: {  	[tilespmem:s15], [sflag:$0x2] =	stream.linear.gather [hbm4b:s18+s3], $0x200, $0x38;
	[tilespmem:$0x10000] =	vst v63  }
0x445: {  	s30 =	simm.s32 $0xC080;
	s19 =	sadd.s32 $0x200, s29  }
0x446: {  	[tilespmem:s30], [sflag:$0x2] =	stream.linear.gather [hbm4b:s19+s3], $0x200, $0x38;
	[tilespmem:$0x10000] =	vst v63  }
0x447: {  	s28 =	sadd.s32 $0x240, s29;
	s16 =	simm.s32 $0xC480  }
0x448: {  	[tilespmem:s16], [sflag:$0x2] =	stream.linear.gather [hbm4b:s28+s3], $0x200, $0x38;
	[tilespmem:$0x10000] =	vst v63  }
0x449: {  	s31 =	sadd.s32 $0x280, s29;
	s17 =	simm.s32 $0xC880  }
0x44a: {  	[tilespmem:s17], [sflag:$0x2] =	stream.linear.gather [hbm4b:s31+s3], $0x200, $0x38;
	[tilespmem:$0x10000] =	vst v63  }
0x44b: {  	s18 =	sadd.s32 $0x2C0, s29;
	s31 =	simm.s32 $0xCC80  }
0x44c: {  	[tilespmem:s31], [sflag:$0x2] =	stream.linear.gather [hbm4b:s18+s3], $0x200, $0x38;
	[tilespmem:$0x10000] =	vst v63  }
0x44d: {  	s19 =	sadd.s32 $0x300, s29;
	s18 =	simm.s32 $0xE080  }
0x44e: {  	[tilespmem:s18], [sflag:$0x2] =	stream.linear.gather [hbm4b:s19+s3], $0x200, $0x38;
	[tilespmem:$0x10000] =	vst v63  }
0x44f: {  	s28 =	sadd.s32 $0x340, s29;
	s19 =	simm.s32 $0xE480  }
0x450: {  	[tilespmem:s19], [sflag:$0x2] =	stream.linear.gather [hbm4b:s28+s3], $0x200, $0x38;
	[tilespmem:$0x10000] =	vst v63  }
0x451: {  	s10 =	sadd.s32 $0x380, s29;
	s28 =	simm.s32 $0xE880  }
0x452: {  	[tilespmem:s28], [sflag:$0x2] =	stream.linear.gather [hbm4b:s10+s3], $0x200, $0x38;
	[tilespmem:$0x10000] =	vst v63  }
0x453: {  	s29 =	sadd.s32 $0x3C0, s29  }
0x454: {  	[tilespmem:s1], [sflag:$0x2] =	stream.linear.gather [hbm4b:s29+s3], $0x200, $0x38;
	[tilespmem:$0x10000] =	vst v63  }
0x455: {  	_ =	swait.ge [sflag:s9], $0x2000  }
0x456: {  	[sflag:s9] =	ssyncset.done $0x0  }
0x457: {  	s1 =	rddreg [dreg:$0x1d];
	[sflag:s9] =	ssyncadd.s32 $0xFFFFE000  }
0x458: {  	[hbm4b:s1+s3] =	stream.linear.scatter [tilespmem:s23], [sflag:$0x4], $0x8000, $0x38;
	[tilespmem:$0x10000] =	vst v63  }
0x459: {  	_ =	swait.ge [sflag:s6], $0x8000  }
0x45a: {  	s29 =	sld [smem:$0x7F5]  }
0x45b: {  	[sflag:s6] =	ssyncset.done $0x0  }
0x45c: {  	s23 =	simm.s32 $0x80;
	[sflag:s6] =	ssyncadd.s32 $0xFFFF8000  }
0x45d: {  	[tilespmem:s23], [sflag:$0x1] =	stream.linear.gather [hbm4b:s29+s3], $0x200, $0x38;
	[tilespmem:$0x10000] =	vst v63  }
0x45e: {  	s1 =	sadd.s32 $0x40, s29;
	s23 =	simm.s32 $0x480  }
0x45f: {  	[tilespmem:s23], [sflag:$0x1] =	stream.linear.gather [hbm4b:s1+s3], $0x200, $0x38;
	[tilespmem:$0x10000] =	vst v63  }
0x460: {  	s4 =	simm.s32 $0x880;
	s23 =	sadd.s32 $0x80, s29  }
0x461: {  	[tilespmem:s4], [sflag:$0x1] =	stream.linear.gather [hbm4b:s23+s3], $0x200, $0x38;
	[tilespmem:$0x10000] =	vst v63  }
0x462: {  	s22 =	simm.s32 $0xC80;
	s1 =	sadd.s32 $0xC0, s29  }
0x463: {  	[tilespmem:s22], [sflag:$0x1] =	stream.linear.gather [hbm4b:s1+s3], $0x200, $0x38;
	[tilespmem:$0x10000] =	vst v63  }
0x464: {  	s0 =	simm.s32 $0x2080;
	s4 =	sadd.s32 $0x100, s29  }
0x465: {  	[tilespmem:s0], [sflag:$0x1] =	stream.linear.gather [hbm4b:s4+s3], $0x200, $0x38;
	[tilespmem:$0x10000] =	vst v63  }
0x466: {  	s2 =	simm.s32 $0x2480;
	s0 =	sadd.s32 $0x140, s29  }
0x467: {  	[tilespmem:s2], [sflag:$0x1] =	stream.linear.gather [hbm4b:s0+s3], $0x200, $0x38;
	[tilespmem:$0x10000] =	vst v63  }
0x468: {  	s25 =	simm.s32 $0x2880;
	s1 =	sadd.s32 $0x180, s29  }
0x469: {  	[tilespmem:s25], [sflag:$0x1] =	stream.linear.gather [hbm4b:s1+s3], $0x200, $0x38;
	[tilespmem:$0x10000] =	vst v63  }
0x46a: {  	s2 =	sadd.s32 $0x1C0, s29;
	s25 =	simm.s32 $0x2C80  }
0x46b: {  	[tilespmem:s25], [sflag:$0x1] =	stream.linear.gather [hbm4b:s2+s3], $0x200, $0x38;
	[tilespmem:$0x10000] =	vst v63  }
0x46c: {  	s0 =	sadd.s32 $0x200, s29;
	s1 =	simm.s32 $0x4080  }
0x46d: {  	[tilespmem:s1], [sflag:$0x1] =	stream.linear.gather [hbm4b:s0+s3], $0x200, $0x38;
	[tilespmem:$0x10000] =	vst v63  }
0x46e: {  	s2 =	sadd.s32 $0x240, s29;
	s25 =	simm.s32 $0x4480  }
0x46f: {  	[tilespmem:s25], [sflag:$0x1] =	stream.linear.gather [hbm4b:s2+s3], $0x200, $0x38;
	[tilespmem:$0x10000] =	vst v63  }
0x470: {  	s0 =	sadd.s32 $0x280, s29;
	s1 =	simm.s32 $0x4880  }
0x471: {  	[tilespmem:s1], [sflag:$0x1] =	stream.linear.gather [hbm4b:s0+s3], $0x200, $0x38;
	[tilespmem:$0x10000] =	vst v63  }
0x472: {  	s2 =	sadd.s32 $0x2C0, s29;
	s25 =	simm.s32 $0x4C80  }
0x473: {  	[tilespmem:s25], [sflag:$0x1] =	stream.linear.gather [hbm4b:s2+s3], $0x200, $0x38;
	[tilespmem:$0x10000] =	vst v63  }
0x474: {  	s26 =	simm.s32 $0x6080;
	s0 =	sadd.s32 $0x300, s29  }
0x475: {  	[tilespmem:s26], [sflag:$0x1] =	stream.linear.gather [hbm4b:s0+s3], $0x200, $0x38;
	[tilespmem:$0x10000] =	vst v63  }
0x476: {  	s24 =	simm.s32 $0x6480;
	s1 =	sadd.s32 $0x340, s29  }
0x477: {  	[tilespmem:s24], [sflag:$0x1] =	stream.linear.gather [hbm4b:s1+s3], $0x200, $0x38;
	[tilespmem:$0x10000] =	vst v63  }
0x478: {  	s2 =	sadd.s32 $0x380, s29  }
0x479: {  	[tilespmem:s5], [sflag:$0x1] =	stream.linear.gather [hbm4b:s2+s3], $0x200, $0x38;
	[tilespmem:$0x10000] =	vst v63  }
0x47a: {  	s24 =	simm.s32 $0x6C80;
	s5 =	sadd.s32 $0x3C0, s29  }
0x47b: {  	[tilespmem:s24], [sflag:$0x1] =	stream.linear.gather [hbm4b:s5+s3], $0x200, $0x38;
	[tilespmem:$0x10000] =	vst v63  }
0x47c: {  	_ =	swait.ge [sflag:s8], $0x2000  }
0x47d: {  	[sflag:s8] =	ssyncset.done $0x0  }
0x47e: {  	s25 =	rddreg [dreg:$0x1e];
	[sflag:s8] =	ssyncadd.s32 $0xFFFFE000  }
0x47f: {  	[hbm4b:s25+s3] =	stream.linear.scatter [tilespmem:s3], [sflag:$0x3], $0x8000, $0x38;
	[tilespmem:$0x10000] =	vst v63  }
0x480: {  	_ =	swait.ge [sflag:s7], $0x8000  }
0x481: {  	s1 =	sld [smem:$0x7F7]  }
0x482: {  	[sflag:s7] =	ssyncset.done $0x0  }
0x483: {  	[sflag:s7] =	ssyncadd.s32 $0xFFFF8000  }
0x484: {  	[tilespmem:s20], [sflag:$0x2] =	stream.linear.gather [hbm4b:s1+s3], $0x200, $0x38;
	[tilespmem:$0x10000] =	vst v63  }
0x485: {  	s26 =	sadd.s32 $0x40, s1  }
0x486: {  	[tilespmem:s11], [sflag:$0x2] =	stream.linear.gather [hbm4b:s26+s3], $0x200, $0x38;
	[tilespmem:$0x10000] =	vst v63  }
0x487: {  	s29 =	sadd.s32 $0x80, s1  }
0x488: {  	[tilespmem:s21], [sflag:$0x2] =	stream.linear.gather [hbm4b:s29+s3], $0x200, $0x38;
	[tilespmem:$0x10000] =	vst v63  }
0x489: {  	s0 =	sadd.s32 $0xC0, s1  }
0x48a: {  	[tilespmem:s12], [sflag:$0x2] =	stream.linear.gather [hbm4b:s0+s3], $0x200, $0x38;
	[tilespmem:$0x10000] =	vst v63  }
0x48b: {  	s2 =	sadd.s32 $0x100, s1  }
0x48c: {  	[tilespmem:s13], [sflag:$0x2] =	stream.linear.gather [hbm4b:s2+s3], $0x200, $0x38;
	[tilespmem:$0x10000] =	vst v63  }
0x48d: {  	s5 =	sadd.s32 $0x140, s1;
	s29 =	simm.s32 $0xA480  }
0x48e: {  	[tilespmem:s29], [sflag:$0x2] =	stream.linear.gather [hbm4b:s5+s3], $0x200, $0x38;
	[tilespmem:$0x10000] =	vst v63  }
0x48f: {  	s11 =	sadd.s32 $0x180, s1  }
0x490: {  	[tilespmem:s14], [sflag:$0x2] =	stream.linear.gather [hbm4b:s11+s3], $0x200, $0x38;
	[tilespmem:$0x10000] =	vst v63  }
0x491: {  	s12 =	sadd.s32 $0x1C0, s1  }
0x492: {  	[tilespmem:s15], [sflag:$0x2] =	stream.linear.gather [hbm4b:s12+s3], $0x200, $0x38;
	[tilespmem:$0x10000] =	vst v63  }
0x493: {  	s13 =	sadd.s32 $0x200, s1  }
0x494: {  	[tilespmem:s30], [sflag:$0x2] =	stream.linear.gather [hbm4b:s13+s3], $0x200, $0x38;
	[tilespmem:$0x10000] =	vst v63  }
0x495: {  	s14 =	sadd.s32 $0x240, s1  }
0x496: {  	[tilespmem:s16], [sflag:$0x2] =	stream.linear.gather [hbm4b:s14+s3], $0x200, $0x38;
	[tilespmem:$0x10000] =	vst v63  }
0x497: {  	s15 =	sadd.s32 $0x280, s1  }
0x498: {  	[tilespmem:s17], [sflag:$0x2] =	stream.linear.gather [hbm4b:s15+s3], $0x200, $0x38;
	[tilespmem:$0x10000] =	vst v63  }
0x499: {  	s16 =	sadd.s32 $0x2C0, s1  }
0x49a: {  	[tilespmem:s31], [sflag:$0x2] =	stream.linear.gather [hbm4b:s16+s3], $0x200, $0x38;
	[tilespmem:$0x10000] =	vst v63  }
0x49b: {  	s17 =	sadd.s32 $0x300, s1  }
0x49c: {  	[tilespmem:s18], [sflag:$0x2] =	stream.linear.gather [hbm4b:s17+s3], $0x200, $0x38;
	[tilespmem:$0x10000] =	vst v63  }
0x49d: {  	s26 =	sadd.s32 $0x340, s1  }
0x49e: {  	[tilespmem:s19], [sflag:$0x2] =	stream.linear.gather [hbm4b:s26+s3], $0x200, $0x38;
	[tilespmem:$0x10000] =	vst v63  }
0x49f: {  	s0 =	sadd.s32 $0x380, s1  }
0x4a0: {  	[tilespmem:s28], [sflag:$0x2] =	stream.linear.gather [hbm4b:s0+s3], $0x200, $0x38;
	[tilespmem:$0x10000] =	vst v63  }
0x4a1: {  	s2 =	simm.s32 $0xEC80;
	s1 =	sadd.s32 $0x3C0, s1  }
0x4a2: {  	[tilespmem:s2], [sflag:$0x2] =	stream.linear.gather [hbm4b:s1+s3], $0x200, $0x38;
	[tilespmem:$0x10000] =	vst v63  }
0x4a3: {  	_ =	swait.ge [sflag:s9], $0x2000  }
0x4a4: {  	[sflag:s9] =	ssyncset.done $0x0  }
0x4a5: {  	s26 =	simm.s32 $0x8000;
	s5 =	rddreg [dreg:$0x1f];
	[sflag:s9] =	ssyncadd.s32 $0xFFFFE000  }
0x4a6: {  	[hbm4b:s5+s3] =	stream.linear.scatter [tilespmem:s26], [sflag:$0x4], $0x8000, $0x38;
	[tilespmem:$0x10000] =	vst v63  }
0x4a7: {  	_ =	swait.ge [sflag:s6], $0x8000  }
0x4a8: {  	s0 =	sld [smem:$0x7F8]  }
0x4a9: {  	[sflag:s6] =	ssyncset.done $0x0  }
0x4aa: {  	s10 =	simm.s32 $0x80;
	[sflag:s6] =	ssyncadd.s32 $0xFFFF8000  }
0x4ab: {  	[tilespmem:s10], [sflag:$0x1] =	stream.linear.gather [hbm4b:s0+s3], $0x200, $0x38;
	[tilespmem:$0x10000] =	vst v63  }
0x4ac: {  	s12 =	simm.s32 $0x480;
	s11 =	sadd.s32 $0x40, s0  }
0x4ad: {  	[tilespmem:s12], [sflag:$0x1] =	stream.linear.gather [hbm4b:s11+s3], $0x200, $0x38;
	[tilespmem:$0x10000] =	vst v63  }
0x4ae: {  	s23 =	simm.s32 $0x880;
	s13 =	sadd.s32 $0x80, s0  }
0x4af: {  	[tilespmem:s23], [sflag:$0x1] =	stream.linear.gather [hbm4b:s13+s3], $0x200, $0x38;
	[tilespmem:$0x10000] =	vst v63  }
0x4b0: {  	s22 =	simm.s32 $0xC80;
	s15 =	sadd.s32 $0xC0, s0  }
0x4b1: {  	[tilespmem:s22], [sflag:$0x1] =	stream.linear.gather [hbm4b:s15+s3], $0x200, $0x38;
	[tilespmem:$0x10000] =	vst v63  }
0x4b2: {  	s1 =	simm.s32 $0x2080;
	s16 =	sadd.s32 $0x100, s0  }
0x4b3: {  	[tilespmem:s1], [sflag:$0x1] =	stream.linear.gather [hbm4b:s16+s3], $0x200, $0x38;
	[tilespmem:$0x10000] =	vst v63  }
0x4b4: {  	s4 =	simm.s32 $0x2480;
	s17 =	sadd.s32 $0x140, s0  }
0x4b5: {  	[tilespmem:s4], [sflag:$0x1] =	stream.linear.gather [hbm4b:s17+s3], $0x200, $0x38;
	[tilespmem:$0x10000] =	vst v63  }
0x4b6: {  	s19 =	simm.s32 $0x2880;
	s18 =	sadd.s32 $0x180, s0  }
0x4b7: {  	[tilespmem:s19], [sflag:$0x1] =	stream.linear.gather [hbm4b:s18+s3], $0x200, $0x38;
	[tilespmem:$0x10000] =	vst v63  }
0x4b8: {  	s23 =	simm.s32 $0x2C80;
	s22 =	sadd.s32 $0x1C0, s0  }
0x4b9: {  	[tilespmem:s23], [sflag:$0x1] =	stream.linear.gather [hbm4b:s22+s3], $0x200, $0x38;
	[tilespmem:$0x10000] =	vst v63  }
0x4ba: {  	s13 =	sadd.s32 $0x200, s0;
	s15 =	simm.s32 $0x4080  }
0x4bb: {  	[tilespmem:s15], [sflag:$0x1] =	stream.linear.gather [hbm4b:s13+s3], $0x200, $0x38;
	[tilespmem:$0x10000] =	vst v63  }
0x4bc: {  	s16 =	sadd.s32 $0x240, s0;
	s17 =	simm.s32 $0x4480  }
0x4bd: {  	[tilespmem:s17], [sflag:$0x1] =	stream.linear.gather [hbm4b:s16+s3], $0x200, $0x38;
	[tilespmem:$0x10000] =	vst v63  }
0x4be: {  	s18 =	sadd.s32 $0x280, s0;
	s19 =	simm.s32 $0x4880  }
0x4bf: {  	[tilespmem:s19], [sflag:$0x1] =	stream.linear.gather [hbm4b:s18+s3], $0x200, $0x38;
	[tilespmem:$0x10000] =	vst v63  }
0x4c0: {  	s22 =	sadd.s32 $0x2C0, s0;
	s23 =	simm.s32 $0x4C80  }
0x4c1: {  	[tilespmem:s23], [sflag:$0x1] =	stream.linear.gather [hbm4b:s22+s3], $0x200, $0x38;
	[tilespmem:$0x10000] =	vst v63  }
0x4c2: {  	s13 =	sadd.s32 $0x300, s0;
	s15 =	simm.s32 $0x6080  }
0x4c3: {  	[tilespmem:s15], [sflag:$0x1] =	stream.linear.gather [hbm4b:s13+s3], $0x200, $0x38;
	[tilespmem:$0x10000] =	vst v63  }
0x4c4: {  	s16 =	sadd.s32 $0x340, s0;
	s17 =	simm.s32 $0x6480  }
0x4c5: {  	[tilespmem:s17], [sflag:$0x1] =	stream.linear.gather [hbm4b:s16+s3], $0x200, $0x38;
	[tilespmem:$0x10000] =	vst v63  }
0x4c6: {  	s18 =	sadd.s32 $0x380, s0;
	s19 =	simm.s32 $0x6880  }
0x4c7: {  	[tilespmem:s19], [sflag:$0x1] =	stream.linear.gather [hbm4b:s18+s3], $0x200, $0x38;
	[tilespmem:$0x10000] =	vst v63  }
0x4c8: {  	s23 =	sadd.s32 $0x3C0, s0  }
0x4c9: {  	[tilespmem:s24], [sflag:$0x1] =	stream.linear.gather [hbm4b:s23+s3], $0x200, $0x38;
	[tilespmem:$0x10000] =	vst v63  }
0x4ca: {  	_ =	swait.ge [sflag:s8], $0x2000  }
0x4cb: {  	s0 =	sld [smem:$0x7D2]  }
0x4cc: {  	[sflag:s8] =	ssyncset.done $0x0  }
0x4cd: {  	[sflag:s8] =	ssyncadd.s32 $0xFFFFE000  }
0x4ce: {  	[hbm4b:s0+s3] =	stream.linear.scatter [tilespmem:s3], [sflag:$0x3], $0x8000, $0x38;
	[tilespmem:$0x10000] =	vst v63  }
0x4cf: {  	_ =	swait.ge [sflag:s7], $0x8000  }
0x4d0: {  	s0 =	sld [smem:$0x7F9]  }
0x4d1: {  	[sflag:s7] =	ssyncset.done $0x0  }
0x4d2: {  	s25 =	simm.s32 $0x8080;
	[sflag:s7] =	ssyncadd.s32 $0xFFFF8000  }
0x4d3: {  	[tilespmem:s25], [sflag:$0x2] =	stream.linear.gather [hbm4b:s0+s3], $0x200, $0x38;
	[tilespmem:$0x10000] =	vst v63  }
0x4d4: {  	s20 =	simm.s32 $0x8480;
	s4 =	sadd.s32 $0x40, s0  }
0x4d5: {  	[tilespmem:s20], [sflag:$0x2] =	stream.linear.gather [hbm4b:s4+s3], $0x200, $0x38;
	[tilespmem:$0x10000] =	vst v63  }
0x4d6: {  	s15 =	simm.s32 $0x8880;
	s13 =	sadd.s32 $0x80, s0  }
0x4d7: {  	[tilespmem:s15], [sflag:$0x2] =	stream.linear.gather [hbm4b:s13+s3], $0x200, $0x38;
	[tilespmem:$0x10000] =	vst v63  }
0x4d8: {  	s21 =	simm.s32 $0x8C80;
	s16 =	sadd.s32 $0xC0, s0  }
0x4d9: {  	[tilespmem:s21], [sflag:$0x2] =	stream.linear.gather [hbm4b:s16+s3], $0x200, $0x38;
	[tilespmem:$0x10000] =	vst v63  }
0x4da: {  	s18 =	simm.s32 $0xA080;
	s17 =	sadd.s32 $0x100, s0  }
0x4db: {  	[tilespmem:s18], [sflag:$0x2] =	stream.linear.gather [hbm4b:s17+s3], $0x200, $0x38;
	[tilespmem:$0x10000] =	vst v63  }
0x4dc: {  	s19 =	sadd.s32 $0x140, s0  }
0x4dd: {  	[tilespmem:s29], [sflag:$0x2] =	stream.linear.gather [hbm4b:s19+s3], $0x200, $0x38;
	[tilespmem:$0x10000] =	vst v63  }
0x4de: {  	s23 =	sadd.s32 $0x180, s0;
	s4 =	simm.s32 $0xA880  }
0x4df: {  	[tilespmem:s4], [sflag:$0x2] =	stream.linear.gather [hbm4b:s23+s3], $0x200, $0x38;
	[tilespmem:$0x10000] =	vst v63  }
0x4e0: {  	s16 =	sadd.s32 $0x1C0, s0;
	s17 =	simm.s32 $0xAC80  }
0x4e1: {  	[tilespmem:s17], [sflag:$0x2] =	stream.linear.gather [hbm4b:s16+s3], $0x200, $0x38;
	[tilespmem:$0x10000] =	vst v63  }
0x4e2: {  	s18 =	sadd.s32 $0x200, s0;
	s19 =	simm.s32 $0xC080  }
0x4e3: {  	[tilespmem:s19], [sflag:$0x2] =	stream.linear.gather [hbm4b:s18+s3], $0x200, $0x38;
	[tilespmem:$0x10000] =	vst v63  }
0x4e4: {  	s30 =	simm.s32 $0xC480;
	s23 =	sadd.s32 $0x240, s0  }
0x4e5: {  	[tilespmem:s30], [sflag:$0x2] =	stream.linear.gather [hbm4b:s23+s3], $0x200, $0x38;
	[tilespmem:$0x10000] =	vst v63  }
0x4e6: {  	s4 =	sadd.s32 $0x280, s0;
	s19 =	simm.s32 $0xC880  }
0x4e7: {  	[tilespmem:s19], [sflag:$0x2] =	stream.linear.gather [hbm4b:s4+s3], $0x200, $0x38;
	[tilespmem:$0x10000] =	vst v63  }
0x4e8: {  	s23 =	sadd.s32 $0x2C0, s0;
	s4 =	simm.s32 $0xCC80  }
0x4e9: {  	[tilespmem:s4], [sflag:$0x2] =	stream.linear.gather [hbm4b:s23+s3], $0x200, $0x38;
	[tilespmem:$0x10000] =	vst v63  }
0x4ea: {  	s31 =	simm.s32 $0xE080;
	s19 =	sadd.s32 $0x300, s0  }
0x4eb: {  	[tilespmem:s31], [sflag:$0x2] =	stream.linear.gather [hbm4b:s19+s3], $0x200, $0x38;
	[tilespmem:$0x10000] =	vst v63  }
0x4ec: {  	s10 =	sadd.s32 $0x340, s0;
	s4 =	simm.s32 $0xE480  }
0x4ed: {  	[tilespmem:s4], [sflag:$0x2] =	stream.linear.gather [hbm4b:s10+s3], $0x200, $0x38;
	[tilespmem:$0x10000] =	vst v63  }
0x4ee: {  	s10 =	sadd.s32 $0x380, s0;
	s4 =	simm.s32 $0xE880  }
0x4ef: {  	[tilespmem:s4], [sflag:$0x2] =	stream.linear.gather [hbm4b:s10+s3], $0x200, $0x38;
	[tilespmem:$0x10000] =	vst v63  }
0x4f0: {  	s0 =	sadd.s32 $0x3C0, s0  }
0x4f1: {  	[tilespmem:s2], [sflag:$0x2] =	stream.linear.gather [hbm4b:s0+s3], $0x200, $0x38;
	[tilespmem:$0x10000] =	vst v63  }
0x4f2: {  	_ =	swait.ge [sflag:s9], $0x2000  }
0x4f3: {  	s0 =	sld [smem:$0x7D4]  }
0x4f4: {  	[sflag:s9] =	ssyncset.done $0x0  }
0x4f5: {  	[sflag:s9] =	ssyncadd.s32 $0xFFFFE000  }
0x4f6: {  	[hbm4b:s0+s3] =	stream.linear.scatter [tilespmem:s26], [sflag:$0x4], $0x8000, $0x38;
	[tilespmem:$0x10000] =	vst v63  }
0x4f7: {  	_ =	swait.ge [sflag:s6], $0x8000  }
0x4f8: {  	s0 =	sld [smem:$0x7FA]  }
0x4f9: {  	[sflag:s6] =	ssyncset.done $0x0  }
0x4fa: {  	s10 =	simm.s32 $0x80;
	[sflag:s6] =	ssyncadd.s32 $0xFFFF8000  }
0x4fb: {  	[tilespmem:s10], [sflag:$0x1] =	stream.linear.gather [hbm4b:s0+s3], $0x200, $0x38;
	[tilespmem:$0x10000] =	vst v63  }
0x4fc: {  	s14 =	simm.s32 $0x480;
	s10 =	sadd.s32 $0x40, s0  }
0x4fd: {  	[tilespmem:s14], [sflag:$0x1] =	stream.linear.gather [hbm4b:s10+s3], $0x200, $0x38;
	[tilespmem:$0x10000] =	vst v63  }
0x4fe: {  	s5 =	simm.s32 $0x880;
	s14 =	sadd.s32 $0x80, s0  }
0x4ff: {  	[tilespmem:s5], [sflag:$0x1] =	stream.linear.gather [hbm4b:s14+s3], $0x200, $0x38;
	[tilespmem:$0x10000] =	vst v63  }
0x500: {  	s11 =	simm.s32 $0xC80;
	s5 =	sadd.s32 $0xC0, s0  }
0x501: {  	[tilespmem:s11], [sflag:$0x1] =	stream.linear.gather [hbm4b:s5+s3], $0x200, $0x38;
	[tilespmem:$0x10000] =	vst v63  }
0x502: {  	s11 =	sadd.s32 $0x100, s0  }
0x503: {  	[tilespmem:s1], [sflag:$0x1] =	stream.linear.gather [hbm4b:s11+s3], $0x200, $0x38;
	[tilespmem:$0x10000] =	vst v63  }
0x504: {  	s28 =	simm.s32 $0x2480;
	s14 =	sadd.s32 $0x140, s0  }
0x505: {  	[tilespmem:s28], [sflag:$0x1] =	stream.linear.gather [hbm4b:s14+s3], $0x200, $0x38;
	[tilespmem:$0x10000] =	vst v63  }
0x506: {  	s12 =	simm.s32 $0x2880;
	s28 =	sadd.s32 $0x180, s0  }
0x507: {  	[tilespmem:s12], [sflag:$0x1] =	stream.linear.gather [hbm4b:s28+s3], $0x200, $0x38;
	[tilespmem:$0x10000] =	vst v63  }
0x508: {  	s5 =	simm.s32 $0x2C80;
	s1 =	sadd.s32 $0x1C0, s0  }
0x509: {  	[tilespmem:s5], [sflag:$0x1] =	stream.linear.gather [hbm4b:s1+s3], $0x200, $0x38;
	[tilespmem:$0x10000] =	vst v63  }
0x50a: {  	s11 =	sadd.s32 $0x200, s0;
	s12 =	simm.s32 $0x4080  }
0x50b: {  	[tilespmem:s12], [sflag:$0x1] =	stream.linear.gather [hbm4b:s11+s3], $0x200, $0x38;
	[tilespmem:$0x10000] =	vst v63  }
0x50c: {  	s14 =	sadd.s32 $0x240, s0;
	s28 =	simm.s32 $0x4480  }
0x50d: {  	[tilespmem:s28], [sflag:$0x1] =	stream.linear.gather [hbm4b:s14+s3], $0x200, $0x38;
	[tilespmem:$0x10000] =	vst v63  }
0x50e: {  	s1 =	sadd.s32 $0x280, s0;
	s5 =	simm.s32 $0x4880  }
0x50f: {  	[tilespmem:s5], [sflag:$0x1] =	stream.linear.gather [hbm4b:s1+s3], $0x200, $0x38;
	[tilespmem:$0x10000] =	vst v63  }
0x510: {  	s11 =	sadd.s32 $0x2C0, s0;
	s12 =	simm.s32 $0x4C80  }
0x511: {  	[tilespmem:s12], [sflag:$0x1] =	stream.linear.gather [hbm4b:s11+s3], $0x200, $0x38;
	[tilespmem:$0x10000] =	vst v63  }
0x512: {  	s14 =	sadd.s32 $0x300, s0;
	s28 =	simm.s32 $0x6080  }
0x513: {  	[tilespmem:s28], [sflag:$0x1] =	stream.linear.gather [hbm4b:s14+s3], $0x200, $0x38;
	[tilespmem:$0x10000] =	vst v63  }
0x514: {  	s5 =	sadd.s32 $0x340, s0;
	s11 =	simm.s32 $0x6480  }
0x515: {  	[tilespmem:s11], [sflag:$0x1] =	stream.linear.gather [hbm4b:s5+s3], $0x200, $0x38;
	[tilespmem:$0x10000] =	vst v63  }
0x516: {  	s12 =	sadd.s32 $0x380, s0;
	s14 =	simm.s32 $0x6880  }
0x517: {  	[tilespmem:s14], [sflag:$0x1] =	stream.linear.gather [hbm4b:s12+s3], $0x200, $0x38;
	[tilespmem:$0x10000] =	vst v63  }
0x518: {  	s24 =	simm.s32 $0x6C80;
	s28 =	sadd.s32 $0x3C0, s0  }
0x519: {  	[tilespmem:s24], [sflag:$0x1] =	stream.linear.gather [hbm4b:s28+s3], $0x200, $0x38;
	[tilespmem:$0x10000] =	vst v63  }
0x51a: {  	_ =	swait.ge [sflag:s8], $0x2000  }
0x51b: {  	s0 =	sld [smem:$0x7D5]  }
0x51c: {  	[sflag:s8] =	ssyncset.done $0x0  }
0x51d: {  	[sflag:s8] =	ssyncadd.s32 $0xFFFFE000  }
0x51e: {  	[hbm4b:s0+s3] =	stream.linear.scatter [tilespmem:s3], [sflag:$0x3], $0x8000, $0x38;
	[tilespmem:$0x10000] =	vst v63  }
0x51f: {  	_ =	swait.ge [sflag:s7], $0x8000  }
0x520: {  	s0 =	sld [smem:$0x7FB]  }
0x521: {  	[sflag:s7] =	ssyncset.done $0x0  }
0x522: {  	s25 =	simm.s32 $0x8080;
	[sflag:s7] =	ssyncadd.s32 $0xFFFF8000  }
0x523: {  	[tilespmem:s25], [sflag:$0x2] =	stream.linear.gather [hbm4b:s0+s3], $0x200, $0x38;
	[tilespmem:$0x10000] =	vst v63  }
0x524: {  	s22 =	simm.s32 $0x8480;
	s1 =	sadd.s32 $0x40, s0  }
0x525: {  	[tilespmem:s22], [sflag:$0x2] =	stream.linear.gather [hbm4b:s1+s3], $0x200, $0x38;
	[tilespmem:$0x10000] =	vst v63  }
0x526: {  	s13 =	simm.s32 $0x8880;
	s5 =	sadd.s32 $0x80, s0  }
0x527: {  	[tilespmem:s13], [sflag:$0x2] =	stream.linear.gather [hbm4b:s5+s3], $0x200, $0x38;
	[tilespmem:$0x10000] =	vst v63  }
0x528: {  	s20 =	simm.s32 $0x8C80;
	s11 =	sadd.s32 $0xC0, s0  }
0x529: {  	[tilespmem:s20], [sflag:$0x2] =	stream.linear.gather [hbm4b:s11+s3], $0x200, $0x38;
	[tilespmem:$0x10000] =	vst v63  }
0x52a: {  	s21 =	simm.s32 $0xA080;
	s12 =	sadd.s32 $0x100, s0  }
0x52b: {  	[tilespmem:s21], [sflag:$0x2] =	stream.linear.gather [hbm4b:s12+s3], $0x200, $0x38;
	[tilespmem:$0x10000] =	vst v63  }
0x52c: {  	s29 =	simm.s32 $0xA480;
	s13 =	sadd.s32 $0x140, s0  }
0x52d: {  	[tilespmem:s29], [sflag:$0x2] =	stream.linear.gather [hbm4b:s13+s3], $0x200, $0x38;
	[tilespmem:$0x10000] =	vst v63  }
0x52e: {  	s15 =	simm.s32 $0xA880;
	s14 =	sadd.s32 $0x180, s0  }
0x52f: {  	[tilespmem:s15], [sflag:$0x2] =	stream.linear.gather [hbm4b:s14+s3], $0x200, $0x38;
	[tilespmem:$0x10000] =	vst v63  }
0x530: {  	s16 =	simm.s32 $0xAC80;
	s15 =	sadd.s32 $0x1C0, s0  }
0x531: {  	[tilespmem:s16], [sflag:$0x2] =	stream.linear.gather [hbm4b:s15+s3], $0x200, $0x38;
	[tilespmem:$0x10000] =	vst v63  }
0x532: {  	s18 =	simm.s32 $0xC080;
	s16 =	sadd.s32 $0x200, s0  }
0x533: {  	[tilespmem:s18], [sflag:$0x2] =	stream.linear.gather [hbm4b:s16+s3], $0x200, $0x38;
	[tilespmem:$0x10000] =	vst v63  }
0x534: {  	s17 =	simm.s32 $0xC480;
	s20 =	sadd.s32 $0x240, s0  }
0x535: {  	[tilespmem:s17], [sflag:$0x2] =	stream.linear.gather [hbm4b:s20+s3], $0x200, $0x38;
	[tilespmem:$0x10000] =	vst v63  }
0x536: {  	s30 =	simm.s32 $0xC880;
	s21 =	sadd.s32 $0x280, s0  }
0x537: {  	[tilespmem:s30], [sflag:$0x2] =	stream.linear.gather [hbm4b:s21+s3], $0x200, $0x38;
	[tilespmem:$0x10000] =	vst v63  }
0x538: {  	s23 =	simm.s32 $0xCC80;
	s22 =	sadd.s32 $0x2C0, s0  }
0x539: {  	[tilespmem:s23], [sflag:$0x2] =	stream.linear.gather [hbm4b:s22+s3], $0x200, $0x38;
	[tilespmem:$0x10000] =	vst v63  }
0x53a: {  	s19 =	simm.s32 $0xE080;
	s24 =	sadd.s32 $0x300, s0  }
0x53b: {  	[tilespmem:s19], [sflag:$0x2] =	stream.linear.gather [hbm4b:s24+s3], $0x200, $0x38;
	[tilespmem:$0x10000] =	vst v63  }
0x53c: {  	s31 =	simm.s32 $0xE480;
	s25 =	sadd.s32 $0x340, s0  }
0x53d: {  	[tilespmem:s31], [sflag:$0x2] =	stream.linear.gather [hbm4b:s25+s3], $0x200, $0x38;
	[tilespmem:$0x10000] =	vst v63  }
0x53e: {  	s28 =	sadd.s32 $0x380, s0  }
0x53f: {  	[tilespmem:s4], [sflag:$0x2] =	stream.linear.gather [hbm4b:s28+s3], $0x200, $0x38;
	[tilespmem:$0x10000] =	vst v63  }
0x540: {  	s2 =	simm.s32 $0xEC80;
	s29 =	sadd.s32 $0x3C0, s0  }
0x541: {  	[tilespmem:s2], [sflag:$0x2] =	stream.linear.gather [hbm4b:s29+s3], $0x200, $0x38;
	[tilespmem:$0x10000] =	vst v63  }
0x542: {  	_ =	swait.ge [sflag:s9], $0x2000  }
0x543: {  	s30 =	sld [smem:$0x7FC]  }
0x544: {  	[sflag:s9] =	ssyncset.done $0x0;
	s31 =	sld [smem:$0x7D1]  }
0x545: {  	s26 =	simm.s32 $0x8000;
	[sflag:s9] =	ssyncadd.s32 $0xFFFFE000  }
0x546: {  	[hbm4b:s30+s3] =	stream.linear.scatter [tilespmem:s26], [sflag:$0x4], $0x8000, $0x38;
	[tilespmem:$0x10000] =	vst v63  }
0x547: {  	p0 =	sne.s32 s31, $0x1;
	_ =	swait.ge [sflag:s6], $0x8000  }
.Ltmp0:
0x548: {  	[sflag:s6] =	ssyncset.done $0x0;
	(pc) =	sbr.rel @p0 .LBB2_1-.Ltmp0, $4  }
0x549: {  	[sflag:s6] =	ssyncadd.s32 $0xFFFF8000  }
0x54a: {  	_ =	swait.ge [sflag:s7], $0x8000  }
0x54b: {  	[sflag:s7] =	ssyncset.done $0x0  }
0x54c: {  	s10 =	sadd.s32 $0xFFFFFFFF, s31;
	[sflag:s7] =	ssyncadd.s32 $0xFFFF8000  }
0x54d: {  	_ =	sfence.sel $0x180000  }
0x54e: {  	[bflag:$0x0] =	sbarrier.arrive $0xFFFF  }
0x54f: {  	_ =	strace $0x90000047  }
0x550: {  	s0 =	stileid.u32;
	[bflag:$0x2] =	sbarrier.arrive $0xFFFF  }
0x551: {  	p0 =	sne.s32 s0, $0x0;
	s0 =	rddreg [dreg:$0x3]  }
0x552: {  	s0 =	sadd.s32 @!p0 $0x100000, s0  }
0x553: {  	[sflag:s0] =	ssyncadd.tile.s32 @!p0 $0x1;
	_ =	shalt  }
.Lfunc_end2:
_tile_overlayer_lowered:
.L_overlay_start_2:
0x554: {  	(tag) =	ssettag $0x2  }
0x555: {  	s0 =	rddreg [dreg:$0x0];
	s2 =	stileid.u32  }
0x556: {  	s1 =	rddreg [dreg:$0x1];
	p0 =	sne.s32 s2, $0x0  }
0x557: {  	s3 =	rddreg [dreg:$0x2];
	[bflag:$0x3] =	sbarrier.arrive $0xFFFF;
	s2 =	simm.s32 @!p0 $0x1C05  }
0x558: {  	[timem:s3], [sflag:s2] =	dma.local @!p0 [hbm:s0], s1  }
0x559: {  	s0 =	simm.s32 @!p0 $0x5  }
0x55a: {  	_ =	swait.ge @!p0 [sflag:s0], s1  }
0x55b: {  	s1 =	ssub.s32 @!p0 $0x0, s1;
	[sflag:s0] =	ssyncset.done @!p0 $0x0  }
0x55c: {  	[sflag:s0] =	ssyncadd.s32 @!p0 s1  }
0x55d: {  	[bflag:$0x3] =	sbarrier.arrive $0xFFFF  }
0x55e: {  	_ =	shalt  }

</sc_bundles>
